<compile_context>
chip_gen: v7x
topology: tpu7x:2x2x1
jax: 0.10.2.dev20260603
libtpu: 0.0.44.dev20260713+nightly
codegen_flags: <defaults>
</compile_context>

<pallas_src>
import dataclasses
import functools

import jax
import jax.numpy as jnp
from jax import lax
from jax.experimental import pallas as pl
from jax.experimental.pallas import tpu as pltpu
from jax.experimental.pallas import tpu_sc as plsc

NC = 2
NS = 16
NW = NC * NS


def _sc_compiler_params():
    cp = pltpu.CompilerParams()
    if "needs_layout_passes" in pltpu.CompilerParams.__dataclass_fields__:
        cp = dataclasses.replace(cp, needs_layout_passes=False)
    return cp


def _sc_gather(table, src2d, e_pad, ch):
    d = table.shape[1]
    mesh = plsc.VectorSubcoreMesh(core_axis_name="c", subcore_axis_name="s")

    @functools.partial(
        pl.kernel,
        mesh=mesh,
        out_type=jax.ShapeDtypeStruct((e_pad, d), table.dtype),
        scratch_types=[
            pltpu.VMEM((ch, 128), jnp.int32),
            pltpu.VMEM((128, d), table.dtype),
            pltpu.VMEM((128, d), table.dtype),
            pltpu.VMEM((128, d), table.dtype),
            pltpu.VMEM((128, d), table.dtype),
            pltpu.SemaphoreType.DMA,
            pltpu.SemaphoreType.DMA,
            pltpu.SemaphoreType.DMA,
            pltpu.SemaphoreType.DMA,
            pltpu.SemaphoreType.DMA,
        ],
    )
    def gk(table_hbm, src_hbm, out_hbm, idx_v, b0, b1, b2, b3, s0, s1, s2, s3,
           sw):
        wid = lax.axis_index("s") * NC + lax.axis_index("c")
        pltpu.sync_copy(src_hbm.at[pl.ds(wid * ch, ch)], idx_v)
        bufs = (b0, b1, b2, b3)

        def drain_wb(base):
            for q, b in enumerate(bufs):
                pltpu.make_async_copy(
                    b, out_hbm.at[pl.ds(base + q * 128, 128)], sw).wait()

        @pl.loop(0, ch, step=4)
        def _(j):
            base = wid * ch * 128 + j * 128

            @pl.when(j > 0)
            def _():
                drain_wb(base - 4 * 128)

            cps = [pltpu.async_copy(table_hbm.at[idx_v.at[j + q]], b, s)
                   for q, (b, s) in enumerate(((b0, s0), (b1, s1),
                                               (b2, s2), (b3, s3)))]
            for q, (b, cp) in enumerate(zip(bufs, cps)):
                cp.wait()
                pltpu.async_copy(b, out_hbm.at[pl.ds(base + q * 128, 128)], sw)

        drain_wb(wid * ch * 128 + (ch - 4) * 128)

    return gk(table, src2d)


def _sc_scatter_add(msg, dst1d, zeros_nk, n_pad, ch):
    k = msg.shape[1]
    half = n_pad // 2
    zrows = half // 8
    mesh = plsc.VectorSubcoreMesh(core_axis_name="c", subcore_axis_name="s")

    @functools.partial(
        pl.kernel,
        mesh=mesh,
        out_type=jax.ShapeDtypeStruct((NW, 2, zrows, 128), msg.dtype),
        compiler_params=_sc_compiler_params(),
        scratch_types=[
            pltpu.VMEM((zrows, 128), jnp.float32),
            pltpu.VMEM((128,), jnp.int32),
            pltpu.VMEM((128,), jnp.int32),
            pltpu.VMEM((128, k), jnp.float32),
            pltpu.VMEM((128, k), jnp.float32),
            pltpu.SemaphoreType.DMA,
            pltpu.SemaphoreType.DMA,
        ],
    )
    def sk(msg_hbm, dst_hbm, zeros_hbm, out_hbm, acc, ia, ib, ma, mb, sa, sb):
        c = lax.axis_index("c")
        s = lax.axis_index("s")
        wid = s * NC + c
        col = lax.iota(jnp.int32, 16)
        w0 = wid * ch * 128

        def issue(b, ibuf, mbuf, sem):
            pltpu.async_copy(dst_hbm.at[pl.ds(b, 128)], ibuf, sem)
            pltpu.async_copy(msg_hbm.at[pl.ds(b, 128)], mbuf, sem)

        def drain(b, ibuf, mbuf, sem):
            pltpu.make_async_copy(dst_hbm.at[pl.ds(b, 128)], ibuf, sem).wait()
            pltpu.make_async_copy(msg_hbm.at[pl.ds(b, 128)], mbuf, sem).wait()

        for p in range(2):
            pltpu.sync_copy(zeros_hbm, acc)

            def compute(ibuf, mbuf):
                @pl.loop(0, 8)
                def _(g):
                    rel = ibuf[pl.ds(g * 16, 16)] - p * half
                    rowg = lax.shift_right_arithmetic(rel, 3)
                    cpg = lax.shift_left(rel & 7, 4)
                    mig = ((rel >= 0) & (rel < half)).astype(jnp.int32)
                    for l in range(16):
                        lf = jnp.full((16,), l, jnp.int32)
                        row = rowg.at[lf].get(mode="promise_in_bounds")
                        cp = cpg.at[lf].get(mode="promise_in_bounds") + col
                        m = mig.at[lf].get(mode="promise_in_bounds") != 0
                        vals = mbuf[g * 16 + l, :]
                        plsc.addupdate_scatter(acc, [row, cp], vals, mask=m)

            issue(w0, ia, ma, sa)
            issue(w0 + 128, ib, mb, sb)

            @pl.loop(0, ch, step=2)
            def _(j):
                base = w0 + j * 128
                drain(base, ia, ma, sa)
                compute(ia, ma)

                @pl.when(j + 2 < ch)
                def _():
                    issue(base + 2 * 128, ia, ma, sa)

                drain(base + 128, ib, mb, sb)
                compute(ib, mb)

                @pl.when(j + 3 < ch)
                def _():
                    issue(base + 3 * 128, ib, mb, sb)

            pltpu.sync_copy(acc, out_hbm.at[wid, p])

    return sk(msg, dst1d, zeros_nk)


def _msg_matmul(hsrc, ef, w4, be):
    e_pad, d_in = hsrc.shape
    ed = ef.shape[1]
    k = w4.shape[1] // ed
    dsel = jnp.repeat(jnp.eye(ed, dtype=jnp.float32), k, axis=1)
    rsel = jnp.tile(jnp.eye(k, dtype=jnp.float32), (ed, 1))

    def body(h_ref, ef_ref, w_ref, s_ref, r_ref, o_ref):
        p = jnp.dot(h_ref[...], w_ref[...], preferred_element_type=jnp.float32)
        eft = jnp.dot(ef_ref[...], s_ref[...], preferred_element_type=jnp.float32)
        o_ref[...] = jnp.dot(p * eft, r_ref[...],
                             preferred_element_type=jnp.float32)

    return pl.pallas_call(
        body,
        grid=(e_pad // be,),
        in_specs=[
            pl.BlockSpec((be, d_in), lambda i: (i, 0)),
            pl.BlockSpec((be, ed), lambda i: (i, 0)),
            pl.BlockSpec((d_in, ed * k), lambda i: (0, 0)),
            pl.BlockSpec((ed, ed * k), lambda i: (0, 0)),
            pl.BlockSpec((ed * k, k), lambda i: (0, 0)),
        ],
        out_specs=pl.BlockSpec((be, k), lambda i: (i, 0)),
        out_shape=jax.ShapeDtypeStruct((e_pad, k), jnp.float32),
    )(hsrc, ef, w4, dsel, rsel)


def _reduce_partials(pp):
    nw, r, w = pp.shape

    def body(p_ref, o_ref):
        i = pl.program_id(0)

        @pl.when(i == 0)
        def _():
            o_ref[...] = p_ref[0]

        @pl.when(i > 0)
        def _():
            o_ref[...] += p_ref[0]

    return pl.pallas_call(
        body,
        grid=(nw,),
        in_specs=[pl.BlockSpec((1, r, w), lambda i: (i, 0, 0))],
        out_specs=pl.BlockSpec((r, w), lambda i: (0, 0)),
        out_shape=jax.ShapeDtypeStruct((r, w), jnp.float32),
    )(pp)


def _bn_relu(x, g, b, eps=1e-5):
    mean = jnp.mean(x, axis=0, keepdims=True)
    xc = x - mean
    var = jnp.mean(xc * xc, axis=0, keepdims=True)
    return jnp.maximum(g * xc / jnp.sqrt(var + eps) + b, 0.0)


def _tail(hn2d, h_self, w_self, w_neigh, gs, bs, gn, bn):
    n, k = h_self.shape[0], w_self.shape[1]

    def body(pp, hs, ws, wn, gsr, bsr, gnr, bnr, o):
        xs = jnp.dot(hs[...], ws[...], preferred_element_type=jnp.float32)
        zs = _bn_relu(xs, gsr[...], bsr[...])
        hn = pp[...]
        xn = jnp.dot(hn, wn[...], preferred_element_type=jnp.float32)
        zn = _bn_relu(xn, gnr[...], bnr[...])
        z = jnp.maximum(zs + zn, 0.0)
        nrm = jnp.sqrt(jnp.sum(z * z, axis=1, keepdims=True))
        nrm = jnp.where(nrm == 0.0, 1.0, nrm)
        o[...] = z / nrm

    return pl.pallas_call(
        body,
        out_shape=jax.ShapeDtypeStruct((n, k), jnp.float32),
    )(hn2d, h_self, w_self, w_neigh, gs, bs, gn, bn)


def kernel(h_neigh, h_self, edge_index, edge_features, W_edge, W_self, W_neigh,
           gamma_self, beta_self, gamma_neigh, beta_neigh):
    n, d_in = h_neigh.shape
    e = edge_index.shape[1]
    ed = edge_features.shape[1]
    k = W_self.shape[1]

    ch = -(-e // (NW * 128))
    e_pad = NW * ch * 128
    pad = e_pad - e
    src = jnp.concatenate([edge_index[0], jnp.zeros((pad,), jnp.int32)])
    dst = jnp.concatenate([edge_index[1], jnp.zeros((pad,), jnp.int32)])
    ef = jnp.concatenate([edge_features,
                          jnp.zeros((pad, ed), edge_features.dtype)])
    src2d = src.reshape(e_pad // 128, 128)
    dst2d = dst.reshape(e_pad // 128, 128)
    w4 = W_edge.reshape(ed, d_in, k).transpose(1, 0, 2).reshape(d_in, ed * k)
    hsrc = _sc_gather(h_neigh, src2d, e_pad, ch)
    msg = _msg_matmul(hsrc, ef, w4, 2048)
    n_pad = -(-n // 16) * 16
    zeros_nk = jnp.zeros((n_pad // 16, 128), jnp.float32)
    partials = _sc_scatter_add(msg, dst, zeros_nk, n_pad, ch)
    hn_pk = _reduce_partials(partials.reshape(NW, n_pad // 8, 128))
    hn2d = hn_pk.reshape(n_pad, k)[:n]
    return _tail(hn2d, h_self, W_self, W_neigh,
                 gamma_self.reshape(1, k), beta_self.reshape(1, k),
                 gamma_neigh.reshape(1, k), beta_neigh.reshape(1, k))

# --- scband reference (transcript-rebuilt; emitter-appended) ---
"""Pipeline reference for scband-conv-layer-38852274159778 (READ-ONLY COPY).

The authoritative reference and input builder live on the scoring server;
editing this copy changes nothing except your own understanding.
"""

import jax, jax.numpy as jnp
import numpy as np

N = 10000
E = 160000
IN = 128
OUT = 16
ED = 16

def _bn(x, g, b, eps=1e-5):
    mean = x.mean(axis=0)
    var = jnp.var(x, axis=0)
    return g * (x - mean) / jnp.sqrt(var + eps) + b

def setup_inputs(seed: int = 0):
    key = jax.random.key(seed)
    ks = jax.random.split(key, 7)
    h_neigh = jax.random.normal(ks[0], (N, IN), dtype=jnp.float32)
    h_self = jax.random.normal(ks[1], (N, IN), dtype=jnp.float32)
    edge_index = jax.random.randint(ks[2], (2, E), 0, N, dtype=jnp.int32)
    edge_features = jax.random.normal(ks[3], (E, ED), dtype=jnp.float32)
    W_edge = jax.random.normal(ks[4], (ED, IN * OUT), dtype=jnp.float32) / np.sqrt(ED)
    W_self = jax.random.normal(ks[5], (IN, OUT), dtype=jnp.float32) / np.sqrt(IN)
    W_neigh = jax.random.normal(ks[6], (OUT, OUT), dtype=jnp.float32) / np.sqrt(OUT)
    gamma_self = jnp.ones((OUT,), dtype=jnp.float32)
    beta_self = jnp.zeros((OUT,), dtype=jnp.float32)
    gamma_neigh = jnp.ones((OUT,), dtype=jnp.float32)
    beta_neigh = jnp.zeros((OUT,), dtype=jnp.float32)
    return {"h_neigh": h_neigh, "h_self": h_self, "edge_index": edge_index, "edge_features": edge_features, "W_edge": W_edge, "W_self": W_self, "W_neigh": W_neigh, "gamma_self": gamma_self, "beta_self": beta_self, "gamma_neigh": gamma_neigh, "beta_neigh": beta_neigh}

def reference(h_neigh, h_self, edge_index, edge_features, W_edge, W_self, W_neigh, gamma_self, beta_self, gamma_neigh, beta_neigh):
    src = edge_index[0]
    dst = edge_index[1]
    # dropout p=0.0 -> identity; graph.srcdata['h'] = h_neigh.unsqueeze(-1)
    edge_weights = (edge_features @ W_edge).reshape(E, IN, OUT)
    h_src = h_neigh[src]  # gather source node features per edge [E, IN]
    # u_mul_e with broadcast gives m = h_src[:, :, None] * edge_weights -> [E, IN, OUT];
    # sum-aggregate over edges then .sum(dim=1) over IN; sums commute, so fold IN per edge:
    msg = jnp.einsum('ei,eio->eo', h_src, edge_weights)  # [E, OUT]
    hn = jax.ops.segment_sum(msg, dst, num_segments=N)   # [N, OUT]
    zs = jax.nn.relu(_bn(h_self @ W_self, gamma_self, beta_self))
    zn = jax.nn.relu(_bn(hn @ W_neigh, gamma_neigh, beta_neigh))
    z = jax.nn.relu(zs + zn)
    znorm = jnp.linalg.norm(z, ord=2, axis=1, keepdims=True)
    znorm = jnp.where(znorm == 0, jnp.ones_like(znorm), znorm)
    return z / znorm

if __name__ == "__main__":
    import jax
    _d = setup_inputs()
    print(jax.jit(kernel)(*tuple(_d.values())))

</pallas_src>

<mosaic_0001>
#map = affine_map<(d0, d1) -> (0, 0)>
module attributes {stable_mosaic.version = 14 : i64} {
  func.func @gk(%arg0: i32, %arg1: i32, %arg2: memref<10000x128xf32, #tpu.memory_space<hbm>>, %arg3: memref<1280x128xi32, #tpu.memory_space<hbm>>, %arg4: memref<163840x128xf32, #tpu.memory_space<hbm>>, %arg5: memref<40x128xi32, #tpu.memory_space<vmem>>, %arg6: memref<128x128xf32, #tpu.memory_space<vmem>>, %arg7: memref<128x128xf32, #tpu.memory_space<vmem>>, %arg8: memref<128x128xf32, #tpu.memory_space<vmem>>, %arg9: memref<128x128xf32, #tpu.memory_space<vmem>>, %arg10: memref<!tpu.dma_semaphore, #tpu.memory_space<semaphore_mem>>, %arg11: memref<!tpu.dma_semaphore, #tpu.memory_space<semaphore_mem>>, %arg12: memref<!tpu.dma_semaphore, #tpu.memory_space<semaphore_mem>>, %arg13: memref<!tpu.dma_semaphore, #tpu.memory_space<semaphore_mem>>, %arg14: memref<!tpu.dma_semaphore, #tpu.memory_space<semaphore_mem>>) attributes {dimension_semantics = [#tpu.dimension_semantics<core_parallel>, #tpu.dimension_semantics<subcore_parallel>], iteration_bounds = array<i64: 2, 16>, scalar_prefetch = 0 : i64, scratch_operands = 10 : i64, tpu.core_type = #tpu.core_type<sc_vector_subcore>, window_params = [{transform_indices = #map}, {transform_indices = #map}, {transform_indices = #map}]} {
    %mul3A = arith.constant 2 : i32
    %mul3A_0 = arith.muli %arg1, %mul3A : i32
    %add3A = arith.addi %mul3A_0, %arg0 : i32
    %mul3A_1 = arith.constant 40 : i32
    %mul3A_2 = arith.muli %add3A, %mul3A_1 : i32
    "tpu.region"() ({
      %run_scoped3A = tpu.sem_alloc : memref<!tpu.dma_semaphore, #tpu.memory_space<semaphore_mem>>
      %dma_start3A = arith.constant 0 : i32
      %dma_start3A_36 = tpu.memref_slice %arg3[%mul3A_2, %dma_start3A] : memref<1280x128xi32, #tpu.memory_space<hbm>> -> memref<40x128xi32, #tpu.memory_space<hbm>>
      %dma_start3A_37 = arith.constant 0 : i32
      %dma_start3A_38 = tpu.memref_slice %arg3[%mul3A_2, %dma_start3A_37] : memref<1280x128xi32, #tpu.memory_space<hbm>> -> memref<40x128xi32, #tpu.memory_space<hbm>>
      tpu.enqueue_dma source(%dma_start3A_38 : memref<40x128xi32, #tpu.memory_space<hbm>>) target(%arg5 : memref<40x128xi32, #tpu.memory_space<vmem>>) target_semaphore(%run_scoped3A : memref<!tpu.dma_semaphore, #tpu.memory_space<semaphore_mem>>)
      %dma_wait3A_39 = arith.constant 0 : i32
      %dma_wait3A_40 = tpu.memref_slice %arg3[%mul3A_2, %dma_wait3A_39] : memref<1280x128xi32, #tpu.memory_space<hbm>> -> memref<40x128xi32, #tpu.memory_space<hbm>>
      %dma_wait3A_41 = arith.constant 0 : i32
      %dma_wait3A_42 = tpu.memref_slice %arg3[%mul3A_2, %dma_wait3A_41] : memref<1280x128xi32, #tpu.memory_space<hbm>> -> memref<40x128xi32, #tpu.memory_space<hbm>>
      tpu.wait_dma2 semaphore(%run_scoped3A : memref<!tpu.dma_semaphore, #tpu.memory_space<semaphore_mem>>) src(%dma_wait3A_42 : memref<40x128xi32, #tpu.memory_space<hbm>>) dst(%arg5 : memref<40x128xi32, #tpu.memory_space<vmem>>)
      tpu.yield
    }) : () -> ()
    %scan3A = arith.constant 0 : i32
    %scan3A_3 = arith.constant 10 : i32
    %scan3A_4 = arith.addi %scan3A, %scan3A_3 : i32
    %scan3A_5 = arith.constant 1 : i32
    scf.for %scan3A_36 = %scan3A to %scan3A_4 step %scan3A_5  : i32 {
      %mul3A_37 = arith.constant 4 : i32
      %mul3A_38 = arith.muli %scan3A_36, %mul3A_37 : i32
      %add3A_39 = arith.constant 0 : i32
      %add3A_40 = arith.addi %add3A_39, %mul3A_38 : i32
      %mul3A_41 = arith.constant 40 : i32
      %mul3A_42 = arith.muli %add3A, %mul3A_41 : i32
      %mul3A_43 = arith.constant 128 : i32
      %mul3A_44 = arith.muli %mul3A_42, %mul3A_43 : i32
      %mul3A_45 = arith.constant 128 : i32
      %mul3A_46 = arith.muli %add3A_40, %mul3A_45 : i32
      %add3A_47 = arith.addi %mul3A_44, %mul3A_46 : i32
      %gt3A = arith.constant 0 : i32
      %gt3A_48 = arith.cmpi sgt, %add3A_40, %gt3A : i32
      %convert_element_type3A = arith.extui %gt3A_48 : i1 to i32
      %cond3A = arith.constant 0 : i32
      %cond3A_49 = arith.cmpi ne, %convert_element_type3A, %cond3A : i32
      scf.if %cond3A_49 {
        %sub3A = arith.constant 512 : i32
        %sub3A_129 = arith.subi %add3A_47, %sub3A : i32
        %add3A_130 = arith.constant 0 : i32
        %add3A_131 = arith.addi %sub3A_129, %add3A_130 : i32
        %dma_wait3A_132 = arith.constant 0 : i32
        %dma_wait3A_133 = tpu.memref_slice %arg4[%add3A_131, %dma_wait3A_132] : memref<163840x128xf32, #tpu.memory_space<hbm>> -> memref<128x128xf32, #tpu.memory_space<hbm>>
        %dma_wait3A_134 = arith.constant 0 : i32
        %dma_wait3A_135 = tpu.memref_slice %arg4[%add3A_131, %dma_wait3A_134] : memref<163840x128xf32, #tpu.memory_space<hbm>> -> memref<128x128xf32, #tpu.memory_space<hbm>>
        tpu.wait_dma2 semaphore(%arg14 : memref<!tpu.dma_semaphore, #tpu.memory_space<semaphore_mem>>) src(%arg6 : memref<128x128xf32, #tpu.memory_space<vmem>>) dst(%dma_wait3A_135 : memref<128x128xf32, #tpu.memory_space<hbm>>)
        %add3A_136 = arith.constant 128 : i32
        %add3A_137 = arith.addi %sub3A_129, %add3A_136 : i32
        %dma_wait3A_138 = arith.constant 0 : i32
        %dma_wait3A_139 = tpu.memref_slice %arg4[%add3A_137, %dma_wait3A_138] : memref<163840x128xf32, #tpu.memory_space<hbm>> -> memref<128x128xf32, #tpu.memory_space<hbm>>
        %dma_wait3A_140 = arith.constant 0 : i32
        %dma_wait3A_141 = tpu.memref_slice %arg4[%add3A_137, %dma_wait3A_140] : memref<163840x128xf32, #tpu.memory_space<hbm>> -> memref<128x128xf32, #tpu.memory_space<hbm>>
        tpu.wait_dma2 semaphore(%arg14 : memref<!tpu.dma_semaphore, #tpu.memory_space<semaphore_mem>>) src(%arg7 : memref<128x128xf32, #tpu.memory_space<vmem>>) dst(%dma_wait3A_141 : memref<128x128xf32, #tpu.memory_space<hbm>>)
        %add3A_142 = arith.constant 256 : i32
        %add3A_143 = arith.addi %sub3A_129, %add3A_142 : i32
        %dma_wait3A_144 = arith.constant 0 : i32
        %dma_wait3A_145 = tpu.memref_slice %arg4[%add3A_143, %dma_wait3A_144] : memref<163840x128xf32, #tpu.memory_space<hbm>> -> memref<128x128xf32, #tpu.memory_space<hbm>>
        %dma_wait3A_146 = arith.constant 0 : i32
        %dma_wait3A_147 = tpu.memref_slice %arg4[%add3A_143, %dma_wait3A_146] : memref<163840x128xf32, #tpu.memory_space<hbm>> -> memref<128x128xf32, #tpu.memory_space<hbm>>
        tpu.wait_dma2 semaphore(%arg14 : memref<!tpu.dma_semaphore, #tpu.memory_space<semaphore_mem>>) src(%arg8 : memref<128x128xf32, #tpu.memory_space<vmem>>) dst(%dma_wait3A_147 : memref<128x128xf32, #tpu.memory_space<hbm>>)
        %add3A_148 = arith.constant 384 : i32
        %add3A_149 = arith.addi %sub3A_129, %add3A_148 : i32
        %dma_wait3A_150 = arith.constant 0 : i32
        %dma_wait3A_151 = tpu.memref_slice %arg4[%add3A_149, %dma_wait3A_150] : memref<163840x128xf32, #tpu.memory_space<hbm>> -> memref<128x128xf32, #tpu.memory_space<hbm>>
        %dma_wait3A_152 = arith.constant 0 : i32
        %dma_wait3A_153 = tpu.memref_slice %arg4[%add3A_149, %dma_wait3A_152] : memref<163840x128xf32, #tpu.memory_space<hbm>> -> memref<128x128xf32, #tpu.memory_space<hbm>>
        tpu.wait_dma2 semaphore(%arg14 : memref<!tpu.dma_semaphore, #tpu.memory_space<semaphore_mem>>) src(%arg9 : memref<128x128xf32, #tpu.memory_space<vmem>>) dst(%dma_wait3A_153 : memref<128x128xf32, #tpu.memory_space<hbm>>)
      } else {
      }
      %add3A_50 = arith.constant 0 : i32
      %add3A_51 = arith.addi %add3A_40, %add3A_50 : i32
      %dma_start3A = arith.constant 0 : i32
      %dma_start3A_52 = tpu.memref_slice %arg5[%add3A_51, %dma_start3A] : memref<40x128xi32, #tpu.memory_space<vmem>> -> memref<1x128xi32, #tpu.memory_space<vmem>>
      %dma_start3A_53 = tpu.memref_squeeze %dma_start3A_52 : memref<1x128xi32, #tpu.memory_space<vmem>> -> memref<128xi32, #tpu.memory_space<vmem>>
      %dma_start3A_54 = arith.constant 0 : i32
      %dma_start3A_55 = arith.constant 0 : i32
      %dma_start3A_56 = tpu.memref_slice %arg2[%dma_start3A_54, %dma_start3A_55] : memref<10000x128xf32, #tpu.memory_space<hbm>> -> memref<10000x128xf32, #tpu.memory_space<hbm>>
      tpu.enqueue_indirect_dma source(%dma_start3A_56 : memref<10000x128xf32, #tpu.memory_space<hbm>>) target(%arg6 : memref<128x128xf32, #tpu.memory_space<vmem>>) offsets(%dma_start3A_53 : memref<128xi32, #tpu.memory_space<vmem>>) semaphore(%arg10 : memref<!tpu.dma_semaphore, #tpu.memory_space<semaphore_mem>>)
      %add3A_57 = arith.constant 1 : i32
      %add3A_58 = arith.addi %add3A_40, %add3A_57 : i32
      %dma_start3A_59 = arith.constant 0 : i32
      %dma_start3A_60 = tpu.memref_slice %arg5[%add3A_58, %dma_start3A_59] : memref<40x128xi32, #tpu.memory_space<vmem>> -> memref<1x128xi32, #tpu.memory_space<vmem>>
      %dma_start3A_61 = tpu.memref_squeeze %dma_start3A_60 : memref<1x128xi32, #tpu.memory_space<vmem>> -> memref<128xi32, #tpu.memory_space<vmem>>
      %dma_start3A_62 = arith.constant 0 : i32
      %dma_start3A_63 = arith.constant 0 : i32
      %dma_start3A_64 = tpu.memref_slice %arg2[%dma_start3A_62, %dma_start3A_63] : memref<10000x128xf32, #tpu.memory_space<hbm>> -> memref<10000x128xf32, #tpu.memory_space<hbm>>
      tpu.enqueue_indirect_dma source(%dma_start3A_64 : memref<10000x128xf32, #tpu.memory_space<hbm>>) target(%arg7 : memref<128x128xf32, #tpu.memory_space<vmem>>) offsets(%dma_start3A_61 : memref<128xi32, #tpu.memory_space<vmem>>) semaphore(%arg11 : memref<!tpu.dma_semaphore, #tpu.memory_space<semaphore_mem>>)
      %add3A_65 = arith.constant 2 : i32
      %add3A_66 = arith.addi %add3A_40, %add3A_65 : i32
      %dma_start3A_67 = arith.constant 0 : i32
      %dma_start3A_68 = tpu.memref_slice %arg5[%add3A_66, %dma_start3A_67] : memref<40x128xi32, #tpu.memory_space<vmem>> -> memref<1x128xi32, #tpu.memory_space<vmem>>
      %dma_start3A_69 = tpu.memref_squeeze %dma_start3A_68 : memref<1x128xi32, #tpu.memory_space<vmem>> -> memref<128xi32, #tpu.memory_space<vmem>>
      %dma_start3A_70 = arith.constant 0 : i32
      %dma_start3A_71 = arith.constant 0 : i32
      %dma_start3A_72 = tpu.memref_slice %arg2[%dma_start3A_70, %dma_start3A_71] : memref<10000x128xf32, #tpu.memory_space<hbm>> -> memref<10000x128xf32, #tpu.memory_space<hbm>>
      tpu.enqueue_indirect_dma source(%dma_start3A_72 : memref<10000x128xf32, #tpu.memory_space<hbm>>) target(%arg8 : memref<128x128xf32, #tpu.memory_space<vmem>>) offsets(%dma_start3A_69 : memref<128xi32, #tpu.memory_space<vmem>>) semaphore(%arg12 : memref<!tpu.dma_semaphore, #tpu.memory_space<semaphore_mem>>)
      %add3A_73 = arith.constant 3 : i32
      %add3A_74 = arith.addi %add3A_40, %add3A_73 : i32
      %dma_start3A_75 = arith.constant 0 : i32
      %dma_start3A_76 = tpu.memref_slice %arg5[%add3A_74, %dma_start3A_75] : memref<40x128xi32, #tpu.memory_space<vmem>> -> memref<1x128xi32, #tpu.memory_space<vmem>>
      %dma_start3A_77 = tpu.memref_squeeze %dma_start3A_76 : memref<1x128xi32, #tpu.memory_space<vmem>> -> memref<128xi32, #tpu.memory_space<vmem>>
      %dma_start3A_78 = arith.constant 0 : i32
      %dma_start3A_79 = arith.constant 0 : i32
      %dma_start3A_80 = tpu.memref_slice %arg2[%dma_start3A_78, %dma_start3A_79] : memref<10000x128xf32, #tpu.memory_space<hbm>> -> memref<10000x128xf32, #tpu.memory_space<hbm>>
      tpu.enqueue_indirect_dma source(%dma_start3A_80 : memref<10000x128xf32, #tpu.memory_space<hbm>>) target(%arg9 : memref<128x128xf32, #tpu.memory_space<vmem>>) offsets(%dma_start3A_77 : memref<128xi32, #tpu.memory_space<vmem>>) semaphore(%arg13 : memref<!tpu.dma_semaphore, #tpu.memory_space<semaphore_mem>>)
      %dma_wait3A_81 = arith.constant 0 : i32
      %dma_wait3A_82 = tpu.memref_slice %arg5[%add3A_51, %dma_wait3A_81] : memref<40x128xi32, #tpu.memory_space<vmem>> -> memref<1x128xi32, #tpu.memory_space<vmem>>
      %dma_wait3A_83 = tpu.memref_squeeze %dma_wait3A_82 : memref<1x128xi32, #tpu.memory_space<vmem>> -> memref<128xi32, #tpu.memory_space<vmem>>
      %dma_wait3A_84 = arith.constant 0 : i32
      %dma_wait3A_85 = arith.constant 0 : i32
      %dma_wait3A_86 = tpu.memref_slice %arg2[%dma_wait3A_84, %dma_wait3A_85] : memref<10000x128xf32, #tpu.memory_space<hbm>> -> memref<10000x128xf32, #tpu.memory_space<hbm>>
      tpu.wait_indirect_dma semaphore(%arg10 : memref<!tpu.dma_semaphore, #tpu.memory_space<semaphore_mem>>) src(%dma_wait3A_86 : memref<10000x128xf32, #tpu.memory_space<hbm>>) dst(%arg6 : memref<128x128xf32, #tpu.memory_space<vmem>>)
      %add3A_87 = arith.constant 0 : i32
      %add3A_88 = arith.addi %add3A_47, %add3A_87 : i32
      %dma_start3A_89 = arith.constant 0 : i32
      %dma_start3A_90 = tpu.memref_slice %arg4[%add3A_88, %dma_start3A_89] : memref<163840x128xf32, #tpu.memory_space<hbm>> -> memref<128x128xf32, #tpu.memory_space<hbm>>
      %dma_start3A_91 = arith.constant 0 : i32
      %dma_start3A_92 = tpu.memref_slice %arg4[%add3A_88, %dma_start3A_91] : memref<163840x128xf32, #tpu.memory_space<hbm>> -> memref<128x128xf32, #tpu.memory_space<hbm>>
      tpu.enqueue_dma source(%arg6 : memref<128x128xf32, #tpu.memory_space<vmem>>) target(%dma_start3A_92 : memref<128x128xf32, #tpu.memory_space<hbm>>) target_semaphore(%arg14 : memref<!tpu.dma_semaphore, #tpu.memory_space<semaphore_mem>>)
      %dma_wait3A_93 = arith.constant 0 : i32
      %dma_wait3A_94 = tpu.memref_slice %arg5[%add3A_58, %dma_wait3A_93] : memref<40x128xi32, #tpu.memory_space<vmem>> -> memref<1x128xi32, #tpu.memory_space<vmem>>
      %dma_wait3A_95 = tpu.memref_squeeze %dma_wait3A_94 : memref<1x128xi32, #tpu.memory_space<vmem>> -> memref<128xi32, #tpu.memory_space<vmem>>
      %dma_wait3A_96 = arith.constant 0 : i32
      %dma_wait3A_97 = arith.constant 0 : i32
      %dma_wait3A_98 = tpu.memref_slice %arg2[%dma_wait3A_96, %dma_wait3A_97] : memref<10000x128xf32, #tpu.memory_space<hbm>> -> memref<10000x128xf32, #tpu.memory_space<hbm>>
      tpu.wait_indirect_dma semaphore(%arg11 : memref<!tpu.dma_semaphore, #tpu.memory_space<semaphore_mem>>) src(%dma_wait3A_98 : memref<10000x128xf32, #tpu.memory_space<hbm>>) dst(%arg7 : memref<128x128xf32, #tpu.memory_space<vmem>>)
      %add3A_99 = arith.constant 128 : i32
      %add3A_100 = arith.addi %add3A_47, %add3A_99 : i32
      %dma_start3A_101 = arith.constant 0 : i32
      %dma_start3A_102 = tpu.memref_slice %arg4[%add3A_100, %dma_start3A_101] : memref<163840x128xf32, #tpu.memory_space<hbm>> -> memref<128x128xf32, #tpu.memory_space<hbm>>
      %dma_start3A_103 = arith.constant 0 : i32
      %dma_start3A_104 = tpu.memref_slice %arg4[%add3A_100, %dma_start3A_103] : memref<163840x128xf32, #tpu.memory_space<hbm>> -> memref<128x128xf32, #tpu.memory_space<hbm>>
      tpu.enqueue_dma source(%arg7 : memref<128x128xf32, #tpu.memory_space<vmem>>) target(%dma_start3A_104 : memref<128x128xf32, #tpu.memory_space<hbm>>) target_semaphore(%arg14 : memref<!tpu.dma_semaphore, #tpu.memory_space<semaphore_mem>>)
      %dma_wait3A_105 = arith.constant 0 : i32
      %dma_wait3A_106 = tpu.memref_slice %arg5[%add3A_66, %dma_wait3A_105] : memref<40x128xi32, #tpu.memory_space<vmem>> -> memref<1x128xi32, #tpu.memory_space<vmem>>
      %dma_wait3A_107 = tpu.memref_squeeze %dma_wait3A_106 : memref<1x128xi32, #tpu.memory_space<vmem>> -> memref<128xi32, #tpu.memory_space<vmem>>
      %dma_wait3A_108 = arith.constant 0 : i32
      %dma_wait3A_109 = arith.constant 0 : i32
      %dma_wait3A_110 = tpu.memref_slice %arg2[%dma_wait3A_108, %dma_wait3A_109] : memref<10000x128xf32, #tpu.memory_space<hbm>> -> memref<10000x128xf32, #tpu.memory_space<hbm>>
      tpu.wait_indirect_dma semaphore(%arg12 : memref<!tpu.dma_semaphore, #tpu.memory_space<semaphore_mem>>) src(%dma_wait3A_110 : memref<10000x128xf32, #tpu.memory_space<hbm>>) dst(%arg8 : memref<128x128xf32, #tpu.memory_space<vmem>>)
      %add3A_111 = arith.constant 256 : i32
      %add3A_112 = arith.addi %add3A_47, %add3A_111 : i32
      %dma_start3A_113 = arith.constant 0 : i32
      %dma_start3A_114 = tpu.memref_slice %arg4[%add3A_112, %dma_start3A_113] : memref<163840x128xf32, #tpu.memory_space<hbm>> -> memref<128x128xf32, #tpu.memory_space<hbm>>
      %dma_start3A_115 = arith.constant 0 : i32
      %dma_start3A_116 = tpu.memref_slice %arg4[%add3A_112, %dma_start3A_115] : memref<163840x128xf32, #tpu.memory_space<hbm>> -> memref<128x128xf32, #tpu.memory_space<hbm>>
      tpu.enqueue_dma source(%arg8 : memref<128x128xf32, #tpu.memory_space<vmem>>) target(%dma_start3A_116 : memref<128x128xf32, #tpu.memory_space<hbm>>) target_semaphore(%arg14 : memref<!tpu.dma_semaphore, #tpu.memory_space<semaphore_mem>>)
      %dma_wait3A_117 = arith.constant 0 : i32
      %dma_wait3A_118 = tpu.memref_slice %arg5[%add3A_74, %dma_wait3A_117] : memref<40x128xi32, #tpu.memory_space<vmem>> -> memref<1x128xi32, #tpu.memory_space<vmem>>
      %dma_wait3A_119 = tpu.memref_squeeze %dma_wait3A_118 : memref<1x128xi32, #tpu.memory_space<vmem>> -> memref<128xi32, #tpu.memory_space<vmem>>
      %dma_wait3A_120 = arith.constant 0 : i32
      %dma_wait3A_121 = arith.constant 0 : i32
      %dma_wait3A_122 = tpu.memref_slice %arg2[%dma_wait3A_120, %dma_wait3A_121] : memref<10000x128xf32, #tpu.memory_space<hbm>> -> memref<10000x128xf32, #tpu.memory_space<hbm>>
      tpu.wait_indirect_dma semaphore(%arg13 : memref<!tpu.dma_semaphore, #tpu.memory_space<semaphore_mem>>) src(%dma_wait3A_122 : memref<10000x128xf32, #tpu.memory_space<hbm>>) dst(%arg9 : memref<128x128xf32, #tpu.memory_space<vmem>>)
      %add3A_123 = arith.constant 384 : i32
      %add3A_124 = arith.addi %add3A_47, %add3A_123 : i32
      %dma_start3A_125 = arith.constant 0 : i32
      %dma_start3A_126 = tpu.memref_slice %arg4[%add3A_124, %dma_start3A_125] : memref<163840x128xf32, #tpu.memory_space<hbm>> -> memref<128x128xf32, #tpu.memory_space<hbm>>
      %dma_start3A_127 = arith.constant 0 : i32
      %dma_start3A_128 = tpu.memref_slice %arg4[%add3A_124, %dma_start3A_127] : memref<163840x128xf32, #tpu.memory_space<hbm>> -> memref<128x128xf32, #tpu.memory_space<hbm>>
      tpu.enqueue_dma source(%arg9 : memref<128x128xf32, #tpu.memory_space<vmem>>) target(%dma_start3A_128 : memref<128x128xf32, #tpu.memory_space<hbm>>) target_semaphore(%arg14 : memref<!tpu.dma_semaphore, #tpu.memory_space<semaphore_mem>>)
    }
    %scan3A_6 = arith.constant 10 : i32
    %mul3A_7 = arith.constant 40 : i32
    %mul3A_8 = arith.muli %add3A, %mul3A_7 : i32
    %mul3A_9 = arith.constant 128 : i32
    %mul3A_10 = arith.muli %mul3A_8, %mul3A_9 : i32
    %add3A_11 = arith.constant 4608 : i32
    %add3A_12 = arith.addi %mul3A_10, %add3A_11 : i32
    %add3A_13 = arith.constant 0 : i32
    %add3A_14 = arith.addi %add3A_12, %add3A_13 : i32
    %dma_wait3A = arith.constant 0 : i32
    %dma_wait3A_15 = tpu.memref_slice %arg4[%add3A_14, %dma_wait3A] : memref<163840x128xf32, #tpu.memory_space<hbm>> -> memref<128x128xf32, #tpu.memory_space<hbm>>
    %dma_wait3A_16 = arith.constant 0 : i32
    %dma_wait3A_17 = tpu.memref_slice %arg4[%add3A_14, %dma_wait3A_16] : memref<163840x128xf32, #tpu.memory_space<hbm>> -> memref<128x128xf32, #tpu.memory_space<hbm>>
    tpu.wait_dma2 semaphore(%arg14 : memref<!tpu.dma_semaphore, #tpu.memory_space<semaphore_mem>>) src(%arg6 : memref<128x128xf32, #tpu.memory_space<vmem>>) dst(%dma_wait3A_17 : memref<128x128xf32, #tpu.memory_space<hbm>>)
    %add3A_18 = arith.constant 128 : i32
    %add3A_19 = arith.addi %add3A_12, %add3A_18 : i32
    %dma_wait3A_20 = arith.constant 0 : i32
    %dma_wait3A_21 = tpu.memref_slice %arg4[%add3A_19, %dma_wait3A_20] : memref<163840x128xf32, #tpu.memory_space<hbm>> -> memref<128x128xf32, #tpu.memory_space<hbm>>
    %dma_wait3A_22 = arith.constant 0 : i32
    %dma_wait3A_23 = tpu.memref_slice %arg4[%add3A_19, %dma_wait3A_22] : memref<163840x128xf32, #tpu.memory_space<hbm>> -> memref<128x128xf32, #tpu.memory_space<hbm>>
    tpu.wait_dma2 semaphore(%arg14 : memref<!tpu.dma_semaphore, #tpu.memory_space<semaphore_mem>>) src(%arg7 : memref<128x128xf32, #tpu.memory_space<vmem>>) dst(%dma_wait3A_23 : memref<128x128xf32, #tpu.memory_space<hbm>>)
    %add3A_24 = arith.constant 256 : i32
    %add3A_25 = arith.addi %add3A_12, %add3A_24 : i32
    %dma_wait3A_26 = arith.constant 0 : i32
    %dma_wait3A_27 = tpu.memref_slice %arg4[%add3A_25, %dma_wait3A_26] : memref<163840x128xf32, #tpu.memory_space<hbm>> -> memref<128x128xf32, #tpu.memory_space<hbm>>
    %dma_wait3A_28 = arith.constant 0 : i32
    %dma_wait3A_29 = tpu.memref_slice %arg4[%add3A_25, %dma_wait3A_28] : memref<163840x128xf32, #tpu.memory_space<hbm>> -> memref<128x128xf32, #tpu.memory_space<hbm>>
    tpu.wait_dma2 semaphore(%arg14 : memref<!tpu.dma_semaphore, #tpu.memory_space<semaphore_mem>>) src(%arg8 : memref<128x128xf32, #tpu.memory_space<vmem>>) dst(%dma_wait3A_29 : memref<128x128xf32, #tpu.memory_space<hbm>>)
    %add3A_30 = arith.constant 384 : i32
    %add3A_31 = arith.addi %add3A_12, %add3A_30 : i32
    %dma_wait3A_32 = arith.constant 0 : i32
    %dma_wait3A_33 = tpu.memref_slice %arg4[%add3A_31, %dma_wait3A_32] : memref<163840x128xf32, #tpu.memory_space<hbm>> -> memref<128x128xf32, #tpu.memory_space<hbm>>
    %dma_wait3A_34 = arith.constant 0 : i32
    %dma_wait3A_35 = tpu.memref_slice %arg4[%add3A_31, %dma_wait3A_34] : memref<163840x128xf32, #tpu.memory_space<hbm>> -> memref<128x128xf32, #tpu.memory_space<hbm>>
    tpu.wait_dma2 semaphore(%arg14 : memref<!tpu.dma_semaphore, #tpu.memory_space<semaphore_mem>>) src(%arg9 : memref<128x128xf32, #tpu.memory_space<vmem>>) dst(%dma_wait3A_35 : memref<128x128xf32, #tpu.memory_space<hbm>>)
    return
  }
}

#map = affine_map<(d0, d1) -> (0, 0)>
#map1 = affine_map<(d0, d1) -> (0)>
#map2 = affine_map<(d0, d1) -> (0, 0, 0, 0)>
module attributes {stable_mosaic.version = 14 : i64} {
  func.func @sk(%arg0: i32, %arg1: i32, %arg2: memref<163840x16xf32, #tpu.memory_space<hbm>>, %arg3: memref<163840xi32, #tpu.memory_space<hbm>>, %arg4: memref<625x128xf32, #tpu.memory_space<hbm>>, %arg5: memref<32x2x625x128xf32, #tpu.memory_space<hbm>>, %arg6: memref<625x128xf32, #tpu.memory_space<vmem>>, %arg7: memref<128xi32, #tpu.memory_space<vmem>>, %arg8: memref<128xi32, #tpu.memory_space<vmem>>, %arg9: memref<128x16xf32, #tpu.memory_space<vmem>>, %arg10: memref<128x16xf32, #tpu.memory_space<vmem>>, %arg11: memref<!tpu.dma_semaphore, #tpu.memory_space<semaphore_mem>>, %arg12: memref<!tpu.dma_semaphore, #tpu.memory_space<semaphore_mem>>) attributes {dimension_semantics = [#tpu.dimension_semantics<core_parallel>, #tpu.dimension_semantics<subcore_parallel>], iteration_bounds = array<i64: 2, 16>, scalar_prefetch = 0 : i64, scratch_operands = 7 : i64, tpu.core_type = #tpu.core_type<sc_vector_subcore>, window_params = [{transform_indices = #map}, {transform_indices = #map1}, {transform_indices = #map}, {transform_indices = #map2}]} {
    %mul3A = arith.constant 2 : i32
    %mul3A_0 = arith.muli %arg1, %mul3A : i32
    %add3A = arith.addi %mul3A_0, %arg0 : i32
    %iota3A = tpu.iota {dimensions = array<i32: 0>} : vector<16xi32>
    %mul3A_1 = arith.constant 40 : i32
    %mul3A_2 = arith.muli %add3A, %mul3A_1 : i32
    %mul3A_3 = arith.constant 128 : i32
    %mul3A_4 = arith.muli %mul3A_2, %mul3A_3 : i32
    "tpu.region"() ({
      %run_scoped3A_42 = tpu.sem_alloc : memref<!tpu.dma_semaphore, #tpu.memory_space<semaphore_mem>>
      tpu.enqueue_dma source(%arg4 : memref<625x128xf32, #tpu.memory_space<hbm>>) target(%arg6 : memref<625x128xf32, #tpu.memory_space<vmem>>) target_semaphore(%run_scoped3A_42 : memref<!tpu.dma_semaphore, #tpu.memory_space<semaphore_mem>>)
      tpu.wait_dma2 semaphore(%run_scoped3A_42 : memref<!tpu.dma_semaphore, #tpu.memory_space<semaphore_mem>>) src(%arg4 : memref<625x128xf32, #tpu.memory_space<hbm>>) dst(%arg6 : memref<625x128xf32, #tpu.memory_space<vmem>>)
      tpu.yield
    }) : () -> ()
    %dma_start3A = tpu.memref_slice %arg3[%mul3A_4] : memref<163840xi32, #tpu.memory_space<hbm>> -> memref<128xi32, #tpu.memory_space<hbm>>
    %dma_start3A_5 = tpu.memref_slice %arg3[%mul3A_4] : memref<163840xi32, #tpu.memory_space<hbm>> -> memref<128xi32, #tpu.memory_space<hbm>>
    tpu.enqueue_dma source(%dma_start3A_5 : memref<128xi32, #tpu.memory_space<hbm>>) target(%arg7 : memref<128xi32, #tpu.memory_space<vmem>>) target_semaphore(%arg11 : memref<!tpu.dma_semaphore, #tpu.memory_space<semaphore_mem>>)
    %dma_start3A_6 = arith.constant 0 : i32
    %dma_start3A_7 = tpu.memref_slice %arg2[%mul3A_4, %dma_start3A_6] : memref<163840x16xf32, #tpu.memory_space<hbm>> -> memref<128x16xf32, #tpu.memory_space<hbm>>
    %dma_start3A_8 = arith.constant 0 : i32
    %dma_start3A_9 = tpu.memref_slice %arg2[%mul3A_4, %dma_start3A_8] : memref<163840x16xf32, #tpu.memory_space<hbm>> -> memref<128x16xf32, #tpu.memory_space<hbm>>
    tpu.enqueue_dma source(%dma_start3A_9 : memref<128x16xf32, #tpu.memory_space<hbm>>) target(%arg9 : memref<128x16xf32, #tpu.memory_space<vmem>>) target_semaphore(%arg11 : memref<!tpu.dma_semaphore, #tpu.memory_space<semaphore_mem>>)
    %add3A_10 = arith.constant 128 : i32
    %add3A_11 = arith.addi %mul3A_4, %add3A_10 : i32
    %dma_start3A_12 = tpu.memref_slice %arg3[%add3A_11] : memref<163840xi32, #tpu.memory_space<hbm>> -> memref<128xi32, #tpu.memory_space<hbm>>
    %dma_start3A_13 = tpu.memref_slice %arg3[%add3A_11] : memref<163840xi32, #tpu.memory_space<hbm>> -> memref<128xi32, #tpu.memory_space<hbm>>
    tpu.enqueue_dma source(%dma_start3A_13 : memref<128xi32, #tpu.memory_space<hbm>>) target(%arg8 : memref<128xi32, #tpu.memory_space<vmem>>) target_semaphore(%arg12 : memref<!tpu.dma_semaphore, #tpu.memory_space<semaphore_mem>>)
    %dma_start3A_14 = arith.constant 0 : i32
    %dma_start3A_15 = tpu.memref_slice %arg2[%add3A_11, %dma_start3A_14] : memref<163840x16xf32, #tpu.memory_space<hbm>> -> memref<128x16xf32, #tpu.memory_space<hbm>>
    %dma_start3A_16 = arith.constant 0 : i32
    %dma_start3A_17 = tpu.memref_slice %arg2[%add3A_11, %dma_start3A_16] : memref<163840x16xf32, #tpu.memory_space<hbm>> -> memref<128x16xf32, #tpu.memory_space<hbm>>
    tpu.enqueue_dma source(%dma_start3A_17 : memref<128x16xf32, #tpu.memory_space<hbm>>) target(%arg10 : memref<128x16xf32, #tpu.memory_space<vmem>>) target_semaphore(%arg12 : memref<!tpu.dma_semaphore, #tpu.memory_space<semaphore_mem>>)
    %scan3A = arith.constant 0 : i32
    %scan3A_18 = arith.constant 20 : i32
    %scan3A_19 = arith.addi %scan3A, %scan3A_18 : i32
    %scan3A_20 = arith.constant 1 : i32
    scf.for %scan3A_42 = %scan3A to %scan3A_19 step %scan3A_20  : i32 {
      %mul3A_43 = arith.constant 2 : i32
      %mul3A_44 = arith.muli %scan3A_42, %mul3A_43 : i32
      %add3A_45 = arith.constant 0 : i32
      %add3A_46 = arith.addi %add3A_45, %mul3A_44 : i32
      %mul3A_47 = arith.constant 128 : i32
      %mul3A_48 = arith.muli %add3A_46, %mul3A_47 : i32
      %add3A_49 = arith.addi %mul3A_4, %mul3A_48 : i32
      %dma_wait3A = tpu.memref_slice %arg3[%add3A_49] : memref<163840xi32, #tpu.memory_space<hbm>> -> memref<128xi32, #tpu.memory_space<hbm>>
      %dma_wait3A_50 = tpu.memref_slice %arg3[%add3A_49] : memref<163840xi32, #tpu.memory_space<hbm>> -> memref<128xi32, #tpu.memory_space<hbm>>
      tpu.wait_dma2 semaphore(%arg11 : memref<!tpu.dma_semaphore, #tpu.memory_space<semaphore_mem>>) src(%dma_wait3A_50 : memref<128xi32, #tpu.memory_space<hbm>>) dst(%arg7 : memref<128xi32, #tpu.memory_space<vmem>>)
      %dma_wait3A_51 = arith.constant 0 : i32
      %dma_wait3A_52 = tpu.memref_slice %arg2[%add3A_49, %dma_wait3A_51] : memref<163840x16xf32, #tpu.memory_space<hbm>> -> memref<128x16xf32, #tpu.memory_space<hbm>>
      %dma_wait3A_53 = arith.constant 0 : i32
      %dma_wait3A_54 = tpu.memref_slice %arg2[%add3A_49, %dma_wait3A_53] : memref<163840x16xf32, #tpu.memory_space<hbm>> -> memref<128x16xf32, #tpu.memory_space<hbm>>
      tpu.wait_dma2 semaphore(%arg11 : memref<!tpu.dma_semaphore, #tpu.memory_space<semaphore_mem>>) src(%dma_wait3A_54 : memref<128x16xf32, #tpu.memory_space<hbm>>) dst(%arg9 : memref<128x16xf32, #tpu.memory_space<vmem>>)
      %scan3A_55 = arith.constant 0 : i32
      %scan3A_56 = arith.constant 8 : i32
      %scan3A_57 = arith.addi %scan3A_55, %scan3A_56 : i32
      %scan3A_58 = arith.constant 1 : i32
      scf.for %scan3A_84 = %scan3A_55 to %scan3A_57 step %scan3A_58  : i32 {
        %mul3A_85 = arith.constant 1 : i32
        %mul3A_86 = arith.muli %scan3A_84, %mul3A_85 : i32
        %add3A_87 = arith.constant 0 : i32
        %add3A_88 = arith.addi %add3A_87, %mul3A_86 : i32
        %mul3A_89 = arith.constant 16 : i32
        %mul3A_90 = arith.muli %add3A_88, %mul3A_89 : i32
        %get3A = arith.index_cast %mul3A_90 : i32 to index
        %get3A_91 = tpu.vector_load %arg7[%get3A] {strides = array<i32>} : memref<128xi32, #tpu.memory_space<vmem>>, vector<16xi32>,
        %sub3A = arith.constant 0 : i32
        %sub3A_92 = vector.broadcast %sub3A : i32 to vector<16xi32>
        %sub3A_93 = arith.subi %get3A_91, %sub3A_92 : vector<16xi32>
        %shift_right_arithmetic3A = arith.constant 3 : i32
        %shift_right_arithmetic3A_94 = vector.broadcast %shift_right_arithmetic3A : i32 to vector<16xi32>
        %shift_right_arithmetic3A_95 = arith.shrsi %sub3A_93, %shift_right_arithmetic3A_94 : vector<16xi32>
        %and3A = arith.constant 7 : i32
        %and3A_96 = vector.broadcast %and3A : i32 to vector<16xi32>
        %and3A_97 = arith.andi %sub3A_93, %and3A_96 : vector<16xi32>
        %shift_left3A = arith.constant 4 : i32
        %shift_left3A_98 = vector.broadcast %shift_left3A : i32 to vector<16xi32>
        %shift_left3A_99 = arith.shli %and3A_97, %shift_left3A_98 : vector<16xi32>
        %ge3A = arith.constant 0 : i32
        %ge3A_100 = vector.broadcast %ge3A : i32 to vector<16xi32>
        %ge3A_101 = arith.cmpi sge, %sub3A_93, %ge3A_100 : vector<16xi32>
        %lt3A_102 = arith.constant 5000 : i32
        %lt3A_103 = vector.broadcast %lt3A_102 : i32 to vector<16xi32>
        %lt3A_104 = arith.cmpi slt, %sub3A_93, %lt3A_103 : vector<16xi32>
        %and3A_105 = arith.andi %ge3A_101, %lt3A_104 : vector<16xi1>
        %convert_element_type3A_106 = arith.extui %and3A_105 : vector<16xi1> to vector<16xi32>
        %broadcast_in_dim3A = arith.constant 0 : i32
        %broadcast_in_dim3A_107 = vector.broadcast %broadcast_in_dim3A : i32 to vector<16xi32>
        %lt3A_108 = arith.constant 0 : i32
        %lt3A_109 = vector.broadcast %lt3A_108 : i32 to vector<16xi32>
        %lt3A_110 = arith.cmpi slt, %broadcast_in_dim3A_107, %lt3A_109 : vector<16xi32>
        %add3A_111 = arith.constant 16 : i32
        %add3A_112 = vector.broadcast %add3A_111 : i32 to vector<16xi32>
        %add3A_113 = arith.addi %broadcast_in_dim3A_107, %add3A_112 : vector<16xi32>
        %select_n3A = arith.select %lt3A_110, %add3A_113, %broadcast_in_dim3A_107 : vector<16xi1>, vector<16xi32>
        %broadcast_in_dim3A_114 = vector.shape_cast %select_n3A : vector<16xi32> to vector<16x1xi32>
        %gather3A = vector.shape_cast %broadcast_in_dim3A_114 : vector<16x1xi32> to vector<16xi32>
        %gather3A_115 = tpu.dynamic_gather %shift_right_arithmetic3A_95[%gather3A] in [0] : vector<16xi32>, vector<16xi32> -> vector<16xi32>
        %lt3A_116 = arith.constant 0 : i32
        %lt3A_117 = vector.broadcast %lt3A_116 : i32 to vector<16xi32>
        %lt3A_118 = arith.cmpi slt, %broadcast_in_dim3A_107, %lt3A_117 : vector<16xi32>
        %add3A_119 = arith.constant 16 : i32
        %add3A_120 = vector.broadcast %add3A_119 : i32 to vector<16xi32>
        %add3A_121 = arith.addi %broadcast_in_dim3A_107, %add3A_120 : vector<16xi32>
        %select_n3A_122 = arith.select %lt3A_118, %add3A_121, %broadcast_in_dim3A_107 : vector<16xi1>, vector<16xi32>
        %broadcast_in_dim3A_123 = vector.shape_cast %select_n3A_122 : vector<16xi32> to vector<16x1xi32>
        %gather3A_124 = vector.shape_cast %broadcast_in_dim3A_123 : vector<16x1xi32> to vector<16xi32>
        %gather3A_125 = tpu.dynamic_gather %shift_left3A_99[%gather3A_124] in [0] : vector<16xi32>, vector<16xi32> -> vector<16xi32>
        %add3A_126 = arith.addi %gather3A_125, %iota3A : vector<16xi32>
        %lt3A_127 = arith.constant 0 : i32
        %lt3A_128 = vector.broadcast %lt3A_127 : i32 to vector<16xi32>
        %lt3A_129 = arith.cmpi slt, %broadcast_in_dim3A_107, %lt3A_128 : vector<16xi32>
        %add3A_130 = arith.constant 16 : i32
        %add3A_131 = vector.broadcast %add3A_130 : i32 to vector<16xi32>
        %add3A_132 = arith.addi %broadcast_in_dim3A_107, %add3A_131 : vector<16xi32>
        %select_n3A_133 = arith.select %lt3A_129, %add3A_132, %broadcast_in_dim3A_107 : vector<16xi1>, vector<16xi32>
        %broadcast_in_dim3A_134 = vector.shape_cast %select_n3A_133 : vector<16xi32> to vector<16x1xi32>
        %gather3A_135 = vector.shape_cast %broadcast_in_dim3A_134 : vector<16x1xi32> to vector<16xi32>
        %gather3A_136 = tpu.dynamic_gather %convert_element_type3A_106[%gather3A_135] in [0] : vector<16xi32>, vector<16xi32> -> vector<16xi32>
        %ne3A = arith.constant 0 : i32
        %ne3A_137 = vector.broadcast %ne3A : i32 to vector<16xi32>
        %ne3A_138 = arith.cmpi ne, %gather3A_136, %ne3A_137 : vector<16xi32>
        %mul3A_139 = arith.constant 16 : i32
        %mul3A_140 = arith.muli %add3A_88, %mul3A_139 : i32
        %add3A_141 = arith.constant 0 : i32
        %add3A_142 = arith.addi %mul3A_140, %add3A_141 : i32
        %get3A_143 = arith.index_cast %add3A_142 : i32 to index
        %get3A_144 = arith.constant 0 : index
        %get3A_145 = tpu.vector_load %arg9[%get3A_143, %get3A_144] {strides = array<i32>} : memref<128x16xf32, #tpu.memory_space<vmem>>, vector<16xf32>,
        tpu.vector_store_idx %arg6[%gather3A_115, %add3A_126], %get3A_145 masked %ne3A_138 {add = true} : memref<625x128xf32, #tpu.memory_space<vmem>>[vector<16xi32>, vector<16xi32>], vector<16xf32>, vector<16xi1>
        %broadcast_in_dim3A_146 = arith.constant 1 : i32
        %broadcast_in_dim3A_147 = vector.broadcast %broadcast_in_dim3A_146 : i32 to vector<16xi32>
        %lt3A_148 = arith.constant 0 : i32
        %lt3A_149 = vector.broadcast %lt3A_148 : i32 to vector<16xi32>
        %lt3A_150 = arith.cmpi slt, %broadcast_in_dim3A_147, %lt3A_149 : vector<16xi32>
        %add3A_151 = arith.constant 16 : i32
        %add3A_152 = vector.broadcast %add3A_151 : i32 to vector<16xi32>
        %add3A_153 = arith.addi %broadcast_in_dim3A_147, %add3A_152 : vector<16xi32>
        %select_n3A_154 = arith.select %lt3A_150, %add3A_153, %broadcast_in_dim3A_147 : vector<16xi1>, vector<16xi32>
        %broadcast_in_dim3A_155 = vector.shape_cast %select_n3A_154 : vector<16xi32> to vector<16x1xi32>
        %gather3A_156 = vector.shape_cast %broadcast_in_dim3A_155 : vector<16x1xi32> to vector<16xi32>
        %gather3A_157 = tpu.dynamic_gather %shift_right_arithmetic3A_95[%gather3A_156] in [0] : vector<16xi32>, vector<16xi32> -> vector<16xi32>
        %lt3A_158 = arith.constant 0 : i32
        %lt3A_159 = vector.broadcast %lt3A_158 : i32 to vector<16xi32>
        %lt3A_160 = arith.cmpi slt, %broadcast_in_dim3A_147, %lt3A_159 : vector<16xi32>
        %add3A_161 = arith.constant 16 : i32
        %add3A_162 = vector.broadcast %add3A_161 : i32 to vector<16xi32>
        %add3A_163 = arith.addi %broadcast_in_dim3A_147, %add3A_162 : vector<16xi32>
        %select_n3A_164 = arith.select %lt3A_160, %add3A_163, %broadcast_in_dim3A_147 : vector<16xi1>, vector<16xi32>
        %broadcast_in_dim3A_165 = vector.shape_cast %select_n3A_164 : vector<16xi32> to vector<16x1xi32>
        %gather3A_166 = vector.shape_cast %broadcast_in_dim3A_165 : vector<16x1xi32> to vector<16xi32>
        %gather3A_167 = tpu.dynamic_gather %shift_left3A_99[%gather3A_166] in [0] : vector<16xi32>, vector<16xi32> -> vector<16xi32>
        %add3A_168 = arith.addi %gather3A_167, %iota3A : vector<16xi32>
        %lt3A_169 = arith.constant 0 : i32
        %lt3A_170 = vector.broadcast %lt3A_169 : i32 to vector<16xi32>
        %lt3A_171 = arith.cmpi slt, %broadcast_in_dim3A_147, %lt3A_170 : vector<16xi32>
        %add3A_172 = arith.constant 16 : i32
        %add3A_173 = vector.broadcast %add3A_172 : i32 to vector<16xi32>
        %add3A_174 = arith.addi %broadcast_in_dim3A_147, %add3A_173 : vector<16xi32>
        %select_n3A_175 = arith.select %lt3A_171, %add3A_174, %broadcast_in_dim3A_147 : vector<16xi1>, vector<16xi32>
        %broadcast_in_dim3A_176 = vector.shape_cast %select_n3A_175 : vector<16xi32> to vector<16x1xi32>
        %gather3A_177 = vector.shape_cast %broadcast_in_dim3A_176 : vector<16x1xi32> to vector<16xi32>
        %gather3A_178 = tpu.dynamic_gather %convert_element_type3A_106[%gather3A_177] in [0] : vector<16xi32>, vector<16xi32> -> vector<16xi32>
        %ne3A_179 = arith.constant 0 : i32
        %ne3A_180 = vector.broadcast %ne3A_179 : i32 to vector<16xi32>
        %ne3A_181 = arith.cmpi ne, %gather3A_178, %ne3A_180 : vector<16xi32>
        %mul3A_182 = arith.constant 16 : i32
        %mul3A_183 = arith.muli %add3A_88, %mul3A_182 : i32
        %add3A_184 = arith.constant 1 : i32
        %add3A_185 = arith.addi %mul3A_183, %add3A_184 : i32
        %get3A_186 = arith.index_cast %add3A_185 : i32 to index
        %get3A_187 = arith.constant 0 : index
        %get3A_188 = tpu.vector_load %arg9[%get3A_186, %get3A_187] {strides = array<i32>} : memref<128x16xf32, #tpu.memory_space<vmem>>, vector<16xf32>,
        tpu.vector_store_idx %arg6[%gather3A_157, %add3A_168], %get3A_188 masked %ne3A_181 {add = true} : memref<625x128xf32, #tpu.memory_space<vmem>>[vector<16xi32>, vector<16xi32>], vector<16xf32>, vector<16xi1>
        %broadcast_in_dim3A_189 = arith.constant 2 : i32
        %broadcast_in_dim3A_190 = vector.broadcast %broadcast_in_dim3A_189 : i32 to vector<16xi32>
        %lt3A_191 = arith.constant 0 : i32
        %lt3A_192 = vector.broadcast %lt3A_191 : i32 to vector<16xi32>
        %lt3A_193 = arith.cmpi slt, %broadcast_in_dim3A_190, %lt3A_192 : vector<16xi32>
        %add3A_194 = arith.constant 16 : i32
        %add3A_195 = vector.broadcast %add3A_194 : i32 to vector<16xi32>
        %add3A_196 = arith.addi %broadcast_in_dim3A_190, %add3A_195 : vector<16xi32>
        %select_n3A_197 = arith.select %lt3A_193, %add3A_196, %broadcast_in_dim3A_190 : vector<16xi1>, vector<16xi32>
        %broadcast_in_dim3A_198 = vector.shape_cast %select_n3A_197 : vector<16xi32> to vector<16x1xi32>
        %gather3A_199 = vector.shape_cast %broadcast_in_dim3A_198 : vector<16x1xi32> to vector<16xi32>
        %gather3A_200 = tpu.dynamic_gather %shift_right_arithmetic3A_95[%gather3A_199] in [0] : vector<16xi32>, vector<16xi32> -> vector<16xi32>
        %lt3A_201 = arith.constant 0 : i32
        %lt3A_202 = vector.broadcast %lt3A_201 : i32 to vector<16xi32>
        %lt3A_203 = arith.cmpi slt, %broadcast_in_dim3A_190, %lt3A_202 : vector<16xi32>
        %add3A_204 = arith.constant 16 : i32
        %add3A_205 = vector.broadcast %add3A_204 : i32 to vector<16xi32>
        %add3A_206 = arith.addi %broadcast_in_dim3A_190, %add3A_205 : vector<16xi32>
        %select_n3A_207 = arith.select %lt3A_203, %add3A_206, %broadcast_in_dim3A_190 : vector<16xi1>, vector<16xi32>
        %broadcast_in_dim3A_208 = vector.shape_cast %select_n3A_207 : vector<16xi32> to vector<16x1xi32>
        %gather3A_209 = vector.shape_cast %broadcast_in_dim3A_208 : vector<16x1xi32> to vector<16xi32>
        %gather3A_210 = tpu.dynamic_gather %shift_left3A_99[%gather3A_209] in [0] : vector<16xi32>, vector<16xi32> -> vector<16xi32>
        %add3A_211 = arith.addi %gather3A_210, %iota3A : vector<16xi32>
        %lt3A_212 = arith.constant 0 : i32
        %lt3A_213 = vector.broadcast %lt3A_212 : i32 to vector<16xi32>
        %lt3A_214 = arith.cmpi slt, %broadcast_in_dim3A_190, %lt3A_213 : vector<16xi32>
        %add3A_215 = arith.constant 16 : i32
        %add3A_216 = vector.broadcast %add3A_215 : i32 to vector<16xi32>
        %add3A_217 = arith.addi %broadcast_in_dim3A_190, %add3A_216 : vector<16xi32>
        %select_n3A_218 = arith.select %lt3A_214, %add3A_217, %broadcast_in_dim3A_190 : vector<16xi1>, vector<16xi32>
        %broadcast_in_dim3A_219 = vector.shape_cast %select_n3A_218 : vector<16xi32> to vector<16x1xi32>
        %gather3A_220 = vector.shape_cast %broadcast_in_dim3A_219 : vector<16x1xi32> to vector<16xi32>
        %gather3A_221 = tpu.dynamic_gather %convert_element_type3A_106[%gather3A_220] in [0] : vector<16xi32>, vector<16xi32> -> vector<16xi32>
        %ne3A_222 = arith.constant 0 : i32
        %ne3A_223 = vector.broadcast %ne3A_222 : i32 to vector<16xi32>
        %ne3A_224 = arith.cmpi ne, %gather3A_221, %ne3A_223 : vector<16xi32>
        %mul3A_225 = arith.constant 16 : i32
        %mul3A_226 = arith.muli %add3A_88, %mul3A_225 : i32
        %add3A_227 = arith.constant 2 : i32
        %add3A_228 = arith.addi %mul3A_226, %add3A_227 : i32
        %get3A_229 = arith.index_cast %add3A_228 : i32 to index
        %get3A_230 = arith.constant 0 : index
        %get3A_231 = tpu.vector_load %arg9[%get3A_229, %get3A_230] {strides = array<i32>} : memref<128x16xf32, #tpu.memory_space<vmem>>, vector<16xf32>,
        tpu.vector_store_idx %arg6[%gather3A_200, %add3A_211], %get3A_231 masked %ne3A_224 {add = true} : memref<625x128xf32, #tpu.memory_space<vmem>>[vector<16xi32>, vector<16xi32>], vector<16xf32>, vector<16xi1>
        %broadcast_in_dim3A_232 = arith.constant 3 : i32
        %broadcast_in_dim3A_233 = vector.broadcast %broadcast_in_dim3A_232 : i32 to vector<16xi32>
        %lt3A_234 = arith.constant 0 : i32
        %lt3A_235 = vector.broadcast %lt3A_234 : i32 to vector<16xi32>
        %lt3A_236 = arith.cmpi slt, %broadcast_in_dim3A_233, %lt3A_235 : vector<16xi32>
        %add3A_237 = arith.constant 16 : i32
        %add3A_238 = vector.broadcast %add3A_237 : i32 to vector<16xi32>
        %add3A_239 = arith.addi %broadcast_in_dim3A_233, %add3A_238 : vector<16xi32>
        %select_n3A_240 = arith.select %lt3A_236, %add3A_239, %broadcast_in_dim3A_233 : vector<16xi1>, vector<16xi32>
        %broadcast_in_dim3A_241 = vector.shape_cast %select_n3A_240 : vector<16xi32> to vector<16x1xi32>
        %gather3A_242 = vector.shape_cast %broadcast_in_dim3A_241 : vector<16x1xi32> to vector<16xi32>
        %gather3A_243 = tpu.dynamic_gather %shift_right_arithmetic3A_95[%gather3A_242] in [0] : vector<16xi32>, vector<16xi32> -> vector<16xi32>
        %lt3A_244 = arith.constant 0 : i32
        %lt3A_245 = vector.broadcast %lt3A_244 : i32 to vector<16xi32>
        %lt3A_246 = arith.cmpi slt, %broadcast_in_dim3A_233, %lt3A_245 : vector<16xi32>
        %add3A_247 = arith.constant 16 : i32
        %add3A_248 = vector.broadcast %add3A_247 : i32 to vector<16xi32>
        %add3A_249 = arith.addi %broadcast_in_dim3A_233, %add3A_248 : vector<16xi32>
        %select_n3A_250 = arith.select %lt3A_246, %add3A_249, %broadcast_in_dim3A_233 : vector<16xi1>, vector<16xi32>
        %broadcast_in_dim3A_251 = vector.shape_cast %select_n3A_250 : vector<16xi32> to vector<16x1xi32>
        %gather3A_252 = vector.shape_cast %broadcast_in_dim3A_251 : vector<16x1xi32> to vector<16xi32>
        %gather3A_253 = tpu.dynamic_gather %shift_left3A_99[%gather3A_252] in [0] : vector<16xi32>, vector<16xi32> -> vector<16xi32>
        %add3A_254 = arith.addi %gather3A_253, %iota3A : vector<16xi32>
        %lt3A_255 = arith.constant 0 : i32
        %lt3A_256 = vector.broadcast %lt3A_255 : i32 to vector<16xi32>
        %lt3A_257 = arith.cmpi slt, %broadcast_in_dim3A_233, %lt3A_256 : vector<16xi32>
        %add3A_258 = arith.constant 16 : i32
        %add3A_259 = vector.broadcast %add3A_258 : i32 to vector<16xi32>
        %add3A_260 = arith.addi %broadcast_in_dim3A_233, %add3A_259 : vector<16xi32>
        %select_n3A_261 = arith.select %lt3A_257, %add3A_260, %broadcast_in_dim3A_233 : vector<16xi1>, vector<16xi32>
        %broadcast_in_dim3A_262 = vector.shape_cast %select_n3A_261 : vector<16xi32> to vector<16x1xi32>
        %gather3A_263 = vector.shape_cast %broadcast_in_dim3A_262 : vector<16x1xi32> to vector<16xi32>
        %gather3A_264 = tpu.dynamic_gather %convert_element_type3A_106[%gather3A_263] in [0] : vector<16xi32>, vector<16xi32> -> vector<16xi32>
        %ne3A_265 = arith.constant 0 : i32
        %ne3A_266 = vector.broadcast %ne3A_265 : i32 to vector<16xi32>
        %ne3A_267 = arith.cmpi ne, %gather3A_264, %ne3A_266 : vector<16xi32>
        %mul3A_268 = arith.constant 16 : i32
        %mul3A_269 = arith.muli %add3A_88, %mul3A_268 : i32
        %add3A_270 = arith.constant 3 : i32
        %add3A_271 = arith.addi %mul3A_269, %add3A_270 : i32
        %get3A_272 = arith.index_cast %add3A_271 : i32 to index
        %get3A_273 = arith.constant 0 : index
        %get3A_274 = tpu.vector_load %arg9[%get3A_272, %get3A_273] {strides = array<i32>} : memref<128x16xf32, #tpu.memory_space<vmem>>, vector<16xf32>,
        tpu.vector_store_idx %arg6[%gather3A_243, %add3A_254], %get3A_274 masked %ne3A_267 {add = true} : memref<625x128xf32, #tpu.memory_space<vmem>>[vector<16xi32>, vector<16xi32>], vector<16xf32>, vector<16xi1>
        %broadcast_in_dim3A_275 = arith.constant 4 : i32
        %broadcast_in_dim3A_276 = vector.broadcast %broadcast_in_dim3A_275 : i32 to vector<16xi32>
        %lt3A_277 = arith.constant 0 : i32
        %lt3A_278 = vector.broadcast %lt3A_277 : i32 to vector<16xi32>
        %lt3A_279 = arith.cmpi slt, %broadcast_in_dim3A_276, %lt3A_278 : vector<16xi32>
        %add3A_280 = arith.constant 16 : i32
        %add3A_281 = vector.broadcast %add3A_280 : i32 to vector<16xi32>
        %add3A_282 = arith.addi %broadcast_in_dim3A_276, %add3A_281 : vector<16xi32>
        %select_n3A_283 = arith.select %lt3A_279, %add3A_282, %broadcast_in_dim3A_276 : vector<16xi1>, vector<16xi32>
        %broadcast_in_dim3A_284 = vector.shape_cast %select_n3A_283 : vector<16xi32> to vector<16x1xi32>
        %gather3A_285 = vector.shape_cast %broadcast_in_dim3A_284 : vector<16x1xi32> to vector<16xi32>
        %gather3A_286 = tpu.dynamic_gather %shift_right_arithmetic3A_95[%gather3A_285] in [0] : vector<16xi32>, vector<16xi32> -> vector<16xi32>
        %lt3A_287 = arith.constant 0 : i32
        %lt3A_288 = vector.broadcast %lt3A_287 : i32 to vector<16xi32>
        %lt3A_289 = arith.cmpi slt, %broadcast_in_dim3A_276, %lt3A_288 : vector<16xi32>
        %add3A_290 = arith.constant 16 : i32
        %add3A_291 = vector.broadcast %add3A_290 : i32 to vector<16xi32>
        %add3A_292 = arith.addi %broadcast_in_dim3A_276, %add3A_291 : vector<16xi32>
        %select_n3A_293 = arith.select %lt3A_289, %add3A_292, %broadcast_in_dim3A_276 : vector<16xi1>, vector<16xi32>
        %broadcast_in_dim3A_294 = vector.shape_cast %select_n3A_293 : vector<16xi32> to vector<16x1xi32>
        %gather3A_295 = vector.shape_cast %broadcast_in_dim3A_294 : vector<16x1xi32> to vector<16xi32>
        %gather3A_296 = tpu.dynamic_gather %shift_left3A_99[%gather3A_295] in [0] : vector<16xi32>, vector<16xi32> -> vector<16xi32>
        %add3A_297 = arith.addi %gather3A_296, %iota3A : vector<16xi32>
        %lt3A_298 = arith.constant 0 : i32
        %lt3A_299 = vector.broadcast %lt3A_298 : i32 to vector<16xi32>
        %lt3A_300 = arith.cmpi slt, %broadcast_in_dim3A_276, %lt3A_299 : vector<16xi32>
        %add3A_301 = arith.constant 16 : i32
        %add3A_302 = vector.broadcast %add3A_301 : i32 to vector<16xi32>
        %add3A_303 = arith.addi %broadcast_in_dim3A_276, %add3A_302 : vector<16xi32>
        %select_n3A_304 = arith.select %lt3A_300, %add3A_303, %broadcast_in_dim3A_276 : vector<16xi1>, vector<16xi32>
        %broadcast_in_dim3A_305 = vector.shape_cast %select_n3A_304 : vector<16xi32> to vector<16x1xi32>
        %gather3A_306 = vector.shape_cast %broadcast_in_dim3A_305 : vector<16x1xi32> to vector<16xi32>
        %gather3A_307 = tpu.dynamic_gather %convert_element_type3A_106[%gather3A_306] in [0] : vector<16xi32>, vector<16xi32> -> vector<16xi32>
        %ne3A_308 = arith.constant 0 : i32
        %ne3A_309 = vector.broadcast %ne3A_308 : i32 to vector<16xi32>
        %ne3A_310 = arith.cmpi ne, %gather3A_307, %ne3A_309 : vector<16xi32>
        %mul3A_311 = arith.constant 16 : i32
        %mul3A_312 = arith.muli %add3A_88, %mul3A_311 : i32
        %add3A_313 = arith.constant 4 : i32
        %add3A_314 = arith.addi %mul3A_312, %add3A_313 : i32
        %get3A_315 = arith.index_cast %add3A_314 : i32 to index
        %get3A_316 = arith.constant 0 : index
        %get3A_317 = tpu.vector_load %arg9[%get3A_315, %get3A_316] {strides = array<i32>} : memref<128x16xf32, #tpu.memory_space<vmem>>, vector<16xf32>,
        tpu.vector_store_idx %arg6[%gather3A_286, %add3A_297], %get3A_317 masked %ne3A_310 {add = true} : memref<625x128xf32, #tpu.memory_space<vmem>>[vector<16xi32>, vector<16xi32>], vector<16xf32>, vector<16xi1>
        %broadcast_in_dim3A_318 = arith.constant 5 : i32
        %broadcast_in_dim3A_319 = vector.broadcast %broadcast_in_dim3A_318 : i32 to vector<16xi32>
        %lt3A_320 = arith.constant 0 : i32
        %lt3A_321 = vector.broadcast %lt3A_320 : i32 to vector<16xi32>
        %lt3A_322 = arith.cmpi slt, %broadcast_in_dim3A_319, %lt3A_321 : vector<16xi32>
        %add3A_323 = arith.constant 16 : i32
        %add3A_324 = vector.broadcast %add3A_323 : i32 to vector<16xi32>
        %add3A_325 = arith.addi %broadcast_in_dim3A_319, %add3A_324 : vector<16xi32>
        %select_n3A_326 = arith.select %lt3A_322, %add3A_325, %broadcast_in_dim3A_319 : vector<16xi1>, vector<16xi32>
        %broadcast_in_dim3A_327 = vector.shape_cast %select_n3A_326 : vector<16xi32> to vector<16x1xi32>
        %gather3A_328 = vector.shape_cast %broadcast_in_dim3A_327 : vector<16x1xi32> to vector<16xi32>
        %gather3A_329 = tpu.dynamic_gather %shift_right_arithmetic3A_95[%gather3A_328] in [0] : vector<16xi32>, vector<16xi32> -> vector<16xi32>
        %lt3A_330 = arith.constant 0 : i32
        %lt3A_331 = vector.broadcast %lt3A_330 : i32 to vector<16xi32>
        %lt3A_332 = arith.cmpi slt, %broadcast_in_dim3A_319, %lt3A_331 : vector<16xi32>
        %add3A_333 = arith.constant 16 : i32
        %add3A_334 = vector.broadcast %add3A_333 : i32 to vector<16xi32>
        %add3A_335 = arith.addi %broadcast_in_dim3A_319, %add3A_334 : vector<16xi32>
        %select_n3A_336 = arith.select %lt3A_332, %add3A_335, %broadcast_in_dim3A_319 : vector<16xi1>, vector<16xi32>
        %broadcast_in_dim3A_337 = vector.shape_cast %select_n3A_336 : vector<16xi32> to vector<16x1xi32>
        %gather3A_338 = vector.shape_cast %broadcast_in_dim3A_337 : vector<16x1xi32> to vector<16xi32>
        %gather3A_339 = tpu.dynamic_gather %shift_left3A_99[%gather3A_338] in [0] : vector<16xi32>, vector<16xi32> -> vector<16xi32>
        %add3A_340 = arith.addi %gather3A_339, %iota3A : vector<16xi32>
        %lt3A_341 = arith.constant 0 : i32
        %lt3A_342 = vector.broadcast %lt3A_341 : i32 to vector<16xi32>
        %lt3A_343 = arith.cmpi slt, %broadcast_in_dim3A_319, %lt3A_342 : vector<16xi32>
        %add3A_344 = arith.constant 16 : i32
        %add3A_345 = vector.broadcast %add3A_344 : i32 to vector<16xi32>
        %add3A_346 = arith.addi %broadcast_in_dim3A_319, %add3A_345 : vector<16xi32>
        %select_n3A_347 = arith.select %lt3A_343, %add3A_346, %broadcast_in_dim3A_319 : vector<16xi1>, vector<16xi32>
        %broadcast_in_dim3A_348 = vector.shape_cast %select_n3A_347 : vector<16xi32> to vector<16x1xi32>
        %gather3A_349 = vector.shape_cast %broadcast_in_dim3A_348 : vector<16x1xi32> to vector<16xi32>
        %gather3A_350 = tpu.dynamic_gather %convert_element_type3A_106[%gather3A_349] in [0] : vector<16xi32>, vector<16xi32> -> vector<16xi32>
        %ne3A_351 = arith.constant 0 : i32
        %ne3A_352 = vector.broadcast %ne3A_351 : i32 to vector<16xi32>
        %ne3A_353 = arith.cmpi ne, %gather3A_350, %ne3A_352 : vector<16xi32>
        %mul3A_354 = arith.constant 16 : i32
        %mul3A_355 = arith.muli %add3A_88, %mul3A_354 : i32
        %add3A_356 = arith.constant 5 : i32
        %add3A_357 = arith.addi %mul3A_355, %add3A_356 : i32
        %get3A_358 = arith.index_cast %add3A_357 : i32 to index
        %get3A_359 = arith.constant 0 : index
        %get3A_360 = tpu.vector_load %arg9[%get3A_358, %get3A_359] {strides = array<i32>} : memref<128x16xf32, #tpu.memory_space<vmem>>, vector<16xf32>,
        tpu.vector_store_idx %arg6[%gather3A_329, %add3A_340], %get3A_360 masked %ne3A_353 {add = true} : memref<625x128xf32, #tpu.memory_space<vmem>>[vector<16xi32>, vector<16xi32>], vector<16xf32>, vector<16xi1>
        %broadcast_in_dim3A_361 = arith.constant 6 : i32
        %broadcast_in_dim3A_362 = vector.broadcast %broadcast_in_dim3A_361 : i32 to vector<16xi32>
        %lt3A_363 = arith.constant 0 : i32
        %lt3A_364 = vector.broadcast %lt3A_363 : i32 to vector<16xi32>
        %lt3A_365 = arith.cmpi slt, %broadcast_in_dim3A_362, %lt3A_364 : vector<16xi32>
        %add3A_366 = arith.constant 16 : i32
        %add3A_367 = vector.broadcast %add3A_366 : i32 to vector<16xi32>
        %add3A_368 = arith.addi %broadcast_in_dim3A_362, %add3A_367 : vector<16xi32>
        %select_n3A_369 = arith.select %lt3A_365, %add3A_368, %broadcast_in_dim3A_362 : vector<16xi1>, vector<16xi32>
        %broadcast_in_dim3A_370 = vector.shape_cast %select_n3A_369 : vector<16xi32> to vector<16x1xi32>
        %gather3A_371 = vector.shape_cast %broadcast_in_dim3A_370 : vector<16x1xi32> to vector<16xi32>
        %gather3A_372 = tpu.dynamic_gather %shift_right_arithmetic3A_95[%gather3A_371] in [0] : vector<16xi32>, vector<16xi32> -> vector<16xi32>
        %lt3A_373 = arith.constant 0 : i32
        %lt3A_374 = vector.broadcast %lt3A_373 : i32 to vector<16xi32>
        %lt3A_375 = arith.cmpi slt, %broadcast_in_dim3A_362, %lt3A_374 : vector<16xi32>
        %add3A_376 = arith.constant 16 : i32
        %add3A_377 = vector.broadcast %add3A_376 : i32 to vector<16xi32>
        %add3A_378 = arith.addi %broadcast_in_dim3A_362, %add3A_377 : vector<16xi32>
        %select_n3A_379 = arith.select %lt3A_375, %add3A_378, %broadcast_in_dim3A_362 : vector<16xi1>, vector<16xi32>
        %broadcast_in_dim3A_380 = vector.shape_cast %select_n3A_379 : vector<16xi32> to vector<16x1xi32>
        %gather3A_381 = vector.shape_cast %broadcast_in_dim3A_380 : vector<16x1xi32> to vector<16xi32>
        %gather3A_382 = tpu.dynamic_gather %shift_left3A_99[%gather3A_381] in [0] : vector<16xi32>, vector<16xi32> -> vector<16xi32>
        %add3A_383 = arith.addi %gather3A_382, %iota3A : vector<16xi32>
        %lt3A_384 = arith.constant 0 : i32
        %lt3A_385 = vector.broadcast %lt3A_384 : i32 to vector<16xi32>
        %lt3A_386 = arith.cmpi slt, %broadcast_in_dim3A_362, %lt3A_385 : vector<16xi32>
        %add3A_387 = arith.constant 16 : i32
        %add3A_388 = vector.broadcast %add3A_387 : i32 to vector<16xi32>
        %add3A_389 = arith.addi %broadcast_in_dim3A_362, %add3A_388 : vector<16xi32>
        %select_n3A_390 = arith.select %lt3A_386, %add3A_389, %broadcast_in_dim3A_362 : vector<16xi1>, vector<16xi32>
        %broadcast_in_dim3A_391 = vector.shape_cast %select_n3A_390 : vector<16xi32> to vector<16x1xi32>
        %gather3A_392 = vector.shape_cast %broadcast_in_dim3A_391 : vector<16x1xi32> to vector<16xi32>
        %gather3A_393 = tpu.dynamic_gather %convert_element_type3A_106[%gather3A_392] in [0] : vector<16xi32>, vector<16xi32> -> vector<16xi32>
        %ne3A_394 = arith.constant 0 : i32
        %ne3A_395 = vector.broadcast %ne3A_394 : i32 to vector<16xi32>
        %ne3A_396 = arith.cmpi ne, %gather3A_393, %ne3A_395 : vector<16xi32>
        %mul3A_397 = arith.constant 16 : i32
        %mul3A_398 = arith.muli %add3A_88, %mul3A_397 : i32
        %add3A_399 = arith.constant 6 : i32
        %add3A_400 = arith.addi %mul3A_398, %add3A_399 : i32
        %get3A_401 = arith.index_cast %add3A_400 : i32 to index
        %get3A_402 = arith.constant 0 : index
        %get3A_403 = tpu.vector_load %arg9[%get3A_401, %get3A_402] {strides = array<i32>} : memref<128x16xf32, #tpu.memory_space<vmem>>, vector<16xf32>,
        tpu.vector_store_idx %arg6[%gather3A_372, %add3A_383], %get3A_403 masked %ne3A_396 {add = true} : memref<625x128xf32, #tpu.memory_space<vmem>>[vector<16xi32>, vector<16xi32>], vector<16xf32>, vector<16xi1>
        %broadcast_in_dim3A_404 = arith.constant 7 : i32
        %broadcast_in_dim3A_405 = vector.broadcast %broadcast_in_dim3A_404 : i32 to vector<16xi32>
        %lt3A_406 = arith.constant 0 : i32
        %lt3A_407 = vector.broadcast %lt3A_406 : i32 to vector<16xi32>
        %lt3A_408 = arith.cmpi slt, %broadcast_in_dim3A_405, %lt3A_407 : vector<16xi32>
        %add3A_409 = arith.constant 16 : i32
        %add3A_410 = vector.broadcast %add3A_409 : i32 to vector<16xi32>
        %add3A_411 = arith.addi %broadcast_in_dim3A_405, %add3A_410 : vector<16xi32>
        %select_n3A_412 = arith.select %lt3A_408, %add3A_411, %broadcast_in_dim3A_405 : vector<16xi1>, vector<16xi32>
        %broadcast_in_dim3A_413 = vector.shape_cast %select_n3A_412 : vector<16xi32> to vector<16x1xi32>
        %gather3A_414 = vector.shape_cast %broadcast_in_dim3A_413 : vector<16x1xi32> to vector<16xi32>
        %gather3A_415 = tpu.dynamic_gather %shift_right_arithmetic3A_95[%gather3A_414] in [0] : vector<16xi32>, vector<16xi32> -> vector<16xi32>
        %lt3A_416 = arith.constant 0 : i32
        %lt3A_417 = vector.broadcast %lt3A_416 : i32 to vector<16xi32>
        %lt3A_418 = arith.cmpi slt, %broadcast_in_dim3A_405, %lt3A_417 : vector<16xi32>
        %add3A_419 = arith.constant 16 : i32
        %add3A_420 = vector.broadcast %add3A_419 : i32 to vector<16xi32>
        %add3A_421 = arith.addi %broadcast_in_dim3A_405, %add3A_420 : vector<16xi32>
        %select_n3A_422 = arith.select %lt3A_418, %add3A_421, %broadcast_in_dim3A_405 : vector<16xi1>, vector<16xi32>
        %broadcast_in_dim3A_423 = vector.shape_cast %select_n3A_422 : vector<16xi32> to vector<16x1xi32>
        %gather3A_424 = vector.shape_cast %broadcast_in_dim3A_423 : vector<16x1xi32> to vector<16xi32>
        %gather3A_425 = tpu.dynamic_gather %shift_left3A_99[%gather3A_424] in [0] : vector<16xi32>, vector<16xi32> -> vector<16xi32>
        %add3A_426 = arith.addi %gather3A_425, %iota3A : vector<16xi32>
        %lt3A_427 = arith.constant 0 : i32
        %lt3A_428 = vector.broadcast %lt3A_427 : i32 to vector<16xi32>
        %lt3A_429 = arith.cmpi slt, %broadcast_in_dim3A_405, %lt3A_428 : vector<16xi32>
        %add3A_430 = arith.constant 16 : i32
        %add3A_431 = vector.broadcast %add3A_430 : i32 to vector<16xi32>
        %add3A_432 = arith.addi %broadcast_in_dim3A_405, %add3A_431 : vector<16xi32>
        %select_n3A_433 = arith.select %lt3A_429, %add3A_432, %broadcast_in_dim3A_405 : vector<16xi1>, vector<16xi32>
        %broadcast_in_dim3A_434 = vector.shape_cast %select_n3A_433 : vector<16xi32> to vector<16x1xi32>
        %gather3A_435 = vector.shape_cast %broadcast_in_dim3A_434 : vector<16x1xi32> to vector<16xi32>
        %gather3A_436 = tpu.dynamic_gather %convert_element_type3A_106[%gather3A_435] in [0] : vector<16xi32>, vector<16xi32> -> vector<16xi32>
        %ne3A_437 = arith.constant 0 : i32
        %ne3A_438 = vector.broadcast %ne3A_437 : i32 to vector<16xi32>
        %ne3A_439 = arith.cmpi ne, %gather3A_436, %ne3A_438 : vector<16xi32>
        %mul3A_440 = arith.constant 16 : i32
        %mul3A_441 = arith.muli %add3A_88, %mul3A_440 : i32
        %add3A_442 = arith.constant 7 : i32
        %add3A_443 = arith.addi %mul3A_441, %add3A_442 : i32
        %get3A_444 = arith.index_cast %add3A_443 : i32 to index
        %get3A_445 = arith.constant 0 : index
        %get3A_446 = tpu.vector_load %arg9[%get3A_444, %get3A_445] {strides = array<i32>} : memref<128x16xf32, #tpu.memory_space<vmem>>, vector<16xf32>,
        tpu.vector_store_idx %arg6[%gather3A_415, %add3A_426], %get3A_446 masked %ne3A_439 {add = true} : memref<625x128xf32, #tpu.memory_space<vmem>>[vector<16xi32>, vector<16xi32>], vector<16xf32>, vector<16xi1>
        %broadcast_in_dim3A_447 = arith.constant 8 : i32
        %broadcast_in_dim3A_448 = vector.broadcast %broadcast_in_dim3A_447 : i32 to vector<16xi32>
        %lt3A_449 = arith.constant 0 : i32
        %lt3A_450 = vector.broadcast %lt3A_449 : i32 to vector<16xi32>
        %lt3A_451 = arith.cmpi slt, %broadcast_in_dim3A_448, %lt3A_450 : vector<16xi32>
        %add3A_452 = arith.constant 16 : i32
        %add3A_453 = vector.broadcast %add3A_452 : i32 to vector<16xi32>
        %add3A_454 = arith.addi %broadcast_in_dim3A_448, %add3A_453 : vector<16xi32>
        %select_n3A_455 = arith.select %lt3A_451, %add3A_454, %broadcast_in_dim3A_448 : vector<16xi1>, vector<16xi32>
        %broadcast_in_dim3A_456 = vector.shape_cast %select_n3A_455 : vector<16xi32> to vector<16x1xi32>
        %gather3A_457 = vector.shape_cast %broadcast_in_dim3A_456 : vector<16x1xi32> to vector<16xi32>
        %gather3A_458 = tpu.dynamic_gather %shift_right_arithmetic3A_95[%gather3A_457] in [0] : vector<16xi32>, vector<16xi32> -> vector<16xi32>
        %lt3A_459 = arith.constant 0 : i32
        %lt3A_460 = vector.broadcast %lt3A_459 : i32 to vector<16xi32>
        %lt3A_461 = arith.cmpi slt, %broadcast_in_dim3A_448, %lt3A_460 : vector<16xi32>
        %add3A_462 = arith.constant 16 : i32
        %add3A_463 = vector.broadcast %add3A_462 : i32 to vector<16xi32>
        %add3A_464 = arith.addi %broadcast_in_dim3A_448, %add3A_463 : vector<16xi32>
        %select_n3A_465 = arith.select %lt3A_461, %add3A_464, %broadcast_in_dim3A_448 : vector<16xi1>, vector<16xi32>
        %broadcast_in_dim3A_466 = vector.shape_cast %select_n3A_465 : vector<16xi32> to vector<16x1xi32>
        %gather3A_467 = vector.shape_cast %broadcast_in_dim3A_466 : vector<16x1xi32> to vector<16xi32>
        %gather3A_468 = tpu.dynamic_gather %shift_left3A_99[%gather3A_467] in [0] : vector<16xi32>, vector<16xi32> -> vector<16xi32>
        %add3A_469 = arith.addi %gather3A_468, %iota3A : vector<16xi32>
        %lt3A_470 = arith.constant 0 : i32
        %lt3A_471 = vector.broadcast %lt3A_470 : i32 to vector<16xi32>
        %lt3A_472 = arith.cmpi slt, %broadcast_in_dim3A_448, %lt3A_471 : vector<16xi32>
        %add3A_473 = arith.constant 16 : i32
        %add3A_474 = vector.broadcast %add3A_473 : i32 to vector<16xi32>
        %add3A_475 = arith.addi %broadcast_in_dim3A_448, %add3A_474 : vector<16xi32>
        %select_n3A_476 = arith.select %lt3A_472, %add3A_475, %broadcast_in_dim3A_448 : vector<16xi1>, vector<16xi32>
        %broadcast_in_dim3A_477 = vector.shape_cast %select_n3A_476 : vector<16xi32> to vector<16x1xi32>
        %gather3A_478 = vector.shape_cast %broadcast_in_dim3A_477 : vector<16x1xi32> to vector<16xi32>
        %gather3A_479 = tpu.dynamic_gather %convert_element_type3A_106[%gather3A_478] in [0] : vector<16xi32>, vector<16xi32> -> vector<16xi32>
        %ne3A_480 = arith.constant 0 : i32
        %ne3A_481 = vector.broadcast %ne3A_480 : i32 to vector<16xi32>
        %ne3A_482 = arith.cmpi ne, %gather3A_479, %ne3A_481 : vector<16xi32>
        %mul3A_483 = arith.constant 16 : i32
        %mul3A_484 = arith.muli %add3A_88, %mul3A_483 : i32
        %add3A_485 = arith.constant 8 : i32
        %add3A_486 = arith.addi %mul3A_484, %add3A_485 : i32
        %get3A_487 = arith.index_cast %add3A_486 : i32 to index
        %get3A_488 = arith.constant 0 : index
        %get3A_489 = tpu.vector_load %arg9[%get3A_487, %get3A_488] {strides = array<i32>} : memref<128x16xf32, #tpu.memory_space<vmem>>, vector<16xf32>,
        tpu.vector_store_idx %arg6[%gather3A_458, %add3A_469], %get3A_489 masked %ne3A_482 {add = true} : memref<625x128xf32, #tpu.memory_space<vmem>>[vector<16xi32>, vector<16xi32>], vector<16xf32>, vector<16xi1>
        %broadcast_in_dim3A_490 = arith.constant 9 : i32
        %broadcast_in_dim3A_491 = vector.broadcast %broadcast_in_dim3A_490 : i32 to vector<16xi32>
        %lt3A_492 = arith.constant 0 : i32
        %lt3A_493 = vector.broadcast %lt3A_492 : i32 to vector<16xi32>
        %lt3A_494 = arith.cmpi slt, %broadcast_in_dim3A_491, %lt3A_493 : vector<16xi32>
        %add3A_495 = arith.constant 16 : i32
        %add3A_496 = vector.broadcast %add3A_495 : i32 to vector<16xi32>
        %add3A_497 = arith.addi %broadcast_in_dim3A_491, %add3A_496 : vector<16xi32>
        %select_n3A_498 = arith.select %lt3A_494, %add3A_497, %broadcast_in_dim3A_491 : vector<16xi1>, vector<16xi32>
        %broadcast_in_dim3A_499 = vector.shape_cast %select_n3A_498 : vector<16xi32> to vector<16x1xi32>
        %gather3A_500 = vector.shape_cast %broadcast_in_dim3A_499 : vector<16x1xi32> to vector<16xi32>
        %gather3A_501 = tpu.dynamic_gather %shift_right_arithmetic3A_95[%gather3A_500] in [0] : vector<16xi32>, vector<16xi32> -> vector<16xi32>
        %lt3A_502 = arith.constant 0 : i32
        %lt3A_503 = vector.broadcast %lt3A_502 : i32 to vector<16xi32>
        %lt3A_504 = arith.cmpi slt, %broadcast_in_dim3A_491, %lt3A_503 : vector<16xi32>
        %add3A_505 = arith.constant 16 : i32
        %add3A_506 = vector.broadcast %add3A_505 : i32 to vector<16xi32>
        %add3A_507 = arith.addi %broadcast_in_dim3A_491, %add3A_506 : vector<16xi32>
        %select_n3A_508 = arith.select %lt3A_504, %add3A_507, %broadcast_in_dim3A_491 : vector<16xi1>, vector<16xi32>
        %broadcast_in_dim3A_509 = vector.shape_cast %select_n3A_508 : vector<16xi32> to vector<16x1xi32>
        %gather3A_510 = vector.shape_cast %broadcast_in_dim3A_509 : vector<16x1xi32> to vector<16xi32>
        %gather3A_511 = tpu.dynamic_gather %shift_left3A_99[%gather3A_510] in [0] : vector<16xi32>, vector<16xi32> -> vector<16xi32>
        %add3A_512 = arith.addi %gather3A_511, %iota3A : vector<16xi32>
        %lt3A_513 = arith.constant 0 : i32
        %lt3A_514 = vector.broadcast %lt3A_513 : i32 to vector<16xi32>
        %lt3A_515 = arith.cmpi slt, %broadcast_in_dim3A_491, %lt3A_514 : vector<16xi32>
        %add3A_516 = arith.constant 16 : i32
        %add3A_517 = vector.broadcast %add3A_516 : i32 to vector<16xi32>
        %add3A_518 = arith.addi %broadcast_in_dim3A_491, %add3A_517 : vector<16xi32>
        %select_n3A_519 = arith.select %lt3A_515, %add3A_518, %broadcast_in_dim3A_491 : vector<16xi1>, vector<16xi32>
        %broadcast_in_dim3A_520 = vector.shape_cast %select_n3A_519 : vector<16xi32> to vector<16x1xi32>
        %gather3A_521 = vector.shape_cast %broadcast_in_dim3A_520 : vector<16x1xi32> to vector<16xi32>
        %gather3A_522 = tpu.dynamic_gather %convert_element_type3A_106[%gather3A_521] in [0] : vector<16xi32>, vector<16xi32> -> vector<16xi32>
        %ne3A_523 = arith.constant 0 : i32
        %ne3A_524 = vector.broadcast %ne3A_523 : i32 to vector<16xi32>
        %ne3A_525 = arith.cmpi ne, %gather3A_522, %ne3A_524 : vector<16xi32>
        %mul3A_526 = arith.constant 16 : i32
        %mul3A_527 = arith.muli %add3A_88, %mul3A_526 : i32
        %add3A_528 = arith.constant 9 : i32
        %add3A_529 = arith.addi %mul3A_527, %add3A_528 : i32
        %get3A_530 = arith.index_cast %add3A_529 : i32 to index
        %get3A_531 = arith.constant 0 : index
        %get3A_532 = tpu.vector_load %arg9[%get3A_530, %get3A_531] {strides = array<i32>} : memref<128x16xf32, #tpu.memory_space<vmem>>, vector<16xf32>,
        tpu.vector_store_idx %arg6[%gather3A_501, %add3A_512], %get3A_532 masked %ne3A_525 {add = true} : memref<625x128xf32, #tpu.memory_space<vmem>>[vector<16xi32>, vector<16xi32>], vector<16xf32>, vector<16xi1>
        %broadcast_in_dim3A_533 = arith.constant 10 : i32
        %broadcast_in_dim3A_534 = vector.broadcast %broadcast_in_dim3A_533 : i32 to vector<16xi32>
        %lt3A_535 = arith.constant 0 : i32
        %lt3A_536 = vector.broadcast %lt3A_535 : i32 to vector<16xi32>
        %lt3A_537 = arith.cmpi slt, %broadcast_in_dim3A_534, %lt3A_536 : vector<16xi32>
        %add3A_538 = arith.constant 16 : i32
        %add3A_539 = vector.broadcast %add3A_538 : i32 to vector<16xi32>
        %add3A_540 = arith.addi %broadcast_in_dim3A_534, %add3A_539 : vector<16xi32>
        %select_n3A_541 = arith.select %lt3A_537, %add3A_540, %broadcast_in_dim3A_534 : vector<16xi1>, vector<16xi32>
        %broadcast_in_dim3A_542 = vector.shape_cast %select_n3A_541 : vector<16xi32> to vector<16x1xi32>
        %gather3A_543 = vector.shape_cast %broadcast_in_dim3A_542 : vector<16x1xi32> to vector<16xi32>
        %gather3A_544 = tpu.dynamic_gather %shift_right_arithmetic3A_95[%gather3A_543] in [0] : vector<16xi32>, vector<16xi32> -> vector<16xi32>
        %lt3A_545 = arith.constant 0 : i32
        %lt3A_546 = vector.broadcast %lt3A_545 : i32 to vector<16xi32>
        %lt3A_547 = arith.cmpi slt, %broadcast_in_dim3A_534, %lt3A_546 : vector<16xi32>
        %add3A_548 = arith.constant 16 : i32
        %add3A_549 = vector.broadcast %add3A_548 : i32 to vector<16xi32>
        %add3A_550 = arith.addi %broadcast_in_dim3A_534, %add3A_549 : vector<16xi32>
        %select_n3A_551 = arith.select %lt3A_547, %add3A_550, %broadcast_in_dim3A_534 : vector<16xi1>, vector<16xi32>
        %broadcast_in_dim3A_552 = vector.shape_cast %select_n3A_551 : vector<16xi32> to vector<16x1xi32>
        %gather3A_553 = vector.shape_cast %broadcast_in_dim3A_552 : vector<16x1xi32> to vector<16xi32>
        %gather3A_554 = tpu.dynamic_gather %shift_left3A_99[%gather3A_553] in [0] : vector<16xi32>, vector<16xi32> -> vector<16xi32>
        %add3A_555 = arith.addi %gather3A_554, %iota3A : vector<16xi32>
        %lt3A_556 = arith.constant 0 : i32
        %lt3A_557 = vector.broadcast %lt3A_556 : i32 to vector<16xi32>
        %lt3A_558 = arith.cmpi slt, %broadcast_in_dim3A_534, %lt3A_557 : vector<16xi32>
        %add3A_559 = arith.constant 16 : i32
        %add3A_560 = vector.broadcast %add3A_559 : i32 to vector<16xi32>
        %add3A_561 = arith.addi %broadcast_in_dim3A_534, %add3A_560 : vector<16xi32>
        %select_n3A_562 = arith.select %lt3A_558, %add3A_561, %broadcast_in_dim3A_534 : vector<16xi1>, vector<16xi32>
        %broadcast_in_dim3A_563 = vector.shape_cast %select_n3A_562 : vector<16xi32> to vector<16x1xi32>
        %gather3A_564 = vector.shape_cast %broadcast_in_dim3A_563 : vector<16x1xi32> to vector<16xi32>
        %gather3A_565 = tpu.dynamic_gather %convert_element_type3A_106[%gather3A_564] in [0] : vector<16xi32>, vector<16xi32> -> vector<16xi32>
        %ne3A_566 = arith.constant 0 : i32
        %ne3A_567 = vector.broadcast %ne3A_566 : i32 to vector<16xi32>
        %ne3A_568 = arith.cmpi ne, %gather3A_565, %ne3A_567 : vector<16xi32>
        %mul3A_569 = arith.constant 16 : i32
        %mul3A_570 = arith.muli %add3A_88, %mul3A_569 : i32
        %add3A_571 = arith.constant 10 : i32
        %add3A_572 = arith.addi %mul3A_570, %add3A_571 : i32
        %get3A_573 = arith.index_cast %add3A_572 : i32 to index
        %get3A_574 = arith.constant 0 : index
        %get3A_575 = tpu.vector_load %arg9[%get3A_573, %get3A_574] {strides = array<i32>} : memref<128x16xf32, #tpu.memory_space<vmem>>, vector<16xf32>,
        tpu.vector_store_idx %arg6[%gather3A_544, %add3A_555], %get3A_575 masked %ne3A_568 {add = true} : memref<625x128xf32, #tpu.memory_space<vmem>>[vector<16xi32>, vector<16xi32>], vector<16xf32>, vector<16xi1>
        %broadcast_in_dim3A_576 = arith.constant 11 : i32
        %broadcast_in_dim3A_577 = vector.broadcast %broadcast_in_dim3A_576 : i32 to vector<16xi32>
        %lt3A_578 = arith.constant 0 : i32
        %lt3A_579 = vector.broadcast %lt3A_578 : i32 to vector<16xi32>
        %lt3A_580 = arith.cmpi slt, %broadcast_in_dim3A_577, %lt3A_579 : vector<16xi32>
        %add3A_581 = arith.constant 16 : i32
        %add3A_582 = vector.broadcast %add3A_581 : i32 to vector<16xi32>
        %add3A_583 = arith.addi %broadcast_in_dim3A_577, %add3A_582 : vector<16xi32>
        %select_n3A_584 = arith.select %lt3A_580, %add3A_583, %broadcast_in_dim3A_577 : vector<16xi1>, vector<16xi32>
        %broadcast_in_dim3A_585 = vector.shape_cast %select_n3A_584 : vector<16xi32> to vector<16x1xi32>
        %gather3A_586 = vector.shape_cast %broadcast_in_dim3A_585 : vector<16x1xi32> to vector<16xi32>
        %gather3A_587 = tpu.dynamic_gather %shift_right_arithmetic3A_95[%gather3A_586] in [0] : vector<16xi32>, vector<16xi32> -> vector<16xi32>
        %lt3A_588 = arith.constant 0 : i32
        %lt3A_589 = vector.broadcast %lt3A_588 : i32 to vector<16xi32>
        %lt3A_590 = arith.cmpi slt, %broadcast_in_dim3A_577, %lt3A_589 : vector<16xi32>
        %add3A_591 = arith.constant 16 : i32
        %add3A_592 = vector.broadcast %add3A_591 : i32 to vector<16xi32>
        %add3A_593 = arith.addi %broadcast_in_dim3A_577, %add3A_592 : vector<16xi32>
        %select_n3A_594 = arith.select %lt3A_590, %add3A_593, %broadcast_in_dim3A_577 : vector<16xi1>, vector<16xi32>
        %broadcast_in_dim3A_595 = vector.shape_cast %select_n3A_594 : vector<16xi32> to vector<16x1xi32>
        %gather3A_596 = vector.shape_cast %broadcast_in_dim3A_595 : vector<16x1xi32> to vector<16xi32>
        %gather3A_597 = tpu.dynamic_gather %shift_left3A_99[%gather3A_596] in [0] : vector<16xi32>, vector<16xi32> -> vector<16xi32>
        %add3A_598 = arith.addi %gather3A_597, %iota3A : vector<16xi32>
        %lt3A_599 = arith.constant 0 : i32
        %lt3A_600 = vector.broadcast %lt3A_599 : i32 to vector<16xi32>
        %lt3A_601 = arith.cmpi slt, %broadcast_in_dim3A_577, %lt3A_600 : vector<16xi32>
        %add3A_602 = arith.constant 16 : i32
        %add3A_603 = vector.broadcast %add3A_602 : i32 to vector<16xi32>
        %add3A_604 = arith.addi %broadcast_in_dim3A_577, %add3A_603 : vector<16xi32>
        %select_n3A_605 = arith.select %lt3A_601, %add3A_604, %broadcast_in_dim3A_577 : vector<16xi1>, vector<16xi32>
        %broadcast_in_dim3A_606 = vector.shape_cast %select_n3A_605 : vector<16xi32> to vector<16x1xi32>
        %gather3A_607 = vector.shape_cast %broadcast_in_dim3A_606 : vector<16x1xi32> to vector<16xi32>
        %gather3A_608 = tpu.dynamic_gather %convert_element_type3A_106[%gather3A_607] in [0] : vector<16xi32>, vector<16xi32> -> vector<16xi32>
        %ne3A_609 = arith.constant 0 : i32
        %ne3A_610 = vector.broadcast %ne3A_609 : i32 to vector<16xi32>
        %ne3A_611 = arith.cmpi ne, %gather3A_608, %ne3A_610 : vector<16xi32>
        %mul3A_612 = arith.constant 16 : i32
        %mul3A_613 = arith.muli %add3A_88, %mul3A_612 : i32
        %add3A_614 = arith.constant 11 : i32
        %add3A_615 = arith.addi %mul3A_613, %add3A_614 : i32
        %get3A_616 = arith.index_cast %add3A_615 : i32 to index
        %get3A_617 = arith.constant 0 : index
        %get3A_618 = tpu.vector_load %arg9[%get3A_616, %get3A_617] {strides = array<i32>} : memref<128x16xf32, #tpu.memory_space<vmem>>, vector<16xf32>,
        tpu.vector_store_idx %arg6[%gather3A_587, %add3A_598], %get3A_618 masked %ne3A_611 {add = true} : memref<625x128xf32, #tpu.memory_space<vmem>>[vector<16xi32>, vector<16xi32>], vector<16xf32>, vector<16xi1>
        %broadcast_in_dim3A_619 = arith.constant 12 : i32
        %broadcast_in_dim3A_620 = vector.broadcast %broadcast_in_dim3A_619 : i32 to vector<16xi32>
        %lt3A_621 = arith.constant 0 : i32
        %lt3A_622 = vector.broadcast %lt3A_621 : i32 to vector<16xi32>
        %lt3A_623 = arith.cmpi slt, %broadcast_in_dim3A_620, %lt3A_622 : vector<16xi32>
        %add3A_624 = arith.constant 16 : i32
        %add3A_625 = vector.broadcast %add3A_624 : i32 to vector<16xi32>
        %add3A_626 = arith.addi %broadcast_in_dim3A_620, %add3A_625 : vector<16xi32>
        %select_n3A_627 = arith.select %lt3A_623, %add3A_626, %broadcast_in_dim3A_620 : vector<16xi1>, vector<16xi32>
        %broadcast_in_dim3A_628 = vector.shape_cast %select_n3A_627 : vector<16xi32> to vector<16x1xi32>
        %gather3A_629 = vector.shape_cast %broadcast_in_dim3A_628 : vector<16x1xi32> to vector<16xi32>
        %gather3A_630 = tpu.dynamic_gather %shift_right_arithmetic3A_95[%gather3A_629] in [0] : vector<16xi32>, vector<16xi32> -> vector<16xi32>
        %lt3A_631 = arith.constant 0 : i32
        %lt3A_632 = vector.broadcast %lt3A_631 : i32 to vector<16xi32>
        %lt3A_633 = arith.cmpi slt, %broadcast_in_dim3A_620, %lt3A_632 : vector<16xi32>
        %add3A_634 = arith.constant 16 : i32
        %add3A_635 = vector.broadcast %add3A_634 : i32 to vector<16xi32>
        %add3A_636 = arith.addi %broadcast_in_dim3A_620, %add3A_635 : vector<16xi32>
        %select_n3A_637 = arith.select %lt3A_633, %add3A_636, %broadcast_in_dim3A_620 : vector<16xi1>, vector<16xi32>
        %broadcast_in_dim3A_638 = vector.shape_cast %select_n3A_637 : vector<16xi32> to vector<16x1xi32>
        %gather3A_639 = vector.shape_cast %broadcast_in_dim3A_638 : vector<16x1xi32> to vector<16xi32>
        %gather3A_640 = tpu.dynamic_gather %shift_left3A_99[%gather3A_639] in [0] : vector<16xi32>, vector<16xi32> -> vector<16xi32>
        %add3A_641 = arith.addi %gather3A_640, %iota3A : vector<16xi32>
        %lt3A_642 = arith.constant 0 : i32
        %lt3A_643 = vector.broadcast %lt3A_642 : i32 to vector<16xi32>
        %lt3A_644 = arith.cmpi slt, %broadcast_in_dim3A_620, %lt3A_643 : vector<16xi32>
        %add3A_645 = arith.constant 16 : i32
        %add3A_646 = vector.broadcast %add3A_645 : i32 to vector<16xi32>
        %add3A_647 = arith.addi %broadcast_in_dim3A_620, %add3A_646 : vector<16xi32>
        %select_n3A_648 = arith.select %lt3A_644, %add3A_647, %broadcast_in_dim3A_620 : vector<16xi1>, vector<16xi32>
        %broadcast_in_dim3A_649 = vector.shape_cast %select_n3A_648 : vector<16xi32> to vector<16x1xi32>
        %gather3A_650 = vector.shape_cast %broadcast_in_dim3A_649 : vector<16x1xi32> to vector<16xi32>
        %gather3A_651 = tpu.dynamic_gather %convert_element_type3A_106[%gather3A_650] in [0] : vector<16xi32>, vector<16xi32> -> vector<16xi32>
        %ne3A_652 = arith.constant 0 : i32
        %ne3A_653 = vector.broadcast %ne3A_652 : i32 to vector<16xi32>
        %ne3A_654 = arith.cmpi ne, %gather3A_651, %ne3A_653 : vector<16xi32>
        %mul3A_655 = arith.constant 16 : i32
        %mul3A_656 = arith.muli %add3A_88, %mul3A_655 : i32
        %add3A_657 = arith.constant 12 : i32
        %add3A_658 = arith.addi %mul3A_656, %add3A_657 : i32
        %get3A_659 = arith.index_cast %add3A_658 : i32 to index
        %get3A_660 = arith.constant 0 : index
        %get3A_661 = tpu.vector_load %arg9[%get3A_659, %get3A_660] {strides = array<i32>} : memref<128x16xf32, #tpu.memory_space<vmem>>, vector<16xf32>,
        tpu.vector_store_idx %arg6[%gather3A_630, %add3A_641], %get3A_661 masked %ne3A_654 {add = true} : memref<625x128xf32, #tpu.memory_space<vmem>>[vector<16xi32>, vector<16xi32>], vector<16xf32>, vector<16xi1>
        %broadcast_in_dim3A_662 = arith.constant 13 : i32
        %broadcast_in_dim3A_663 = vector.broadcast %broadcast_in_dim3A_662 : i32 to vector<16xi32>
        %lt3A_664 = arith.constant 0 : i32
        %lt3A_665 = vector.broadcast %lt3A_664 : i32 to vector<16xi32>
        %lt3A_666 = arith.cmpi slt, %broadcast_in_dim3A_663, %lt3A_665 : vector<16xi32>
        %add3A_667 = arith.constant 16 : i32
        %add3A_668 = vector.broadcast %add3A_667 : i32 to vector<16xi32>
        %add3A_669 = arith.addi %broadcast_in_dim3A_663, %add3A_668 : vector<16xi32>
        %select_n3A_670 = arith.select %lt3A_666, %add3A_669, %broadcast_in_dim3A_663 : vector<16xi1>, vector<16xi32>
        %broadcast_in_dim3A_671 = vector.shape_cast %select_n3A_670 : vector<16xi32> to vector<16x1xi32>
        %gather3A_672 = vector.shape_cast %broadcast_in_dim3A_671 : vector<16x1xi32> to vector<16xi32>
        %gather3A_673 = tpu.dynamic_gather %shift_right_arithmetic3A_95[%gather3A_672] in [0] : vector<16xi32>, vector<16xi32> -> vector<16xi32>
        %lt3A_674 = arith.constant 0 : i32
        %lt3A_675 = vector.broadcast %lt3A_674 : i32 to vector<16xi32>
        %lt3A_676 = arith.cmpi slt, %broadcast_in_dim3A_663, %lt3A_675 : vector<16xi32>
        %add3A_677 = arith.constant 16 : i32
        %add3A_678 = vector.broadcast %add3A_677 : i32 to vector<16xi32>
        %add3A_679 = arith.addi %broadcast_in_dim3A_663, %add3A_678 : vector<16xi32>
        %select_n3A_680 = arith.select %lt3A_676, %add3A_679, %broadcast_in_dim3A_663 : vector<16xi1>, vector<16xi32>
        %broadcast_in_dim3A_681 = vector.shape_cast %select_n3A_680 : vector<16xi32> to vector<16x1xi32>
        %gather3A_682 = vector.shape_cast %broadcast_in_dim3A_681 : vector<16x1xi32> to vector<16xi32>
        %gather3A_683 = tpu.dynamic_gather %shift_left3A_99[%gather3A_682] in [0] : vector<16xi32>, vector<16xi32> -> vector<16xi32>
        %add3A_684 = arith.addi %gather3A_683, %iota3A : vector<16xi32>
        %lt3A_685 = arith.constant 0 : i32
        %lt3A_686 = vector.broadcast %lt3A_685 : i32 to vector<16xi32>
        %lt3A_687 = arith.cmpi slt, %broadcast_in_dim3A_663, %lt3A_686 : vector<16xi32>
        %add3A_688 = arith.constant 16 : i32
        %add3A_689 = vector.broadcast %add3A_688 : i32 to vector<16xi32>
        %add3A_690 = arith.addi %broadcast_in_dim3A_663, %add3A_689 : vector<16xi32>
        %select_n3A_691 = arith.select %lt3A_687, %add3A_690, %broadcast_in_dim3A_663 : vector<16xi1>, vector<16xi32>
        %broadcast_in_dim3A_692 = vector.shape_cast %select_n3A_691 : vector<16xi32> to vector<16x1xi32>
        %gather3A_693 = vector.shape_cast %broadcast_in_dim3A_692 : vector<16x1xi32> to vector<16xi32>
        %gather3A_694 = tpu.dynamic_gather %convert_element_type3A_106[%gather3A_693] in [0] : vector<16xi32>, vector<16xi32> -> vector<16xi32>
        %ne3A_695 = arith.constant 0 : i32
        %ne3A_696 = vector.broadcast %ne3A_695 : i32 to vector<16xi32>
        %ne3A_697 = arith.cmpi ne, %gather3A_694, %ne3A_696 : vector<16xi32>
        %mul3A_698 = arith.constant 16 : i32
        %mul3A_699 = arith.muli %add3A_88, %mul3A_698 : i32
        %add3A_700 = arith.constant 13 : i32
        %add3A_701 = arith.addi %mul3A_699, %add3A_700 : i32
        %get3A_702 = arith.index_cast %add3A_701 : i32 to index
        %get3A_703 = arith.constant 0 : index
        %get3A_704 = tpu.vector_load %arg9[%get3A_702, %get3A_703] {strides = array<i32>} : memref<128x16xf32, #tpu.memory_space<vmem>>, vector<16xf32>,
        tpu.vector_store_idx %arg6[%gather3A_673, %add3A_684], %get3A_704 masked %ne3A_697 {add = true} : memref<625x128xf32, #tpu.memory_space<vmem>>[vector<16xi32>, vector<16xi32>], vector<16xf32>, vector<16xi1>
        %broadcast_in_dim3A_705 = arith.constant 14 : i32
        %broadcast_in_dim3A_706 = vector.broadcast %broadcast_in_dim3A_705 : i32 to vector<16xi32>
        %lt3A_707 = arith.constant 0 : i32
        %lt3A_708 = vector.broadcast %lt3A_707 : i32 to vector<16xi32>
        %lt3A_709 = arith.cmpi slt, %broadcast_in_dim3A_706, %lt3A_708 : vector<16xi32>
        %add3A_710 = arith.constant 16 : i32
        %add3A_711 = vector.broadcast %add3A_710 : i32 to vector<16xi32>
        %add3A_712 = arith.addi %broadcast_in_dim3A_706, %add3A_711 : vector<16xi32>
        %select_n3A_713 = arith.select %lt3A_709, %add3A_712, %broadcast_in_dim3A_706 : vector<16xi1>, vector<16xi32>
        %broadcast_in_dim3A_714 = vector.shape_cast %select_n3A_713 : vector<16xi32> to vector<16x1xi32>
        %gather3A_715 = vector.shape_cast %broadcast_in_dim3A_714 : vector<16x1xi32> to vector<16xi32>
        %gather3A_716 = tpu.dynamic_gather %shift_right_arithmetic3A_95[%gather3A_715] in [0] : vector<16xi32>, vector<16xi32> -> vector<16xi32>
        %lt3A_717 = arith.constant 0 : i32
        %lt3A_718 = vector.broadcast %lt3A_717 : i32 to vector<16xi32>
        %lt3A_719 = arith.cmpi slt, %broadcast_in_dim3A_706, %lt3A_718 : vector<16xi32>
        %add3A_720 = arith.constant 16 : i32
        %add3A_721 = vector.broadcast %add3A_720 : i32 to vector<16xi32>
        %add3A_722 = arith.addi %broadcast_in_dim3A_706, %add3A_721 : vector<16xi32>
        %select_n3A_723 = arith.select %lt3A_719, %add3A_722, %broadcast_in_dim3A_706 : vector<16xi1>, vector<16xi32>
        %broadcast_in_dim3A_724 = vector.shape_cast %select_n3A_723 : vector<16xi32> to vector<16x1xi32>
        %gather3A_725 = vector.shape_cast %broadcast_in_dim3A_724 : vector<16x1xi32> to vector<16xi32>
        %gather3A_726 = tpu.dynamic_gather %shift_left3A_99[%gather3A_725] in [0] : vector<16xi32>, vector<16xi32> -> vector<16xi32>
        %add3A_727 = arith.addi %gather3A_726, %iota3A : vector<16xi32>
        %lt3A_728 = arith.constant 0 : i32
        %lt3A_729 = vector.broadcast %lt3A_728 : i32 to vector<16xi32>
        %lt3A_730 = arith.cmpi slt, %broadcast_in_dim3A_706, %lt3A_729 : vector<16xi32>
        %add3A_731 = arith.constant 16 : i32
        %add3A_732 = vector.broadcast %add3A_731 : i32 to vector<16xi32>
        %add3A_733 = arith.addi %broadcast_in_dim3A_706, %add3A_732 : vector<16xi32>
        %select_n3A_734 = arith.select %lt3A_730, %add3A_733, %broadcast_in_dim3A_706 : vector<16xi1>, vector<16xi32>
        %broadcast_in_dim3A_735 = vector.shape_cast %select_n3A_734 : vector<16xi32> to vector<16x1xi32>
        %gather3A_736 = vector.shape_cast %broadcast_in_dim3A_735 : vector<16x1xi32> to vector<16xi32>
        %gather3A_737 = tpu.dynamic_gather %convert_element_type3A_106[%gather3A_736] in [0] : vector<16xi32>, vector<16xi32> -> vector<16xi32>
        %ne3A_738 = arith.constant 0 : i32
        %ne3A_739 = vector.broadcast %ne3A_738 : i32 to vector<16xi32>
        %ne3A_740 = arith.cmpi ne, %gather3A_737, %ne3A_739 : vector<16xi32>
        %mul3A_741 = arith.constant 16 : i32
        %mul3A_742 = arith.muli %add3A_88, %mul3A_741 : i32
        %add3A_743 = arith.constant 14 : i32
        %add3A_744 = arith.addi %mul3A_742, %add3A_743 : i32
        %get3A_745 = arith.index_cast %add3A_744 : i32 to index
        %get3A_746 = arith.constant 0 : index
        %get3A_747 = tpu.vector_load %arg9[%get3A_745, %get3A_746] {strides = array<i32>} : memref<128x16xf32, #tpu.memory_space<vmem>>, vector<16xf32>,
        tpu.vector_store_idx %arg6[%gather3A_716, %add3A_727], %get3A_747 masked %ne3A_740 {add = true} : memref<625x128xf32, #tpu.memory_space<vmem>>[vector<16xi32>, vector<16xi32>], vector<16xf32>, vector<16xi1>
        %broadcast_in_dim3A_748 = arith.constant 15 : i32
        %broadcast_in_dim3A_749 = vector.broadcast %broadcast_in_dim3A_748 : i32 to vector<16xi32>
        %lt3A_750 = arith.constant 0 : i32
        %lt3A_751 = vector.broadcast %lt3A_750 : i32 to vector<16xi32>
        %lt3A_752 = arith.cmpi slt, %broadcast_in_dim3A_749, %lt3A_751 : vector<16xi32>
        %add3A_753 = arith.constant 16 : i32
        %add3A_754 = vector.broadcast %add3A_753 : i32 to vector<16xi32>
        %add3A_755 = arith.addi %broadcast_in_dim3A_749, %add3A_754 : vector<16xi32>
        %select_n3A_756 = arith.select %lt3A_752, %add3A_755, %broadcast_in_dim3A_749 : vector<16xi1>, vector<16xi32>
        %broadcast_in_dim3A_757 = vector.shape_cast %select_n3A_756 : vector<16xi32> to vector<16x1xi32>
        %gather3A_758 = vector.shape_cast %broadcast_in_dim3A_757 : vector<16x1xi32> to vector<16xi32>
        %gather3A_759 = tpu.dynamic_gather %shift_right_arithmetic3A_95[%gather3A_758] in [0] : vector<16xi32>, vector<16xi32> -> vector<16xi32>
        %lt3A_760 = arith.constant 0 : i32
        %lt3A_761 = vector.broadcast %lt3A_760 : i32 to vector<16xi32>
        %lt3A_762 = arith.cmpi slt, %broadcast_in_dim3A_749, %lt3A_761 : vector<16xi32>
        %add3A_763 = arith.constant 16 : i32
        %add3A_764 = vector.broadcast %add3A_763 : i32 to vector<16xi32>
        %add3A_765 = arith.addi %broadcast_in_dim3A_749, %add3A_764 : vector<16xi32>
        %select_n3A_766 = arith.select %lt3A_762, %add3A_765, %broadcast_in_dim3A_749 : vector<16xi1>, vector<16xi32>
        %broadcast_in_dim3A_767 = vector.shape_cast %select_n3A_766 : vector<16xi32> to vector<16x1xi32>
        %gather3A_768 = vector.shape_cast %broadcast_in_dim3A_767 : vector<16x1xi32> to vector<16xi32>
        %gather3A_769 = tpu.dynamic_gather %shift_left3A_99[%gather3A_768] in [0] : vector<16xi32>, vector<16xi32> -> vector<16xi32>
        %add3A_770 = arith.addi %gather3A_769, %iota3A : vector<16xi32>
        %lt3A_771 = arith.constant 0 : i32
        %lt3A_772 = vector.broadcast %lt3A_771 : i32 to vector<16xi32>
        %lt3A_773 = arith.cmpi slt, %broadcast_in_dim3A_749, %lt3A_772 : vector<16xi32>
        %add3A_774 = arith.constant 16 : i32
        %add3A_775 = vector.broadcast %add3A_774 : i32 to vector<16xi32>
        %add3A_776 = arith.addi %broadcast_in_dim3A_749, %add3A_775 : vector<16xi32>
        %select_n3A_777 = arith.select %lt3A_773, %add3A_776, %broadcast_in_dim3A_749 : vector<16xi1>, vector<16xi32>
        %broadcast_in_dim3A_778 = vector.shape_cast %select_n3A_777 : vector<16xi32> to vector<16x1xi32>
        %gather3A_779 = vector.shape_cast %broadcast_in_dim3A_778 : vector<16x1xi32> to vector<16xi32>
        %gather3A_780 = tpu.dynamic_gather %convert_element_type3A_106[%gather3A_779] in [0] : vector<16xi32>, vector<16xi32> -> vector<16xi32>
        %ne3A_781 = arith.constant 0 : i32
        %ne3A_782 = vector.broadcast %ne3A_781 : i32 to vector<16xi32>
        %ne3A_783 = arith.cmpi ne, %gather3A_780, %ne3A_782 : vector<16xi32>
        %mul3A_784 = arith.constant 16 : i32
        %mul3A_785 = arith.muli %add3A_88, %mul3A_784 : i32
        %add3A_786 = arith.constant 15 : i32
        %add3A_787 = arith.addi %mul3A_785, %add3A_786 : i32
        %get3A_788 = arith.index_cast %add3A_787 : i32 to index
        %get3A_789 = arith.constant 0 : index
        %get3A_790 = tpu.vector_load %arg9[%get3A_788, %get3A_789] {strides = array<i32>} : memref<128x16xf32, #tpu.memory_space<vmem>>, vector<16xf32>,
        tpu.vector_store_idx %arg6[%gather3A_759, %add3A_770], %get3A_790 masked %ne3A_783 {add = true} : memref<625x128xf32, #tpu.memory_space<vmem>>[vector<16xi32>, vector<16xi32>], vector<16xf32>, vector<16xi1>
      }
      %scan3A_59 = arith.constant 8 : i32
      %add3A_60 = arith.constant 2 : i32
      %add3A_61 = arith.addi %add3A_46, %add3A_60 : i32
      %lt3A = arith.constant 40 : i32
      %lt3A_62 = arith.cmpi slt, %add3A_61, %lt3A : i32
      %convert_element_type3A = arith.extui %lt3A_62 : i1 to i32
      %cond3A = arith.constant 0 : i32
      %cond3A_63 = arith.cmpi ne, %convert_element_type3A, %cond3A : i32
      scf.if %cond3A_63 {
        %add3A_84 = arith.constant 256 : i32
        %add3A_85 = arith.addi %add3A_49, %add3A_84 : i32
        %dma_start3A_86 = tpu.memref_slice %arg3[%add3A_85] : memref<163840xi32, #tpu.memory_space<hbm>> -> memref<128xi32, #tpu.memory_space<hbm>>
        %dma_start3A_87 = tpu.memref_slice %arg3[%add3A_85] : memref<163840xi32, #tpu.memory_space<hbm>> -> memref<128xi32, #tpu.memory_space<hbm>>
        tpu.enqueue_dma source(%dma_start3A_87 : memref<128xi32, #tpu.memory_space<hbm>>) target(%arg7 : memref<128xi32, #tpu.memory_space<vmem>>) target_semaphore(%arg11 : memref<!tpu.dma_semaphore, #tpu.memory_space<semaphore_mem>>)
        %dma_start3A_88 = arith.constant 0 : i32
        %dma_start3A_89 = tpu.memref_slice %arg2[%add3A_85, %dma_start3A_88] : memref<163840x16xf32, #tpu.memory_space<hbm>> -> memref<128x16xf32, #tpu.memory_space<hbm>>
        %dma_start3A_90 = arith.constant 0 : i32
        %dma_start3A_91 = tpu.memref_slice %arg2[%add3A_85, %dma_start3A_90] : memref<163840x16xf32, #tpu.memory_space<hbm>> -> memref<128x16xf32, #tpu.memory_space<hbm>>
        tpu.enqueue_dma source(%dma_start3A_91 : memref<128x16xf32, #tpu.memory_space<hbm>>) target(%arg9 : memref<128x16xf32, #tpu.memory_space<vmem>>) target_semaphore(%arg11 : memref<!tpu.dma_semaphore, #tpu.memory_space<semaphore_mem>>)
      } else {
      }
      %add3A_64 = arith.constant 128 : i32
      %add3A_65 = arith.addi %add3A_49, %add3A_64 : i32
      %dma_wait3A_66 = tpu.memref_slice %arg3[%add3A_65] : memref<163840xi32, #tpu.memory_space<hbm>> -> memref<128xi32, #tpu.memory_space<hbm>>
      %dma_wait3A_67 = tpu.memref_slice %arg3[%add3A_65] : memref<163840xi32, #tpu.memory_space<hbm>> -> memref<128xi32, #tpu.memory_space<hbm>>
      tpu.wait_dma2 semaphore(%arg12 : memref<!tpu.dma_semaphore, #tpu.memory_space<semaphore_mem>>) src(%dma_wait3A_67 : memref<128xi32, #tpu.memory_space<hbm>>) dst(%arg8 : memref<128xi32, #tpu.memory_space<vmem>>)
      %dma_wait3A_68 = arith.constant 0 : i32
      %dma_wait3A_69 = tpu.memref_slice %arg2[%add3A_65, %dma_wait3A_68] : memref<163840x16xf32, #tpu.memory_space<hbm>> -> memref<128x16xf32, #tpu.memory_space<hbm>>
      %dma_wait3A_70 = arith.constant 0 : i32
      %dma_wait3A_71 = tpu.memref_slice %arg2[%add3A_65, %dma_wait3A_70] : memref<163840x16xf32, #tpu.memory_space<hbm>> -> memref<128x16xf32, #tpu.memory_space<hbm>>
      tpu.wait_dma2 semaphore(%arg12 : memref<!tpu.dma_semaphore, #tpu.memory_space<semaphore_mem>>) src(%dma_wait3A_71 : memref<128x16xf32, #tpu.memory_space<hbm>>) dst(%arg10 : memref<128x16xf32, #tpu.memory_space<vmem>>)
      %scan3A_72 = arith.constant 0 : i32
      %scan3A_73 = arith.constant 8 : i32
      %scan3A_74 = arith.addi %scan3A_72, %scan3A_73 : i32
      %scan3A_75 = arith.constant 1 : i32
      scf.for %scan3A_84 = %scan3A_72 to %scan3A_74 step %scan3A_75  : i32 {
        %mul3A_85 = arith.constant 1 : i32
        %mul3A_86 = arith.muli %scan3A_84, %mul3A_85 : i32
        %add3A_87 = arith.constant 0 : i32
        %add3A_88 = arith.addi %add3A_87, %mul3A_86 : i32
        %mul3A_89 = arith.constant 16 : i32
        %mul3A_90 = arith.muli %add3A_88, %mul3A_89 : i32
        %get3A = arith.index_cast %mul3A_90 : i32 to index
        %get3A_91 = tpu.vector_load %arg8[%get3A] {strides = array<i32>} : memref<128xi32, #tpu.memory_space<vmem>>, vector<16xi32>,
        %sub3A = arith.constant 0 : i32
        %sub3A_92 = vector.broadcast %sub3A : i32 to vector<16xi32>
        %sub3A_93 = arith.subi %get3A_91, %sub3A_92 : vector<16xi32>
        %shift_right_arithmetic3A = arith.constant 3 : i32
        %shift_right_arithmetic3A_94 = vector.broadcast %shift_right_arithmetic3A : i32 to vector<16xi32>
        %shift_right_arithmetic3A_95 = arith.shrsi %sub3A_93, %shift_right_arithmetic3A_94 : vector<16xi32>
        %and3A = arith.constant 7 : i32
        %and3A_96 = vector.broadcast %and3A : i32 to vector<16xi32>
        %and3A_97 = arith.andi %sub3A_93, %and3A_96 : vector<16xi32>
        %shift_left3A = arith.constant 4 : i32
        %shift_left3A_98 = vector.broadcast %shift_left3A : i32 to vector<16xi32>
        %shift_left3A_99 = arith.shli %and3A_97, %shift_left3A_98 : vector<16xi32>
        %ge3A = arith.constant 0 : i32
        %ge3A_100 = vector.broadcast %ge3A : i32 to vector<16xi32>
        %ge3A_101 = arith.cmpi sge, %sub3A_93, %ge3A_100 : vector<16xi32>
        %lt3A_102 = arith.constant 5000 : i32
        %lt3A_103 = vector.broadcast %lt3A_102 : i32 to vector<16xi32>
        %lt3A_104 = arith.cmpi slt, %sub3A_93, %lt3A_103 : vector<16xi32>
        %and3A_105 = arith.andi %ge3A_101, %lt3A_104 : vector<16xi1>
        %convert_element_type3A_106 = arith.extui %and3A_105 : vector<16xi1> to vector<16xi32>
        %broadcast_in_dim3A = arith.constant 0 : i32
        %broadcast_in_dim3A_107 = vector.broadcast %broadcast_in_dim3A : i32 to vector<16xi32>
        %lt3A_108 = arith.constant 0 : i32
        %lt3A_109 = vector.broadcast %lt3A_108 : i32 to vector<16xi32>
        %lt3A_110 = arith.cmpi slt, %broadcast_in_dim3A_107, %lt3A_109 : vector<16xi32>
        %add3A_111 = arith.constant 16 : i32
        %add3A_112 = vector.broadcast %add3A_111 : i32 to vector<16xi32>
        %add3A_113 = arith.addi %broadcast_in_dim3A_107, %add3A_112 : vector<16xi32>
        %select_n3A = arith.select %lt3A_110, %add3A_113, %broadcast_in_dim3A_107 : vector<16xi1>, vector<16xi32>
        %broadcast_in_dim3A_114 = vector.shape_cast %select_n3A : vector<16xi32> to vector<16x1xi32>
        %gather3A = vector.shape_cast %broadcast_in_dim3A_114 : vector<16x1xi32> to vector<16xi32>
        %gather3A_115 = tpu.dynamic_gather %shift_right_arithmetic3A_95[%gather3A] in [0] : vector<16xi32>, vector<16xi32> -> vector<16xi32>
        %lt3A_116 = arith.constant 0 : i32
        %lt3A_117 = vector.broadcast %lt3A_116 : i32 to vector<16xi32>
        %lt3A_118 = arith.cmpi slt, %broadcast_in_dim3A_107, %lt3A_117 : vector<16xi32>
        %add3A_119 = arith.constant 16 : i32
        %add3A_120 = vector.broadcast %add3A_119 : i32 to vector<16xi32>
        %add3A_121 = arith.addi %broadcast_in_dim3A_107, %add3A_120 : vector<16xi32>
        %select_n3A_122 = arith.select %lt3A_118, %add3A_121, %broadcast_in_dim3A_107 : vector<16xi1>, vector<16xi32>
        %broadcast_in_dim3A_123 = vector.shape_cast %select_n3A_122 : vector<16xi32> to vector<16x1xi32>
        %gather3A_124 = vector.shape_cast %broadcast_in_dim3A_123 : vector<16x1xi32> to vector<16xi32>
        %gather3A_125 = tpu.dynamic_gather %shift_left3A_99[%gather3A_124] in [0] : vector<16xi32>, vector<16xi32> -> vector<16xi32>
        %add3A_126 = arith.addi %gather3A_125, %iota3A : vector<16xi32>
        %lt3A_127 = arith.constant 0 : i32
        %lt3A_128 = vector.broadcast %lt3A_127 : i32 to vector<16xi32>
        %lt3A_129 = arith.cmpi slt, %broadcast_in_dim3A_107, %lt3A_128 : vector<16xi32>
        %add3A_130 = arith.constant 16 : i32
        %add3A_131 = vector.broadcast %add3A_130 : i32 to vector<16xi32>
        %add3A_132 = arith.addi %broadcast_in_dim3A_107, %add3A_131 : vector<16xi32>
        %select_n3A_133 = arith.select %lt3A_129, %add3A_132, %broadcast_in_dim3A_107 : vector<16xi1>, vector<16xi32>
        %broadcast_in_dim3A_134 = vector.shape_cast %select_n3A_133 : vector<16xi32> to vector<16x1xi32>
        %gather3A_135 = vector.shape_cast %broadcast_in_dim3A_134 : vector<16x1xi32> to vector<16xi32>
        %gather3A_136 = tpu.dynamic_gather %convert_element_type3A_106[%gather3A_135] in [0] : vector<16xi32>, vector<16xi32> -> vector<16xi32>
        %ne3A = arith.constant 0 : i32
        %ne3A_137 = vector.broadcast %ne3A : i32 to vector<16xi32>
        %ne3A_138 = arith.cmpi ne, %gather3A_136, %ne3A_137 : vector<16xi32>
        %mul3A_139 = arith.constant 16 : i32
        %mul3A_140 = arith.muli %add3A_88, %mul3A_139 : i32
        %add3A_141 = arith.constant 0 : i32
        %add3A_142 = arith.addi %mul3A_140, %add3A_141 : i32
        %get3A_143 = arith.index_cast %add3A_142 : i32 to index
        %get3A_144 = arith.constant 0 : index
        %get3A_145 = tpu.vector_load %arg10[%get3A_143, %get3A_144] {strides = array<i32>} : memref<128x16xf32, #tpu.memory_space<vmem>>, vector<16xf32>,
        tpu.vector_store_idx %arg6[%gather3A_115, %add3A_126], %get3A_145 masked %ne3A_138 {add = true} : memref<625x128xf32, #tpu.memory_space<vmem>>[vector<16xi32>, vector<16xi32>], vector<16xf32>, vector<16xi1>
        %broadcast_in_dim3A_146 = arith.constant 1 : i32
        %broadcast_in_dim3A_147 = vector.broadcast %broadcast_in_dim3A_146 : i32 to vector<16xi32>
        %lt3A_148 = arith.constant 0 : i32
        %lt3A_149 = vector.broadcast %lt3A_148 : i32 to vector<16xi32>
        %lt3A_150 = arith.cmpi slt, %broadcast_in_dim3A_147, %lt3A_149 : vector<16xi32>
        %add3A_151 = arith.constant 16 : i32
        %add3A_152 = vector.broadcast %add3A_151 : i32 to vector<16xi32>
        %add3A_153 = arith.addi %broadcast_in_dim3A_147, %add3A_152 : vector<16xi32>
        %select_n3A_154 = arith.select %lt3A_150, %add3A_153, %broadcast_in_dim3A_147 : vector<16xi1>, vector<16xi32>
        %broadcast_in_dim3A_155 = vector.shape_cast %select_n3A_154 : vector<16xi32> to vector<16x1xi32>
        %gather3A_156 = vector.shape_cast %broadcast_in_dim3A_155 : vector<16x1xi32> to vector<16xi32>
        %gather3A_157 = tpu.dynamic_gather %shift_right_arithmetic3A_95[%gather3A_156] in [0] : vector<16xi32>, vector<16xi32> -> vector<16xi32>
        %lt3A_158 = arith.constant 0 : i32
        %lt3A_159 = vector.broadcast %lt3A_158 : i32 to vector<16xi32>
        %lt3A_160 = arith.cmpi slt, %broadcast_in_dim3A_147, %lt3A_159 : vector<16xi32>
        %add3A_161 = arith.constant 16 : i32
        %add3A_162 = vector.broadcast %add3A_161 : i32 to vector<16xi32>
        %add3A_163 = arith.addi %broadcast_in_dim3A_147, %add3A_162 : vector<16xi32>
        %select_n3A_164 = arith.select %lt3A_160, %add3A_163, %broadcast_in_dim3A_147 : vector<16xi1>, vector<16xi32>
        %broadcast_in_dim3A_165 = vector.shape_cast %select_n3A_164 : vector<16xi32> to vector<16x1xi32>
        %gather3A_166 = vector.shape_cast %broadcast_in_dim3A_165 : vector<16x1xi32> to vector<16xi32>
        %gather3A_167 = tpu.dynamic_gather %shift_left3A_99[%gather3A_166] in [0] : vector<16xi32>, vector<16xi32> -> vector<16xi32>
        %add3A_168 = arith.addi %gather3A_167, %iota3A : vector<16xi32>
        %lt3A_169 = arith.constant 0 : i32
        %lt3A_170 = vector.broadcast %lt3A_169 : i32 to vector<16xi32>
        %lt3A_171 = arith.cmpi slt, %broadcast_in_dim3A_147, %lt3A_170 : vector<16xi32>
        %add3A_172 = arith.constant 16 : i32
        %add3A_173 = vector.broadcast %add3A_172 : i32 to vector<16xi32>
        %add3A_174 = arith.addi %broadcast_in_dim3A_147, %add3A_173 : vector<16xi32>
        %select_n3A_175 = arith.select %lt3A_171, %add3A_174, %broadcast_in_dim3A_147 : vector<16xi1>, vector<16xi32>
        %broadcast_in_dim3A_176 = vector.shape_cast %select_n3A_175 : vector<16xi32> to vector<16x1xi32>
        %gather3A_177 = vector.shape_cast %broadcast_in_dim3A_176 : vector<16x1xi32> to vector<16xi32>
        %gather3A_178 = tpu.dynamic_gather %convert_element_type3A_106[%gather3A_177] in [0] : vector<16xi32>, vector<16xi32> -> vector<16xi32>
        %ne3A_179 = arith.constant 0 : i32
        %ne3A_180 = vector.broadcast %ne3A_179 : i32 to vector<16xi32>
        %ne3A_181 = arith.cmpi ne, %gather3A_178, %ne3A_180 : vector<16xi32>
        %mul3A_182 = arith.constant 16 : i32
        %mul3A_183 = arith.muli %add3A_88, %mul3A_182 : i32
        %add3A_184 = arith.constant 1 : i32
        %add3A_185 = arith.addi %mul3A_183, %add3A_184 : i32
        %get3A_186 = arith.index_cast %add3A_185 : i32 to index
        %get3A_187 = arith.constant 0 : index
        %get3A_188 = tpu.vector_load %arg10[%get3A_186, %get3A_187] {strides = array<i32>} : memref<128x16xf32, #tpu.memory_space<vmem>>, vector<16xf32>,
        tpu.vector_store_idx %arg6[%gather3A_157, %add3A_168], %get3A_188 masked %ne3A_181 {add = true} : memref<625x128xf32, #tpu.memory_space<vmem>>[vector<16xi32>, vector<16xi32>], vector<16xf32>, vector<16xi1>
        %broadcast_in_dim3A_189 = arith.constant 2 : i32
        %broadcast_in_dim3A_190 = vector.broadcast %broadcast_in_dim3A_189 : i32 to vector<16xi32>
        %lt3A_191 = arith.constant 0 : i32
        %lt3A_192 = vector.broadcast %lt3A_191 : i32 to vector<16xi32>
        %lt3A_193 = arith.cmpi slt, %broadcast_in_dim3A_190, %lt3A_192 : vector<16xi32>
        %add3A_194 = arith.constant 16 : i32
        %add3A_195 = vector.broadcast %add3A_194 : i32 to vector<16xi32>
        %add3A_196 = arith.addi %broadcast_in_dim3A_190, %add3A_195 : vector<16xi32>
        %select_n3A_197 = arith.select %lt3A_193, %add3A_196, %broadcast_in_dim3A_190 : vector<16xi1>, vector<16xi32>
        %broadcast_in_dim3A_198 = vector.shape_cast %select_n3A_197 : vector<16xi32> to vector<16x1xi32>
        %gather3A_199 = vector.shape_cast %broadcast_in_dim3A_198 : vector<16x1xi32> to vector<16xi32>
        %gather3A_200 = tpu.dynamic_gather %shift_right_arithmetic3A_95[%gather3A_199] in [0] : vector<16xi32>, vector<16xi32> -> vector<16xi32>
        %lt3A_201 = arith.constant 0 : i32
        %lt3A_202 = vector.broadcast %lt3A_201 : i32 to vector<16xi32>
        %lt3A_203 = arith.cmpi slt, %broadcast_in_dim3A_190, %lt3A_202 : vector<16xi32>
        %add3A_204 = arith.constant 16 : i32
        %add3A_205 = vector.broadcast %add3A_204 : i32 to vector<16xi32>
        %add3A_206 = arith.addi %broadcast_in_dim3A_190, %add3A_205 : vector<16xi32>
        %select_n3A_207 = arith.select %lt3A_203, %add3A_206, %broadcast_in_dim3A_190 : vector<16xi1>, vector<16xi32>
        %broadcast_in_dim3A_208 = vector.shape_cast %select_n3A_207 : vector<16xi32> to vector<16x1xi32>
        %gather3A_209 = vector.shape_cast %broadcast_in_dim3A_208 : vector<16x1xi32> to vector<16xi32>
        %gather3A_210 = tpu.dynamic_gather %shift_left3A_99[%gather3A_209] in [0] : vector<16xi32>, vector<16xi32> -> vector<16xi32>
        %add3A_211 = arith.addi %gather3A_210, %iota3A : vector<16xi32>
        %lt3A_212 = arith.constant 0 : i32
        %lt3A_213 = vector.broadcast %lt3A_212 : i32 to vector<16xi32>
        %lt3A_214 = arith.cmpi slt, %broadcast_in_dim3A_190, %lt3A_213 : vector<16xi32>
        %add3A_215 = arith.constant 16 : i32
        %add3A_216 = vector.broadcast %add3A_215 : i32 to vector<16xi32>
        %add3A_217 = arith.addi %broadcast_in_dim3A_190, %add3A_216 : vector<16xi32>
        %select_n3A_218 = arith.select %lt3A_214, %add3A_217, %broadcast_in_dim3A_190 : vector<16xi1>, vector<16xi32>
        %broadcast_in_dim3A_219 = vector.shape_cast %select_n3A_218 : vector<16xi32> to vector<16x1xi32>
        %gather3A_220 = vector.shape_cast %broadcast_in_dim3A_219 : vector<16x1xi32> to vector<16xi32>
        %gather3A_221 = tpu.dynamic_gather %convert_element_type3A_106[%gather3A_220] in [0] : vector<16xi32>, vector<16xi32> -> vector<16xi32>
        %ne3A_222 = arith.constant 0 : i32
        %ne3A_223 = vector.broadcast %ne3A_222 : i32 to vector<16xi32>
        %ne3A_224 = arith.cmpi ne, %gather3A_221, %ne3A_223 : vector<16xi32>
        %mul3A_225 = arith.constant 16 : i32
        %mul3A_226 = arith.muli %add3A_88, %mul3A_225 : i32
        %add3A_227 = arith.constant 2 : i32
        %add3A_228 = arith.addi %mul3A_226, %add3A_227 : i32
        %get3A_229 = arith.index_cast %add3A_228 : i32 to index
        %get3A_230 = arith.constant 0 : index
        %get3A_231 = tpu.vector_load %arg10[%get3A_229, %get3A_230] {strides = array<i32>} : memref<128x16xf32, #tpu.memory_space<vmem>>, vector<16xf32>,
        tpu.vector_store_idx %arg6[%gather3A_200, %add3A_211], %get3A_231 masked %ne3A_224 {add = true} : memref<625x128xf32, #tpu.memory_space<vmem>>[vector<16xi32>, vector<16xi32>], vector<16xf32>, vector<16xi1>
        %broadcast_in_dim3A_232 = arith.constant 3 : i32
        %broadcast_in_dim3A_233 = vector.broadcast %broadcast_in_dim3A_232 : i32 to vector<16xi32>
        %lt3A_234 = arith.constant 0 : i32
        %lt3A_235 = vector.broadcast %lt3A_234 : i32 to vector<16xi32>
        %lt3A_236 = arith.cmpi slt, %broadcast_in_dim3A_233, %lt3A_235 : vector<16xi32>
        %add3A_237 = arith.constant 16 : i32
        %add3A_238 = vector.broadcast %add3A_237 : i32 to vector<16xi32>
        %add3A_239 = arith.addi %broadcast_in_dim3A_233, %add3A_238 : vector<16xi32>
        %select_n3A_240 = arith.select %lt3A_236, %add3A_239, %broadcast_in_dim3A_233 : vector<16xi1>, vector<16xi32>
        %broadcast_in_dim3A_241 = vector.shape_cast %select_n3A_240 : vector<16xi32> to vector<16x1xi32>
        %gather3A_242 = vector.shape_cast %broadcast_in_dim3A_241 : vector<16x1xi32> to vector<16xi32>
        %gather3A_243 = tpu.dynamic_gather %shift_right_arithmetic3A_95[%gather3A_242] in [0] : vector<16xi32>, vector<16xi32> -> vector<16xi32>
        %lt3A_244 = arith.constant 0 : i32
        %lt3A_245 = vector.broadcast %lt3A_244 : i32 to vector<16xi32>
        %lt3A_246 = arith.cmpi slt, %broadcast_in_dim3A_233, %lt3A_245 : vector<16xi32>
        %add3A_247 = arith.constant 16 : i32
        %add3A_248 = vector.broadcast %add3A_247 : i32 to vector<16xi32>
        %add3A_249 = arith.addi %broadcast_in_dim3A_233, %add3A_248 : vector<16xi32>
        %select_n3A_250 = arith.select %lt3A_246, %add3A_249, %broadcast_in_dim3A_233 : vector<16xi1>, vector<16xi32>
        %broadcast_in_dim3A_251 = vector.shape_cast %select_n3A_250 : vector<16xi32> to vector<16x1xi32>
        %gather3A_252 = vector.shape_cast %broadcast_in_dim3A_251 : vector<16x1xi32> to vector<16xi32>
        %gather3A_253 = tpu.dynamic_gather %shift_left3A_99[%gather3A_252] in [0] : vector<16xi32>, vector<16xi32> -> vector<16xi32>
        %add3A_254 = arith.addi %gather3A_253, %iota3A : vector<16xi32>
        %lt3A_255 = arith.constant 0 : i32
        %lt3A_256 = vector.broadcast %lt3A_255 : i32 to vector<16xi32>
        %lt3A_257 = arith.cmpi slt, %broadcast_in_dim3A_233, %lt3A_256 : vector<16xi32>
        %add3A_258 = arith.constant 16 : i32
        %add3A_259 = vector.broadcast %add3A_258 : i32 to vector<16xi32>
        %add3A_260 = arith.addi %broadcast_in_dim3A_233, %add3A_259 : vector<16xi32>
        %select_n3A_261 = arith.select %lt3A_257, %add3A_260, %broadcast_in_dim3A_233 : vector<16xi1>, vector<16xi32>
        %broadcast_in_dim3A_262 = vector.shape_cast %select_n3A_261 : vector<16xi32> to vector<16x1xi32>
        %gather3A_263 = vector.shape_cast %broadcast_in_dim3A_262 : vector<16x1xi32> to vector<16xi32>
        %gather3A_264 = tpu.dynamic_gather %convert_element_type3A_106[%gather3A_263] in [0] : vector<16xi32>, vector<16xi32> -> vector<16xi32>
        %ne3A_265 = arith.constant 0 : i32
        %ne3A_266 = vector.broadcast %ne3A_265 : i32 to vector<16xi32>
        %ne3A_267 = arith.cmpi ne, %gather3A_264, %ne3A_266 : vector<16xi32>
        %mul3A_268 = arith.constant 16 : i32
        %mul3A_269 = arith.muli %add3A_88, %mul3A_268 : i32
        %add3A_270 = arith.constant 3 : i32
        %add3A_271 = arith.addi %mul3A_269, %add3A_270 : i32
        %get3A_272 = arith.index_cast %add3A_271 : i32 to index
        %get3A_273 = arith.constant 0 : index
        %get3A_274 = tpu.vector_load %arg10[%get3A_272, %get3A_273] {strides = array<i32>} : memref<128x16xf32, #tpu.memory_space<vmem>>, vector<16xf32>,
        tpu.vector_store_idx %arg6[%gather3A_243, %add3A_254], %get3A_274 masked %ne3A_267 {add = true} : memref<625x128xf32, #tpu.memory_space<vmem>>[vector<16xi32>, vector<16xi32>], vector<16xf32>, vector<16xi1>
        %broadcast_in_dim3A_275 = arith.constant 4 : i32
        %broadcast_in_dim3A_276 = vector.broadcast %broadcast_in_dim3A_275 : i32 to vector<16xi32>
        %lt3A_277 = arith.constant 0 : i32
        %lt3A_278 = vector.broadcast %lt3A_277 : i32 to vector<16xi32>
        %lt3A_279 = arith.cmpi slt, %broadcast_in_dim3A_276, %lt3A_278 : vector<16xi32>
        %add3A_280 = arith.constant 16 : i32
        %add3A_281 = vector.broadcast %add3A_280 : i32 to vector<16xi32>
        %add3A_282 = arith.addi %broadcast_in_dim3A_276, %add3A_281 : vector<16xi32>
        %select_n3A_283 = arith.select %lt3A_279, %add3A_282, %broadcast_in_dim3A_276 : vector<16xi1>, vector<16xi32>
        %broadcast_in_dim3A_284 = vector.shape_cast %select_n3A_283 : vector<16xi32> to vector<16x1xi32>
        %gather3A_285 = vector.shape_cast %broadcast_in_dim3A_284 : vector<16x1xi32> to vector<16xi32>
        %gather3A_286 = tpu.dynamic_gather %shift_right_arithmetic3A_95[%gather3A_285] in [0] : vector<16xi32>, vector<16xi32> -> vector<16xi32>
        %lt3A_287 = arith.constant 0 : i32
        %lt3A_288 = vector.broadcast %lt3A_287 : i32 to vector<16xi32>
        %lt3A_289 = arith.cmpi slt, %broadcast_in_dim3A_276, %lt3A_288 : vector<16xi32>
        %add3A_290 = arith.constant 16 : i32
        %add3A_291 = vector.broadcast %add3A_290 : i32 to vector<16xi32>
        %add3A_292 = arith.addi %broadcast_in_dim3A_276, %add3A_291 : vector<16xi32>
        %select_n3A_293 = arith.select %lt3A_289, %add3A_292, %broadcast_in_dim3A_276 : vector<16xi1>, vector<16xi32>
        %broadcast_in_dim3A_294 = vector.shape_cast %select_n3A_293 : vector<16xi32> to vector<16x1xi32>
        %gather3A_295 = vector.shape_cast %broadcast_in_dim3A_294 : vector<16x1xi32> to vector<16xi32>
        %gather3A_296 = tpu.dynamic_gather %shift_left3A_99[%gather3A_295] in [0] : vector<16xi32>, vector<16xi32> -> vector<16xi32>
        %add3A_297 = arith.addi %gather3A_296, %iota3A : vector<16xi32>
        %lt3A_298 = arith.constant 0 : i32
        %lt3A_299 = vector.broadcast %lt3A_298 : i32 to vector<16xi32>
        %lt3A_300 = arith.cmpi slt, %broadcast_in_dim3A_276, %lt3A_299 : vector<16xi32>
        %add3A_301 = arith.constant 16 : i32
        %add3A_302 = vector.broadcast %add3A_301 : i32 to vector<16xi32>
        %add3A_303 = arith.addi %broadcast_in_dim3A_276, %add3A_302 : vector<16xi32>
        %select_n3A_304 = arith.select %lt3A_300, %add3A_303, %broadcast_in_dim3A_276 : vector<16xi1>, vector<16xi32>
        %broadcast_in_dim3A_305 = vector.shape_cast %select_n3A_304 : vector<16xi32> to vector<16x1xi32>
        %gather3A_306 = vector.shape_cast %broadcast_in_dim3A_305 : vector<16x1xi32> to vector<16xi32>
        %gather3A_307 = tpu.dynamic_gather %convert_element_type3A_106[%gather3A_306] in [0] : vector<16xi32>, vector<16xi32> -> vector<16xi32>
        %ne3A_308 = arith.constant 0 : i32
        %ne3A_309 = vector.broadcast %ne3A_308 : i32 to vector<16xi32>
        %ne3A_310 = arith.cmpi ne, %gather3A_307, %ne3A_309 : vector<16xi32>
        %mul3A_311 = arith.constant 16 : i32
        %mul3A_312 = arith.muli %add3A_88, %mul3A_311 : i32
        %add3A_313 = arith.constant 4 : i32
        %add3A_314 = arith.addi %mul3A_312, %add3A_313 : i32
        %get3A_315 = arith.index_cast %add3A_314 : i32 to index
        %get3A_316 = arith.constant 0 : index
        %get3A_317 = tpu.vector_load %arg10[%get3A_315, %get3A_316] {strides = array<i32>} : memref<128x16xf32, #tpu.memory_space<vmem>>, vector<16xf32>,
        tpu.vector_store_idx %arg6[%gather3A_286, %add3A_297], %get3A_317 masked %ne3A_310 {add = true} : memref<625x128xf32, #tpu.memory_space<vmem>>[vector<16xi32>, vector<16xi32>], vector<16xf32>, vector<16xi1>
        %broadcast_in_dim3A_318 = arith.constant 5 : i32
        %broadcast_in_dim3A_319 = vector.broadcast %broadcast_in_dim3A_318 : i32 to vector<16xi32>
        %lt3A_320 = arith.constant 0 : i32
        %lt3A_321 = vector.broadcast %lt3A_320 : i32 to vector<16xi32>
        %lt3A_322 = arith.cmpi slt, %broadcast_in_dim3A_319, %lt3A_321 : vector<16xi32>
        %add3A_323 = arith.constant 16 : i32
        %add3A_324 = vector.broadcast %add3A_323 : i32 to vector<16xi32>
        %add3A_325 = arith.addi %broadcast_in_dim3A_319, %add3A_324 : vector<16xi32>
        %select_n3A_326 = arith.select %lt3A_322, %add3A_325, %broadcast_in_dim3A_319 : vector<16xi1>, vector<16xi32>
        %broadcast_in_dim3A_327 = vector.shape_cast %select_n3A_326 : vector<16xi32> to vector<16x1xi32>
        %gather3A_328 = vector.shape_cast %broadcast_in_dim3A_327 : vector<16x1xi32> to vector<16xi32>
        %gather3A_329 = tpu.dynamic_gather %shift_right_arithmetic3A_95[%gather3A_328] in [0] : vector<16xi32>, vector<16xi32> -> vector<16xi32>
        %lt3A_330 = arith.constant 0 : i32
        %lt3A_331 = vector.broadcast %lt3A_330 : i32 to vector<16xi32>
        %lt3A_332 = arith.cmpi slt, %broadcast_in_dim3A_319, %lt3A_331 : vector<16xi32>
        %add3A_333 = arith.constant 16 : i32
        %add3A_334 = vector.broadcast %add3A_333 : i32 to vector<16xi32>
        %add3A_335 = arith.addi %broadcast_in_dim3A_319, %add3A_334 : vector<16xi32>
        %select_n3A_336 = arith.select %lt3A_332, %add3A_335, %broadcast_in_dim3A_319 : vector<16xi1>, vector<16xi32>
        %broadcast_in_dim3A_337 = vector.shape_cast %select_n3A_336 : vector<16xi32> to vector<16x1xi32>
        %gather3A_338 = vector.shape_cast %broadcast_in_dim3A_337 : vector<16x1xi32> to vector<16xi32>
        %gather3A_339 = tpu.dynamic_gather %shift_left3A_99[%gather3A_338] in [0] : vector<16xi32>, vector<16xi32> -> vector<16xi32>
        %add3A_340 = arith.addi %gather3A_339, %iota3A : vector<16xi32>
        %lt3A_341 = arith.constant 0 : i32
        %lt3A_342 = vector.broadcast %lt3A_341 : i32 to vector<16xi32>
        %lt3A_343 = arith.cmpi slt, %broadcast_in_dim3A_319, %lt3A_342 : vector<16xi32>
        %add3A_344 = arith.constant 16 : i32
        %add3A_345 = vector.broadcast %add3A_344 : i32 to vector<16xi32>
        %add3A_346 = arith.addi %broadcast_in_dim3A_319, %add3A_345 : vector<16xi32>
        %select_n3A_347 = arith.select %lt3A_343, %add3A_346, %broadcast_in_dim3A_319 : vector<16xi1>, vector<16xi32>
        %broadcast_in_dim3A_348 = vector.shape_cast %select_n3A_347 : vector<16xi32> to vector<16x1xi32>
        %gather3A_349 = vector.shape_cast %broadcast_in_dim3A_348 : vector<16x1xi32> to vector<16xi32>
        %gather3A_350 = tpu.dynamic_gather %convert_element_type3A_106[%gather3A_349] in [0] : vector<16xi32>, vector<16xi32> -> vector<16xi32>
        %ne3A_351 = arith.constant 0 : i32
        %ne3A_352 = vector.broadcast %ne3A_351 : i32 to vector<16xi32>
        %ne3A_353 = arith.cmpi ne, %gather3A_350, %ne3A_352 : vector<16xi32>
        %mul3A_354 = arith.constant 16 : i32
        %mul3A_355 = arith.muli %add3A_88, %mul3A_354 : i32
        %add3A_356 = arith.constant 5 : i32
        %add3A_357 = arith.addi %mul3A_355, %add3A_356 : i32
        %get3A_358 = arith.index_cast %add3A_357 : i32 to index
        %get3A_359 = arith.constant 0 : index
        %get3A_360 = tpu.vector_load %arg10[%get3A_358, %get3A_359] {strides = array<i32>} : memref<128x16xf32, #tpu.memory_space<vmem>>, vector<16xf32>,
        tpu.vector_store_idx %arg6[%gather3A_329, %add3A_340], %get3A_360 masked %ne3A_353 {add = true} : memref<625x128xf32, #tpu.memory_space<vmem>>[vector<16xi32>, vector<16xi32>], vector<16xf32>, vector<16xi1>
        %broadcast_in_dim3A_361 = arith.constant 6 : i32
        %broadcast_in_dim3A_362 = vector.broadcast %broadcast_in_dim3A_361 : i32 to vector<16xi32>
        %lt3A_363 = arith.constant 0 : i32
        %lt3A_364 = vector.broadcast %lt3A_363 : i32 to vector<16xi32>
        %lt3A_365 = arith.cmpi slt, %broadcast_in_dim3A_362, %lt3A_364 : vector<16xi32>
        %add3A_366 = arith.constant 16 : i32
        %add3A_367 = vector.broadcast %add3A_366 : i32 to vector<16xi32>
        %add3A_368 = arith.addi %broadcast_in_dim3A_362, %add3A_367 : vector<16xi32>
        %select_n3A_369 = arith.select %lt3A_365, %add3A_368, %broadcast_in_dim3A_362 : vector<16xi1>, vector<16xi32>
        %broadcast_in_dim3A_370 = vector.shape_cast %select_n3A_369 : vector<16xi32> to vector<16x1xi32>
        %gather3A_371 = vector.shape_cast %broadcast_in_dim3A_370 : vector<16x1xi32> to vector<16xi32>
        %gather3A_372 = tpu.dynamic_gather %shift_right_arithmetic3A_95[%gather3A_371] in [0] : vector<16xi32>, vector<16xi32> -> vector<16xi32>
        %lt3A_373 = arith.constant 0 : i32
        %lt3A_374 = vector.broadcast %lt3A_373 : i32 to vector<16xi32>
        %lt3A_375 = arith.cmpi slt, %broadcast_in_dim3A_362, %lt3A_374 : vector<16xi32>
        %add3A_376 = arith.constant 16 : i32
        %add3A_377 = vector.broadcast %add3A_376 : i32 to vector<16xi32>
        %add3A_378 = arith.addi %broadcast_in_dim3A_362, %add3A_377 : vector<16xi32>
        %select_n3A_379 = arith.select %lt3A_375, %add3A_378, %broadcast_in_dim3A_362 : vector<16xi1>, vector<16xi32>
        %broadcast_in_dim3A_380 = vector.shape_cast %select_n3A_379 : vector<16xi32> to vector<16x1xi32>
        %gather3A_381 = vector.shape_cast %broadcast_in_dim3A_380 : vector<16x1xi32> to vector<16xi32>
        %gather3A_382 = tpu.dynamic_gather %shift_left3A_99[%gather3A_381] in [0] : vector<16xi32>, vector<16xi32> -> vector<16xi32>
        %add3A_383 = arith.addi %gather3A_382, %iota3A : vector<16xi32>
        %lt3A_384 = arith.constant 0 : i32
        %lt3A_385 = vector.broadcast %lt3A_384 : i32 to vector<16xi32>
        %lt3A_386 = arith.cmpi slt, %broadcast_in_dim3A_362, %lt3A_385 : vector<16xi32>
        %add3A_387 = arith.constant 16 : i32
        %add3A_388 = vector.broadcast %add3A_387 : i32 to vector<16xi32>
        %add3A_389 = arith.addi %broadcast_in_dim3A_362, %add3A_388 : vector<16xi32>
        %select_n3A_390 = arith.select %lt3A_386, %add3A_389, %broadcast_in_dim3A_362 : vector<16xi1>, vector<16xi32>
        %broadcast_in_dim3A_391 = vector.shape_cast %select_n3A_390 : vector<16xi32> to vector<16x1xi32>
        %gather3A_392 = vector.shape_cast %broadcast_in_dim3A_391 : vector<16x1xi32> to vector<16xi32>
        %gather3A_393 = tpu.dynamic_gather %convert_element_type3A_106[%gather3A_392] in [0] : vector<16xi32>, vector<16xi32> -> vector<16xi32>
        %ne3A_394 = arith.constant 0 : i32
        %ne3A_395 = vector.broadcast %ne3A_394 : i32 to vector<16xi32>
        %ne3A_396 = arith.cmpi ne, %gather3A_393, %ne3A_395 : vector<16xi32>
        %mul3A_397 = arith.constant 16 : i32
        %mul3A_398 = arith.muli %add3A_88, %mul3A_397 : i32
        %add3A_399 = arith.constant 6 : i32
        %add3A_400 = arith.addi %mul3A_398, %add3A_399 : i32
        %get3A_401 = arith.index_cast %add3A_400 : i32 to index
        %get3A_402 = arith.constant 0 : index
        %get3A_403 = tpu.vector_load %arg10[%get3A_401, %get3A_402] {strides = array<i32>} : memref<128x16xf32, #tpu.memory_space<vmem>>, vector<16xf32>,
        tpu.vector_store_idx %arg6[%gather3A_372, %add3A_383], %get3A_403 masked %ne3A_396 {add = true} : memref<625x128xf32, #tpu.memory_space<vmem>>[vector<16xi32>, vector<16xi32>], vector<16xf32>, vector<16xi1>
        %broadcast_in_dim3A_404 = arith.constant 7 : i32
        %broadcast_in_dim3A_405 = vector.broadcast %broadcast_in_dim3A_404 : i32 to vector<16xi32>
        %lt3A_406 = arith.constant 0 : i32
        %lt3A_407 = vector.broadcast %lt3A_406 : i32 to vector<16xi32>
        %lt3A_408 = arith.cmpi slt, %broadcast_in_dim3A_405, %lt3A_407 : vector<16xi32>
        %add3A_409 = arith.constant 16 : i32
        %add3A_410 = vector.broadcast %add3A_409 : i32 to vector<16xi32>
        %add3A_411 = arith.addi %broadcast_in_dim3A_405, %add3A_410 : vector<16xi32>
        %select_n3A_412 = arith.select %lt3A_408, %add3A_411, %broadcast_in_dim3A_405 : vector<16xi1>, vector<16xi32>
        %broadcast_in_dim3A_413 = vector.shape_cast %select_n3A_412 : vector<16xi32> to vector<16x1xi32>
        %gather3A_414 = vector.shape_cast %broadcast_in_dim3A_413 : vector<16x1xi32> to vector<16xi32>
        %gather3A_415 = tpu.dynamic_gather %shift_right_arithmetic3A_95[%gather3A_414] in [0] : vector<16xi32>, vector<16xi32> -> vector<16xi32>
        %lt3A_416 = arith.constant 0 : i32
        %lt3A_417 = vector.broadcast %lt3A_416 : i32 to vector<16xi32>
        %lt3A_418 = arith.cmpi slt, %broadcast_in_dim3A_405, %lt3A_417 : vector<16xi32>
        %add3A_419 = arith.constant 16 : i32
        %add3A_420 = vector.broadcast %add3A_419 : i32 to vector<16xi32>
        %add3A_421 = arith.addi %broadcast_in_dim3A_405, %add3A_420 : vector<16xi32>
        %select_n3A_422 = arith.select %lt3A_418, %add3A_421, %broadcast_in_dim3A_405 : vector<16xi1>, vector<16xi32>
        %broadcast_in_dim3A_423 = vector.shape_cast %select_n3A_422 : vector<16xi32> to vector<16x1xi32>
        %gather3A_424 = vector.shape_cast %broadcast_in_dim3A_423 : vector<16x1xi32> to vector<16xi32>
        %gather3A_425 = tpu.dynamic_gather %shift_left3A_99[%gather3A_424] in [0] : vector<16xi32>, vector<16xi32> -> vector<16xi32>
        %add3A_426 = arith.addi %gather3A_425, %iota3A : vector<16xi32>
        %lt3A_427 = arith.constant 0 : i32
        %lt3A_428 = vector.broadcast %lt3A_427 : i32 to vector<16xi32>
        %lt3A_429 = arith.cmpi slt, %broadcast_in_dim3A_405, %lt3A_428 : vector<16xi32>
        %add3A_430 = arith.constant 16 : i32
        %add3A_431 = vector.broadcast %add3A_430 : i32 to vector<16xi32>
        %add3A_432 = arith.addi %broadcast_in_dim3A_405, %add3A_431 : vector<16xi32>
        %select_n3A_433 = arith.select %lt3A_429, %add3A_432, %broadcast_in_dim3A_405 : vector<16xi1>, vector<16xi32>
        %broadcast_in_dim3A_434 = vector.shape_cast %select_n3A_433 : vector<16xi32> to vector<16x1xi32>
        %gather3A_435 = vector.shape_cast %broadcast_in_dim3A_434 : vector<16x1xi32> to vector<16xi32>
        %gather3A_436 = tpu.dynamic_gather %convert_element_type3A_106[%gather3A_435] in [0] : vector<16xi32>, vector<16xi32> -> vector<16xi32>
        %ne3A_437 = arith.constant 0 : i32
        %ne3A_438 = vector.broadcast %ne3A_437 : i32 to vector<16xi32>
        %ne3A_439 = arith.cmpi ne, %gather3A_436, %ne3A_438 : vector<16xi32>
        %mul3A_440 = arith.constant 16 : i32
        %mul3A_441 = arith.muli %add3A_88, %mul3A_440 : i32
        %add3A_442 = arith.constant 7 : i32
        %add3A_443 = arith.addi %mul3A_441, %add3A_442 : i32
        %get3A_444 = arith.index_cast %add3A_443 : i32 to index
        %get3A_445 = arith.constant 0 : index
        %get3A_446 = tpu.vector_load %arg10[%get3A_444, %get3A_445] {strides = array<i32>} : memref<128x16xf32, #tpu.memory_space<vmem>>, vector<16xf32>,
        tpu.vector_store_idx %arg6[%gather3A_415, %add3A_426], %get3A_446 masked %ne3A_439 {add = true} : memref<625x128xf32, #tpu.memory_space<vmem>>[vector<16xi32>, vector<16xi32>], vector<16xf32>, vector<16xi1>
        %broadcast_in_dim3A_447 = arith.constant 8 : i32
        %broadcast_in_dim3A_448 = vector.broadcast %broadcast_in_dim3A_447 : i32 to vector<16xi32>
        %lt3A_449 = arith.constant 0 : i32
        %lt3A_450 = vector.broadcast %lt3A_449 : i32 to vector<16xi32>
        %lt3A_451 = arith.cmpi slt, %broadcast_in_dim3A_448, %lt3A_450 : vector<16xi32>
        %add3A_452 = arith.constant 16 : i32
        %add3A_453 = vector.broadcast %add3A_452 : i32 to vector<16xi32>
        %add3A_454 = arith.addi %broadcast_in_dim3A_448, %add3A_453 : vector<16xi32>
        %select_n3A_455 = arith.select %lt3A_451, %add3A_454, %broadcast_in_dim3A_448 : vector<16xi1>, vector<16xi32>
        %broadcast_in_dim3A_456 = vector.shape_cast %select_n3A_455 : vector<16xi32> to vector<16x1xi32>
        %gather3A_457 = vector.shape_cast %broadcast_in_dim3A_456 : vector<16x1xi32> to vector<16xi32>
        %gather3A_458 = tpu.dynamic_gather %shift_right_arithmetic3A_95[%gather3A_457] in [0] : vector<16xi32>, vector<16xi32> -> vector<16xi32>
        %lt3A_459 = arith.constant 0 : i32
        %lt3A_460 = vector.broadcast %lt3A_459 : i32 to vector<16xi32>
        %lt3A_461 = arith.cmpi slt, %broadcast_in_dim3A_448, %lt3A_460 : vector<16xi32>
        %add3A_462 = arith.constant 16 : i32
        %add3A_463 = vector.broadcast %add3A_462 : i32 to vector<16xi32>
        %add3A_464 = arith.addi %broadcast_in_dim3A_448, %add3A_463 : vector<16xi32>
        %select_n3A_465 = arith.select %lt3A_461, %add3A_464, %broadcast_in_dim3A_448 : vector<16xi1>, vector<16xi32>
        %broadcast_in_dim3A_466 = vector.shape_cast %select_n3A_465 : vector<16xi32> to vector<16x1xi32>
        %gather3A_467 = vector.shape_cast %broadcast_in_dim3A_466 : vector<16x1xi32> to vector<16xi32>
        %gather3A_468 = tpu.dynamic_gather %shift_left3A_99[%gather3A_467] in [0] : vector<16xi32>, vector<16xi32> -> vector<16xi32>
        %add3A_469 = arith.addi %gather3A_468, %iota3A : vector<16xi32>
        %lt3A_470 = arith.constant 0 : i32
        %lt3A_471 = vector.broadcast %lt3A_470 : i32 to vector<16xi32>
        %lt3A_472 = arith.cmpi slt, %broadcast_in_dim3A_448, %lt3A_471 : vector<16xi32>
        %add3A_473 = arith.constant 16 : i32
        %add3A_474 = vector.broadcast %add3A_473 : i32 to vector<16xi32>
        %add3A_475 = arith.addi %broadcast_in_dim3A_448, %add3A_474 : vector<16xi32>
        %select_n3A_476 = arith.select %lt3A_472, %add3A_475, %broadcast_in_dim3A_448 : vector<16xi1>, vector<16xi32>
        %broadcast_in_dim3A_477 = vector.shape_cast %select_n3A_476 : vector<16xi32> to vector<16x1xi32>
        %gather3A_478 = vector.shape_cast %broadcast_in_dim3A_477 : vector<16x1xi32> to vector<16xi32>
        %gather3A_479 = tpu.dynamic_gather %convert_element_type3A_106[%gather3A_478] in [0] : vector<16xi32>, vector<16xi32> -> vector<16xi32>
        %ne3A_480 = arith.constant 0 : i32
        %ne3A_481 = vector.broadcast %ne3A_480 : i32 to vector<16xi32>
        %ne3A_482 = arith.cmpi ne, %gather3A_479, %ne3A_481 : vector<16xi32>
        %mul3A_483 = arith.constant 16 : i32
        %mul3A_484 = arith.muli %add3A_88, %mul3A_483 : i32
        %add3A_485 = arith.constant 8 : i32
        %add3A_486 = arith.addi %mul3A_484, %add3A_485 : i32
        %get3A_487 = arith.index_cast %add3A_486 : i32 to index
        %get3A_488 = arith.constant 0 : index
        %get3A_489 = tpu.vector_load %arg10[%get3A_487, %get3A_488] {strides = array<i32>} : memref<128x16xf32, #tpu.memory_space<vmem>>, vector<16xf32>,
        tpu.vector_store_idx %arg6[%gather3A_458, %add3A_469], %get3A_489 masked %ne3A_482 {add = true} : memref<625x128xf32, #tpu.memory_space<vmem>>[vector<16xi32>, vector<16xi32>], vector<16xf32>, vector<16xi1>
        %broadcast_in_dim3A_490 = arith.constant 9 : i32
        %broadcast_in_dim3A_491 = vector.broadcast %broadcast_in_dim3A_490 : i32 to vector<16xi32>
        %lt3A_492 = arith.constant 0 : i32
        %lt3A_493 = vector.broadcast %lt3A_492 : i32 to vector<16xi32>
        %lt3A_494 = arith.cmpi slt, %broadcast_in_dim3A_491, %lt3A_493 : vector<16xi32>
        %add3A_495 = arith.constant 16 : i32
        %add3A_496 = vector.broadcast %add3A_495 : i32 to vector<16xi32>
        %add3A_497 = arith.addi %broadcast_in_dim3A_491, %add3A_496 : vector<16xi32>
        %select_n3A_498 = arith.select %lt3A_494, %add3A_497, %broadcast_in_dim3A_491 : vector<16xi1>, vector<16xi32>
        %broadcast_in_dim3A_499 = vector.shape_cast %select_n3A_498 : vector<16xi32> to vector<16x1xi32>
        %gather3A_500 = vector.shape_cast %broadcast_in_dim3A_499 : vector<16x1xi32> to vector<16xi32>
        %gather3A_501 = tpu.dynamic_gather %shift_right_arithmetic3A_95[%gather3A_500] in [0] : vector<16xi32>, vector<16xi32> -> vector<16xi32>
        %lt3A_502 = arith.constant 0 : i32
        %lt3A_503 = vector.broadcast %lt3A_502 : i32 to vector<16xi32>
        %lt3A_504 = arith.cmpi slt, %broadcast_in_dim3A_491, %lt3A_503 : vector<16xi32>
        %add3A_505 = arith.constant 16 : i32
        %add3A_506 = vector.broadcast %add3A_505 : i32 to vector<16xi32>
        %add3A_507 = arith.addi %broadcast_in_dim3A_491, %add3A_506 : vector<16xi32>
        %select_n3A_508 = arith.select %lt3A_504, %add3A_507, %broadcast_in_dim3A_491 : vector<16xi1>, vector<16xi32>
        %broadcast_in_dim3A_509 = vector.shape_cast %select_n3A_508 : vector<16xi32> to vector<16x1xi32>
        %gather3A_510 = vector.shape_cast %broadcast_in_dim3A_509 : vector<16x1xi32> to vector<16xi32>
        %gather3A_511 = tpu.dynamic_gather %shift_left3A_99[%gather3A_510] in [0] : vector<16xi32>, vector<16xi32> -> vector<16xi32>
        %add3A_512 = arith.addi %gather3A_511, %iota3A : vector<16xi32>
        %lt3A_513 = arith.constant 0 : i32
        %lt3A_514 = vector.broadcast %lt3A_513 : i32 to vector<16xi32>
        %lt3A_515 = arith.cmpi slt, %broadcast_in_dim3A_491, %lt3A_514 : vector<16xi32>
        %add3A_516 = arith.constant 16 : i32
        %add3A_517 = vector.broadcast %add3A_516 : i32 to vector<16xi32>
        %add3A_518 = arith.addi %broadcast_in_dim3A_491, %add3A_517 : vector<16xi32>
        %select_n3A_519 = arith.select %lt3A_515, %add3A_518, %broadcast_in_dim3A_491 : vector<16xi1>, vector<16xi32>
        %broadcast_in_dim3A_520 = vector.shape_cast %select_n3A_519 : vector<16xi32> to vector<16x1xi32>
        %gather3A_521 = vector.shape_cast %broadcast_in_dim3A_520 : vector<16x1xi32> to vector<16xi32>
        %gather3A_522 = tpu.dynamic_gather %convert_element_type3A_106[%gather3A_521] in [0] : vector<16xi32>, vector<16xi32> -> vector<16xi32>
        %ne3A_523 = arith.constant 0 : i32
        %ne3A_524 = vector.broadcast %ne3A_523 : i32 to vector<16xi32>
        %ne3A_525 = arith.cmpi ne, %gather3A_522, %ne3A_524 : vector<16xi32>
        %mul3A_526 = arith.constant 16 : i32
        %mul3A_527 = arith.muli %add3A_88, %mul3A_526 : i32
        %add3A_528 = arith.constant 9 : i32
        %add3A_529 = arith.addi %mul3A_527, %add3A_528 : i32
        %get3A_530 = arith.index_cast %add3A_529 : i32 to index
        %get3A_531 = arith.constant 0 : index
        %get3A_532 = tpu.vector_load %arg10[%get3A_530, %get3A_531] {strides = array<i32>} : memref<128x16xf32, #tpu.memory_space<vmem>>, vector<16xf32>,
        tpu.vector_store_idx %arg6[%gather3A_501, %add3A_512], %get3A_532 masked %ne3A_525 {add = true} : memref<625x128xf32, #tpu.memory_space<vmem>>[vector<16xi32>, vector<16xi32>], vector<16xf32>, vector<16xi1>
        %broadcast_in_dim3A_533 = arith.constant 10 : i32
        %broadcast_in_dim3A_534 = vector.broadcast %broadcast_in_dim3A_533 : i32 to vector<16xi32>
        %lt3A_535 = arith.constant 0 : i32
        %lt3A_536 = vector.broadcast %lt3A_535 : i32 to vector<16xi32>
        %lt3A_537 = arith.cmpi slt, %broadcast_in_dim3A_534, %lt3A_536 : vector<16xi32>
        %add3A_538 = arith.constant 16 : i32
        %add3A_539 = vector.broadcast %add3A_538 : i32 to vector<16xi32>
        %add3A_540 = arith.addi %broadcast_in_dim3A_534, %add3A_539 : vector<16xi32>
        %select_n3A_541 = arith.select %lt3A_537, %add3A_540, %broadcast_in_dim3A_534 : vector<16xi1>, vector<16xi32>
        %broadcast_in_dim3A_542 = vector.shape_cast %select_n3A_541 : vector<16xi32> to vector<16x1xi32>
        %gather3A_543 = vector.shape_cast %broadcast_in_dim3A_542 : vector<16x1xi32> to vector<16xi32>
        %gather3A_544 = tpu.dynamic_gather %shift_right_arithmetic3A_95[%gather3A_543] in [0] : vector<16xi32>, vector<16xi32> -> vector<16xi32>
        %lt3A_545 = arith.constant 0 : i32
        %lt3A_546 = vector.broadcast %lt3A_545 : i32 to vector<16xi32>
        %lt3A_547 = arith.cmpi slt, %broadcast_in_dim3A_534, %lt3A_546 : vector<16xi32>
        %add3A_548 = arith.constant 16 : i32
        %add3A_549 = vector.broadcast %add3A_548 : i32 to vector<16xi32>
        %add3A_550 = arith.addi %broadcast_in_dim3A_534, %add3A_549 : vector<16xi32>
        %select_n3A_551 = arith.select %lt3A_547, %add3A_550, %broadcast_in_dim3A_534 : vector<16xi1>, vector<16xi32>
        %broadcast_in_dim3A_552 = vector.shape_cast %select_n3A_551 : vector<16xi32> to vector<16x1xi32>
        %gather3A_553 = vector.shape_cast %broadcast_in_dim3A_552 : vector<16x1xi32> to vector<16xi32>
        %gather3A_554 = tpu.dynamic_gather %shift_left3A_99[%gather3A_553] in [0] : vector<16xi32>, vector<16xi32> -> vector<16xi32>
        %add3A_555 = arith.addi %gather3A_554, %iota3A : vector<16xi32>
        %lt3A_556 = arith.constant 0 : i32
        %lt3A_557 = vector.broadcast %lt3A_556 : i32 to vector<16xi32>
        %lt3A_558 = arith.cmpi slt, %broadcast_in_dim3A_534, %lt3A_557 : vector<16xi32>
        %add3A_559 = arith.constant 16 : i32
        %add3A_560 = vector.broadcast %add3A_559 : i32 to vector<16xi32>
        %add3A_561 = arith.addi %broadcast_in_dim3A_534, %add3A_560 : vector<16xi32>
        %select_n3A_562 = arith.select %lt3A_558, %add3A_561, %broadcast_in_dim3A_534 : vector<16xi1>, vector<16xi32>
        %broadcast_in_dim3A_563 = vector.shape_cast %select_n3A_562 : vector<16xi32> to vector<16x1xi32>
        %gather3A_564 = vector.shape_cast %broadcast_in_dim3A_563 : vector<16x1xi32> to vector<16xi32>
        %gather3A_565 = tpu.dynamic_gather %convert_element_type3A_106[%gather3A_564] in [0] : vector<16xi32>, vector<16xi32> -> vector<16xi32>
        %ne3A_566 = arith.constant 0 : i32
        %ne3A_567 = vector.broadcast %ne3A_566 : i32 to vector<16xi32>
        %ne3A_568 = arith.cmpi ne, %gather3A_565, %ne3A_567 : vector<16xi32>
        %mul3A_569 = arith.constant 16 : i32
        %mul3A_570 = arith.muli %add3A_88, %mul3A_569 : i32
        %add3A_571 = arith.constant 10 : i32
        %add3A_572 = arith.addi %mul3A_570, %add3A_571 : i32
        %get3A_573 = arith.index_cast %add3A_572 : i32 to index
        %get3A_574 = arith.constant 0 : index
        %get3A_575 = tpu.vector_load %arg10[%get3A_573, %get3A_574] {strides = array<i32>} : memref<128x16xf32, #tpu.memory_space<vmem>>, vector<16xf32>,
        tpu.vector_store_idx %arg6[%gather3A_544, %add3A_555], %get3A_575 masked %ne3A_568 {add = true} : memref<625x128xf32, #tpu.memory_space<vmem>>[vector<16xi32>, vector<16xi32>], vector<16xf32>, vector<16xi1>
        %broadcast_in_dim3A_576 = arith.constant 11 : i32
        %broadcast_in_dim3A_577 = vector.broadcast %broadcast_in_dim3A_576 : i32 to vector<16xi32>
        %lt3A_578 = arith.constant 0 : i32
        %lt3A_579 = vector.broadcast %lt3A_578 : i32 to vector<16xi32>
        %lt3A_580 = arith.cmpi slt, %broadcast_in_dim3A_577, %lt3A_579 : vector<16xi32>
        %add3A_581 = arith.constant 16 : i32
        %add3A_582 = vector.broadcast %add3A_581 : i32 to vector<16xi32>
        %add3A_583 = arith.addi %broadcast_in_dim3A_577, %add3A_582 : vector<16xi32>
        %select_n3A_584 = arith.select %lt3A_580, %add3A_583, %broadcast_in_dim3A_577 : vector<16xi1>, vector<16xi32>
        %broadcast_in_dim3A_585 = vector.shape_cast %select_n3A_584 : vector<16xi32> to vector<16x1xi32>
        %gather3A_586 = vector.shape_cast %broadcast_in_dim3A_585 : vector<16x1xi32> to vector<16xi32>
        %gather3A_587 = tpu.dynamic_gather %shift_right_arithmetic3A_95[%gather3A_586] in [0] : vector<16xi32>, vector<16xi32> -> vector<16xi32>
        %lt3A_588 = arith.constant 0 : i32
        %lt3A_589 = vector.broadcast %lt3A_588 : i32 to vector<16xi32>
        %lt3A_590 = arith.cmpi slt, %broadcast_in_dim3A_577, %lt3A_589 : vector<16xi32>
        %add3A_591 = arith.constant 16 : i32
        %add3A_592 = vector.broadcast %add3A_591 : i32 to vector<16xi32>
        %add3A_593 = arith.addi %broadcast_in_dim3A_577, %add3A_592 : vector<16xi32>
        %select_n3A_594 = arith.select %lt3A_590, %add3A_593, %broadcast_in_dim3A_577 : vector<16xi1>, vector<16xi32>
        %broadcast_in_dim3A_595 = vector.shape_cast %select_n3A_594 : vector<16xi32> to vector<16x1xi32>
        %gather3A_596 = vector.shape_cast %broadcast_in_dim3A_595 : vector<16x1xi32> to vector<16xi32>
        %gather3A_597 = tpu.dynamic_gather %shift_left3A_99[%gather3A_596] in [0] : vector<16xi32>, vector<16xi32> -> vector<16xi32>
        %add3A_598 = arith.addi %gather3A_597, %iota3A : vector<16xi32>
        %lt3A_599 = arith.constant 0 : i32
        %lt3A_600 = vector.broadcast %lt3A_599 : i32 to vector<16xi32>
        %lt3A_601 = arith.cmpi slt, %broadcast_in_dim3A_577, %lt3A_600 : vector<16xi32>
        %add3A_602 = arith.constant 16 : i32
        %add3A_603 = vector.broadcast %add3A_602 : i32 to vector<16xi32>
        %add3A_604 = arith.addi %broadcast_in_dim3A_577, %add3A_603 : vector<16xi32>
        %select_n3A_605 = arith.select %lt3A_601, %add3A_604, %broadcast_in_dim3A_577 : vector<16xi1>, vector<16xi32>
        %broadcast_in_dim3A_606 = vector.shape_cast %select_n3A_605 : vector<16xi32> to vector<16x1xi32>
        %gather3A_607 = vector.shape_cast %broadcast_in_dim3A_606 : vector<16x1xi32> to vector<16xi32>
        %gather3A_608 = tpu.dynamic_gather %convert_element_type3A_106[%gather3A_607] in [0] : vector<16xi32>, vector<16xi32> -> vector<16xi32>
        %ne3A_609 = arith.constant 0 : i32
        %ne3A_610 = vector.broadcast %ne3A_609 : i32 to vector<16xi32>
        %ne3A_611 = arith.cmpi ne, %gather3A_608, %ne3A_610 : vector<16xi32>
        %mul3A_612 = arith.constant 16 : i32
        %mul3A_613 = arith.muli %add3A_88, %mul3A_612 : i32
        %add3A_614 = arith.constant 11 : i32
        %add3A_615 = arith.addi %mul3A_613, %add3A_614 : i32
        %get3A_616 = arith.index_cast %add3A_615 : i32 to index
        %get3A_617 = arith.constant 0 : index
        %get3A_618 = tpu.vector_load %arg10[%get3A_616, %get3A_617] {strides = array<i32>} : memref<128x16xf32, #tpu.memory_space<vmem>>, vector<16xf32>,
        tpu.vector_store_idx %arg6[%gather3A_587, %add3A_598], %get3A_618 masked %ne3A_611 {add = true} : memref<625x128xf32, #tpu.memory_space<vmem>>[vector<16xi32>, vector<16xi32>], vector<16xf32>, vector<16xi1>
        %broadcast_in_dim3A_619 = arith.constant 12 : i32
        %broadcast_in_dim3A_620 = vector.broadcast %broadcast_in_dim3A_619 : i32 to vector<16xi32>
        %lt3A_621 = arith.constant 0 : i32
        %lt3A_622 = vector.broadcast %lt3A_621 : i32 to vector<16xi32>
        %lt3A_623 = arith.cmpi slt, %broadcast_in_dim3A_620, %lt3A_622 : vector<16xi32>
        %add3A_624 = arith.constant 16 : i32
        %add3A_625 = vector.broadcast %add3A_624 : i32 to vector<16xi32>
        %add3A_626 = arith.addi %broadcast_in_dim3A_620, %add3A_625 : vector<16xi32>
        %select_n3A_627 = arith.select %lt3A_623, %add3A_626, %broadcast_in_dim3A_620 : vector<16xi1>, vector<16xi32>
        %broadcast_in_dim3A_628 = vector.shape_cast %select_n3A_627 : vector<16xi32> to vector<16x1xi32>
        %gather3A_629 = vector.shape_cast %broadcast_in_dim3A_628 : vector<16x1xi32> to vector<16xi32>
        %gather3A_630 = tpu.dynamic_gather %shift_right_arithmetic3A_95[%gather3A_629] in [0] : vector<16xi32>, vector<16xi32> -> vector<16xi32>
        %lt3A_631 = arith.constant 0 : i32
        %lt3A_632 = vector.broadcast %lt3A_631 : i32 to vector<16xi32>
        %lt3A_633 = arith.cmpi slt, %broadcast_in_dim3A_620, %lt3A_632 : vector<16xi32>
        %add3A_634 = arith.constant 16 : i32
        %add3A_635 = vector.broadcast %add3A_634 : i32 to vector<16xi32>
        %add3A_636 = arith.addi %broadcast_in_dim3A_620, %add3A_635 : vector<16xi32>
        %select_n3A_637 = arith.select %lt3A_633, %add3A_636, %broadcast_in_dim3A_620 : vector<16xi1>, vector<16xi32>
        %broadcast_in_dim3A_638 = vector.shape_cast %select_n3A_637 : vector<16xi32> to vector<16x1xi32>
        %gather3A_639 = vector.shape_cast %broadcast_in_dim3A_638 : vector<16x1xi32> to vector<16xi32>
        %gather3A_640 = tpu.dynamic_gather %shift_left3A_99[%gather3A_639] in [0] : vector<16xi32>, vector<16xi32> -> vector<16xi32>
        %add3A_641 = arith.addi %gather3A_640, %iota3A : vector<16xi32>
        %lt3A_642 = arith.constant 0 : i32
        %lt3A_643 = vector.broadcast %lt3A_642 : i32 to vector<16xi32>
        %lt3A_644 = arith.cmpi slt, %broadcast_in_dim3A_620, %lt3A_643 : vector<16xi32>
        %add3A_645 = arith.constant 16 : i32
        %add3A_646 = vector.broadcast %add3A_645 : i32 to vector<16xi32>
        %add3A_647 = arith.addi %broadcast_in_dim3A_620, %add3A_646 : vector<16xi32>
        %select_n3A_648 = arith.select %lt3A_644, %add3A_647, %broadcast_in_dim3A_620 : vector<16xi1>, vector<16xi32>
        %broadcast_in_dim3A_649 = vector.shape_cast %select_n3A_648 : vector<16xi32> to vector<16x1xi32>
        %gather3A_650 = vector.shape_cast %broadcast_in_dim3A_649 : vector<16x1xi32> to vector<16xi32>
        %gather3A_651 = tpu.dynamic_gather %convert_element_type3A_106[%gather3A_650] in [0] : vector<16xi32>, vector<16xi32> -> vector<16xi32>
        %ne3A_652 = arith.constant 0 : i32
        %ne3A_653 = vector.broadcast %ne3A_652 : i32 to vector<16xi32>
        %ne3A_654 = arith.cmpi ne, %gather3A_651, %ne3A_653 : vector<16xi32>
        %mul3A_655 = arith.constant 16 : i32
        %mul3A_656 = arith.muli %add3A_88, %mul3A_655 : i32
        %add3A_657 = arith.constant 12 : i32
        %add3A_658 = arith.addi %mul3A_656, %add3A_657 : i32
        %get3A_659 = arith.index_cast %add3A_658 : i32 to index
        %get3A_660 = arith.constant 0 : index
        %get3A_661 = tpu.vector_load %arg10[%get3A_659, %get3A_660] {strides = array<i32>} : memref<128x16xf32, #tpu.memory_space<vmem>>, vector<16xf32>,
        tpu.vector_store_idx %arg6[%gather3A_630, %add3A_641], %get3A_661 masked %ne3A_654 {add = true} : memref<625x128xf32, #tpu.memory_space<vmem>>[vector<16xi32>, vector<16xi32>], vector<16xf32>, vector<16xi1>
        %broadcast_in_dim3A_662 = arith.constant 13 : i32
        %broadcast_in_dim3A_663 = vector.broadcast %broadcast_in_dim3A_662 : i32 to vector<16xi32>
        %lt3A_664 = arith.constant 0 : i32
        %lt3A_665 = vector.broadcast %lt3A_664 : i32 to vector<16xi32>
        %lt3A_666 = arith.cmpi slt, %broadcast_in_dim3A_663, %lt3A_665 : vector<16xi32>
        %add3A_667 = arith.constant 16 : i32
        %add3A_668 = vector.broadcast %add3A_667 : i32 to vector<16xi32>
        %add3A_669 = arith.addi %broadcast_in_dim3A_663, %add3A_668 : vector<16xi32>
        %select_n3A_670 = arith.select %lt3A_666, %add3A_669, %broadcast_in_dim3A_663 : vector<16xi1>, vector<16xi32>
        %broadcast_in_dim3A_671 = vector.shape_cast %select_n3A_670 : vector<16xi32> to vector<16x1xi32>
        %gather3A_672 = vector.shape_cast %broadcast_in_dim3A_671 : vector<16x1xi32> to vector<16xi32>
        %gather3A_673 = tpu.dynamic_gather %shift_right_arithmetic3A_95[%gather3A_672] in [0] : vector<16xi32>, vector<16xi32> -> vector<16xi32>
        %lt3A_674 = arith.constant 0 : i32
        %lt3A_675 = vector.broadcast %lt3A_674 : i32 to vector<16xi32>
        %lt3A_676 = arith.cmpi slt, %broadcast_in_dim3A_663, %lt3A_675 : vector<16xi32>
        %add3A_677 = arith.constant 16 : i32
        %add3A_678 = vector.broadcast %add3A_677 : i32 to vector<16xi32>
        %add3A_679 = arith.addi %broadcast_in_dim3A_663, %add3A_678 : vector<16xi32>
        %select_n3A_680 = arith.select %lt3A_676, %add3A_679, %broadcast_in_dim3A_663 : vector<16xi1>, vector<16xi32>
        %broadcast_in_dim3A_681 = vector.shape_cast %select_n3A_680 : vector<16xi32> to vector<16x1xi32>
        %gather3A_682 = vector.shape_cast %broadcast_in_dim3A_681 : vector<16x1xi32> to vector<16xi32>
        %gather3A_683 = tpu.dynamic_gather %shift_left3A_99[%gather3A_682] in [0] : vector<16xi32>, vector<16xi32> -> vector<16xi32>
        %add3A_684 = arith.addi %gather3A_683, %iota3A : vector<16xi32>
        %lt3A_685 = arith.constant 0 : i32
        %lt3A_686 = vector.broadcast %lt3A_685 : i32 to vector<16xi32>
        %lt3A_687 = arith.cmpi slt, %broadcast_in_dim3A_663, %lt3A_686 : vector<16xi32>
        %add3A_688 = arith.constant 16 : i32
        %add3A_689 = vector.broadcast %add3A_688 : i32 to vector<16xi32>
        %add3A_690 = arith.addi %broadcast_in_dim3A_663, %add3A_689 : vector<16xi32>
        %select_n3A_691 = arith.select %lt3A_687, %add3A_690, %broadcast_in_dim3A_663 : vector<16xi1>, vector<16xi32>
        %broadcast_in_dim3A_692 = vector.shape_cast %select_n3A_691 : vector<16xi32> to vector<16x1xi32>
        %gather3A_693 = vector.shape_cast %broadcast_in_dim3A_692 : vector<16x1xi32> to vector<16xi32>
        %gather3A_694 = tpu.dynamic_gather %convert_element_type3A_106[%gather3A_693] in [0] : vector<16xi32>, vector<16xi32> -> vector<16xi32>
        %ne3A_695 = arith.constant 0 : i32
        %ne3A_696 = vector.broadcast %ne3A_695 : i32 to vector<16xi32>
        %ne3A_697 = arith.cmpi ne, %gather3A_694, %ne3A_696 : vector<16xi32>
        %mul3A_698 = arith.constant 16 : i32
        %mul3A_699 = arith.muli %add3A_88, %mul3A_698 : i32
        %add3A_700 = arith.constant 13 : i32
        %add3A_701 = arith.addi %mul3A_699, %add3A_700 : i32
        %get3A_702 = arith.index_cast %add3A_701 : i32 to index
        %get3A_703 = arith.constant 0 : index
        %get3A_704 = tpu.vector_load %arg10[%get3A_702, %get3A_703] {strides = array<i32>} : memref<128x16xf32, #tpu.memory_space<vmem>>, vector<16xf32>,
        tpu.vector_store_idx %arg6[%gather3A_673, %add3A_684], %get3A_704 masked %ne3A_697 {add = true} : memref<625x128xf32, #tpu.memory_space<vmem>>[vector<16xi32>, vector<16xi32>], vector<16xf32>, vector<16xi1>
        %broadcast_in_dim3A_705 = arith.constant 14 : i32
        %broadcast_in_dim3A_706 = vector.broadcast %broadcast_in_dim3A_705 : i32 to vector<16xi32>
        %lt3A_707 = arith.constant 0 : i32
        %lt3A_708 = vector.broadcast %lt3A_707 : i32 to vector<16xi32>
        %lt3A_709 = arith.cmpi slt, %broadcast_in_dim3A_706, %lt3A_708 : vector<16xi32>
        %add3A_710 = arith.constant 16 : i32
        %add3A_711 = vector.broadcast %add3A_710 : i32 to vector<16xi32>
        %add3A_712 = arith.addi %broadcast_in_dim3A_706, %add3A_711 : vector<16xi32>
        %select_n3A_713 = arith.select %lt3A_709, %add3A_712, %broadcast_in_dim3A_706 : vector<16xi1>, vector<16xi32>
        %broadcast_in_dim3A_714 = vector.shape_cast %select_n3A_713 : vector<16xi32> to vector<16x1xi32>
        %gather3A_715 = vector.shape_cast %broadcast_in_dim3A_714 : vector<16x1xi32> to vector<16xi32>
        %gather3A_716 = tpu.dynamic_gather %shift_right_arithmetic3A_95[%gather3A_715] in [0] : vector<16xi32>, vector<16xi32> -> vector<16xi32>
        %lt3A_717 = arith.constant 0 : i32
        %lt3A_718 = vector.broadcast %lt3A_717 : i32 to vector<16xi32>
        %lt3A_719 = arith.cmpi slt, %broadcast_in_dim3A_706, %lt3A_718 : vector<16xi32>
        %add3A_720 = arith.constant 16 : i32
        %add3A_721 = vector.broadcast %add3A_720 : i32 to vector<16xi32>
        %add3A_722 = arith.addi %broadcast_in_dim3A_706, %add3A_721 : vector<16xi32>
        %select_n3A_723 = arith.select %lt3A_719, %add3A_722, %broadcast_in_dim3A_706 : vector<16xi1>, vector<16xi32>
        %broadcast_in_dim3A_724 = vector.shape_cast %select_n3A_723 : vector<16xi32> to vector<16x1xi32>
        %gather3A_725 = vector.shape_cast %broadcast_in_dim3A_724 : vector<16x1xi32> to vector<16xi32>
        %gather3A_726 = tpu.dynamic_gather %shift_left3A_99[%gather3A_725] in [0] : vector<16xi32>, vector<16xi32> -> vector<16xi32>
        %add3A_727 = arith.addi %gather3A_726, %iota3A : vector<16xi32>
        %lt3A_728 = arith.constant 0 : i32
        %lt3A_729 = vector.broadcast %lt3A_728 : i32 to vector<16xi32>
        %lt3A_730 = arith.cmpi slt, %broadcast_in_dim3A_706, %lt3A_729 : vector<16xi32>
        %add3A_731 = arith.constant 16 : i32
        %add3A_732 = vector.broadcast %add3A_731 : i32 to vector<16xi32>
        %add3A_733 = arith.addi %broadcast_in_dim3A_706, %add3A_732 : vector<16xi32>
        %select_n3A_734 = arith.select %lt3A_730, %add3A_733, %broadcast_in_dim3A_706 : vector<16xi1>, vector<16xi32>
        %broadcast_in_dim3A_735 = vector.shape_cast %select_n3A_734 : vector<16xi32> to vector<16x1xi32>
        %gather3A_736 = vector.shape_cast %broadcast_in_dim3A_735 : vector<16x1xi32> to vector<16xi32>
        %gather3A_737 = tpu.dynamic_gather %convert_element_type3A_106[%gather3A_736] in [0] : vector<16xi32>, vector<16xi32> -> vector<16xi32>
        %ne3A_738 = arith.constant 0 : i32
        %ne3A_739 = vector.broadcast %ne3A_738 : i32 to vector<16xi32>
        %ne3A_740 = arith.cmpi ne, %gather3A_737, %ne3A_739 : vector<16xi32>
        %mul3A_741 = arith.constant 16 : i32
        %mul3A_742 = arith.muli %add3A_88, %mul3A_741 : i32
        %add3A_743 = arith.constant 14 : i32
        %add3A_744 = arith.addi %mul3A_742, %add3A_743 : i32
        %get3A_745 = arith.index_cast %add3A_744 : i32 to index
        %get3A_746 = arith.constant 0 : index
        %get3A_747 = tpu.vector_load %arg10[%get3A_745, %get3A_746] {strides = array<i32>} : memref<128x16xf32, #tpu.memory_space<vmem>>, vector<16xf32>,
        tpu.vector_store_idx %arg6[%gather3A_716, %add3A_727], %get3A_747 masked %ne3A_740 {add = true} : memref<625x128xf32, #tpu.memory_space<vmem>>[vector<16xi32>, vector<16xi32>], vector<16xf32>, vector<16xi1>
        %broadcast_in_dim3A_748 = arith.constant 15 : i32
        %broadcast_in_dim3A_749 = vector.broadcast %broadcast_in_dim3A_748 : i32 to vector<16xi32>
        %lt3A_750 = arith.constant 0 : i32
        %lt3A_751 = vector.broadcast %lt3A_750 : i32 to vector<16xi32>
        %lt3A_752 = arith.cmpi slt, %broadcast_in_dim3A_749, %lt3A_751 : vector<16xi32>
        %add3A_753 = arith.constant 16 : i32
        %add3A_754 = vector.broadcast %add3A_753 : i32 to vector<16xi32>
        %add3A_755 = arith.addi %broadcast_in_dim3A_749, %add3A_754 : vector<16xi32>
        %select_n3A_756 = arith.select %lt3A_752, %add3A_755, %broadcast_in_dim3A_749 : vector<16xi1>, vector<16xi32>
        %broadcast_in_dim3A_757 = vector.shape_cast %select_n3A_756 : vector<16xi32> to vector<16x1xi32>
        %gather3A_758 = vector.shape_cast %broadcast_in_dim3A_757 : vector<16x1xi32> to vector<16xi32>
        %gather3A_759 = tpu.dynamic_gather %shift_right_arithmetic3A_95[%gather3A_758] in [0] : vector<16xi32>, vector<16xi32> -> vector<16xi32>
        %lt3A_760 = arith.constant 0 : i32
        %lt3A_761 = vector.broadcast %lt3A_760 : i32 to vector<16xi32>
        %lt3A_762 = arith.cmpi slt, %broadcast_in_dim3A_749, %lt3A_761 : vector<16xi32>
        %add3A_763 = arith.constant 16 : i32
        %add3A_764 = vector.broadcast %add3A_763 : i32 to vector<16xi32>
        %add3A_765 = arith.addi %broadcast_in_dim3A_749, %add3A_764 : vector<16xi32>
        %select_n3A_766 = arith.select %lt3A_762, %add3A_765, %broadcast_in_dim3A_749 : vector<16xi1>, vector<16xi32>
        %broadcast_in_dim3A_767 = vector.shape_cast %select_n3A_766 : vector<16xi32> to vector<16x1xi32>
        %gather3A_768 = vector.shape_cast %broadcast_in_dim3A_767 : vector<16x1xi32> to vector<16xi32>
        %gather3A_769 = tpu.dynamic_gather %shift_left3A_99[%gather3A_768] in [0] : vector<16xi32>, vector<16xi32> -> vector<16xi32>
        %add3A_770 = arith.addi %gather3A_769, %iota3A : vector<16xi32>
        %lt3A_771 = arith.constant 0 : i32
        %lt3A_772 = vector.broadcast %lt3A_771 : i32 to vector<16xi32>
        %lt3A_773 = arith.cmpi slt, %broadcast_in_dim3A_749, %lt3A_772 : vector<16xi32>
        %add3A_774 = arith.constant 16 : i32
        %add3A_775 = vector.broadcast %add3A_774 : i32 to vector<16xi32>
        %add3A_776 = arith.addi %broadcast_in_dim3A_749, %add3A_775 : vector<16xi32>
        %select_n3A_777 = arith.select %lt3A_773, %add3A_776, %broadcast_in_dim3A_749 : vector<16xi1>, vector<16xi32>
        %broadcast_in_dim3A_778 = vector.shape_cast %select_n3A_777 : vector<16xi32> to vector<16x1xi32>
        %gather3A_779 = vector.shape_cast %broadcast_in_dim3A_778 : vector<16x1xi32> to vector<16xi32>
        %gather3A_780 = tpu.dynamic_gather %convert_element_type3A_106[%gather3A_779] in [0] : vector<16xi32>, vector<16xi32> -> vector<16xi32>
        %ne3A_781 = arith.constant 0 : i32
        %ne3A_782 = vector.broadcast %ne3A_781 : i32 to vector<16xi32>
        %ne3A_783 = arith.cmpi ne, %gather3A_780, %ne3A_782 : vector<16xi32>
        %mul3A_784 = arith.constant 16 : i32
        %mul3A_785 = arith.muli %add3A_88, %mul3A_784 : i32
        %add3A_786 = arith.constant 15 : i32
        %add3A_787 = arith.addi %mul3A_785, %add3A_786 : i32
        %get3A_788 = arith.index_cast %add3A_787 : i32 to index
        %get3A_789 = arith.constant 0 : index
        %get3A_790 = tpu.vector_load %arg10[%get3A_788, %get3A_789] {strides = array<i32>} : memref<128x16xf32, #tpu.memory_space<vmem>>, vector<16xf32>,
        tpu.vector_store_idx %arg6[%gather3A_759, %add3A_770], %get3A_790 masked %ne3A_783 {add = true} : memref<625x128xf32, #tpu.memory_space<vmem>>[vector<16xi32>, vector<16xi32>], vector<16xf32>, vector<16xi1>
      }
      %scan3A_76 = arith.constant 8 : i32
      %add3A_77 = arith.constant 3 : i32
      %add3A_78 = arith.addi %add3A_46, %add3A_77 : i32
      %lt3A_79 = arith.constant 40 : i32
      %lt3A_80 = arith.cmpi slt, %add3A_78, %lt3A_79 : i32
      %convert_element_type3A_81 = arith.extui %lt3A_80 : i1 to i32
      %cond3A_82 = arith.constant 0 : i32
      %cond3A_83 = arith.cmpi ne, %convert_element_type3A_81, %cond3A_82 : i32
      scf.if %cond3A_83 {
        %add3A_84 = arith.constant 384 : i32
        %add3A_85 = arith.addi %add3A_49, %add3A_84 : i32
        %dma_start3A_86 = tpu.memref_slice %arg3[%add3A_85] : memref<163840xi32, #tpu.memory_space<hbm>> -> memref<128xi32, #tpu.memory_space<hbm>>
        %dma_start3A_87 = tpu.memref_slice %arg3[%add3A_85] : memref<163840xi32, #tpu.memory_space<hbm>> -> memref<128xi32, #tpu.memory_space<hbm>>
        tpu.enqueue_dma source(%dma_start3A_87 : memref<128xi32, #tpu.memory_space<hbm>>) target(%arg8 : memref<128xi32, #tpu.memory_space<vmem>>) target_semaphore(%arg12 : memref<!tpu.dma_semaphore, #tpu.memory_space<semaphore_mem>>)
        %dma_start3A_88 = arith.constant 0 : i32
        %dma_start3A_89 = tpu.memref_slice %arg2[%add3A_85, %dma_start3A_88] : memref<163840x16xf32, #tpu.memory_space<hbm>> -> memref<128x16xf32, #tpu.memory_space<hbm>>
        %dma_start3A_90 = arith.constant 0 : i32
        %dma_start3A_91 = tpu.memref_slice %arg2[%add3A_85, %dma_start3A_90] : memref<163840x16xf32, #tpu.memory_space<hbm>> -> memref<128x16xf32, #tpu.memory_space<hbm>>
        tpu.enqueue_dma source(%dma_start3A_91 : memref<128x16xf32, #tpu.memory_space<hbm>>) target(%arg10 : memref<128x16xf32, #tpu.memory_space<vmem>>) target_semaphore(%arg12 : memref<!tpu.dma_semaphore, #tpu.memory_space<semaphore_mem>>)
      } else {
      }
    }
    %scan3A_21 = arith.constant 20 : i32
    %run_scoped3A = arith.constant 0 : i32
    "tpu.region"() ({
      %run_scoped3A_42 = tpu.sem_alloc : memref<!tpu.dma_semaphore, #tpu.memory_space<semaphore_mem>>
      %dma_start3A_43 = arith.constant 0 : i32
      %dma_start3A_44 = arith.constant 0 : i32
      %dma_start3A_45 = tpu.memref_slice %arg5[%add3A, %run_scoped3A, %dma_start3A_43, %dma_start3A_44] : memref<32x2x625x128xf32, #tpu.memory_space<hbm>> -> memref<1x1x625x128xf32, #tpu.memory_space<hbm>>
      %dma_start3A_46 = tpu.memref_squeeze %dma_start3A_45 : memref<1x1x625x128xf32, #tpu.memory_space<hbm>> -> memref<625x128xf32, #tpu.memory_space<hbm>>
      %dma_start3A_47 = arith.constant 0 : i32
      %dma_start3A_48 = arith.constant 0 : i32
      %dma_start3A_49 = tpu.memref_slice %arg5[%add3A, %run_scoped3A, %dma_start3A_47, %dma_start3A_48] : memref<32x2x625x128xf32, #tpu.memory_space<hbm>> -> memref<1x1x625x128xf32, #tpu.memory_space<hbm>>
      %dma_start3A_50 = tpu.memref_squeeze %dma_start3A_49 : memref<1x1x625x128xf32, #tpu.memory_space<hbm>> -> memref<625x128xf32, #tpu.memory_space<hbm>>
      tpu.enqueue_dma source(%arg6 : memref<625x128xf32, #tpu.memory_space<vmem>>) target(%dma_start3A_50 : memref<625x128xf32, #tpu.memory_space<hbm>>) target_semaphore(%run_scoped3A_42 : memref<!tpu.dma_semaphore, #tpu.memory_space<semaphore_mem>>)
      %dma_wait3A = arith.constant 0 : i32
      %dma_wait3A_51 = arith.constant 0 : i32
      %dma_wait3A_52 = tpu.memref_slice %arg5[%add3A, %run_scoped3A, %dma_wait3A, %dma_wait3A_51] : memref<32x2x625x128xf32, #tpu.memory_space<hbm>> -> memref<1x1x625x128xf32, #tpu.memory_space<hbm>>
      %dma_wait3A_53 = tpu.memref_squeeze %dma_wait3A_52 : memref<1x1x625x128xf32, #tpu.memory_space<hbm>> -> memref<625x128xf32, #tpu.memory_space<hbm>>
      %dma_wait3A_54 = arith.constant 0 : i32
      %dma_wait3A_55 = arith.constant 0 : i32
      %dma_wait3A_56 = tpu.memref_slice %arg5[%add3A, %run_scoped3A, %dma_wait3A_54, %dma_wait3A_55] : memref<32x2x625x128xf32, #tpu.memory_space<hbm>> -> memref<1x1x625x128xf32, #tpu.memory_space<hbm>>
      %dma_wait3A_57 = tpu.memref_squeeze %dma_wait3A_56 : memref<1x1x625x128xf32, #tpu.memory_space<hbm>> -> memref<625x128xf32, #tpu.memory_space<hbm>>
      tpu.wait_dma2 semaphore(%run_scoped3A_42 : memref<!tpu.dma_semaphore, #tpu.memory_space<semaphore_mem>>) src(%arg6 : memref<625x128xf32, #tpu.memory_space<vmem>>) dst(%dma_wait3A_57 : memref<625x128xf32, #tpu.memory_space<hbm>>)
      tpu.yield
    }) : () -> ()
    "tpu.region"() ({
      %run_scoped3A_42 = tpu.sem_alloc : memref<!tpu.dma_semaphore, #tpu.memory_space<semaphore_mem>>
      tpu.enqueue_dma source(%arg4 : memref<625x128xf32, #tpu.memory_space<hbm>>) target(%arg6 : memref<625x128xf32, #tpu.memory_space<vmem>>) target_semaphore(%run_scoped3A_42 : memref<!tpu.dma_semaphore, #tpu.memory_space<semaphore_mem>>)
      tpu.wait_dma2 semaphore(%run_scoped3A_42 : memref<!tpu.dma_semaphore, #tpu.memory_space<semaphore_mem>>) src(%arg4 : memref<625x128xf32, #tpu.memory_space<hbm>>) dst(%arg6 : memref<625x128xf32, #tpu.memory_space<vmem>>)
      tpu.yield
    }) : () -> ()
    %dma_start3A_22 = tpu.memref_slice %arg3[%mul3A_4] : memref<163840xi32, #tpu.memory_space<hbm>> -> memref<128xi32, #tpu.memory_space<hbm>>
    %dma_start3A_23 = tpu.memref_slice %arg3[%mul3A_4] : memref<163840xi32, #tpu.memory_space<hbm>> -> memref<128xi32, #tpu.memory_space<hbm>>
    tpu.enqueue_dma source(%dma_start3A_23 : memref<128xi32, #tpu.memory_space<hbm>>) target(%arg7 : memref<128xi32, #tpu.memory_space<vmem>>) target_semaphore(%arg11 : memref<!tpu.dma_semaphore, #tpu.memory_space<semaphore_mem>>)
    %dma_start3A_24 = arith.constant 0 : i32
    %dma_start3A_25 = tpu.memref_slice %arg2[%mul3A_4, %dma_start3A_24] : memref<163840x16xf32, #tpu.memory_space<hbm>> -> memref<128x16xf32, #tpu.memory_space<hbm>>
    %dma_start3A_26 = arith.constant 0 : i32
    %dma_start3A_27 = tpu.memref_slice %arg2[%mul3A_4, %dma_start3A_26] : memref<163840x16xf32, #tpu.memory_space<hbm>> -> memref<128x16xf32, #tpu.memory_space<hbm>>
    tpu.enqueue_dma source(%dma_start3A_27 : memref<128x16xf32, #tpu.memory_space<hbm>>) target(%arg9 : memref<128x16xf32, #tpu.memory_space<vmem>>) target_semaphore(%arg11 : memref<!tpu.dma_semaphore, #tpu.memory_space<semaphore_mem>>)
    %add3A_28 = arith.constant 128 : i32
    %add3A_29 = arith.addi %mul3A_4, %add3A_28 : i32
    %dma_start3A_30 = tpu.memref_slice %arg3[%add3A_29] : memref<163840xi32, #tpu.memory_space<hbm>> -> memref<128xi32, #tpu.memory_space<hbm>>
    %dma_start3A_31 = tpu.memref_slice %arg3[%add3A_29] : memref<163840xi32, #tpu.memory_space<hbm>> -> memref<128xi32, #tpu.memory_space<hbm>>
    tpu.enqueue_dma source(%dma_start3A_31 : memref<128xi32, #tpu.memory_space<hbm>>) target(%arg8 : memref<128xi32, #tpu.memory_space<vmem>>) target_semaphore(%arg12 : memref<!tpu.dma_semaphore, #tpu.memory_space<semaphore_mem>>)
    %dma_start3A_32 = arith.constant 0 : i32
    %dma_start3A_33 = tpu.memref_slice %arg2[%add3A_29, %dma_start3A_32] : memref<163840x16xf32, #tpu.memory_space<hbm>> -> memref<128x16xf32, #tpu.memory_space<hbm>>
    %dma_start3A_34 = arith.constant 0 : i32
    %dma_start3A_35 = tpu.memref_slice %arg2[%add3A_29, %dma_start3A_34] : memref<163840x16xf32, #tpu.memory_space<hbm>> -> memref<128x16xf32, #tpu.memory_space<hbm>>
    tpu.enqueue_dma source(%dma_start3A_35 : memref<128x16xf32, #tpu.memory_space<hbm>>) target(%arg10 : memref<128x16xf32, #tpu.memory_space<vmem>>) target_semaphore(%arg12 : memref<!tpu.dma_semaphore, #tpu.memory_space<semaphore_mem>>)
    %scan3A_36 = arith.constant 0 : i32
    %scan3A_37 = arith.constant 20 : i32
    %scan3A_38 = arith.addi %scan3A_36, %scan3A_37 : i32
    %scan3A_39 = arith.constant 1 : i32
    scf.for %scan3A_42 = %scan3A_36 to %scan3A_38 step %scan3A_39  : i32 {
      %mul3A_43 = arith.constant 2 : i32
      %mul3A_44 = arith.muli %scan3A_42, %mul3A_43 : i32
      %add3A_45 = arith.constant 0 : i32
      %add3A_46 = arith.addi %add3A_45, %mul3A_44 : i32
      %mul3A_47 = arith.constant 128 : i32
      %mul3A_48 = arith.muli %add3A_46, %mul3A_47 : i32
      %add3A_49 = arith.addi %mul3A_4, %mul3A_48 : i32
      %dma_wait3A = tpu.memref_slice %arg3[%add3A_49] : memref<163840xi32, #tpu.memory_space<hbm>> -> memref<128xi32, #tpu.memory_space<hbm>>
      %dma_wait3A_50 = tpu.memref_slice %arg3[%add3A_49] : memref<163840xi32, #tpu.memory_space<hbm>> -> memref<128xi32, #tpu.memory_space<hbm>>
      tpu.wait_dma2 semaphore(%arg11 : memref<!tpu.dma_semaphore, #tpu.memory_space<semaphore_mem>>) src(%dma_wait3A_50 : memref<128xi32, #tpu.memory_space<hbm>>) dst(%arg7 : memref<128xi32, #tpu.memory_space<vmem>>)
      %dma_wait3A_51 = arith.constant 0 : i32
      %dma_wait3A_52 = tpu.memref_slice %arg2[%add3A_49, %dma_wait3A_51] : memref<163840x16xf32, #tpu.memory_space<hbm>> -> memref<128x16xf32, #tpu.memory_space<hbm>>
      %dma_wait3A_53 = arith.constant 0 : i32
      %dma_wait3A_54 = tpu.memref_slice %arg2[%add3A_49, %dma_wait3A_53] : memref<163840x16xf32, #tpu.memory_space<hbm>> -> memref<128x16xf32, #tpu.memory_space<hbm>>
      tpu.wait_dma2 semaphore(%arg11 : memref<!tpu.dma_semaphore, #tpu.memory_space<semaphore_mem>>) src(%dma_wait3A_54 : memref<128x16xf32, #tpu.memory_space<hbm>>) dst(%arg9 : memref<128x16xf32, #tpu.memory_space<vmem>>)
      %scan3A_55 = arith.constant 0 : i32
      %scan3A_56 = arith.constant 8 : i32
      %scan3A_57 = arith.addi %scan3A_55, %scan3A_56 : i32
      %scan3A_58 = arith.constant 1 : i32
      scf.for %scan3A_84 = %scan3A_55 to %scan3A_57 step %scan3A_58  : i32 {
        %mul3A_85 = arith.constant 1 : i32
        %mul3A_86 = arith.muli %scan3A_84, %mul3A_85 : i32
        %add3A_87 = arith.constant 0 : i32
        %add3A_88 = arith.addi %add3A_87, %mul3A_86 : i32
        %mul3A_89 = arith.constant 16 : i32
        %mul3A_90 = arith.muli %add3A_88, %mul3A_89 : i32
        %get3A = arith.index_cast %mul3A_90 : i32 to index
        %get3A_91 = tpu.vector_load %arg7[%get3A] {strides = array<i32>} : memref<128xi32, #tpu.memory_space<vmem>>, vector<16xi32>,
        %sub3A = arith.constant 5000 : i32
        %sub3A_92 = vector.broadcast %sub3A : i32 to vector<16xi32>
        %sub3A_93 = arith.subi %get3A_91, %sub3A_92 : vector<16xi32>
        %shift_right_arithmetic3A = arith.constant 3 : i32
        %shift_right_arithmetic3A_94 = vector.broadcast %shift_right_arithmetic3A : i32 to vector<16xi32>
        %shift_right_arithmetic3A_95 = arith.shrsi %sub3A_93, %shift_right_arithmetic3A_94 : vector<16xi32>
        %and3A = arith.constant 7 : i32
        %and3A_96 = vector.broadcast %and3A : i32 to vector<16xi32>
        %and3A_97 = arith.andi %sub3A_93, %and3A_96 : vector<16xi32>
        %shift_left3A = arith.constant 4 : i32
        %shift_left3A_98 = vector.broadcast %shift_left3A : i32 to vector<16xi32>
        %shift_left3A_99 = arith.shli %and3A_97, %shift_left3A_98 : vector<16xi32>
        %ge3A = arith.constant 0 : i32
        %ge3A_100 = vector.broadcast %ge3A : i32 to vector<16xi32>
        %ge3A_101 = arith.cmpi sge, %sub3A_93, %ge3A_100 : vector<16xi32>
        %lt3A_102 = arith.constant 5000 : i32
        %lt3A_103 = vector.broadcast %lt3A_102 : i32 to vector<16xi32>
        %lt3A_104 = arith.cmpi slt, %sub3A_93, %lt3A_103 : vector<16xi32>
        %and3A_105 = arith.andi %ge3A_101, %lt3A_104 : vector<16xi1>
        %convert_element_type3A_106 = arith.extui %and3A_105 : vector<16xi1> to vector<16xi32>
        %broadcast_in_dim3A = arith.constant 0 : i32
        %broadcast_in_dim3A_107 = vector.broadcast %broadcast_in_dim3A : i32 to vector<16xi32>
        %lt3A_108 = arith.constant 0 : i32
        %lt3A_109 = vector.broadcast %lt3A_108 : i32 to vector<16xi32>
        %lt3A_110 = arith.cmpi slt, %broadcast_in_dim3A_107, %lt3A_109 : vector<16xi32>
        %add3A_111 = arith.constant 16 : i32
        %add3A_112 = vector.broadcast %add3A_111 : i32 to vector<16xi32>
        %add3A_113 = arith.addi %broadcast_in_dim3A_107, %add3A_112 : vector<16xi32>
        %select_n3A = arith.select %lt3A_110, %add3A_113, %broadcast_in_dim3A_107 : vector<16xi1>, vector<16xi32>
        %broadcast_in_dim3A_114 = vector.shape_cast %select_n3A : vector<16xi32> to vector<16x1xi32>
        %gather3A = vector.shape_cast %broadcast_in_dim3A_114 : vector<16x1xi32> to vector<16xi32>
        %gather3A_115 = tpu.dynamic_gather %shift_right_arithmetic3A_95[%gather3A] in [0] : vector<16xi32>, vector<16xi32> -> vector<16xi32>
        %lt3A_116 = arith.constant 0 : i32
        %lt3A_117 = vector.broadcast %lt3A_116 : i32 to vector<16xi32>
        %lt3A_118 = arith.cmpi slt, %broadcast_in_dim3A_107, %lt3A_117 : vector<16xi32>
        %add3A_119 = arith.constant 16 : i32
        %add3A_120 = vector.broadcast %add3A_119 : i32 to vector<16xi32>
        %add3A_121 = arith.addi %broadcast_in_dim3A_107, %add3A_120 : vector<16xi32>
        %select_n3A_122 = arith.select %lt3A_118, %add3A_121, %broadcast_in_dim3A_107 : vector<16xi1>, vector<16xi32>
        %broadcast_in_dim3A_123 = vector.shape_cast %select_n3A_122 : vector<16xi32> to vector<16x1xi32>
        %gather3A_124 = vector.shape_cast %broadcast_in_dim3A_123 : vector<16x1xi32> to vector<16xi32>
        %gather3A_125 = tpu.dynamic_gather %shift_left3A_99[%gather3A_124] in [0] : vector<16xi32>, vector<16xi32> -> vector<16xi32>
        %add3A_126 = arith.addi %gather3A_125, %iota3A : vector<16xi32>
        %lt3A_127 = arith.constant 0 : i32
        %lt3A_128 = vector.broadcast %lt3A_127 : i32 to vector<16xi32>
        %lt3A_129 = arith.cmpi slt, %broadcast_in_dim3A_107, %lt3A_128 : vector<16xi32>
        %add3A_130 = arith.constant 16 : i32
        %add3A_131 = vector.broadcast %add3A_130 : i32 to vector<16xi32>
        %add3A_132 = arith.addi %broadcast_in_dim3A_107, %add3A_131 : vector<16xi32>
        %select_n3A_133 = arith.select %lt3A_129, %add3A_132, %broadcast_in_dim3A_107 : vector<16xi1>, vector<16xi32>
        %broadcast_in_dim3A_134 = vector.shape_cast %select_n3A_133 : vector<16xi32> to vector<16x1xi32>
        %gather3A_135 = vector.shape_cast %broadcast_in_dim3A_134 : vector<16x1xi32> to vector<16xi32>
        %gather3A_136 = tpu.dynamic_gather %convert_element_type3A_106[%gather3A_135] in [0] : vector<16xi32>, vector<16xi32> -> vector<16xi32>
        %ne3A = arith.constant 0 : i32
        %ne3A_137 = vector.broadcast %ne3A : i32 to vector<16xi32>
        %ne3A_138 = arith.cmpi ne, %gather3A_136, %ne3A_137 : vector<16xi32>
        %mul3A_139 = arith.constant 16 : i32
        %mul3A_140 = arith.muli %add3A_88, %mul3A_139 : i32
        %add3A_141 = arith.constant 0 : i32
        %add3A_142 = arith.addi %mul3A_140, %add3A_141 : i32
        %get3A_143 = arith.index_cast %add3A_142 : i32 to index
        %get3A_144 = arith.constant 0 : index
        %get3A_145 = tpu.vector_load %arg9[%get3A_143, %get3A_144] {strides = array<i32>} : memref<128x16xf32, #tpu.memory_space<vmem>>, vector<16xf32>,
        tpu.vector_store_idx %arg6[%gather3A_115, %add3A_126], %get3A_145 masked %ne3A_138 {add = true} : memref<625x128xf32, #tpu.memory_space<vmem>>[vector<16xi32>, vector<16xi32>], vector<16xf32>, vector<16xi1>
        %broadcast_in_dim3A_146 = arith.constant 1 : i32
        %broadcast_in_dim3A_147 = vector.broadcast %broadcast_in_dim3A_146 : i32 to vector<16xi32>
        %lt3A_148 = arith.constant 0 : i32
        %lt3A_149 = vector.broadcast %lt3A_148 : i32 to vector<16xi32>
        %lt3A_150 = arith.cmpi slt, %broadcast_in_dim3A_147, %lt3A_149 : vector<16xi32>
        %add3A_151 = arith.constant 16 : i32
        %add3A_152 = vector.broadcast %add3A_151 : i32 to vector<16xi32>
        %add3A_153 = arith.addi %broadcast_in_dim3A_147, %add3A_152 : vector<16xi32>
        %select_n3A_154 = arith.select %lt3A_150, %add3A_153, %broadcast_in_dim3A_147 : vector<16xi1>, vector<16xi32>
        %broadcast_in_dim3A_155 = vector.shape_cast %select_n3A_154 : vector<16xi32> to vector<16x1xi32>
        %gather3A_156 = vector.shape_cast %broadcast_in_dim3A_155 : vector<16x1xi32> to vector<16xi32>
        %gather3A_157 = tpu.dynamic_gather %shift_right_arithmetic3A_95[%gather3A_156] in [0] : vector<16xi32>, vector<16xi32> -> vector<16xi32>
        %lt3A_158 = arith.constant 0 : i32
        %lt3A_159 = vector.broadcast %lt3A_158 : i32 to vector<16xi32>
        %lt3A_160 = arith.cmpi slt, %broadcast_in_dim3A_147, %lt3A_159 : vector<16xi32>
        %add3A_161 = arith.constant 16 : i32
        %add3A_162 = vector.broadcast %add3A_161 : i32 to vector<16xi32>
        %add3A_163 = arith.addi %broadcast_in_dim3A_147, %add3A_162 : vector<16xi32>
        %select_n3A_164 = arith.select %lt3A_160, %add3A_163, %broadcast_in_dim3A_147 : vector<16xi1>, vector<16xi32>
        %broadcast_in_dim3A_165 = vector.shape_cast %select_n3A_164 : vector<16xi32> to vector<16x1xi32>
        %gather3A_166 = vector.shape_cast %broadcast_in_dim3A_165 : vector<16x1xi32> to vector<16xi32>
        %gather3A_167 = tpu.dynamic_gather %shift_left3A_99[%gather3A_166] in [0] : vector<16xi32>, vector<16xi32> -> vector<16xi32>
        %add3A_168 = arith.addi %gather3A_167, %iota3A : vector<16xi32>
        %lt3A_169 = arith.constant 0 : i32
        %lt3A_170 = vector.broadcast %lt3A_169 : i32 to vector<16xi32>
        %lt3A_171 = arith.cmpi slt, %broadcast_in_dim3A_147, %lt3A_170 : vector<16xi32>
        %add3A_172 = arith.constant 16 : i32
        %add3A_173 = vector.broadcast %add3A_172 : i32 to vector<16xi32>
        %add3A_174 = arith.addi %broadcast_in_dim3A_147, %add3A_173 : vector<16xi32>
        %select_n3A_175 = arith.select %lt3A_171, %add3A_174, %broadcast_in_dim3A_147 : vector<16xi1>, vector<16xi32>
        %broadcast_in_dim3A_176 = vector.shape_cast %select_n3A_175 : vector<16xi32> to vector<16x1xi32>
        %gather3A_177 = vector.shape_cast %broadcast_in_dim3A_176 : vector<16x1xi32> to vector<16xi32>
        %gather3A_178 = tpu.dynamic_gather %convert_element_type3A_106[%gather3A_177] in [0] : vector<16xi32>, vector<16xi32> -> vector<16xi32>
        %ne3A_179 = arith.constant 0 : i32
        %ne3A_180 = vector.broadcast %ne3A_179 : i32 to vector<16xi32>
        %ne3A_181 = arith.cmpi ne, %gather3A_178, %ne3A_180 : vector<16xi32>
        %mul3A_182 = arith.constant 16 : i32
        %mul3A_183 = arith.muli %add3A_88, %mul3A_182 : i32
        %add3A_184 = arith.constant 1 : i32
        %add3A_185 = arith.addi %mul3A_183, %add3A_184 : i32
        %get3A_186 = arith.index_cast %add3A_185 : i32 to index
        %get3A_187 = arith.constant 0 : index
        %get3A_188 = tpu.vector_load %arg9[%get3A_186, %get3A_187] {strides = array<i32>} : memref<128x16xf32, #tpu.memory_space<vmem>>, vector<16xf32>,
        tpu.vector_store_idx %arg6[%gather3A_157, %add3A_168], %get3A_188 masked %ne3A_181 {add = true} : memref<625x128xf32, #tpu.memory_space<vmem>>[vector<16xi32>, vector<16xi32>], vector<16xf32>, vector<16xi1>
        %broadcast_in_dim3A_189 = arith.constant 2 : i32
        %broadcast_in_dim3A_190 = vector.broadcast %broadcast_in_dim3A_189 : i32 to vector<16xi32>
        %lt3A_191 = arith.constant 0 : i32
        %lt3A_192 = vector.broadcast %lt3A_191 : i32 to vector<16xi32>
        %lt3A_193 = arith.cmpi slt, %broadcast_in_dim3A_190, %lt3A_192 : vector<16xi32>
        %add3A_194 = arith.constant 16 : i32
        %add3A_195 = vector.broadcast %add3A_194 : i32 to vector<16xi32>
        %add3A_196 = arith.addi %broadcast_in_dim3A_190, %add3A_195 : vector<16xi32>
        %select_n3A_197 = arith.select %lt3A_193, %add3A_196, %broadcast_in_dim3A_190 : vector<16xi1>, vector<16xi32>
        %broadcast_in_dim3A_198 = vector.shape_cast %select_n3A_197 : vector<16xi32> to vector<16x1xi32>
        %gather3A_199 = vector.shape_cast %broadcast_in_dim3A_198 : vector<16x1xi32> to vector<16xi32>
        %gather3A_200 = tpu.dynamic_gather %shift_right_arithmetic3A_95[%gather3A_199] in [0] : vector<16xi32>, vector<16xi32> -> vector<16xi32>
        %lt3A_201 = arith.constant 0 : i32
        %lt3A_202 = vector.broadcast %lt3A_201 : i32 to vector<16xi32>
        %lt3A_203 = arith.cmpi slt, %broadcast_in_dim3A_190, %lt3A_202 : vector<16xi32>
        %add3A_204 = arith.constant 16 : i32
        %add3A_205 = vector.broadcast %add3A_204 : i32 to vector<16xi32>
        %add3A_206 = arith.addi %broadcast_in_dim3A_190, %add3A_205 : vector<16xi32>
        %select_n3A_207 = arith.select %lt3A_203, %add3A_206, %broadcast_in_dim3A_190 : vector<16xi1>, vector<16xi32>
        %broadcast_in_dim3A_208 = vector.shape_cast %select_n3A_207 : vector<16xi32> to vector<16x1xi32>
        %gather3A_209 = vector.shape_cast %broadcast_in_dim3A_208 : vector<16x1xi32> to vector<16xi32>
        %gather3A_210 = tpu.dynamic_gather %shift_left3A_99[%gather3A_209] in [0] : vector<16xi32>, vector<16xi32> -> vector<16xi32>
        %add3A_211 = arith.addi %gather3A_210, %iota3A : vector<16xi32>
        %lt3A_212 = arith.constant 0 : i32
        %lt3A_213 = vector.broadcast %lt3A_212 : i32 to vector<16xi32>
        %lt3A_214 = arith.cmpi slt, %broadcast_in_dim3A_190, %lt3A_213 : vector<16xi32>
        %add3A_215 = arith.constant 16 : i32
        %add3A_216 = vector.broadcast %add3A_215 : i32 to vector<16xi32>
        %add3A_217 = arith.addi %broadcast_in_dim3A_190, %add3A_216 : vector<16xi32>
        %select_n3A_218 = arith.select %lt3A_214, %add3A_217, %broadcast_in_dim3A_190 : vector<16xi1>, vector<16xi32>
        %broadcast_in_dim3A_219 = vector.shape_cast %select_n3A_218 : vector<16xi32> to vector<16x1xi32>
        %gather3A_220 = vector.shape_cast %broadcast_in_dim3A_219 : vector<16x1xi32> to vector<16xi32>
        %gather3A_221 = tpu.dynamic_gather %convert_element_type3A_106[%gather3A_220] in [0] : vector<16xi32>, vector<16xi32> -> vector<16xi32>
        %ne3A_222 = arith.constant 0 : i32
        %ne3A_223 = vector.broadcast %ne3A_222 : i32 to vector<16xi32>
        %ne3A_224 = arith.cmpi ne, %gather3A_221, %ne3A_223 : vector<16xi32>
        %mul3A_225 = arith.constant 16 : i32
        %mul3A_226 = arith.muli %add3A_88, %mul3A_225 : i32
        %add3A_227 = arith.constant 2 : i32
        %add3A_228 = arith.addi %mul3A_226, %add3A_227 : i32
        %get3A_229 = arith.index_cast %add3A_228 : i32 to index
        %get3A_230 = arith.constant 0 : index
        %get3A_231 = tpu.vector_load %arg9[%get3A_229, %get3A_230] {strides = array<i32>} : memref<128x16xf32, #tpu.memory_space<vmem>>, vector<16xf32>,
        tpu.vector_store_idx %arg6[%gather3A_200, %add3A_211], %get3A_231 masked %ne3A_224 {add = true} : memref<625x128xf32, #tpu.memory_space<vmem>>[vector<16xi32>, vector<16xi32>], vector<16xf32>, vector<16xi1>
        %broadcast_in_dim3A_232 = arith.constant 3 : i32
        %broadcast_in_dim3A_233 = vector.broadcast %broadcast_in_dim3A_232 : i32 to vector<16xi32>
        %lt3A_234 = arith.constant 0 : i32
        %lt3A_235 = vector.broadcast %lt3A_234 : i32 to vector<16xi32>
        %lt3A_236 = arith.cmpi slt, %broadcast_in_dim3A_233, %lt3A_235 : vector<16xi32>
        %add3A_237 = arith.constant 16 : i32
        %add3A_238 = vector.broadcast %add3A_237 : i32 to vector<16xi32>
        %add3A_239 = arith.addi %broadcast_in_dim3A_233, %add3A_238 : vector<16xi32>
        %select_n3A_240 = arith.select %lt3A_236, %add3A_239, %broadcast_in_dim3A_233 : vector<16xi1>, vector<16xi32>
        %broadcast_in_dim3A_241 = vector.shape_cast %select_n3A_240 : vector<16xi32> to vector<16x1xi32>
        %gather3A_242 = vector.shape_cast %broadcast_in_dim3A_241 : vector<16x1xi32> to vector<16xi32>
        %gather3A_243 = tpu.dynamic_gather %shift_right_arithmetic3A_95[%gather3A_242] in [0] : vector<16xi32>, vector<16xi32> -> vector<16xi32>
        %lt3A_244 = arith.constant 0 : i32
        %lt3A_245 = vector.broadcast %lt3A_244 : i32 to vector<16xi32>
        %lt3A_246 = arith.cmpi slt, %broadcast_in_dim3A_233, %lt3A_245 : vector<16xi32>
        %add3A_247 = arith.constant 16 : i32
        %add3A_248 = vector.broadcast %add3A_247 : i32 to vector<16xi32>
        %add3A_249 = arith.addi %broadcast_in_dim3A_233, %add3A_248 : vector<16xi32>
        %select_n3A_250 = arith.select %lt3A_246, %add3A_249, %broadcast_in_dim3A_233 : vector<16xi1>, vector<16xi32>
        %broadcast_in_dim3A_251 = vector.shape_cast %select_n3A_250 : vector<16xi32> to vector<16x1xi32>
        %gather3A_252 = vector.shape_cast %broadcast_in_dim3A_251 : vector<16x1xi32> to vector<16xi32>
        %gather3A_253 = tpu.dynamic_gather %shift_left3A_99[%gather3A_252] in [0] : vector<16xi32>, vector<16xi32> -> vector<16xi32>
        %add3A_254 = arith.addi %gather3A_253, %iota3A : vector<16xi32>
        %lt3A_255 = arith.constant 0 : i32
        %lt3A_256 = vector.broadcast %lt3A_255 : i32 to vector<16xi32>
        %lt3A_257 = arith.cmpi slt, %broadcast_in_dim3A_233, %lt3A_256 : vector<16xi32>
        %add3A_258 = arith.constant 16 : i32
        %add3A_259 = vector.broadcast %add3A_258 : i32 to vector<16xi32>
        %add3A_260 = arith.addi %broadcast_in_dim3A_233, %add3A_259 : vector<16xi32>
        %select_n3A_261 = arith.select %lt3A_257, %add3A_260, %broadcast_in_dim3A_233 : vector<16xi1>, vector<16xi32>
        %broadcast_in_dim3A_262 = vector.shape_cast %select_n3A_261 : vector<16xi32> to vector<16x1xi32>
        %gather3A_263 = vector.shape_cast %broadcast_in_dim3A_262 : vector<16x1xi32> to vector<16xi32>
        %gather3A_264 = tpu.dynamic_gather %convert_element_type3A_106[%gather3A_263] in [0] : vector<16xi32>, vector<16xi32> -> vector<16xi32>
        %ne3A_265 = arith.constant 0 : i32
        %ne3A_266 = vector.broadcast %ne3A_265 : i32 to vector<16xi32>
        %ne3A_267 = arith.cmpi ne, %gather3A_264, %ne3A_266 : vector<16xi32>
        %mul3A_268 = arith.constant 16 : i32
        %mul3A_269 = arith.muli %add3A_88, %mul3A_268 : i32
        %add3A_270 = arith.constant 3 : i32
        %add3A_271 = arith.addi %mul3A_269, %add3A_270 : i32
        %get3A_272 = arith.index_cast %add3A_271 : i32 to index
        %get3A_273 = arith.constant 0 : index
        %get3A_274 = tpu.vector_load %arg9[%get3A_272, %get3A_273] {strides = array<i32>} : memref<128x16xf32, #tpu.memory_space<vmem>>, vector<16xf32>,
        tpu.vector_store_idx %arg6[%gather3A_243, %add3A_254], %get3A_274 masked %ne3A_267 {add = true} : memref<625x128xf32, #tpu.memory_space<vmem>>[vector<16xi32>, vector<16xi32>], vector<16xf32>, vector<16xi1>
        %broadcast_in_dim3A_275 = arith.constant 4 : i32
        %broadcast_in_dim3A_276 = vector.broadcast %broadcast_in_dim3A_275 : i32 to vector<16xi32>
        %lt3A_277 = arith.constant 0 : i32
        %lt3A_278 = vector.broadcast %lt3A_277 : i32 to vector<16xi32>
        %lt3A_279 = arith.cmpi slt, %broadcast_in_dim3A_276, %lt3A_278 : vector<16xi32>
        %add3A_280 = arith.constant 16 : i32
        %add3A_281 = vector.broadcast %add3A_280 : i32 to vector<16xi32>
        %add3A_282 = arith.addi %broadcast_in_dim3A_276, %add3A_281 : vector<16xi32>
        %select_n3A_283 = arith.select %lt3A_279, %add3A_282, %broadcast_in_dim3A_276 : vector<16xi1>, vector<16xi32>
        %broadcast_in_dim3A_284 = vector.shape_cast %select_n3A_283 : vector<16xi32> to vector<16x1xi32>
        %gather3A_285 = vector.shape_cast %broadcast_in_dim3A_284 : vector<16x1xi32> to vector<16xi32>
        %gather3A_286 = tpu.dynamic_gather %shift_right_arithmetic3A_95[%gather3A_285] in [0] : vector<16xi32>, vector<16xi32> -> vector<16xi32>
        %lt3A_287 = arith.constant 0 : i32
        %lt3A_288 = vector.broadcast %lt3A_287 : i32 to vector<16xi32>
        %lt3A_289 = arith.cmpi slt, %broadcast_in_dim3A_276, %lt3A_288 : vector<16xi32>
        %add3A_290 = arith.constant 16 : i32
        %add3A_291 = vector.broadcast %add3A_290 : i32 to vector<16xi32>
        %add3A_292 = arith.addi %broadcast_in_dim3A_276, %add3A_291 : vector<16xi32>
        %select_n3A_293 = arith.select %lt3A_289, %add3A_292, %broadcast_in_dim3A_276 : vector<16xi1>, vector<16xi32>
        %broadcast_in_dim3A_294 = vector.shape_cast %select_n3A_293 : vector<16xi32> to vector<16x1xi32>
        %gather3A_295 = vector.shape_cast %broadcast_in_dim3A_294 : vector<16x1xi32> to vector<16xi32>
        %gather3A_296 = tpu.dynamic_gather %shift_left3A_99[%gather3A_295] in [0] : vector<16xi32>, vector<16xi32> -> vector<16xi32>
        %add3A_297 = arith.addi %gather3A_296, %iota3A : vector<16xi32>
        %lt3A_298 = arith.constant 0 : i32
        %lt3A_299 = vector.broadcast %lt3A_298 : i32 to vector<16xi32>
        %lt3A_300 = arith.cmpi slt, %broadcast_in_dim3A_276, %lt3A_299 : vector<16xi32>
        %add3A_301 = arith.constant 16 : i32
        %add3A_302 = vector.broadcast %add3A_301 : i32 to vector<16xi32>
        %add3A_303 = arith.addi %broadcast_in_dim3A_276, %add3A_302 : vector<16xi32>
        %select_n3A_304 = arith.select %lt3A_300, %add3A_303, %broadcast_in_dim3A_276 : vector<16xi1>, vector<16xi32>
        %broadcast_in_dim3A_305 = vector.shape_cast %select_n3A_304 : vector<16xi32> to vector<16x1xi32>
        %gather3A_306 = vector.shape_cast %broadcast_in_dim3A_305 : vector<16x1xi32> to vector<16xi32>
        %gather3A_307 = tpu.dynamic_gather %convert_element_type3A_106[%gather3A_306] in [0] : vector<16xi32>, vector<16xi32> -> vector<16xi32>
        %ne3A_308 = arith.constant 0 : i32
        %ne3A_309 = vector.broadcast %ne3A_308 : i32 to vector<16xi32>
        %ne3A_310 = arith.cmpi ne, %gather3A_307, %ne3A_309 : vector<16xi32>
        %mul3A_311 = arith.constant 16 : i32
        %mul3A_312 = arith.muli %add3A_88, %mul3A_311 : i32
        %add3A_313 = arith.constant 4 : i32
        %add3A_314 = arith.addi %mul3A_312, %add3A_313 : i32
        %get3A_315 = arith.index_cast %add3A_314 : i32 to index
        %get3A_316 = arith.constant 0 : index
        %get3A_317 = tpu.vector_load %arg9[%get3A_315, %get3A_316] {strides = array<i32>} : memref<128x16xf32, #tpu.memory_space<vmem>>, vector<16xf32>,
        tpu.vector_store_idx %arg6[%gather3A_286, %add3A_297], %get3A_317 masked %ne3A_310 {add = true} : memref<625x128xf32, #tpu.memory_space<vmem>>[vector<16xi32>, vector<16xi32>], vector<16xf32>, vector<16xi1>
        %broadcast_in_dim3A_318 = arith.constant 5 : i32
        %broadcast_in_dim3A_319 = vector.broadcast %broadcast_in_dim3A_318 : i32 to vector<16xi32>
        %lt3A_320 = arith.constant 0 : i32
        %lt3A_321 = vector.broadcast %lt3A_320 : i32 to vector<16xi32>
        %lt3A_322 = arith.cmpi slt, %broadcast_in_dim3A_319, %lt3A_321 : vector<16xi32>
        %add3A_323 = arith.constant 16 : i32
        %add3A_324 = vector.broadcast %add3A_323 : i32 to vector<16xi32>
        %add3A_325 = arith.addi %broadcast_in_dim3A_319, %add3A_324 : vector<16xi32>
        %select_n3A_326 = arith.select %lt3A_322, %add3A_325, %broadcast_in_dim3A_319 : vector<16xi1>, vector<16xi32>
        %broadcast_in_dim3A_327 = vector.shape_cast %select_n3A_326 : vector<16xi32> to vector<16x1xi32>
        %gather3A_328 = vector.shape_cast %broadcast_in_dim3A_327 : vector<16x1xi32> to vector<16xi32>
        %gather3A_329 = tpu.dynamic_gather %shift_right_arithmetic3A_95[%gather3A_328] in [0] : vector<16xi32>, vector<16xi32> -> vector<16xi32>
        %lt3A_330 = arith.constant 0 : i32
        %lt3A_331 = vector.broadcast %lt3A_330 : i32 to vector<16xi32>
        %lt3A_332 = arith.cmpi slt, %broadcast_in_dim3A_319, %lt3A_331 : vector<16xi32>
        %add3A_333 = arith.constant 16 : i32
        %add3A_334 = vector.broadcast %add3A_333 : i32 to vector<16xi32>
        %add3A_335 = arith.addi %broadcast_in_dim3A_319, %add3A_334 : vector<16xi32>
        %select_n3A_336 = arith.select %lt3A_332, %add3A_335, %broadcast_in_dim3A_319 : vector<16xi1>, vector<16xi32>
        %broadcast_in_dim3A_337 = vector.shape_cast %select_n3A_336 : vector<16xi32> to vector<16x1xi32>
        %gather3A_338 = vector.shape_cast %broadcast_in_dim3A_337 : vector<16x1xi32> to vector<16xi32>
        %gather3A_339 = tpu.dynamic_gather %shift_left3A_99[%gather3A_338] in [0] : vector<16xi32>, vector<16xi32> -> vector<16xi32>
        %add3A_340 = arith.addi %gather3A_339, %iota3A : vector<16xi32>
        %lt3A_341 = arith.constant 0 : i32
        %lt3A_342 = vector.broadcast %lt3A_341 : i32 to vector<16xi32>
        %lt3A_343 = arith.cmpi slt, %broadcast_in_dim3A_319, %lt3A_342 : vector<16xi32>
        %add3A_344 = arith.constant 16 : i32
        %add3A_345 = vector.broadcast %add3A_344 : i32 to vector<16xi32>
        %add3A_346 = arith.addi %broadcast_in_dim3A_319, %add3A_345 : vector<16xi32>
        %select_n3A_347 = arith.select %lt3A_343, %add3A_346, %broadcast_in_dim3A_319 : vector<16xi1>, vector<16xi32>
        %broadcast_in_dim3A_348 = vector.shape_cast %select_n3A_347 : vector<16xi32> to vector<16x1xi32>
        %gather3A_349 = vector.shape_cast %broadcast_in_dim3A_348 : vector<16x1xi32> to vector<16xi32>
        %gather3A_350 = tpu.dynamic_gather %convert_element_type3A_106[%gather3A_349] in [0] : vector<16xi32>, vector<16xi32> -> vector<16xi32>
        %ne3A_351 = arith.constant 0 : i32
        %ne3A_352 = vector.broadcast %ne3A_351 : i32 to vector<16xi32>
        %ne3A_353 = arith.cmpi ne, %gather3A_350, %ne3A_352 : vector<16xi32>
        %mul3A_354 = arith.constant 16 : i32
        %mul3A_355 = arith.muli %add3A_88, %mul3A_354 : i32
        %add3A_356 = arith.constant 5 : i32
        %add3A_357 = arith.addi %mul3A_355, %add3A_356 : i32
        %get3A_358 = arith.index_cast %add3A_357 : i32 to index
        %get3A_359 = arith.constant 0 : index
        %get3A_360 = tpu.vector_load %arg9[%get3A_358, %get3A_359] {strides = array<i32>} : memref<128x16xf32, #tpu.memory_space<vmem>>, vector<16xf32>,
        tpu.vector_store_idx %arg6[%gather3A_329, %add3A_340], %get3A_360 masked %ne3A_353 {add = true} : memref<625x128xf32, #tpu.memory_space<vmem>>[vector<16xi32>, vector<16xi32>], vector<16xf32>, vector<16xi1>
        %broadcast_in_dim3A_361 = arith.constant 6 : i32
        %broadcast_in_dim3A_362 = vector.broadcast %broadcast_in_dim3A_361 : i32 to vector<16xi32>
        %lt3A_363 = arith.constant 0 : i32
        %lt3A_364 = vector.broadcast %lt3A_363 : i32 to vector<16xi32>
        %lt3A_365 = arith.cmpi slt, %broadcast_in_dim3A_362, %lt3A_364 : vector<16xi32>
        %add3A_366 = arith.constant 16 : i32
        %add3A_367 = vector.broadcast %add3A_366 : i32 to vector<16xi32>
        %add3A_368 = arith.addi %broadcast_in_dim3A_362, %add3A_367 : vector<16xi32>
        %select_n3A_369 = arith.select %lt3A_365, %add3A_368, %broadcast_in_dim3A_362 : vector<16xi1>, vector<16xi32>
        %broadcast_in_dim3A_370 = vector.shape_cast %select_n3A_369 : vector<16xi32> to vector<16x1xi32>
        %gather3A_371 = vector.shape_cast %broadcast_in_dim3A_370 : vector<16x1xi32> to vector<16xi32>
        %gather3A_372 = tpu.dynamic_gather %shift_right_arithmetic3A_95[%gather3A_371] in [0] : vector<16xi32>, vector<16xi32> -> vector<16xi32>
        %lt3A_373 = arith.constant 0 : i32
        %lt3A_374 = vector.broadcast %lt3A_373 : i32 to vector<16xi32>
        %lt3A_375 = arith.cmpi slt, %broadcast_in_dim3A_362, %lt3A_374 : vector<16xi32>
        %add3A_376 = arith.constant 16 : i32
        %add3A_377 = vector.broadcast %add3A_376 : i32 to vector<16xi32>
        %add3A_378 = arith.addi %broadcast_in_dim3A_362, %add3A_377 : vector<16xi32>
        %select_n3A_379 = arith.select %lt3A_375, %add3A_378, %broadcast_in_dim3A_362 : vector<16xi1>, vector<16xi32>
        %broadcast_in_dim3A_380 = vector.shape_cast %select_n3A_379 : vector<16xi32> to vector<16x1xi32>
        %gather3A_381 = vector.shape_cast %broadcast_in_dim3A_380 : vector<16x1xi32> to vector<16xi32>
        %gather3A_382 = tpu.dynamic_gather %shift_left3A_99[%gather3A_381] in [0] : vector<16xi32>, vector<16xi32> -> vector<16xi32>
        %add3A_383 = arith.addi %gather3A_382, %iota3A : vector<16xi32>
        %lt3A_384 = arith.constant 0 : i32
        %lt3A_385 = vector.broadcast %lt3A_384 : i32 to vector<16xi32>
        %lt3A_386 = arith.cmpi slt, %broadcast_in_dim3A_362, %lt3A_385 : vector<16xi32>
        %add3A_387 = arith.constant 16 : i32
        %add3A_388 = vector.broadcast %add3A_387 : i32 to vector<16xi32>
        %add3A_389 = arith.addi %broadcast_in_dim3A_362, %add3A_388 : vector<16xi32>
        %select_n3A_390 = arith.select %lt3A_386, %add3A_389, %broadcast_in_dim3A_362 : vector<16xi1>, vector<16xi32>
        %broadcast_in_dim3A_391 = vector.shape_cast %select_n3A_390 : vector<16xi32> to vector<16x1xi32>
        %gather3A_392 = vector.shape_cast %broadcast_in_dim3A_391 : vector<16x1xi32> to vector<16xi32>
        %gather3A_393 = tpu.dynamic_gather %convert_element_type3A_106[%gather3A_392] in [0] : vector<16xi32>, vector<16xi32> -> vector<16xi32>
        %ne3A_394 = arith.constant 0 : i32
        %ne3A_395 = vector.broadcast %ne3A_394 : i32 to vector<16xi32>
        %ne3A_396 = arith.cmpi ne, %gather3A_393, %ne3A_395 : vector<16xi32>
        %mul3A_397 = arith.constant 16 : i32
        %mul3A_398 = arith.muli %add3A_88, %mul3A_397 : i32
        %add3A_399 = arith.constant 6 : i32
        %add3A_400 = arith.addi %mul3A_398, %add3A_399 : i32
        %get3A_401 = arith.index_cast %add3A_400 : i32 to index
        %get3A_402 = arith.constant 0 : index
        %get3A_403 = tpu.vector_load %arg9[%get3A_401, %get3A_402] {strides = array<i32>} : memref<128x16xf32, #tpu.memory_space<vmem>>, vector<16xf32>,
        tpu.vector_store_idx %arg6[%gather3A_372, %add3A_383], %get3A_403 masked %ne3A_396 {add = true} : memref<625x128xf32, #tpu.memory_space<vmem>>[vector<16xi32>, vector<16xi32>], vector<16xf32>, vector<16xi1>
        %broadcast_in_dim3A_404 = arith.constant 7 : i32
        %broadcast_in_dim3A_405 = vector.broadcast %broadcast_in_dim3A_404 : i32 to vector<16xi32>
        %lt3A_406 = arith.constant 0 : i32
        %lt3A_407 = vector.broadcast %lt3A_406 : i32 to vector<16xi32>
        %lt3A_408 = arith.cmpi slt, %broadcast_in_dim3A_405, %lt3A_407 : vector<16xi32>
        %add3A_409 = arith.constant 16 : i32
        %add3A_410 = vector.broadcast %add3A_409 : i32 to vector<16xi32>
        %add3A_411 = arith.addi %broadcast_in_dim3A_405, %add3A_410 : vector<16xi32>
        %select_n3A_412 = arith.select %lt3A_408, %add3A_411, %broadcast_in_dim3A_405 : vector<16xi1>, vector<16xi32>
        %broadcast_in_dim3A_413 = vector.shape_cast %select_n3A_412 : vector<16xi32> to vector<16x1xi32>
        %gather3A_414 = vector.shape_cast %broadcast_in_dim3A_413 : vector<16x1xi32> to vector<16xi32>
        %gather3A_415 = tpu.dynamic_gather %shift_right_arithmetic3A_95[%gather3A_414] in [0] : vector<16xi32>, vector<16xi32> -> vector<16xi32>
        %lt3A_416 = arith.constant 0 : i32
        %lt3A_417 = vector.broadcast %lt3A_416 : i32 to vector<16xi32>
        %lt3A_418 = arith.cmpi slt, %broadcast_in_dim3A_405, %lt3A_417 : vector<16xi32>
        %add3A_419 = arith.constant 16 : i32
        %add3A_420 = vector.broadcast %add3A_419 : i32 to vector<16xi32>
        %add3A_421 = arith.addi %broadcast_in_dim3A_405, %add3A_420 : vector<16xi32>
        %select_n3A_422 = arith.select %lt3A_418, %add3A_421, %broadcast_in_dim3A_405 : vector<16xi1>, vector<16xi32>
        %broadcast_in_dim3A_423 = vector.shape_cast %select_n3A_422 : vector<16xi32> to vector<16x1xi32>
        %gather3A_424 = vector.shape_cast %broadcast_in_dim3A_423 : vector<16x1xi32> to vector<16xi32>
        %gather3A_425 = tpu.dynamic_gather %shift_left3A_99[%gather3A_424] in [0] : vector<16xi32>, vector<16xi32> -> vector<16xi32>
        %add3A_426 = arith.addi %gather3A_425, %iota3A : vector<16xi32>
        %lt3A_427 = arith.constant 0 : i32
        %lt3A_428 = vector.broadcast %lt3A_427 : i32 to vector<16xi32>
        %lt3A_429 = arith.cmpi slt, %broadcast_in_dim3A_405, %lt3A_428 : vector<16xi32>
        %add3A_430 = arith.constant 16 : i32
        %add3A_431 = vector.broadcast %add3A_430 : i32 to vector<16xi32>
        %add3A_432 = arith.addi %broadcast_in_dim3A_405, %add3A_431 : vector<16xi32>
        %select_n3A_433 = arith.select %lt3A_429, %add3A_432, %broadcast_in_dim3A_405 : vector<16xi1>, vector<16xi32>
        %broadcast_in_dim3A_434 = vector.shape_cast %select_n3A_433 : vector<16xi32> to vector<16x1xi32>
        %gather3A_435 = vector.shape_cast %broadcast_in_dim3A_434 : vector<16x1xi32> to vector<16xi32>
        %gather3A_436 = tpu.dynamic_gather %convert_element_type3A_106[%gather3A_435] in [0] : vector<16xi32>, vector<16xi32> -> vector<16xi32>
        %ne3A_437 = arith.constant 0 : i32
        %ne3A_438 = vector.broadcast %ne3A_437 : i32 to vector<16xi32>
        %ne3A_439 = arith.cmpi ne, %gather3A_436, %ne3A_438 : vector<16xi32>
        %mul3A_440 = arith.constant 16 : i32
        %mul3A_441 = arith.muli %add3A_88, %mul3A_440 : i32
        %add3A_442 = arith.constant 7 : i32
        %add3A_443 = arith.addi %mul3A_441, %add3A_442 : i32
        %get3A_444 = arith.index_cast %add3A_443 : i32 to index
        %get3A_445 = arith.constant 0 : index
        %get3A_446 = tpu.vector_load %arg9[%get3A_444, %get3A_445] {strides = array<i32>} : memref<128x16xf32, #tpu.memory_space<vmem>>, vector<16xf32>,
        tpu.vector_store_idx %arg6[%gather3A_415, %add3A_426], %get3A_446 masked %ne3A_439 {add = true} : memref<625x128xf32, #tpu.memory_space<vmem>>[vector<16xi32>, vector<16xi32>], vector<16xf32>, vector<16xi1>
        %broadcast_in_dim3A_447 = arith.constant 8 : i32
        %broadcast_in_dim3A_448 = vector.broadcast %broadcast_in_dim3A_447 : i32 to vector<16xi32>
        %lt3A_449 = arith.constant 0 : i32
        %lt3A_450 = vector.broadcast %lt3A_449 : i32 to vector<16xi32>
        %lt3A_451 = arith.cmpi slt, %broadcast_in_dim3A_448, %lt3A_450 : vector<16xi32>
        %add3A_452 = arith.constant 16 : i32
        %add3A_453 = vector.broadcast %add3A_452 : i32 to vector<16xi32>
        %add3A_454 = arith.addi %broadcast_in_dim3A_448, %add3A_453 : vector<16xi32>
        %select_n3A_455 = arith.select %lt3A_451, %add3A_454, %broadcast_in_dim3A_448 : vector<16xi1>, vector<16xi32>
        %broadcast_in_dim3A_456 = vector.shape_cast %select_n3A_455 : vector<16xi32> to vector<16x1xi32>
        %gather3A_457 = vector.shape_cast %broadcast_in_dim3A_456 : vector<16x1xi32> to vector<16xi32>
        %gather3A_458 = tpu.dynamic_gather %shift_right_arithmetic3A_95[%gather3A_457] in [0] : vector<16xi32>, vector<16xi32> -> vector<16xi32>
        %lt3A_459 = arith.constant 0 : i32
        %lt3A_460 = vector.broadcast %lt3A_459 : i32 to vector<16xi32>
        %lt3A_461 = arith.cmpi slt, %broadcast_in_dim3A_448, %lt3A_460 : vector<16xi32>
        %add3A_462 = arith.constant 16 : i32
        %add3A_463 = vector.broadcast %add3A_462 : i32 to vector<16xi32>
        %add3A_464 = arith.addi %broadcast_in_dim3A_448, %add3A_463 : vector<16xi32>
        %select_n3A_465 = arith.select %lt3A_461, %add3A_464, %broadcast_in_dim3A_448 : vector<16xi1>, vector<16xi32>
        %broadcast_in_dim3A_466 = vector.shape_cast %select_n3A_465 : vector<16xi32> to vector<16x1xi32>
        %gather3A_467 = vector.shape_cast %broadcast_in_dim3A_466 : vector<16x1xi32> to vector<16xi32>
        %gather3A_468 = tpu.dynamic_gather %shift_left3A_99[%gather3A_467] in [0] : vector<16xi32>, vector<16xi32> -> vector<16xi32>
        %add3A_469 = arith.addi %gather3A_468, %iota3A : vector<16xi32>
        %lt3A_470 = arith.constant 0 : i32
        %lt3A_471 = vector.broadcast %lt3A_470 : i32 to vector<16xi32>
        %lt3A_472 = arith.cmpi slt, %broadcast_in_dim3A_448, %lt3A_471 : vector<16xi32>
        %add3A_473 = arith.constant 16 : i32
        %add3A_474 = vector.broadcast %add3A_473 : i32 to vector<16xi32>
        %add3A_475 = arith.addi %broadcast_in_dim3A_448, %add3A_474 : vector<16xi32>
        %select_n3A_476 = arith.select %lt3A_472, %add3A_475, %broadcast_in_dim3A_448 : vector<16xi1>, vector<16xi32>
        %broadcast_in_dim3A_477 = vector.shape_cast %select_n3A_476 : vector<16xi32> to vector<16x1xi32>
        %gather3A_478 = vector.shape_cast %broadcast_in_dim3A_477 : vector<16x1xi32> to vector<16xi32>
        %gather3A_479 = tpu.dynamic_gather %convert_element_type3A_106[%gather3A_478] in [0] : vector<16xi32>, vector<16xi32> -> vector<16xi32>
        %ne3A_480 = arith.constant 0 : i32
        %ne3A_481 = vector.broadcast %ne3A_480 : i32 to vector<16xi32>
        %ne3A_482 = arith.cmpi ne, %gather3A_479, %ne3A_481 : vector<16xi32>
        %mul3A_483 = arith.constant 16 : i32
        %mul3A_484 = arith.muli %add3A_88, %mul3A_483 : i32
        %add3A_485 = arith.constant 8 : i32
        %add3A_486 = arith.addi %mul3A_484, %add3A_485 : i32
        %get3A_487 = arith.index_cast %add3A_486 : i32 to index
        %get3A_488 = arith.constant 0 : index
        %get3A_489 = tpu.vector_load %arg9[%get3A_487, %get3A_488] {strides = array<i32>} : memref<128x16xf32, #tpu.memory_space<vmem>>, vector<16xf32>,
        tpu.vector_store_idx %arg6[%gather3A_458, %add3A_469], %get3A_489 masked %ne3A_482 {add = true} : memref<625x128xf32, #tpu.memory_space<vmem>>[vector<16xi32>, vector<16xi32>], vector<16xf32>, vector<16xi1>
        %broadcast_in_dim3A_490 = arith.constant 9 : i32
        %broadcast_in_dim3A_491 = vector.broadcast %broadcast_in_dim3A_490 : i32 to vector<16xi32>
        %lt3A_492 = arith.constant 0 : i32
        %lt3A_493 = vector.broadcast %lt3A_492 : i32 to vector<16xi32>
        %lt3A_494 = arith.cmpi slt, %broadcast_in_dim3A_491, %lt3A_493 : vector<16xi32>
        %add3A_495 = arith.constant 16 : i32
        %add3A_496 = vector.broadcast %add3A_495 : i32 to vector<16xi32>
        %add3A_497 = arith.addi %broadcast_in_dim3A_491, %add3A_496 : vector<16xi32>
        %select_n3A_498 = arith.select %lt3A_494, %add3A_497, %broadcast_in_dim3A_491 : vector<16xi1>, vector<16xi32>
        %broadcast_in_dim3A_499 = vector.shape_cast %select_n3A_498 : vector<16xi32> to vector<16x1xi32>
        %gather3A_500 = vector.shape_cast %broadcast_in_dim3A_499 : vector<16x1xi32> to vector<16xi32>
        %gather3A_501 = tpu.dynamic_gather %shift_right_arithmetic3A_95[%gather3A_500] in [0] : vector<16xi32>, vector<16xi32> -> vector<16xi32>
        %lt3A_502 = arith.constant 0 : i32
        %lt3A_503 = vector.broadcast %lt3A_502 : i32 to vector<16xi32>
        %lt3A_504 = arith.cmpi slt, %broadcast_in_dim3A_491, %lt3A_503 : vector<16xi32>
        %add3A_505 = arith.constant 16 : i32
        %add3A_506 = vector.broadcast %add3A_505 : i32 to vector<16xi32>
        %add3A_507 = arith.addi %broadcast_in_dim3A_491, %add3A_506 : vector<16xi32>
        %select_n3A_508 = arith.select %lt3A_504, %add3A_507, %broadcast_in_dim3A_491 : vector<16xi1>, vector<16xi32>
        %broadcast_in_dim3A_509 = vector.shape_cast %select_n3A_508 : vector<16xi32> to vector<16x1xi32>
        %gather3A_510 = vector.shape_cast %broadcast_in_dim3A_509 : vector<16x1xi32> to vector<16xi32>
        %gather3A_511 = tpu.dynamic_gather %shift_left3A_99[%gather3A_510] in [0] : vector<16xi32>, vector<16xi32> -> vector<16xi32>
        %add3A_512 = arith.addi %gather3A_511, %iota3A : vector<16xi32>
        %lt3A_513 = arith.constant 0 : i32
        %lt3A_514 = vector.broadcast %lt3A_513 : i32 to vector<16xi32>
        %lt3A_515 = arith.cmpi slt, %broadcast_in_dim3A_491, %lt3A_514 : vector<16xi32>
        %add3A_516 = arith.constant 16 : i32
        %add3A_517 = vector.broadcast %add3A_516 : i32 to vector<16xi32>
        %add3A_518 = arith.addi %broadcast_in_dim3A_491, %add3A_517 : vector<16xi32>
        %select_n3A_519 = arith.select %lt3A_515, %add3A_518, %broadcast_in_dim3A_491 : vector<16xi1>, vector<16xi32>
        %broadcast_in_dim3A_520 = vector.shape_cast %select_n3A_519 : vector<16xi32> to vector<16x1xi32>
        %gather3A_521 = vector.shape_cast %broadcast_in_dim3A_520 : vector<16x1xi32> to vector<16xi32>
        %gather3A_522 = tpu.dynamic_gather %convert_element_type3A_106[%gather3A_521] in [0] : vector<16xi32>, vector<16xi32> -> vector<16xi32>
        %ne3A_523 = arith.constant 0 : i32
        %ne3A_524 = vector.broadcast %ne3A_523 : i32 to vector<16xi32>
        %ne3A_525 = arith.cmpi ne, %gather3A_522, %ne3A_524 : vector<16xi32>
        %mul3A_526 = arith.constant 16 : i32
        %mul3A_527 = arith.muli %add3A_88, %mul3A_526 : i32
        %add3A_528 = arith.constant 9 : i32
        %add3A_529 = arith.addi %mul3A_527, %add3A_528 : i32
        %get3A_530 = arith.index_cast %add3A_529 : i32 to index
        %get3A_531 = arith.constant 0 : index
        %get3A_532 = tpu.vector_load %arg9[%get3A_530, %get3A_531] {strides = array<i32>} : memref<128x16xf32, #tpu.memory_space<vmem>>, vector<16xf32>,
        tpu.vector_store_idx %arg6[%gather3A_501, %add3A_512], %get3A_532 masked %ne3A_525 {add = true} : memref<625x128xf32, #tpu.memory_space<vmem>>[vector<16xi32>, vector<16xi32>], vector<16xf32>, vector<16xi1>
        %broadcast_in_dim3A_533 = arith.constant 10 : i32
        %broadcast_in_dim3A_534 = vector.broadcast %broadcast_in_dim3A_533 : i32 to vector<16xi32>
        %lt3A_535 = arith.constant 0 : i32
        %lt3A_536 = vector.broadcast %lt3A_535 : i32 to vector<16xi32>
        %lt3A_537 = arith.cmpi slt, %broadcast_in_dim3A_534, %lt3A_536 : vector<16xi32>
        %add3A_538 = arith.constant 16 : i32
        %add3A_539 = vector.broadcast %add3A_538 : i32 to vector<16xi32>
        %add3A_540 = arith.addi %broadcast_in_dim3A_534, %add3A_539 : vector<16xi32>
        %select_n3A_541 = arith.select %lt3A_537, %add3A_540, %broadcast_in_dim3A_534 : vector<16xi1>, vector<16xi32>
        %broadcast_in_dim3A_542 = vector.shape_cast %select_n3A_541 : vector<16xi32> to vector<16x1xi32>
        %gather3A_543 = vector.shape_cast %broadcast_in_dim3A_542 : vector<16x1xi32> to vector<16xi32>
        %gather3A_544 = tpu.dynamic_gather %shift_right_arithmetic3A_95[%gather3A_543] in [0] : vector<16xi32>, vector<16xi32> -> vector<16xi32>
        %lt3A_545 = arith.constant 0 : i32
        %lt3A_546 = vector.broadcast %lt3A_545 : i32 to vector<16xi32>
        %lt3A_547 = arith.cmpi slt, %broadcast_in_dim3A_534, %lt3A_546 : vector<16xi32>
        %add3A_548 = arith.constant 16 : i32
        %add3A_549 = vector.broadcast %add3A_548 : i32 to vector<16xi32>
        %add3A_550 = arith.addi %broadcast_in_dim3A_534, %add3A_549 : vector<16xi32>
        %select_n3A_551 = arith.select %lt3A_547, %add3A_550, %broadcast_in_dim3A_534 : vector<16xi1>, vector<16xi32>
        %broadcast_in_dim3A_552 = vector.shape_cast %select_n3A_551 : vector<16xi32> to vector<16x1xi32>
        %gather3A_553 = vector.shape_cast %broadcast_in_dim3A_552 : vector<16x1xi32> to vector<16xi32>
        %gather3A_554 = tpu.dynamic_gather %shift_left3A_99[%gather3A_553] in [0] : vector<16xi32>, vector<16xi32> -> vector<16xi32>
        %add3A_555 = arith.addi %gather3A_554, %iota3A : vector<16xi32>
        %lt3A_556 = arith.constant 0 : i32
        %lt3A_557 = vector.broadcast %lt3A_556 : i32 to vector<16xi32>
        %lt3A_558 = arith.cmpi slt, %broadcast_in_dim3A_534, %lt3A_557 : vector<16xi32>
        %add3A_559 = arith.constant 16 : i32
        %add3A_560 = vector.broadcast %add3A_559 : i32 to vector<16xi32>
        %add3A_561 = arith.addi %broadcast_in_dim3A_534, %add3A_560 : vector<16xi32>
        %select_n3A_562 = arith.select %lt3A_558, %add3A_561, %broadcast_in_dim3A_534 : vector<16xi1>, vector<16xi32>
        %broadcast_in_dim3A_563 = vector.shape_cast %select_n3A_562 : vector<16xi32> to vector<16x1xi32>
        %gather3A_564 = vector.shape_cast %broadcast_in_dim3A_563 : vector<16x1xi32> to vector<16xi32>
        %gather3A_565 = tpu.dynamic_gather %convert_element_type3A_106[%gather3A_564] in [0] : vector<16xi32>, vector<16xi32> -> vector<16xi32>
        %ne3A_566 = arith.constant 0 : i32
        %ne3A_567 = vector.broadcast %ne3A_566 : i32 to vector<16xi32>
        %ne3A_568 = arith.cmpi ne, %gather3A_565, %ne3A_567 : vector<16xi32>
        %mul3A_569 = arith.constant 16 : i32
        %mul3A_570 = arith.muli %add3A_88, %mul3A_569 : i32
        %add3A_571 = arith.constant 10 : i32
        %add3A_572 = arith.addi %mul3A_570, %add3A_571 : i32
        %get3A_573 = arith.index_cast %add3A_572 : i32 to index
        %get3A_574 = arith.constant 0 : index
        %get3A_575 = tpu.vector_load %arg9[%get3A_573, %get3A_574] {strides = array<i32>} : memref<128x16xf32, #tpu.memory_space<vmem>>, vector<16xf32>,
        tpu.vector_store_idx %arg6[%gather3A_544, %add3A_555], %get3A_575 masked %ne3A_568 {add = true} : memref<625x128xf32, #tpu.memory_space<vmem>>[vector<16xi32>, vector<16xi32>], vector<16xf32>, vector<16xi1>
        %broadcast_in_dim3A_576 = arith.constant 11 : i32
        %broadcast_in_dim3A_577 = vector.broadcast %broadcast_in_dim3A_576 : i32 to vector<16xi32>
        %lt3A_578 = arith.constant 0 : i32
        %lt3A_579 = vector.broadcast %lt3A_578 : i32 to vector<16xi32>
        %lt3A_580 = arith.cmpi slt, %broadcast_in_dim3A_577, %lt3A_579 : vector<16xi32>
        %add3A_581 = arith.constant 16 : i32
        %add3A_582 = vector.broadcast %add3A_581 : i32 to vector<16xi32>
        %add3A_583 = arith.addi %broadcast_in_dim3A_577, %add3A_582 : vector<16xi32>
        %select_n3A_584 = arith.select %lt3A_580, %add3A_583, %broadcast_in_dim3A_577 : vector<16xi1>, vector<16xi32>
        %broadcast_in_dim3A_585 = vector.shape_cast %select_n3A_584 : vector<16xi32> to vector<16x1xi32>
        %gather3A_586 = vector.shape_cast %broadcast_in_dim3A_585 : vector<16x1xi32> to vector<16xi32>
        %gather3A_587 = tpu.dynamic_gather %shift_right_arithmetic3A_95[%gather3A_586] in [0] : vector<16xi32>, vector<16xi32> -> vector<16xi32>
        %lt3A_588 = arith.constant 0 : i32
        %lt3A_589 = vector.broadcast %lt3A_588 : i32 to vector<16xi32>
        %lt3A_590 = arith.cmpi slt, %broadcast_in_dim3A_577, %lt3A_589 : vector<16xi32>
        %add3A_591 = arith.constant 16 : i32
        %add3A_592 = vector.broadcast %add3A_591 : i32 to vector<16xi32>
        %add3A_593 = arith.addi %broadcast_in_dim3A_577, %add3A_592 : vector<16xi32>
        %select_n3A_594 = arith.select %lt3A_590, %add3A_593, %broadcast_in_dim3A_577 : vector<16xi1>, vector<16xi32>
        %broadcast_in_dim3A_595 = vector.shape_cast %select_n3A_594 : vector<16xi32> to vector<16x1xi32>
        %gather3A_596 = vector.shape_cast %broadcast_in_dim3A_595 : vector<16x1xi32> to vector<16xi32>
        %gather3A_597 = tpu.dynamic_gather %shift_left3A_99[%gather3A_596] in [0] : vector<16xi32>, vector<16xi32> -> vector<16xi32>
        %add3A_598 = arith.addi %gather3A_597, %iota3A : vector<16xi32>
        %lt3A_599 = arith.constant 0 : i32
        %lt3A_600 = vector.broadcast %lt3A_599 : i32 to vector<16xi32>
        %lt3A_601 = arith.cmpi slt, %broadcast_in_dim3A_577, %lt3A_600 : vector<16xi32>
        %add3A_602 = arith.constant 16 : i32
        %add3A_603 = vector.broadcast %add3A_602 : i32 to vector<16xi32>
        %add3A_604 = arith.addi %broadcast_in_dim3A_577, %add3A_603 : vector<16xi32>
        %select_n3A_605 = arith.select %lt3A_601, %add3A_604, %broadcast_in_dim3A_577 : vector<16xi1>, vector<16xi32>
        %broadcast_in_dim3A_606 = vector.shape_cast %select_n3A_605 : vector<16xi32> to vector<16x1xi32>
        %gather3A_607 = vector.shape_cast %broadcast_in_dim3A_606 : vector<16x1xi32> to vector<16xi32>
        %gather3A_608 = tpu.dynamic_gather %convert_element_type3A_106[%gather3A_607] in [0] : vector<16xi32>, vector<16xi32> -> vector<16xi32>
        %ne3A_609 = arith.constant 0 : i32
        %ne3A_610 = vector.broadcast %ne3A_609 : i32 to vector<16xi32>
        %ne3A_611 = arith.cmpi ne, %gather3A_608, %ne3A_610 : vector<16xi32>
        %mul3A_612 = arith.constant 16 : i32
        %mul3A_613 = arith.muli %add3A_88, %mul3A_612 : i32
        %add3A_614 = arith.constant 11 : i32
        %add3A_615 = arith.addi %mul3A_613, %add3A_614 : i32
        %get3A_616 = arith.index_cast %add3A_615 : i32 to index
        %get3A_617 = arith.constant 0 : index
        %get3A_618 = tpu.vector_load %arg9[%get3A_616, %get3A_617] {strides = array<i32>} : memref<128x16xf32, #tpu.memory_space<vmem>>, vector<16xf32>,
        tpu.vector_store_idx %arg6[%gather3A_587, %add3A_598], %get3A_618 masked %ne3A_611 {add = true} : memref<625x128xf32, #tpu.memory_space<vmem>>[vector<16xi32>, vector<16xi32>], vector<16xf32>, vector<16xi1>
        %broadcast_in_dim3A_619 = arith.constant 12 : i32
        %broadcast_in_dim3A_620 = vector.broadcast %broadcast_in_dim3A_619 : i32 to vector<16xi32>
        %lt3A_621 = arith.constant 0 : i32
        %lt3A_622 = vector.broadcast %lt3A_621 : i32 to vector<16xi32>
        %lt3A_623 = arith.cmpi slt, %broadcast_in_dim3A_620, %lt3A_622 : vector<16xi32>
        %add3A_624 = arith.constant 16 : i32
        %add3A_625 = vector.broadcast %add3A_624 : i32 to vector<16xi32>
        %add3A_626 = arith.addi %broadcast_in_dim3A_620, %add3A_625 : vector<16xi32>
        %select_n3A_627 = arith.select %lt3A_623, %add3A_626, %broadcast_in_dim3A_620 : vector<16xi1>, vector<16xi32>
        %broadcast_in_dim3A_628 = vector.shape_cast %select_n3A_627 : vector<16xi32> to vector<16x1xi32>
        %gather3A_629 = vector.shape_cast %broadcast_in_dim3A_628 : vector<16x1xi32> to vector<16xi32>
        %gather3A_630 = tpu.dynamic_gather %shift_right_arithmetic3A_95[%gather3A_629] in [0] : vector<16xi32>, vector<16xi32> -> vector<16xi32>
        %lt3A_631 = arith.constant 0 : i32
        %lt3A_632 = vector.broadcast %lt3A_631 : i32 to vector<16xi32>
        %lt3A_633 = arith.cmpi slt, %broadcast_in_dim3A_620, %lt3A_632 : vector<16xi32>
        %add3A_634 = arith.constant 16 : i32
        %add3A_635 = vector.broadcast %add3A_634 : i32 to vector<16xi32>
        %add3A_636 = arith.addi %broadcast_in_dim3A_620, %add3A_635 : vector<16xi32>
        %select_n3A_637 = arith.select %lt3A_633, %add3A_636, %broadcast_in_dim3A_620 : vector<16xi1>, vector<16xi32>
        %broadcast_in_dim3A_638 = vector.shape_cast %select_n3A_637 : vector<16xi32> to vector<16x1xi32>
        %gather3A_639 = vector.shape_cast %broadcast_in_dim3A_638 : vector<16x1xi32> to vector<16xi32>
        %gather3A_640 = tpu.dynamic_gather %shift_left3A_99[%gather3A_639] in [0] : vector<16xi32>, vector<16xi32> -> vector<16xi32>
        %add3A_641 = arith.addi %gather3A_640, %iota3A : vector<16xi32>
        %lt3A_642 = arith.constant 0 : i32
        %lt3A_643 = vector.broadcast %lt3A_642 : i32 to vector<16xi32>
        %lt3A_644 = arith.cmpi slt, %broadcast_in_dim3A_620, %lt3A_643 : vector<16xi32>
        %add3A_645 = arith.constant 16 : i32
        %add3A_646 = vector.broadcast %add3A_645 : i32 to vector<16xi32>
        %add3A_647 = arith.addi %broadcast_in_dim3A_620, %add3A_646 : vector<16xi32>
        %select_n3A_648 = arith.select %lt3A_644, %add3A_647, %broadcast_in_dim3A_620 : vector<16xi1>, vector<16xi32>
        %broadcast_in_dim3A_649 = vector.shape_cast %select_n3A_648 : vector<16xi32> to vector<16x1xi32>
        %gather3A_650 = vector.shape_cast %broadcast_in_dim3A_649 : vector<16x1xi32> to vector<16xi32>
        %gather3A_651 = tpu.dynamic_gather %convert_element_type3A_106[%gather3A_650] in [0] : vector<16xi32>, vector<16xi32> -> vector<16xi32>
        %ne3A_652 = arith.constant 0 : i32
        %ne3A_653 = vector.broadcast %ne3A_652 : i32 to vector<16xi32>
        %ne3A_654 = arith.cmpi ne, %gather3A_651, %ne3A_653 : vector<16xi32>
        %mul3A_655 = arith.constant 16 : i32
        %mul3A_656 = arith.muli %add3A_88, %mul3A_655 : i32
        %add3A_657 = arith.constant 12 : i32
        %add3A_658 = arith.addi %mul3A_656, %add3A_657 : i32
        %get3A_659 = arith.index_cast %add3A_658 : i32 to index
        %get3A_660 = arith.constant 0 : index
        %get3A_661 = tpu.vector_load %arg9[%get3A_659, %get3A_660] {strides = array<i32>} : memref<128x16xf32, #tpu.memory_space<vmem>>, vector<16xf32>,
        tpu.vector_store_idx %arg6[%gather3A_630, %add3A_641], %get3A_661 masked %ne3A_654 {add = true} : memref<625x128xf32, #tpu.memory_space<vmem>>[vector<16xi32>, vector<16xi32>], vector<16xf32>, vector<16xi1>
        %broadcast_in_dim3A_662 = arith.constant 13 : i32
        %broadcast_in_dim3A_663 = vector.broadcast %broadcast_in_dim3A_662 : i32 to vector<16xi32>
        %lt3A_664 = arith.constant 0 : i32
        %lt3A_665 = vector.broadcast %lt3A_664 : i32 to vector<16xi32>
        %lt3A_666 = arith.cmpi slt, %broadcast_in_dim3A_663, %lt3A_665 : vector<16xi32>
        %add3A_667 = arith.constant 16 : i32
        %add3A_668 = vector.broadcast %add3A_667 : i32 to vector<16xi32>
        %add3A_669 = arith.addi %broadcast_in_dim3A_663, %add3A_668 : vector<16xi32>
        %select_n3A_670 = arith.select %lt3A_666, %add3A_669, %broadcast_in_dim3A_663 : vector<16xi1>, vector<16xi32>
        %broadcast_in_dim3A_671 = vector.shape_cast %select_n3A_670 : vector<16xi32> to vector<16x1xi32>
        %gather3A_672 = vector.shape_cast %broadcast_in_dim3A_671 : vector<16x1xi32> to vector<16xi32>
        %gather3A_673 = tpu.dynamic_gather %shift_right_arithmetic3A_95[%gather3A_672] in [0] : vector<16xi32>, vector<16xi32> -> vector<16xi32>
        %lt3A_674 = arith.constant 0 : i32
        %lt3A_675 = vector.broadcast %lt3A_674 : i32 to vector<16xi32>
        %lt3A_676 = arith.cmpi slt, %broadcast_in_dim3A_663, %lt3A_675 : vector<16xi32>
        %add3A_677 = arith.constant 16 : i32
        %add3A_678 = vector.broadcast %add3A_677 : i32 to vector<16xi32>
        %add3A_679 = arith.addi %broadcast_in_dim3A_663, %add3A_678 : vector<16xi32>
        %select_n3A_680 = arith.select %lt3A_676, %add3A_679, %broadcast_in_dim3A_663 : vector<16xi1>, vector<16xi32>
        %broadcast_in_dim3A_681 = vector.shape_cast %select_n3A_680 : vector<16xi32> to vector<16x1xi32>
        %gather3A_682 = vector.shape_cast %broadcast_in_dim3A_681 : vector<16x1xi32> to vector<16xi32>
        %gather3A_683 = tpu.dynamic_gather %shift_left3A_99[%gather3A_682] in [0] : vector<16xi32>, vector<16xi32> -> vector<16xi32>
        %add3A_684 = arith.addi %gather3A_683, %iota3A : vector<16xi32>
        %lt3A_685 = arith.constant 0 : i32
        %lt3A_686 = vector.broadcast %lt3A_685 : i32 to vector<16xi32>
        %lt3A_687 = arith.cmpi slt, %broadcast_in_dim3A_663, %lt3A_686 : vector<16xi32>
        %add3A_688 = arith.constant 16 : i32
        %add3A_689 = vector.broadcast %add3A_688 : i32 to vector<16xi32>
        %add3A_690 = arith.addi %broadcast_in_dim3A_663, %add3A_689 : vector<16xi32>
        %select_n3A_691 = arith.select %lt3A_687, %add3A_690, %broadcast_in_dim3A_663 : vector<16xi1>, vector<16xi32>
        %broadcast_in_dim3A_692 = vector.shape_cast %select_n3A_691 : vector<16xi32> to vector<16x1xi32>
        %gather3A_693 = vector.shape_cast %broadcast_in_dim3A_692 : vector<16x1xi32> to vector<16xi32>
        %gather3A_694 = tpu.dynamic_gather %convert_element_type3A_106[%gather3A_693] in [0] : vector<16xi32>, vector<16xi32> -> vector<16xi32>
        %ne3A_695 = arith.constant 0 : i32
        %ne3A_696 = vector.broadcast %ne3A_695 : i32 to vector<16xi32>
        %ne3A_697 = arith.cmpi ne, %gather3A_694, %ne3A_696 : vector<16xi32>
        %mul3A_698 = arith.constant 16 : i32
        %mul3A_699 = arith.muli %add3A_88, %mul3A_698 : i32
        %add3A_700 = arith.constant 13 : i32
        %add3A_701 = arith.addi %mul3A_699, %add3A_700 : i32
        %get3A_702 = arith.index_cast %add3A_701 : i32 to index
        %get3A_703 = arith.constant 0 : index
        %get3A_704 = tpu.vector_load %arg9[%get3A_702, %get3A_703] {strides = array<i32>} : memref<128x16xf32, #tpu.memory_space<vmem>>, vector<16xf32>,
        tpu.vector_store_idx %arg6[%gather3A_673, %add3A_684], %get3A_704 masked %ne3A_697 {add = true} : memref<625x128xf32, #tpu.memory_space<vmem>>[vector<16xi32>, vector<16xi32>], vector<16xf32>, vector<16xi1>
        %broadcast_in_dim3A_705 = arith.constant 14 : i32
        %broadcast_in_dim3A_706 = vector.broadcast %broadcast_in_dim3A_705 : i32 to vector<16xi32>
        %lt3A_707 = arith.constant 0 : i32
        %lt3A_708 = vector.broadcast %lt3A_707 : i32 to vector<16xi32>
        %lt3A_709 = arith.cmpi slt, %broadcast_in_dim3A_706, %lt3A_708 : vector<16xi32>
        %add3A_710 = arith.constant 16 : i32
        %add3A_711 = vector.broadcast %add3A_710 : i32 to vector<16xi32>
        %add3A_712 = arith.addi %broadcast_in_dim3A_706, %add3A_711 : vector<16xi32>
        %select_n3A_713 = arith.select %lt3A_709, %add3A_712, %broadcast_in_dim3A_706 : vector<16xi1>, vector<16xi32>
        %broadcast_in_dim3A_714 = vector.shape_cast %select_n3A_713 : vector<16xi32> to vector<16x1xi32>
        %gather3A_715 = vector.shape_cast %broadcast_in_dim3A_714 : vector<16x1xi32> to vector<16xi32>
        %gather3A_716 = tpu.dynamic_gather %shift_right_arithmetic3A_95[%gather3A_715] in [0] : vector<16xi32>, vector<16xi32> -> vector<16xi32>
        %lt3A_717 = arith.constant 0 : i32
        %lt3A_718 = vector.broadcast %lt3A_717 : i32 to vector<16xi32>
        %lt3A_719 = arith.cmpi slt, %broadcast_in_dim3A_706, %lt3A_718 : vector<16xi32>
        %add3A_720 = arith.constant 16 : i32
        %add3A_721 = vector.broadcast %add3A_720 : i32 to vector<16xi32>
        %add3A_722 = arith.addi %broadcast_in_dim3A_706, %add3A_721 : vector<16xi32>
        %select_n3A_723 = arith.select %lt3A_719, %add3A_722, %broadcast_in_dim3A_706 : vector<16xi1>, vector<16xi32>
        %broadcast_in_dim3A_724 = vector.shape_cast %select_n3A_723 : vector<16xi32> to vector<16x1xi32>
        %gather3A_725 = vector.shape_cast %broadcast_in_dim3A_724 : vector<16x1xi32> to vector<16xi32>
        %gather3A_726 = tpu.dynamic_gather %shift_left3A_99[%gather3A_725] in [0] : vector<16xi32>, vector<16xi32> -> vector<16xi32>
        %add3A_727 = arith.addi %gather3A_726, %iota3A : vector<16xi32>
        %lt3A_728 = arith.constant 0 : i32
        %lt3A_729 = vector.broadcast %lt3A_728 : i32 to vector<16xi32>
        %lt3A_730 = arith.cmpi slt, %broadcast_in_dim3A_706, %lt3A_729 : vector<16xi32>
        %add3A_731 = arith.constant 16 : i32
        %add3A_732 = vector.broadcast %add3A_731 : i32 to vector<16xi32>
        %add3A_733 = arith.addi %broadcast_in_dim3A_706, %add3A_732 : vector<16xi32>
        %select_n3A_734 = arith.select %lt3A_730, %add3A_733, %broadcast_in_dim3A_706 : vector<16xi1>, vector<16xi32>
        %broadcast_in_dim3A_735 = vector.shape_cast %select_n3A_734 : vector<16xi32> to vector<16x1xi32>
        %gather3A_736 = vector.shape_cast %broadcast_in_dim3A_735 : vector<16x1xi32> to vector<16xi32>
        %gather3A_737 = tpu.dynamic_gather %convert_element_type3A_106[%gather3A_736] in [0] : vector<16xi32>, vector<16xi32> -> vector<16xi32>
        %ne3A_738 = arith.constant 0 : i32
        %ne3A_739 = vector.broadcast %ne3A_738 : i32 to vector<16xi32>
        %ne3A_740 = arith.cmpi ne, %gather3A_737, %ne3A_739 : vector<16xi32>
        %mul3A_741 = arith.constant 16 : i32
        %mul3A_742 = arith.muli %add3A_88, %mul3A_741 : i32
        %add3A_743 = arith.constant 14 : i32
        %add3A_744 = arith.addi %mul3A_742, %add3A_743 : i32
        %get3A_745 = arith.index_cast %add3A_744 : i32 to index
        %get3A_746 = arith.constant 0 : index
        %get3A_747 = tpu.vector_load %arg9[%get3A_745, %get3A_746] {strides = array<i32>} : memref<128x16xf32, #tpu.memory_space<vmem>>, vector<16xf32>,
        tpu.vector_store_idx %arg6[%gather3A_716, %add3A_727], %get3A_747 masked %ne3A_740 {add = true} : memref<625x128xf32, #tpu.memory_space<vmem>>[vector<16xi32>, vector<16xi32>], vector<16xf32>, vector<16xi1>
        %broadcast_in_dim3A_748 = arith.constant 15 : i32
        %broadcast_in_dim3A_749 = vector.broadcast %broadcast_in_dim3A_748 : i32 to vector<16xi32>
        %lt3A_750 = arith.constant 0 : i32
        %lt3A_751 = vector.broadcast %lt3A_750 : i32 to vector<16xi32>
        %lt3A_752 = arith.cmpi slt, %broadcast_in_dim3A_749, %lt3A_751 : vector<16xi32>
        %add3A_753 = arith.constant 16 : i32
        %add3A_754 = vector.broadcast %add3A_753 : i32 to vector<16xi32>
        %add3A_755 = arith.addi %broadcast_in_dim3A_749, %add3A_754 : vector<16xi32>
        %select_n3A_756 = arith.select %lt3A_752, %add3A_755, %broadcast_in_dim3A_749 : vector<16xi1>, vector<16xi32>
        %broadcast_in_dim3A_757 = vector.shape_cast %select_n3A_756 : vector<16xi32> to vector<16x1xi32>
        %gather3A_758 = vector.shape_cast %broadcast_in_dim3A_757 : vector<16x1xi32> to vector<16xi32>
        %gather3A_759 = tpu.dynamic_gather %shift_right_arithmetic3A_95[%gather3A_758] in [0] : vector<16xi32>, vector<16xi32> -> vector<16xi32>
        %lt3A_760 = arith.constant 0 : i32
        %lt3A_761 = vector.broadcast %lt3A_760 : i32 to vector<16xi32>
        %lt3A_762 = arith.cmpi slt, %broadcast_in_dim3A_749, %lt3A_761 : vector<16xi32>
        %add3A_763 = arith.constant 16 : i32
        %add3A_764 = vector.broadcast %add3A_763 : i32 to vector<16xi32>
        %add3A_765 = arith.addi %broadcast_in_dim3A_749, %add3A_764 : vector<16xi32>
        %select_n3A_766 = arith.select %lt3A_762, %add3A_765, %broadcast_in_dim3A_749 : vector<16xi1>, vector<16xi32>
        %broadcast_in_dim3A_767 = vector.shape_cast %select_n3A_766 : vector<16xi32> to vector<16x1xi32>
        %gather3A_768 = vector.shape_cast %broadcast_in_dim3A_767 : vector<16x1xi32> to vector<16xi32>
        %gather3A_769 = tpu.dynamic_gather %shift_left3A_99[%gather3A_768] in [0] : vector<16xi32>, vector<16xi32> -> vector<16xi32>
        %add3A_770 = arith.addi %gather3A_769, %iota3A : vector<16xi32>
        %lt3A_771 = arith.constant 0 : i32
        %lt3A_772 = vector.broadcast %lt3A_771 : i32 to vector<16xi32>
        %lt3A_773 = arith.cmpi slt, %broadcast_in_dim3A_749, %lt3A_772 : vector<16xi32>
        %add3A_774 = arith.constant 16 : i32
        %add3A_775 = vector.broadcast %add3A_774 : i32 to vector<16xi32>
        %add3A_776 = arith.addi %broadcast_in_dim3A_749, %add3A_775 : vector<16xi32>
        %select_n3A_777 = arith.select %lt3A_773, %add3A_776, %broadcast_in_dim3A_749 : vector<16xi1>, vector<16xi32>
        %broadcast_in_dim3A_778 = vector.shape_cast %select_n3A_777 : vector<16xi32> to vector<16x1xi32>
        %gather3A_779 = vector.shape_cast %broadcast_in_dim3A_778 : vector<16x1xi32> to vector<16xi32>
        %gather3A_780 = tpu.dynamic_gather %convert_element_type3A_106[%gather3A_779] in [0] : vector<16xi32>, vector<16xi32> -> vector<16xi32>
        %ne3A_781 = arith.constant 0 : i32
        %ne3A_782 = vector.broadcast %ne3A_781 : i32 to vector<16xi32>
        %ne3A_783 = arith.cmpi ne, %gather3A_780, %ne3A_782 : vector<16xi32>
        %mul3A_784 = arith.constant 16 : i32
        %mul3A_785 = arith.muli %add3A_88, %mul3A_784 : i32
        %add3A_786 = arith.constant 15 : i32
        %add3A_787 = arith.addi %mul3A_785, %add3A_786 : i32
        %get3A_788 = arith.index_cast %add3A_787 : i32 to index
        %get3A_789 = arith.constant 0 : index
        %get3A_790 = tpu.vector_load %arg9[%get3A_788, %get3A_789] {strides = array<i32>} : memref<128x16xf32, #tpu.memory_space<vmem>>, vector<16xf32>,
        tpu.vector_store_idx %arg6[%gather3A_759, %add3A_770], %get3A_790 masked %ne3A_783 {add = true} : memref<625x128xf32, #tpu.memory_space<vmem>>[vector<16xi32>, vector<16xi32>], vector<16xf32>, vector<16xi1>
      }
      %scan3A_59 = arith.constant 8 : i32
      %add3A_60 = arith.constant 2 : i32
      %add3A_61 = arith.addi %add3A_46, %add3A_60 : i32
      %lt3A = arith.constant 40 : i32
      %lt3A_62 = arith.cmpi slt, %add3A_61, %lt3A : i32
      %convert_element_type3A = arith.extui %lt3A_62 : i1 to i32
      %cond3A = arith.constant 0 : i32
      %cond3A_63 = arith.cmpi ne, %convert_element_type3A, %cond3A : i32
      scf.if %cond3A_63 {
        %add3A_84 = arith.constant 256 : i32
        %add3A_85 = arith.addi %add3A_49, %add3A_84 : i32
        %dma_start3A_86 = tpu.memref_slice %arg3[%add3A_85] : memref<163840xi32, #tpu.memory_space<hbm>> -> memref<128xi32, #tpu.memory_space<hbm>>
        %dma_start3A_87 = tpu.memref_slice %arg3[%add3A_85] : memref<163840xi32, #tpu.memory_space<hbm>> -> memref<128xi32, #tpu.memory_space<hbm>>
        tpu.enqueue_dma source(%dma_start3A_87 : memref<128xi32, #tpu.memory_space<hbm>>) target(%arg7 : memref<128xi32, #tpu.memory_space<vmem>>) target_semaphore(%arg11 : memref<!tpu.dma_semaphore, #tpu.memory_space<semaphore_mem>>)
        %dma_start3A_88 = arith.constant 0 : i32
        %dma_start3A_89 = tpu.memref_slice %arg2[%add3A_85, %dma_start3A_88] : memref<163840x16xf32, #tpu.memory_space<hbm>> -> memref<128x16xf32, #tpu.memory_space<hbm>>
        %dma_start3A_90 = arith.constant 0 : i32
        %dma_start3A_91 = tpu.memref_slice %arg2[%add3A_85, %dma_start3A_90] : memref<163840x16xf32, #tpu.memory_space<hbm>> -> memref<128x16xf32, #tpu.memory_space<hbm>>
        tpu.enqueue_dma source(%dma_start3A_91 : memref<128x16xf32, #tpu.memory_space<hbm>>) target(%arg9 : memref<128x16xf32, #tpu.memory_space<vmem>>) target_semaphore(%arg11 : memref<!tpu.dma_semaphore, #tpu.memory_space<semaphore_mem>>)
      } else {
      }
      %add3A_64 = arith.constant 128 : i32
      %add3A_65 = arith.addi %add3A_49, %add3A_64 : i32
      %dma_wait3A_66 = tpu.memref_slice %arg3[%add3A_65] : memref<163840xi32, #tpu.memory_space<hbm>> -> memref<128xi32, #tpu.memory_space<hbm>>
      %dma_wait3A_67 = tpu.memref_slice %arg3[%add3A_65] : memref<163840xi32, #tpu.memory_space<hbm>> -> memref<128xi32, #tpu.memory_space<hbm>>
      tpu.wait_dma2 semaphore(%arg12 : memref<!tpu.dma_semaphore, #tpu.memory_space<semaphore_mem>>) src(%dma_wait3A_67 : memref<128xi32, #tpu.memory_space<hbm>>) dst(%arg8 : memref<128xi32, #tpu.memory_space<vmem>>)
      %dma_wait3A_68 = arith.constant 0 : i32
      %dma_wait3A_69 = tpu.memref_slice %arg2[%add3A_65, %dma_wait3A_68] : memref<163840x16xf32, #tpu.memory_space<hbm>> -> memref<128x16xf32, #tpu.memory_space<hbm>>
      %dma_wait3A_70 = arith.constant 0 : i32
      %dma_wait3A_71 = tpu.memref_slice %arg2[%add3A_65, %dma_wait3A_70] : memref<163840x16xf32, #tpu.memory_space<hbm>> -> memref<128x16xf32, #tpu.memory_space<hbm>>
      tpu.wait_dma2 semaphore(%arg12 : memref<!tpu.dma_semaphore, #tpu.memory_space<semaphore_mem>>) src(%dma_wait3A_71 : memref<128x16xf32, #tpu.memory_space<hbm>>) dst(%arg10 : memref<128x16xf32, #tpu.memory_space<vmem>>)
      %scan3A_72 = arith.constant 0 : i32
      %scan3A_73 = arith.constant 8 : i32
      %scan3A_74 = arith.addi %scan3A_72, %scan3A_73 : i32
      %scan3A_75 = arith.constant 1 : i32
      scf.for %scan3A_84 = %scan3A_72 to %scan3A_74 step %scan3A_75  : i32 {
        %mul3A_85 = arith.constant 1 : i32
        %mul3A_86 = arith.muli %scan3A_84, %mul3A_85 : i32
        %add3A_87 = arith.constant 0 : i32
        %add3A_88 = arith.addi %add3A_87, %mul3A_86 : i32
        %mul3A_89 = arith.constant 16 : i32
        %mul3A_90 = arith.muli %add3A_88, %mul3A_89 : i32
        %get3A = arith.index_cast %mul3A_90 : i32 to index
        %get3A_91 = tpu.vector_load %arg8[%get3A] {strides = array<i32>} : memref<128xi32, #tpu.memory_space<vmem>>, vector<16xi32>,
        %sub3A = arith.constant 5000 : i32
        %sub3A_92 = vector.broadcast %sub3A : i32 to vector<16xi32>
        %sub3A_93 = arith.subi %get3A_91, %sub3A_92 : vector<16xi32>
        %shift_right_arithmetic3A = arith.constant 3 : i32
        %shift_right_arithmetic3A_94 = vector.broadcast %shift_right_arithmetic3A : i32 to vector<16xi32>
        %shift_right_arithmetic3A_95 = arith.shrsi %sub3A_93, %shift_right_arithmetic3A_94 : vector<16xi32>
        %and3A = arith.constant 7 : i32
        %and3A_96 = vector.broadcast %and3A : i32 to vector<16xi32>
        %and3A_97 = arith.andi %sub3A_93, %and3A_96 : vector<16xi32>
        %shift_left3A = arith.constant 4 : i32
        %shift_left3A_98 = vector.broadcast %shift_left3A : i32 to vector<16xi32>
        %shift_left3A_99 = arith.shli %and3A_97, %shift_left3A_98 : vector<16xi32>
        %ge3A = arith.constant 0 : i32
        %ge3A_100 = vector.broadcast %ge3A : i32 to vector<16xi32>
        %ge3A_101 = arith.cmpi sge, %sub3A_93, %ge3A_100 : vector<16xi32>
        %lt3A_102 = arith.constant 5000 : i32
        %lt3A_103 = vector.broadcast %lt3A_102 : i32 to vector<16xi32>
        %lt3A_104 = arith.cmpi slt, %sub3A_93, %lt3A_103 : vector<16xi32>
        %and3A_105 = arith.andi %ge3A_101, %lt3A_104 : vector<16xi1>
        %convert_element_type3A_106 = arith.extui %and3A_105 : vector<16xi1> to vector<16xi32>
        %broadcast_in_dim3A = arith.constant 0 : i32
        %broadcast_in_dim3A_107 = vector.broadcast %broadcast_in_dim3A : i32 to vector<16xi32>
        %lt3A_108 = arith.constant 0 : i32
        %lt3A_109 = vector.broadcast %lt3A_108 : i32 to vector<16xi32>
        %lt3A_110 = arith.cmpi slt, %broadcast_in_dim3A_107, %lt3A_109 : vector<16xi32>
        %add3A_111 = arith.constant 16 : i32
        %add3A_112 = vector.broadcast %add3A_111 : i32 to vector<16xi32>
        %add3A_113 = arith.addi %broadcast_in_dim3A_107, %add3A_112 : vector<16xi32>
        %select_n3A = arith.select %lt3A_110, %add3A_113, %broadcast_in_dim3A_107 : vector<16xi1>, vector<16xi32>
        %broadcast_in_dim3A_114 = vector.shape_cast %select_n3A : vector<16xi32> to vector<16x1xi32>
        %gather3A = vector.shape_cast %broadcast_in_dim3A_114 : vector<16x1xi32> to vector<16xi32>
        %gather3A_115 = tpu.dynamic_gather %shift_right_arithmetic3A_95[%gather3A] in [0] : vector<16xi32>, vector<16xi32> -> vector<16xi32>
        %lt3A_116 = arith.constant 0 : i32
        %lt3A_117 = vector.broadcast %lt3A_116 : i32 to vector<16xi32>
        %lt3A_118 = arith.cmpi slt, %broadcast_in_dim3A_107, %lt3A_117 : vector<16xi32>
        %add3A_119 = arith.constant 16 : i32
        %add3A_120 = vector.broadcast %add3A_119 : i32 to vector<16xi32>
        %add3A_121 = arith.addi %broadcast_in_dim3A_107, %add3A_120 : vector<16xi32>
        %select_n3A_122 = arith.select %lt3A_118, %add3A_121, %broadcast_in_dim3A_107 : vector<16xi1>, vector<16xi32>
        %broadcast_in_dim3A_123 = vector.shape_cast %select_n3A_122 : vector<16xi32> to vector<16x1xi32>
        %gather3A_124 = vector.shape_cast %broadcast_in_dim3A_123 : vector<16x1xi32> to vector<16xi32>
        %gather3A_125 = tpu.dynamic_gather %shift_left3A_99[%gather3A_124] in [0] : vector<16xi32>, vector<16xi32> -> vector<16xi32>
        %add3A_126 = arith.addi %gather3A_125, %iota3A : vector<16xi32>
        %lt3A_127 = arith.constant 0 : i32
        %lt3A_128 = vector.broadcast %lt3A_127 : i32 to vector<16xi32>
        %lt3A_129 = arith.cmpi slt, %broadcast_in_dim3A_107, %lt3A_128 : vector<16xi32>
        %add3A_130 = arith.constant 16 : i32
        %add3A_131 = vector.broadcast %add3A_130 : i32 to vector<16xi32>
        %add3A_132 = arith.addi %broadcast_in_dim3A_107, %add3A_131 : vector<16xi32>
        %select_n3A_133 = arith.select %lt3A_129, %add3A_132, %broadcast_in_dim3A_107 : vector<16xi1>, vector<16xi32>
        %broadcast_in_dim3A_134 = vector.shape_cast %select_n3A_133 : vector<16xi32> to vector<16x1xi32>
        %gather3A_135 = vector.shape_cast %broadcast_in_dim3A_134 : vector<16x1xi32> to vector<16xi32>
        %gather3A_136 = tpu.dynamic_gather %convert_element_type3A_106[%gather3A_135] in [0] : vector<16xi32>, vector<16xi32> -> vector<16xi32>
        %ne3A = arith.constant 0 : i32
        %ne3A_137 = vector.broadcast %ne3A : i32 to vector<16xi32>
        %ne3A_138 = arith.cmpi ne, %gather3A_136, %ne3A_137 : vector<16xi32>
        %mul3A_139 = arith.constant 16 : i32
        %mul3A_140 = arith.muli %add3A_88, %mul3A_139 : i32
        %add3A_141 = arith.constant 0 : i32
        %add3A_142 = arith.addi %mul3A_140, %add3A_141 : i32
        %get3A_143 = arith.index_cast %add3A_142 : i32 to index
        %get3A_144 = arith.constant 0 : index
        %get3A_145 = tpu.vector_load %arg10[%get3A_143, %get3A_144] {strides = array<i32>} : memref<128x16xf32, #tpu.memory_space<vmem>>, vector<16xf32>,
        tpu.vector_store_idx %arg6[%gather3A_115, %add3A_126], %get3A_145 masked %ne3A_138 {add = true} : memref<625x128xf32, #tpu.memory_space<vmem>>[vector<16xi32>, vector<16xi32>], vector<16xf32>, vector<16xi1>
        %broadcast_in_dim3A_146 = arith.constant 1 : i32
        %broadcast_in_dim3A_147 = vector.broadcast %broadcast_in_dim3A_146 : i32 to vector<16xi32>
        %lt3A_148 = arith.constant 0 : i32
        %lt3A_149 = vector.broadcast %lt3A_148 : i32 to vector<16xi32>
        %lt3A_150 = arith.cmpi slt, %broadcast_in_dim3A_147, %lt3A_149 : vector<16xi32>
        %add3A_151 = arith.constant 16 : i32
        %add3A_152 = vector.broadcast %add3A_151 : i32 to vector<16xi32>
        %add3A_153 = arith.addi %broadcast_in_dim3A_147, %add3A_152 : vector<16xi32>
        %select_n3A_154 = arith.select %lt3A_150, %add3A_153, %broadcast_in_dim3A_147 : vector<16xi1>, vector<16xi32>
        %broadcast_in_dim3A_155 = vector.shape_cast %select_n3A_154 : vector<16xi32> to vector<16x1xi32>
        %gather3A_156 = vector.shape_cast %broadcast_in_dim3A_155 : vector<16x1xi32> to vector<16xi32>
        %gather3A_157 = tpu.dynamic_gather %shift_right_arithmetic3A_95[%gather3A_156] in [0] : vector<16xi32>, vector<16xi32> -> vector<16xi32>
        %lt3A_158 = arith.constant 0 : i32
        %lt3A_159 = vector.broadcast %lt3A_158 : i32 to vector<16xi32>
        %lt3A_160 = arith.cmpi slt, %broadcast_in_dim3A_147, %lt3A_159 : vector<16xi32>
        %add3A_161 = arith.constant 16 : i32
        %add3A_162 = vector.broadcast %add3A_161 : i32 to vector<16xi32>
        %add3A_163 = arith.addi %broadcast_in_dim3A_147, %add3A_162 : vector<16xi32>
        %select_n3A_164 = arith.select %lt3A_160, %add3A_163, %broadcast_in_dim3A_147 : vector<16xi1>, vector<16xi32>
        %broadcast_in_dim3A_165 = vector.shape_cast %select_n3A_164 : vector<16xi32> to vector<16x1xi32>
        %gather3A_166 = vector.shape_cast %broadcast_in_dim3A_165 : vector<16x1xi32> to vector<16xi32>
        %gather3A_167 = tpu.dynamic_gather %shift_left3A_99[%gather3A_166] in [0] : vector<16xi32>, vector<16xi32> -> vector<16xi32>
        %add3A_168 = arith.addi %gather3A_167, %iota3A : vector<16xi32>
        %lt3A_169 = arith.constant 0 : i32
        %lt3A_170 = vector.broadcast %lt3A_169 : i32 to vector<16xi32>
        %lt3A_171 = arith.cmpi slt, %broadcast_in_dim3A_147, %lt3A_170 : vector<16xi32>
        %add3A_172 = arith.constant 16 : i32
        %add3A_173 = vector.broadcast %add3A_172 : i32 to vector<16xi32>
        %add3A_174 = arith.addi %broadcast_in_dim3A_147, %add3A_173 : vector<16xi32>
        %select_n3A_175 = arith.select %lt3A_171, %add3A_174, %broadcast_in_dim3A_147 : vector<16xi1>, vector<16xi32>
        %broadcast_in_dim3A_176 = vector.shape_cast %select_n3A_175 : vector<16xi32> to vector<16x1xi32>
        %gather3A_177 = vector.shape_cast %broadcast_in_dim3A_176 : vector<16x1xi32> to vector<16xi32>
        %gather3A_178 = tpu.dynamic_gather %convert_element_type3A_106[%gather3A_177] in [0] : vector<16xi32>, vector<16xi32> -> vector<16xi32>
        %ne3A_179 = arith.constant 0 : i32
        %ne3A_180 = vector.broadcast %ne3A_179 : i32 to vector<16xi32>
        %ne3A_181 = arith.cmpi ne, %gather3A_178, %ne3A_180 : vector<16xi32>
        %mul3A_182 = arith.constant 16 : i32
        %mul3A_183 = arith.muli %add3A_88, %mul3A_182 : i32
        %add3A_184 = arith.constant 1 : i32
        %add3A_185 = arith.addi %mul3A_183, %add3A_184 : i32
        %get3A_186 = arith.index_cast %add3A_185 : i32 to index
        %get3A_187 = arith.constant 0 : index
        %get3A_188 = tpu.vector_load %arg10[%get3A_186, %get3A_187] {strides = array<i32>} : memref<128x16xf32, #tpu.memory_space<vmem>>, vector<16xf32>,
        tpu.vector_store_idx %arg6[%gather3A_157, %add3A_168], %get3A_188 masked %ne3A_181 {add = true} : memref<625x128xf32, #tpu.memory_space<vmem>>[vector<16xi32>, vector<16xi32>], vector<16xf32>, vector<16xi1>
        %broadcast_in_dim3A_189 = arith.constant 2 : i32
        %broadcast_in_dim3A_190 = vector.broadcast %broadcast_in_dim3A_189 : i32 to vector<16xi32>
        %lt3A_191 = arith.constant 0 : i32
        %lt3A_192 = vector.broadcast %lt3A_191 : i32 to vector<16xi32>
        %lt3A_193 = arith.cmpi slt, %broadcast_in_dim3A_190, %lt3A_192 : vector<16xi32>
        %add3A_194 = arith.constant 16 : i32
        %add3A_195 = vector.broadcast %add3A_194 : i32 to vector<16xi32>
        %add3A_196 = arith.addi %broadcast_in_dim3A_190, %add3A_195 : vector<16xi32>
        %select_n3A_197 = arith.select %lt3A_193, %add3A_196, %broadcast_in_dim3A_190 : vector<16xi1>, vector<16xi32>
        %broadcast_in_dim3A_198 = vector.shape_cast %select_n3A_197 : vector<16xi32> to vector<16x1xi32>
        %gather3A_199 = vector.shape_cast %broadcast_in_dim3A_198 : vector<16x1xi32> to vector<16xi32>
        %gather3A_200 = tpu.dynamic_gather %shift_right_arithmetic3A_95[%gather3A_199] in [0] : vector<16xi32>, vector<16xi32> -> vector<16xi32>
        %lt3A_201 = arith.constant 0 : i32
        %lt3A_202 = vector.broadcast %lt3A_201 : i32 to vector<16xi32>
        %lt3A_203 = arith.cmpi slt, %broadcast_in_dim3A_190, %lt3A_202 : vector<16xi32>
        %add3A_204 = arith.constant 16 : i32
        %add3A_205 = vector.broadcast %add3A_204 : i32 to vector<16xi32>
        %add3A_206 = arith.addi %broadcast_in_dim3A_190, %add3A_205 : vector<16xi32>
        %select_n3A_207 = arith.select %lt3A_203, %add3A_206, %broadcast_in_dim3A_190 : vector<16xi1>, vector<16xi32>
        %broadcast_in_dim3A_208 = vector.shape_cast %select_n3A_207 : vector<16xi32> to vector<16x1xi32>
        %gather3A_209 = vector.shape_cast %broadcast_in_dim3A_208 : vector<16x1xi32> to vector<16xi32>
        %gather3A_210 = tpu.dynamic_gather %shift_left3A_99[%gather3A_209] in [0] : vector<16xi32>, vector<16xi32> -> vector<16xi32>
        %add3A_211 = arith.addi %gather3A_210, %iota3A : vector<16xi32>
        %lt3A_212 = arith.constant 0 : i32
        %lt3A_213 = vector.broadcast %lt3A_212 : i32 to vector<16xi32>
        %lt3A_214 = arith.cmpi slt, %broadcast_in_dim3A_190, %lt3A_213 : vector<16xi32>
        %add3A_215 = arith.constant 16 : i32
        %add3A_216 = vector.broadcast %add3A_215 : i32 to vector<16xi32>
        %add3A_217 = arith.addi %broadcast_in_dim3A_190, %add3A_216 : vector<16xi32>
        %select_n3A_218 = arith.select %lt3A_214, %add3A_217, %broadcast_in_dim3A_190 : vector<16xi1>, vector<16xi32>
        %broadcast_in_dim3A_219 = vector.shape_cast %select_n3A_218 : vector<16xi32> to vector<16x1xi32>
        %gather3A_220 = vector.shape_cast %broadcast_in_dim3A_219 : vector<16x1xi32> to vector<16xi32>
        %gather3A_221 = tpu.dynamic_gather %convert_element_type3A_106[%gather3A_220] in [0] : vector<16xi32>, vector<16xi32> -> vector<16xi32>
        %ne3A_222 = arith.constant 0 : i32
        %ne3A_223 = vector.broadcast %ne3A_222 : i32 to vector<16xi32>
        %ne3A_224 = arith.cmpi ne, %gather3A_221, %ne3A_223 : vector<16xi32>
        %mul3A_225 = arith.constant 16 : i32
        %mul3A_226 = arith.muli %add3A_88, %mul3A_225 : i32
        %add3A_227 = arith.constant 2 : i32
        %add3A_228 = arith.addi %mul3A_226, %add3A_227 : i32
        %get3A_229 = arith.index_cast %add3A_228 : i32 to index
        %get3A_230 = arith.constant 0 : index
        %get3A_231 = tpu.vector_load %arg10[%get3A_229, %get3A_230] {strides = array<i32>} : memref<128x16xf32, #tpu.memory_space<vmem>>, vector<16xf32>,
        tpu.vector_store_idx %arg6[%gather3A_200, %add3A_211], %get3A_231 masked %ne3A_224 {add = true} : memref<625x128xf32, #tpu.memory_space<vmem>>[vector<16xi32>, vector<16xi32>], vector<16xf32>, vector<16xi1>
        %broadcast_in_dim3A_232 = arith.constant 3 : i32
        %broadcast_in_dim3A_233 = vector.broadcast %broadcast_in_dim3A_232 : i32 to vector<16xi32>
        %lt3A_234 = arith.constant 0 : i32
        %lt3A_235 = vector.broadcast %lt3A_234 : i32 to vector<16xi32>
        %lt3A_236 = arith.cmpi slt, %broadcast_in_dim3A_233, %lt3A_235 : vector<16xi32>
        %add3A_237 = arith.constant 16 : i32
        %add3A_238 = vector.broadcast %add3A_237 : i32 to vector<16xi32>
        %add3A_239 = arith.addi %broadcast_in_dim3A_233, %add3A_238 : vector<16xi32>
        %select_n3A_240 = arith.select %lt3A_236, %add3A_239, %broadcast_in_dim3A_233 : vector<16xi1>, vector<16xi32>
        %broadcast_in_dim3A_241 = vector.shape_cast %select_n3A_240 : vector<16xi32> to vector<16x1xi32>
        %gather3A_242 = vector.shape_cast %broadcast_in_dim3A_241 : vector<16x1xi32> to vector<16xi32>
        %gather3A_243 = tpu.dynamic_gather %shift_right_arithmetic3A_95[%gather3A_242] in [0] : vector<16xi32>, vector<16xi32> -> vector<16xi32>
        %lt3A_244 = arith.constant 0 : i32
        %lt3A_245 = vector.broadcast %lt3A_244 : i32 to vector<16xi32>
        %lt3A_246 = arith.cmpi slt, %broadcast_in_dim3A_233, %lt3A_245 : vector<16xi32>
        %add3A_247 = arith.constant 16 : i32
        %add3A_248 = vector.broadcast %add3A_247 : i32 to vector<16xi32>
        %add3A_249 = arith.addi %broadcast_in_dim3A_233, %add3A_248 : vector<16xi32>
        %select_n3A_250 = arith.select %lt3A_246, %add3A_249, %broadcast_in_dim3A_233 : vector<16xi1>, vector<16xi32>
        %broadcast_in_dim3A_251 = vector.shape_cast %select_n3A_250 : vector<16xi32> to vector<16x1xi32>
        %gather3A_252 = vector.shape_cast %broadcast_in_dim3A_251 : vector<16x1xi32> to vector<16xi32>
        %gather3A_253 = tpu.dynamic_gather %shift_left3A_99[%gather3A_252] in [0] : vector<16xi32>, vector<16xi32> -> vector<16xi32>
        %add3A_254 = arith.addi %gather3A_253, %iota3A : vector<16xi32>
        %lt3A_255 = arith.constant 0 : i32
        %lt3A_256 = vector.broadcast %lt3A_255 : i32 to vector<16xi32>
        %lt3A_257 = arith.cmpi slt, %broadcast_in_dim3A_233, %lt3A_256 : vector<16xi32>
        %add3A_258 = arith.constant 16 : i32
        %add3A_259 = vector.broadcast %add3A_258 : i32 to vector<16xi32>
        %add3A_260 = arith.addi %broadcast_in_dim3A_233, %add3A_259 : vector<16xi32>
        %select_n3A_261 = arith.select %lt3A_257, %add3A_260, %broadcast_in_dim3A_233 : vector<16xi1>, vector<16xi32>
        %broadcast_in_dim3A_262 = vector.shape_cast %select_n3A_261 : vector<16xi32> to vector<16x1xi32>
        %gather3A_263 = vector.shape_cast %broadcast_in_dim3A_262 : vector<16x1xi32> to vector<16xi32>
        %gather3A_264 = tpu.dynamic_gather %convert_element_type3A_106[%gather3A_263] in [0] : vector<16xi32>, vector<16xi32> -> vector<16xi32>
        %ne3A_265 = arith.constant 0 : i32
        %ne3A_266 = vector.broadcast %ne3A_265 : i32 to vector<16xi32>
        %ne3A_267 = arith.cmpi ne, %gather3A_264, %ne3A_266 : vector<16xi32>
        %mul3A_268 = arith.constant 16 : i32
        %mul3A_269 = arith.muli %add3A_88, %mul3A_268 : i32
        %add3A_270 = arith.constant 3 : i32
        %add3A_271 = arith.addi %mul3A_269, %add3A_270 : i32
        %get3A_272 = arith.index_cast %add3A_271 : i32 to index
        %get3A_273 = arith.constant 0 : index
        %get3A_274 = tpu.vector_load %arg10[%get3A_272, %get3A_273] {strides = array<i32>} : memref<128x16xf32, #tpu.memory_space<vmem>>, vector<16xf32>,
        tpu.vector_store_idx %arg6[%gather3A_243, %add3A_254], %get3A_274 masked %ne3A_267 {add = true} : memref<625x128xf32, #tpu.memory_space<vmem>>[vector<16xi32>, vector<16xi32>], vector<16xf32>, vector<16xi1>
        %broadcast_in_dim3A_275 = arith.constant 4 : i32
        %broadcast_in_dim3A_276 = vector.broadcast %broadcast_in_dim3A_275 : i32 to vector<16xi32>
        %lt3A_277 = arith.constant 0 : i32
        %lt3A_278 = vector.broadcast %lt3A_277 : i32 to vector<16xi32>
        %lt3A_279 = arith.cmpi slt, %broadcast_in_dim3A_276, %lt3A_278 : vector<16xi32>
        %add3A_280 = arith.constant 16 : i32
        %add3A_281 = vector.broadcast %add3A_280 : i32 to vector<16xi32>
        %add3A_282 = arith.addi %broadcast_in_dim3A_276, %add3A_281 : vector<16xi32>
        %select_n3A_283 = arith.select %lt3A_279, %add3A_282, %broadcast_in_dim3A_276 : vector<16xi1>, vector<16xi32>
        %broadcast_in_dim3A_284 = vector.shape_cast %select_n3A_283 : vector<16xi32> to vector<16x1xi32>
        %gather3A_285 = vector.shape_cast %broadcast_in_dim3A_284 : vector<16x1xi32> to vector<16xi32>
        %gather3A_286 = tpu.dynamic_gather %shift_right_arithmetic3A_95[%gather3A_285] in [0] : vector<16xi32>, vector<16xi32> -> vector<16xi32>
        %lt3A_287 = arith.constant 0 : i32
        %lt3A_288 = vector.broadcast %lt3A_287 : i32 to vector<16xi32>
        %lt3A_289 = arith.cmpi slt, %broadcast_in_dim3A_276, %lt3A_288 : vector<16xi32>
        %add3A_290 = arith.constant 16 : i32
        %add3A_291 = vector.broadcast %add3A_290 : i32 to vector<16xi32>
        %add3A_292 = arith.addi %broadcast_in_dim3A_276, %add3A_291 : vector<16xi32>
        %select_n3A_293 = arith.select %lt3A_289, %add3A_292, %broadcast_in_dim3A_276 : vector<16xi1>, vector<16xi32>
        %broadcast_in_dim3A_294 = vector.shape_cast %select_n3A_293 : vector<16xi32> to vector<16x1xi32>
        %gather3A_295 = vector.shape_cast %broadcast_in_dim3A_294 : vector<16x1xi32> to vector<16xi32>
        %gather3A_296 = tpu.dynamic_gather %shift_left3A_99[%gather3A_295] in [0] : vector<16xi32>, vector<16xi32> -> vector<16xi32>
        %add3A_297 = arith.addi %gather3A_296, %iota3A : vector<16xi32>
        %lt3A_298 = arith.constant 0 : i32
        %lt3A_299 = vector.broadcast %lt3A_298 : i32 to vector<16xi32>
        %lt3A_300 = arith.cmpi slt, %broadcast_in_dim3A_276, %lt3A_299 : vector<16xi32>
        %add3A_301 = arith.constant 16 : i32
        %add3A_302 = vector.broadcast %add3A_301 : i32 to vector<16xi32>
        %add3A_303 = arith.addi %broadcast_in_dim3A_276, %add3A_302 : vector<16xi32>
        %select_n3A_304 = arith.select %lt3A_300, %add3A_303, %broadcast_in_dim3A_276 : vector<16xi1>, vector<16xi32>
        %broadcast_in_dim3A_305 = vector.shape_cast %select_n3A_304 : vector<16xi32> to vector<16x1xi32>
        %gather3A_306 = vector.shape_cast %broadcast_in_dim3A_305 : vector<16x1xi32> to vector<16xi32>
        %gather3A_307 = tpu.dynamic_gather %convert_element_type3A_106[%gather3A_306] in [0] : vector<16xi32>, vector<16xi32> -> vector<16xi32>
        %ne3A_308 = arith.constant 0 : i32
        %ne3A_309 = vector.broadcast %ne3A_308 : i32 to vector<16xi32>
        %ne3A_310 = arith.cmpi ne, %gather3A_307, %ne3A_309 : vector<16xi32>
        %mul3A_311 = arith.constant 16 : i32
        %mul3A_312 = arith.muli %add3A_88, %mul3A_311 : i32
        %add3A_313 = arith.constant 4 : i32
        %add3A_314 = arith.addi %mul3A_312, %add3A_313 : i32
        %get3A_315 = arith.index_cast %add3A_314 : i32 to index
        %get3A_316 = arith.constant 0 : index
        %get3A_317 = tpu.vector_load %arg10[%get3A_315, %get3A_316] {strides = array<i32>} : memref<128x16xf32, #tpu.memory_space<vmem>>, vector<16xf32>,
        tpu.vector_store_idx %arg6[%gather3A_286, %add3A_297], %get3A_317 masked %ne3A_310 {add = true} : memref<625x128xf32, #tpu.memory_space<vmem>>[vector<16xi32>, vector<16xi32>], vector<16xf32>, vector<16xi1>
        %broadcast_in_dim3A_318 = arith.constant 5 : i32
        %broadcast_in_dim3A_319 = vector.broadcast %broadcast_in_dim3A_318 : i32 to vector<16xi32>
        %lt3A_320 = arith.constant 0 : i32
        %lt3A_321 = vector.broadcast %lt3A_320 : i32 to vector<16xi32>
        %lt3A_322 = arith.cmpi slt, %broadcast_in_dim3A_319, %lt3A_321 : vector<16xi32>
        %add3A_323 = arith.constant 16 : i32
        %add3A_324 = vector.broadcast %add3A_323 : i32 to vector<16xi32>
        %add3A_325 = arith.addi %broadcast_in_dim3A_319, %add3A_324 : vector<16xi32>
        %select_n3A_326 = arith.select %lt3A_322, %add3A_325, %broadcast_in_dim3A_319 : vector<16xi1>, vector<16xi32>
        %broadcast_in_dim3A_327 = vector.shape_cast %select_n3A_326 : vector<16xi32> to vector<16x1xi32>
        %gather3A_328 = vector.shape_cast %broadcast_in_dim3A_327 : vector<16x1xi32> to vector<16xi32>
        %gather3A_329 = tpu.dynamic_gather %shift_right_arithmetic3A_95[%gather3A_328] in [0] : vector<16xi32>, vector<16xi32> -> vector<16xi32>
        %lt3A_330 = arith.constant 0 : i32
        %lt3A_331 = vector.broadcast %lt3A_330 : i32 to vector<16xi32>
        %lt3A_332 = arith.cmpi slt, %broadcast_in_dim3A_319, %lt3A_331 : vector<16xi32>
        %add3A_333 = arith.constant 16 : i32
        %add3A_334 = vector.broadcast %add3A_333 : i32 to vector<16xi32>
        %add3A_335 = arith.addi %broadcast_in_dim3A_319, %add3A_334 : vector<16xi32>
        %select_n3A_336 = arith.select %lt3A_332, %add3A_335, %broadcast_in_dim3A_319 : vector<16xi1>, vector<16xi32>
        %broadcast_in_dim3A_337 = vector.shape_cast %select_n3A_336 : vector<16xi32> to vector<16x1xi32>
        %gather3A_338 = vector.shape_cast %broadcast_in_dim3A_337 : vector<16x1xi32> to vector<16xi32>
        %gather3A_339 = tpu.dynamic_gather %shift_left3A_99[%gather3A_338] in [0] : vector<16xi32>, vector<16xi32> -> vector<16xi32>
        %add3A_340 = arith.addi %gather3A_339, %iota3A : vector<16xi32>
        %lt3A_341 = arith.constant 0 : i32
        %lt3A_342 = vector.broadcast %lt3A_341 : i32 to vector<16xi32>
        %lt3A_343 = arith.cmpi slt, %broadcast_in_dim3A_319, %lt3A_342 : vector<16xi32>
        %add3A_344 = arith.constant 16 : i32
        %add3A_345 = vector.broadcast %add3A_344 : i32 to vector<16xi32>
        %add3A_346 = arith.addi %broadcast_in_dim3A_319, %add3A_345 : vector<16xi32>
        %select_n3A_347 = arith.select %lt3A_343, %add3A_346, %broadcast_in_dim3A_319 : vector<16xi1>, vector<16xi32>
        %broadcast_in_dim3A_348 = vector.shape_cast %select_n3A_347 : vector<16xi32> to vector<16x1xi32>
        %gather3A_349 = vector.shape_cast %broadcast_in_dim3A_348 : vector<16x1xi32> to vector<16xi32>
        %gather3A_350 = tpu.dynamic_gather %convert_element_type3A_106[%gather3A_349] in [0] : vector<16xi32>, vector<16xi32> -> vector<16xi32>
        %ne3A_351 = arith.constant 0 : i32
        %ne3A_352 = vector.broadcast %ne3A_351 : i32 to vector<16xi32>
        %ne3A_353 = arith.cmpi ne, %gather3A_350, %ne3A_352 : vector<16xi32>
        %mul3A_354 = arith.constant 16 : i32
        %mul3A_355 = arith.muli %add3A_88, %mul3A_354 : i32
        %add3A_356 = arith.constant 5 : i32
        %add3A_357 = arith.addi %mul3A_355, %add3A_356 : i32
        %get3A_358 = arith.index_cast %add3A_357 : i32 to index
        %get3A_359 = arith.constant 0 : index
        %get3A_360 = tpu.vector_load %arg10[%get3A_358, %get3A_359] {strides = array<i32>} : memref<128x16xf32, #tpu.memory_space<vmem>>, vector<16xf32>,
        tpu.vector_store_idx %arg6[%gather3A_329, %add3A_340], %get3A_360 masked %ne3A_353 {add = true} : memref<625x128xf32, #tpu.memory_space<vmem>>[vector<16xi32>, vector<16xi32>], vector<16xf32>, vector<16xi1>
        %broadcast_in_dim3A_361 = arith.constant 6 : i32
        %broadcast_in_dim3A_362 = vector.broadcast %broadcast_in_dim3A_361 : i32 to vector<16xi32>
        %lt3A_363 = arith.constant 0 : i32
        %lt3A_364 = vector.broadcast %lt3A_363 : i32 to vector<16xi32>
        %lt3A_365 = arith.cmpi slt, %broadcast_in_dim3A_362, %lt3A_364 : vector<16xi32>
        %add3A_366 = arith.constant 16 : i32
        %add3A_367 = vector.broadcast %add3A_366 : i32 to vector<16xi32>
        %add3A_368 = arith.addi %broadcast_in_dim3A_362, %add3A_367 : vector<16xi32>
        %select_n3A_369 = arith.select %lt3A_365, %add3A_368, %broadcast_in_dim3A_362 : vector<16xi1>, vector<16xi32>
        %broadcast_in_dim3A_370 = vector.shape_cast %select_n3A_369 : vector<16xi32> to vector<16x1xi32>
        %gather3A_371 = vector.shape_cast %broadcast_in_dim3A_370 : vector<16x1xi32> to vector<16xi32>
        %gather3A_372 = tpu.dynamic_gather %shift_right_arithmetic3A_95[%gather3A_371] in [0] : vector<16xi32>, vector<16xi32> -> vector<16xi32>
        %lt3A_373 = arith.constant 0 : i32
        %lt3A_374 = vector.broadcast %lt3A_373 : i32 to vector<16xi32>
        %lt3A_375 = arith.cmpi slt, %broadcast_in_dim3A_362, %lt3A_374 : vector<16xi32>
        %add3A_376 = arith.constant 16 : i32
        %add3A_377 = vector.broadcast %add3A_376 : i32 to vector<16xi32>
        %add3A_378 = arith.addi %broadcast_in_dim3A_362, %add3A_377 : vector<16xi32>
        %select_n3A_379 = arith.select %lt3A_375, %add3A_378, %broadcast_in_dim3A_362 : vector<16xi1>, vector<16xi32>
        %broadcast_in_dim3A_380 = vector.shape_cast %select_n3A_379 : vector<16xi32> to vector<16x1xi32>
        %gather3A_381 = vector.shape_cast %broadcast_in_dim3A_380 : vector<16x1xi32> to vector<16xi32>
        %gather3A_382 = tpu.dynamic_gather %shift_left3A_99[%gather3A_381] in [0] : vector<16xi32>, vector<16xi32> -> vector<16xi32>
        %add3A_383 = arith.addi %gather3A_382, %iota3A : vector<16xi32>
        %lt3A_384 = arith.constant 0 : i32
        %lt3A_385 = vector.broadcast %lt3A_384 : i32 to vector<16xi32>
        %lt3A_386 = arith.cmpi slt, %broadcast_in_dim3A_362, %lt3A_385 : vector<16xi32>
        %add3A_387 = arith.constant 16 : i32
        %add3A_388 = vector.broadcast %add3A_387 : i32 to vector<16xi32>
        %add3A_389 = arith.addi %broadcast_in_dim3A_362, %add3A_388 : vector<16xi32>
        %select_n3A_390 = arith.select %lt3A_386, %add3A_389, %broadcast_in_dim3A_362 : vector<16xi1>, vector<16xi32>
        %broadcast_in_dim3A_391 = vector.shape_cast %select_n3A_390 : vector<16xi32> to vector<16x1xi32>
        %gather3A_392 = vector.shape_cast %broadcast_in_dim3A_391 : vector<16x1xi32> to vector<16xi32>
        %gather3A_393 = tpu.dynamic_gather %convert_element_type3A_106[%gather3A_392] in [0] : vector<16xi32>, vector<16xi32> -> vector<16xi32>
        %ne3A_394 = arith.constant 0 : i32
        %ne3A_395 = vector.broadcast %ne3A_394 : i32 to vector<16xi32>
        %ne3A_396 = arith.cmpi ne, %gather3A_393, %ne3A_395 : vector<16xi32>
        %mul3A_397 = arith.constant 16 : i32
        %mul3A_398 = arith.muli %add3A_88, %mul3A_397 : i32
        %add3A_399 = arith.constant 6 : i32
        %add3A_400 = arith.addi %mul3A_398, %add3A_399 : i32
        %get3A_401 = arith.index_cast %add3A_400 : i32 to index
        %get3A_402 = arith.constant 0 : index
        %get3A_403 = tpu.vector_load %arg10[%get3A_401, %get3A_402] {strides = array<i32>} : memref<128x16xf32, #tpu.memory_space<vmem>>, vector<16xf32>,
        tpu.vector_store_idx %arg6[%gather3A_372, %add3A_383], %get3A_403 masked %ne3A_396 {add = true} : memref<625x128xf32, #tpu.memory_space<vmem>>[vector<16xi32>, vector<16xi32>], vector<16xf32>, vector<16xi1>
        %broadcast_in_dim3A_404 = arith.constant 7 : i32
        %broadcast_in_dim3A_405 = vector.broadcast %broadcast_in_dim3A_404 : i32 to vector<16xi32>
        %lt3A_406 = arith.constant 0 : i32
        %lt3A_407 = vector.broadcast %lt3A_406 : i32 to vector<16xi32>
        %lt3A_408 = arith.cmpi slt, %broadcast_in_dim3A_405, %lt3A_407 : vector<16xi32>
        %add3A_409 = arith.constant 16 : i32
        %add3A_410 = vector.broadcast %add3A_409 : i32 to vector<16xi32>
        %add3A_411 = arith.addi %broadcast_in_dim3A_405, %add3A_410 : vector<16xi32>
        %select_n3A_412 = arith.select %lt3A_408, %add3A_411, %broadcast_in_dim3A_405 : vector<16xi1>, vector<16xi32>
        %broadcast_in_dim3A_413 = vector.shape_cast %select_n3A_412 : vector<16xi32> to vector<16x1xi32>
        %gather3A_414 = vector.shape_cast %broadcast_in_dim3A_413 : vector<16x1xi32> to vector<16xi32>
        %gather3A_415 = tpu.dynamic_gather %shift_right_arithmetic3A_95[%gather3A_414] in [0] : vector<16xi32>, vector<16xi32> -> vector<16xi32>
        %lt3A_416 = arith.constant 0 : i32
        %lt3A_417 = vector.broadcast %lt3A_416 : i32 to vector<16xi32>
        %lt3A_418 = arith.cmpi slt, %broadcast_in_dim3A_405, %lt3A_417 : vector<16xi32>
        %add3A_419 = arith.constant 16 : i32
        %add3A_420 = vector.broadcast %add3A_419 : i32 to vector<16xi32>
        %add3A_421 = arith.addi %broadcast_in_dim3A_405, %add3A_420 : vector<16xi32>
        %select_n3A_422 = arith.select %lt3A_418, %add3A_421, %broadcast_in_dim3A_405 : vector<16xi1>, vector<16xi32>
        %broadcast_in_dim3A_423 = vector.shape_cast %select_n3A_422 : vector<16xi32> to vector<16x1xi32>
        %gather3A_424 = vector.shape_cast %broadcast_in_dim3A_423 : vector<16x1xi32> to vector<16xi32>
        %gather3A_425 = tpu.dynamic_gather %shift_left3A_99[%gather3A_424] in [0] : vector<16xi32>, vector<16xi32> -> vector<16xi32>
        %add3A_426 = arith.addi %gather3A_425, %iota3A : vector<16xi32>
        %lt3A_427 = arith.constant 0 : i32
        %lt3A_428 = vector.broadcast %lt3A_427 : i32 to vector<16xi32>
        %lt3A_429 = arith.cmpi slt, %broadcast_in_dim3A_405, %lt3A_428 : vector<16xi32>
        %add3A_430 = arith.constant 16 : i32
        %add3A_431 = vector.broadcast %add3A_430 : i32 to vector<16xi32>
        %add3A_432 = arith.addi %broadcast_in_dim3A_405, %add3A_431 : vector<16xi32>
        %select_n3A_433 = arith.select %lt3A_429, %add3A_432, %broadcast_in_dim3A_405 : vector<16xi1>, vector<16xi32>
        %broadcast_in_dim3A_434 = vector.shape_cast %select_n3A_433 : vector<16xi32> to vector<16x1xi32>
        %gather3A_435 = vector.shape_cast %broadcast_in_dim3A_434 : vector<16x1xi32> to vector<16xi32>
        %gather3A_436 = tpu.dynamic_gather %convert_element_type3A_106[%gather3A_435] in [0] : vector<16xi32>, vector<16xi32> -> vector<16xi32>
        %ne3A_437 = arith.constant 0 : i32
        %ne3A_438 = vector.broadcast %ne3A_437 : i32 to vector<16xi32>
        %ne3A_439 = arith.cmpi ne, %gather3A_436, %ne3A_438 : vector<16xi32>
        %mul3A_440 = arith.constant 16 : i32
        %mul3A_441 = arith.muli %add3A_88, %mul3A_440 : i32
        %add3A_442 = arith.constant 7 : i32
        %add3A_443 = arith.addi %mul3A_441, %add3A_442 : i32
        %get3A_444 = arith.index_cast %add3A_443 : i32 to index
        %get3A_445 = arith.constant 0 : index
        %get3A_446 = tpu.vector_load %arg10[%get3A_444, %get3A_445] {strides = array<i32>} : memref<128x16xf32, #tpu.memory_space<vmem>>, vector<16xf32>,
        tpu.vector_store_idx %arg6[%gather3A_415, %add3A_426], %get3A_446 masked %ne3A_439 {add = true} : memref<625x128xf32, #tpu.memory_space<vmem>>[vector<16xi32>, vector<16xi32>], vector<16xf32>, vector<16xi1>
        %broadcast_in_dim3A_447 = arith.constant 8 : i32
        %broadcast_in_dim3A_448 = vector.broadcast %broadcast_in_dim3A_447 : i32 to vector<16xi32>
        %lt3A_449 = arith.constant 0 : i32
        %lt3A_450 = vector.broadcast %lt3A_449 : i32 to vector<16xi32>
        %lt3A_451 = arith.cmpi slt, %broadcast_in_dim3A_448, %lt3A_450 : vector<16xi32>
        %add3A_452 = arith.constant 16 : i32
        %add3A_453 = vector.broadcast %add3A_452 : i32 to vector<16xi32>
        %add3A_454 = arith.addi %broadcast_in_dim3A_448, %add3A_453 : vector<16xi32>
        %select_n3A_455 = arith.select %lt3A_451, %add3A_454, %broadcast_in_dim3A_448 : vector<16xi1>, vector<16xi32>
        %broadcast_in_dim3A_456 = vector.shape_cast %select_n3A_455 : vector<16xi32> to vector<16x1xi32>
        %gather3A_457 = vector.shape_cast %broadcast_in_dim3A_456 : vector<16x1xi32> to vector<16xi32>
        %gather3A_458 = tpu.dynamic_gather %shift_right_arithmetic3A_95[%gather3A_457] in [0] : vector<16xi32>, vector<16xi32> -> vector<16xi32>
        %lt3A_459 = arith.constant 0 : i32
        %lt3A_460 = vector.broadcast %lt3A_459 : i32 to vector<16xi32>
        %lt3A_461 = arith.cmpi slt, %broadcast_in_dim3A_448, %lt3A_460 : vector<16xi32>
        %add3A_462 = arith.constant 16 : i32
        %add3A_463 = vector.broadcast %add3A_462 : i32 to vector<16xi32>
        %add3A_464 = arith.addi %broadcast_in_dim3A_448, %add3A_463 : vector<16xi32>
        %select_n3A_465 = arith.select %lt3A_461, %add3A_464, %broadcast_in_dim3A_448 : vector<16xi1>, vector<16xi32>
        %broadcast_in_dim3A_466 = vector.shape_cast %select_n3A_465 : vector<16xi32> to vector<16x1xi32>
        %gather3A_467 = vector.shape_cast %broadcast_in_dim3A_466 : vector<16x1xi32> to vector<16xi32>
        %gather3A_468 = tpu.dynamic_gather %shift_left3A_99[%gather3A_467] in [0] : vector<16xi32>, vector<16xi32> -> vector<16xi32>
        %add3A_469 = arith.addi %gather3A_468, %iota3A : vector<16xi32>
        %lt3A_470 = arith.constant 0 : i32
        %lt3A_471 = vector.broadcast %lt3A_470 : i32 to vector<16xi32>
        %lt3A_472 = arith.cmpi slt, %broadcast_in_dim3A_448, %lt3A_471 : vector<16xi32>
        %add3A_473 = arith.constant 16 : i32
        %add3A_474 = vector.broadcast %add3A_473 : i32 to vector<16xi32>
        %add3A_475 = arith.addi %broadcast_in_dim3A_448, %add3A_474 : vector<16xi32>
        %select_n3A_476 = arith.select %lt3A_472, %add3A_475, %broadcast_in_dim3A_448 : vector<16xi1>, vector<16xi32>
        %broadcast_in_dim3A_477 = vector.shape_cast %select_n3A_476 : vector<16xi32> to vector<16x1xi32>
        %gather3A_478 = vector.shape_cast %broadcast_in_dim3A_477 : vector<16x1xi32> to vector<16xi32>
        %gather3A_479 = tpu.dynamic_gather %convert_element_type3A_106[%gather3A_478] in [0] : vector<16xi32>, vector<16xi32> -> vector<16xi32>
        %ne3A_480 = arith.constant 0 : i32
        %ne3A_481 = vector.broadcast %ne3A_480 : i32 to vector<16xi32>
        %ne3A_482 = arith.cmpi ne, %gather3A_479, %ne3A_481 : vector<16xi32>
        %mul3A_483 = arith.constant 16 : i32
        %mul3A_484 = arith.muli %add3A_88, %mul3A_483 : i32
        %add3A_485 = arith.constant 8 : i32
        %add3A_486 = arith.addi %mul3A_484, %add3A_485 : i32
        %get3A_487 = arith.index_cast %add3A_486 : i32 to index
        %get3A_488 = arith.constant 0 : index
        %get3A_489 = tpu.vector_load %arg10[%get3A_487, %get3A_488] {strides = array<i32>} : memref<128x16xf32, #tpu.memory_space<vmem>>, vector<16xf32>,
        tpu.vector_store_idx %arg6[%gather3A_458, %add3A_469], %get3A_489 masked %ne3A_482 {add = true} : memref<625x128xf32, #tpu.memory_space<vmem>>[vector<16xi32>, vector<16xi32>], vector<16xf32>, vector<16xi1>
        %broadcast_in_dim3A_490 = arith.constant 9 : i32
        %broadcast_in_dim3A_491 = vector.broadcast %broadcast_in_dim3A_490 : i32 to vector<16xi32>
        %lt3A_492 = arith.constant 0 : i32
        %lt3A_493 = vector.broadcast %lt3A_492 : i32 to vector<16xi32>
        %lt3A_494 = arith.cmpi slt, %broadcast_in_dim3A_491, %lt3A_493 : vector<16xi32>
        %add3A_495 = arith.constant 16 : i32
        %add3A_496 = vector.broadcast %add3A_495 : i32 to vector<16xi32>
        %add3A_497 = arith.addi %broadcast_in_dim3A_491, %add3A_496 : vector<16xi32>
        %select_n3A_498 = arith.select %lt3A_494, %add3A_497, %broadcast_in_dim3A_491 : vector<16xi1>, vector<16xi32>
        %broadcast_in_dim3A_499 = vector.shape_cast %select_n3A_498 : vector<16xi32> to vector<16x1xi32>
        %gather3A_500 = vector.shape_cast %broadcast_in_dim3A_499 : vector<16x1xi32> to vector<16xi32>
        %gather3A_501 = tpu.dynamic_gather %shift_right_arithmetic3A_95[%gather3A_500] in [0] : vector<16xi32>, vector<16xi32> -> vector<16xi32>
        %lt3A_502 = arith.constant 0 : i32
        %lt3A_503 = vector.broadcast %lt3A_502 : i32 to vector<16xi32>
        %lt3A_504 = arith.cmpi slt, %broadcast_in_dim3A_491, %lt3A_503 : vector<16xi32>
        %add3A_505 = arith.constant 16 : i32
        %add3A_506 = vector.broadcast %add3A_505 : i32 to vector<16xi32>
        %add3A_507 = arith.addi %broadcast_in_dim3A_491, %add3A_506 : vector<16xi32>
        %select_n3A_508 = arith.select %lt3A_504, %add3A_507, %broadcast_in_dim3A_491 : vector<16xi1>, vector<16xi32>
        %broadcast_in_dim3A_509 = vector.shape_cast %select_n3A_508 : vector<16xi32> to vector<16x1xi32>
        %gather3A_510 = vector.shape_cast %broadcast_in_dim3A_509 : vector<16x1xi32> to vector<16xi32>
        %gather3A_511 = tpu.dynamic_gather %shift_left3A_99[%gather3A_510] in [0] : vector<16xi32>, vector<16xi32> -> vector<16xi32>
        %add3A_512 = arith.addi %gather3A_511, %iota3A : vector<16xi32>
        %lt3A_513 = arith.constant 0 : i32
        %lt3A_514 = vector.broadcast %lt3A_513 : i32 to vector<16xi32>
        %lt3A_515 = arith.cmpi slt, %broadcast_in_dim3A_491, %lt3A_514 : vector<16xi32>
        %add3A_516 = arith.constant 16 : i32
        %add3A_517 = vector.broadcast %add3A_516 : i32 to vector<16xi32>
        %add3A_518 = arith.addi %broadcast_in_dim3A_491, %add3A_517 : vector<16xi32>
        %select_n3A_519 = arith.select %lt3A_515, %add3A_518, %broadcast_in_dim3A_491 : vector<16xi1>, vector<16xi32>
        %broadcast_in_dim3A_520 = vector.shape_cast %select_n3A_519 : vector<16xi32> to vector<16x1xi32>
        %gather3A_521 = vector.shape_cast %broadcast_in_dim3A_520 : vector<16x1xi32> to vector<16xi32>
        %gather3A_522 = tpu.dynamic_gather %convert_element_type3A_106[%gather3A_521] in [0] : vector<16xi32>, vector<16xi32> -> vector<16xi32>
        %ne3A_523 = arith.constant 0 : i32
        %ne3A_524 = vector.broadcast %ne3A_523 : i32 to vector<16xi32>
        %ne3A_525 = arith.cmpi ne, %gather3A_522, %ne3A_524 : vector<16xi32>
        %mul3A_526 = arith.constant 16 : i32
        %mul3A_527 = arith.muli %add3A_88, %mul3A_526 : i32
        %add3A_528 = arith.constant 9 : i32
        %add3A_529 = arith.addi %mul3A_527, %add3A_528 : i32
        %get3A_530 = arith.index_cast %add3A_529 : i32 to index
        %get3A_531 = arith.constant 0 : index
        %get3A_532 = tpu.vector_load %arg10[%get3A_530, %get3A_531] {strides = array<i32>} : memref<128x16xf32, #tpu.memory_space<vmem>>, vector<16xf32>,
        tpu.vector_store_idx %arg6[%gather3A_501, %add3A_512], %get3A_532 masked %ne3A_525 {add = true} : memref<625x128xf32, #tpu.memory_space<vmem>>[vector<16xi32>, vector<16xi32>], vector<16xf32>, vector<16xi1>
        %broadcast_in_dim3A_533 = arith.constant 10 : i32
        %broadcast_in_dim3A_534 = vector.broadcast %broadcast_in_dim3A_533 : i32 to vector<16xi32>
        %lt3A_535 = arith.constant 0 : i32
        %lt3A_536 = vector.broadcast %lt3A_535 : i32 to vector<16xi32>
        %lt3A_537 = arith.cmpi slt, %broadcast_in_dim3A_534, %lt3A_536 : vector<16xi32>
        %add3A_538 = arith.constant 16 : i32
        %add3A_539 = vector.broadcast %add3A_538 : i32 to vector<16xi32>
        %add3A_540 = arith.addi %broadcast_in_dim3A_534, %add3A_539 : vector<16xi32>
        %select_n3A_541 = arith.select %lt3A_537, %add3A_540, %broadcast_in_dim3A_534 : vector<16xi1>, vector<16xi32>
        %broadcast_in_dim3A_542 = vector.shape_cast %select_n3A_541 : vector<16xi32> to vector<16x1xi32>
        %gather3A_543 = vector.shape_cast %broadcast_in_dim3A_542 : vector<16x1xi32> to vector<16xi32>
        %gather3A_544 = tpu.dynamic_gather %shift_right_arithmetic3A_95[%gather3A_543] in [0] : vector<16xi32>, vector<16xi32> -> vector<16xi32>
        %lt3A_545 = arith.constant 0 : i32
        %lt3A_546 = vector.broadcast %lt3A_545 : i32 to vector<16xi32>
        %lt3A_547 = arith.cmpi slt, %broadcast_in_dim3A_534, %lt3A_546 : vector<16xi32>
        %add3A_548 = arith.constant 16 : i32
        %add3A_549 = vector.broadcast %add3A_548 : i32 to vector<16xi32>
        %add3A_550 = arith.addi %broadcast_in_dim3A_534, %add3A_549 : vector<16xi32>
        %select_n3A_551 = arith.select %lt3A_547, %add3A_550, %broadcast_in_dim3A_534 : vector<16xi1>, vector<16xi32>
        %broadcast_in_dim3A_552 = vector.shape_cast %select_n3A_551 : vector<16xi32> to vector<16x1xi32>
        %gather3A_553 = vector.shape_cast %broadcast_in_dim3A_552 : vector<16x1xi32> to vector<16xi32>
        %gather3A_554 = tpu.dynamic_gather %shift_left3A_99[%gather3A_553] in [0] : vector<16xi32>, vector<16xi32> -> vector<16xi32>
        %add3A_555 = arith.addi %gather3A_554, %iota3A : vector<16xi32>
        %lt3A_556 = arith.constant 0 : i32
        %lt3A_557 = vector.broadcast %lt3A_556 : i32 to vector<16xi32>
        %lt3A_558 = arith.cmpi slt, %broadcast_in_dim3A_534, %lt3A_557 : vector<16xi32>
        %add3A_559 = arith.constant 16 : i32
        %add3A_560 = vector.broadcast %add3A_559 : i32 to vector<16xi32>
        %add3A_561 = arith.addi %broadcast_in_dim3A_534, %add3A_560 : vector<16xi32>
        %select_n3A_562 = arith.select %lt3A_558, %add3A_561, %broadcast_in_dim3A_534 : vector<16xi1>, vector<16xi32>
        %broadcast_in_dim3A_563 = vector.shape_cast %select_n3A_562 : vector<16xi32> to vector<16x1xi32>
        %gather3A_564 = vector.shape_cast %broadcast_in_dim3A_563 : vector<16x1xi32> to vector<16xi32>
        %gather3A_565 = tpu.dynamic_gather %convert_element_type3A_106[%gather3A_564] in [0] : vector<16xi32>, vector<16xi32> -> vector<16xi32>
        %ne3A_566 = arith.constant 0 : i32
        %ne3A_567 = vector.broadcast %ne3A_566 : i32 to vector<16xi32>
        %ne3A_568 = arith.cmpi ne, %gather3A_565, %ne3A_567 : vector<16xi32>
        %mul3A_569 = arith.constant 16 : i32
        %mul3A_570 = arith.muli %add3A_88, %mul3A_569 : i32
        %add3A_571 = arith.constant 10 : i32
        %add3A_572 = arith.addi %mul3A_570, %add3A_571 : i32
        %get3A_573 = arith.index_cast %add3A_572 : i32 to index
        %get3A_574 = arith.constant 0 : index
        %get3A_575 = tpu.vector_load %arg10[%get3A_573, %get3A_574] {strides = array<i32>} : memref<128x16xf32, #tpu.memory_space<vmem>>, vector<16xf32>,
        tpu.vector_store_idx %arg6[%gather3A_544, %add3A_555], %get3A_575 masked %ne3A_568 {add = true} : memref<625x128xf32, #tpu.memory_space<vmem>>[vector<16xi32>, vector<16xi32>], vector<16xf32>, vector<16xi1>
        %broadcast_in_dim3A_576 = arith.constant 11 : i32
        %broadcast_in_dim3A_577 = vector.broadcast %broadcast_in_dim3A_576 : i32 to vector<16xi32>
        %lt3A_578 = arith.constant 0 : i32
        %lt3A_579 = vector.broadcast %lt3A_578 : i32 to vector<16xi32>
        %lt3A_580 = arith.cmpi slt, %broadcast_in_dim3A_577, %lt3A_579 : vector<16xi32>
        %add3A_581 = arith.constant 16 : i32
        %add3A_582 = vector.broadcast %add3A_581 : i32 to vector<16xi32>
        %add3A_583 = arith.addi %broadcast_in_dim3A_577, %add3A_582 : vector<16xi32>
        %select_n3A_584 = arith.select %lt3A_580, %add3A_583, %broadcast_in_dim3A_577 : vector<16xi1>, vector<16xi32>
        %broadcast_in_dim3A_585 = vector.shape_cast %select_n3A_584 : vector<16xi32> to vector<16x1xi32>
        %gather3A_586 = vector.shape_cast %broadcast_in_dim3A_585 : vector<16x1xi32> to vector<16xi32>
        %gather3A_587 = tpu.dynamic_gather %shift_right_arithmetic3A_95[%gather3A_586] in [0] : vector<16xi32>, vector<16xi32> -> vector<16xi32>
        %lt3A_588 = arith.constant 0 : i32
        %lt3A_589 = vector.broadcast %lt3A_588 : i32 to vector<16xi32>
        %lt3A_590 = arith.cmpi slt, %broadcast_in_dim3A_577, %lt3A_589 : vector<16xi32>
        %add3A_591 = arith.constant 16 : i32
        %add3A_592 = vector.broadcast %add3A_591 : i32 to vector<16xi32>
        %add3A_593 = arith.addi %broadcast_in_dim3A_577, %add3A_592 : vector<16xi32>
        %select_n3A_594 = arith.select %lt3A_590, %add3A_593, %broadcast_in_dim3A_577 : vector<16xi1>, vector<16xi32>
        %broadcast_in_dim3A_595 = vector.shape_cast %select_n3A_594 : vector<16xi32> to vector<16x1xi32>
        %gather3A_596 = vector.shape_cast %broadcast_in_dim3A_595 : vector<16x1xi32> to vector<16xi32>
        %gather3A_597 = tpu.dynamic_gather %shift_left3A_99[%gather3A_596] in [0] : vector<16xi32>, vector<16xi32> -> vector<16xi32>
        %add3A_598 = arith.addi %gather3A_597, %iota3A : vector<16xi32>
        %lt3A_599 = arith.constant 0 : i32
        %lt3A_600 = vector.broadcast %lt3A_599 : i32 to vector<16xi32>
        %lt3A_601 = arith.cmpi slt, %broadcast_in_dim3A_577, %lt3A_600 : vector<16xi32>
        %add3A_602 = arith.constant 16 : i32
        %add3A_603 = vector.broadcast %add3A_602 : i32 to vector<16xi32>
        %add3A_604 = arith.addi %broadcast_in_dim3A_577, %add3A_603 : vector<16xi32>
        %select_n3A_605 = arith.select %lt3A_601, %add3A_604, %broadcast_in_dim3A_577 : vector<16xi1>, vector<16xi32>
        %broadcast_in_dim3A_606 = vector.shape_cast %select_n3A_605 : vector<16xi32> to vector<16x1xi32>
        %gather3A_607 = vector.shape_cast %broadcast_in_dim3A_606 : vector<16x1xi32> to vector<16xi32>
        %gather3A_608 = tpu.dynamic_gather %convert_element_type3A_106[%gather3A_607] in [0] : vector<16xi32>, vector<16xi32> -> vector<16xi32>
        %ne3A_609 = arith.constant 0 : i32
        %ne3A_610 = vector.broadcast %ne3A_609 : i32 to vector<16xi32>
        %ne3A_611 = arith.cmpi ne, %gather3A_608, %ne3A_610 : vector<16xi32>
        %mul3A_612 = arith.constant 16 : i32
        %mul3A_613 = arith.muli %add3A_88, %mul3A_612 : i32
        %add3A_614 = arith.constant 11 : i32
        %add3A_615 = arith.addi %mul3A_613, %add3A_614 : i32
        %get3A_616 = arith.index_cast %add3A_615 : i32 to index
        %get3A_617 = arith.constant 0 : index
        %get3A_618 = tpu.vector_load %arg10[%get3A_616, %get3A_617] {strides = array<i32>} : memref<128x16xf32, #tpu.memory_space<vmem>>, vector<16xf32>,
        tpu.vector_store_idx %arg6[%gather3A_587, %add3A_598], %get3A_618 masked %ne3A_611 {add = true} : memref<625x128xf32, #tpu.memory_space<vmem>>[vector<16xi32>, vector<16xi32>], vector<16xf32>, vector<16xi1>
        %broadcast_in_dim3A_619 = arith.constant 12 : i32
        %broadcast_in_dim3A_620 = vector.broadcast %broadcast_in_dim3A_619 : i32 to vector<16xi32>
        %lt3A_621 = arith.constant 0 : i32
        %lt3A_622 = vector.broadcast %lt3A_621 : i32 to vector<16xi32>
        %lt3A_623 = arith.cmpi slt, %broadcast_in_dim3A_620, %lt3A_622 : vector<16xi32>
        %add3A_624 = arith.constant 16 : i32
        %add3A_625 = vector.broadcast %add3A_624 : i32 to vector<16xi32>
        %add3A_626 = arith.addi %broadcast_in_dim3A_620, %add3A_625 : vector<16xi32>
        %select_n3A_627 = arith.select %lt3A_623, %add3A_626, %broadcast_in_dim3A_620 : vector<16xi1>, vector<16xi32>
        %broadcast_in_dim3A_628 = vector.shape_cast %select_n3A_627 : vector<16xi32> to vector<16x1xi32>
        %gather3A_629 = vector.shape_cast %broadcast_in_dim3A_628 : vector<16x1xi32> to vector<16xi32>
        %gather3A_630 = tpu.dynamic_gather %shift_right_arithmetic3A_95[%gather3A_629] in [0] : vector<16xi32>, vector<16xi32> -> vector<16xi32>
        %lt3A_631 = arith.constant 0 : i32
        %lt3A_632 = vector.broadcast %lt3A_631 : i32 to vector<16xi32>
        %lt3A_633 = arith.cmpi slt, %broadcast_in_dim3A_620, %lt3A_632 : vector<16xi32>
        %add3A_634 = arith.constant 16 : i32
        %add3A_635 = vector.broadcast %add3A_634 : i32 to vector<16xi32>
        %add3A_636 = arith.addi %broadcast_in_dim3A_620, %add3A_635 : vector<16xi32>
        %select_n3A_637 = arith.select %lt3A_633, %add3A_636, %broadcast_in_dim3A_620 : vector<16xi1>, vector<16xi32>
        %broadcast_in_dim3A_638 = vector.shape_cast %select_n3A_637 : vector<16xi32> to vector<16x1xi32>
        %gather3A_639 = vector.shape_cast %broadcast_in_dim3A_638 : vector<16x1xi32> to vector<16xi32>
        %gather3A_640 = tpu.dynamic_gather %shift_left3A_99[%gather3A_639] in [0] : vector<16xi32>, vector<16xi32> -> vector<16xi32>
        %add3A_641 = arith.addi %gather3A_640, %iota3A : vector<16xi32>
        %lt3A_642 = arith.constant 0 : i32
        %lt3A_643 = vector.broadcast %lt3A_642 : i32 to vector<16xi32>
        %lt3A_644 = arith.cmpi slt, %broadcast_in_dim3A_620, %lt3A_643 : vector<16xi32>
        %add3A_645 = arith.constant 16 : i32
        %add3A_646 = vector.broadcast %add3A_645 : i32 to vector<16xi32>
        %add3A_647 = arith.addi %broadcast_in_dim3A_620, %add3A_646 : vector<16xi32>
        %select_n3A_648 = arith.select %lt3A_644, %add3A_647, %broadcast_in_dim3A_620 : vector<16xi1>, vector<16xi32>
        %broadcast_in_dim3A_649 = vector.shape_cast %select_n3A_648 : vector<16xi32> to vector<16x1xi32>
        %gather3A_650 = vector.shape_cast %broadcast_in_dim3A_649 : vector<16x1xi32> to vector<16xi32>
        %gather3A_651 = tpu.dynamic_gather %convert_element_type3A_106[%gather3A_650] in [0] : vector<16xi32>, vector<16xi32> -> vector<16xi32>
        %ne3A_652 = arith.constant 0 : i32
        %ne3A_653 = vector.broadcast %ne3A_652 : i32 to vector<16xi32>
        %ne3A_654 = arith.cmpi ne, %gather3A_651, %ne3A_653 : vector<16xi32>
        %mul3A_655 = arith.constant 16 : i32
        %mul3A_656 = arith.muli %add3A_88, %mul3A_655 : i32
        %add3A_657 = arith.constant 12 : i32
        %add3A_658 = arith.addi %mul3A_656, %add3A_657 : i32
        %get3A_659 = arith.index_cast %add3A_658 : i32 to index
        %get3A_660 = arith.constant 0 : index
        %get3A_661 = tpu.vector_load %arg10[%get3A_659, %get3A_660] {strides = array<i32>} : memref<128x16xf32, #tpu.memory_space<vmem>>, vector<16xf32>,
        tpu.vector_store_idx %arg6[%gather3A_630, %add3A_641], %get3A_661 masked %ne3A_654 {add = true} : memref<625x128xf32, #tpu.memory_space<vmem>>[vector<16xi32>, vector<16xi32>], vector<16xf32>, vector<16xi1>
        %broadcast_in_dim3A_662 = arith.constant 13 : i32
        %broadcast_in_dim3A_663 = vector.broadcast %broadcast_in_dim3A_662 : i32 to vector<16xi32>
        %lt3A_664 = arith.constant 0 : i32
        %lt3A_665 = vector.broadcast %lt3A_664 : i32 to vector<16xi32>
        %lt3A_666 = arith.cmpi slt, %broadcast_in_dim3A_663, %lt3A_665 : vector<16xi32>
        %add3A_667 = arith.constant 16 : i32
        %add3A_668 = vector.broadcast %add3A_667 : i32 to vector<16xi32>
        %add3A_669 = arith.addi %broadcast_in_dim3A_663, %add3A_668 : vector<16xi32>
        %select_n3A_670 = arith.select %lt3A_666, %add3A_669, %broadcast_in_dim3A_663 : vector<16xi1>, vector<16xi32>
        %broadcast_in_dim3A_671 = vector.shape_cast %select_n3A_670 : vector<16xi32> to vector<16x1xi32>
        %gather3A_672 = vector.shape_cast %broadcast_in_dim3A_671 : vector<16x1xi32> to vector<16xi32>
        %gather3A_673 = tpu.dynamic_gather %shift_right_arithmetic3A_95[%gather3A_672] in [0] : vector<16xi32>, vector<16xi32> -> vector<16xi32>
        %lt3A_674 = arith.constant 0 : i32
        %lt3A_675 = vector.broadcast %lt3A_674 : i32 to vector<16xi32>
        %lt3A_676 = arith.cmpi slt, %broadcast_in_dim3A_663, %lt3A_675 : vector<16xi32>
        %add3A_677 = arith.constant 16 : i32
        %add3A_678 = vector.broadcast %add3A_677 : i32 to vector<16xi32>
        %add3A_679 = arith.addi %broadcast_in_dim3A_663, %add3A_678 : vector<16xi32>
        %select_n3A_680 = arith.select %lt3A_676, %add3A_679, %broadcast_in_dim3A_663 : vector<16xi1>, vector<16xi32>
        %broadcast_in_dim3A_681 = vector.shape_cast %select_n3A_680 : vector<16xi32> to vector<16x1xi32>
        %gather3A_682 = vector.shape_cast %broadcast_in_dim3A_681 : vector<16x1xi32> to vector<16xi32>
        %gather3A_683 = tpu.dynamic_gather %shift_left3A_99[%gather3A_682] in [0] : vector<16xi32>, vector<16xi32> -> vector<16xi32>
        %add3A_684 = arith.addi %gather3A_683, %iota3A : vector<16xi32>
        %lt3A_685 = arith.constant 0 : i32
        %lt3A_686 = vector.broadcast %lt3A_685 : i32 to vector<16xi32>
        %lt3A_687 = arith.cmpi slt, %broadcast_in_dim3A_663, %lt3A_686 : vector<16xi32>
        %add3A_688 = arith.constant 16 : i32
        %add3A_689 = vector.broadcast %add3A_688 : i32 to vector<16xi32>
        %add3A_690 = arith.addi %broadcast_in_dim3A_663, %add3A_689 : vector<16xi32>
        %select_n3A_691 = arith.select %lt3A_687, %add3A_690, %broadcast_in_dim3A_663 : vector<16xi1>, vector<16xi32>
        %broadcast_in_dim3A_692 = vector.shape_cast %select_n3A_691 : vector<16xi32> to vector<16x1xi32>
        %gather3A_693 = vector.shape_cast %broadcast_in_dim3A_692 : vector<16x1xi32> to vector<16xi32>
        %gather3A_694 = tpu.dynamic_gather %convert_element_type3A_106[%gather3A_693] in [0] : vector<16xi32>, vector<16xi32> -> vector<16xi32>
        %ne3A_695 = arith.constant 0 : i32
        %ne3A_696 = vector.broadcast %ne3A_695 : i32 to vector<16xi32>
        %ne3A_697 = arith.cmpi ne, %gather3A_694, %ne3A_696 : vector<16xi32>
        %mul3A_698 = arith.constant 16 : i32
        %mul3A_699 = arith.muli %add3A_88, %mul3A_698 : i32
        %add3A_700 = arith.constant 13 : i32
        %add3A_701 = arith.addi %mul3A_699, %add3A_700 : i32
        %get3A_702 = arith.index_cast %add3A_701 : i32 to index
        %get3A_703 = arith.constant 0 : index
        %get3A_704 = tpu.vector_load %arg10[%get3A_702, %get3A_703] {strides = array<i32>} : memref<128x16xf32, #tpu.memory_space<vmem>>, vector<16xf32>,
        tpu.vector_store_idx %arg6[%gather3A_673, %add3A_684], %get3A_704 masked %ne3A_697 {add = true} : memref<625x128xf32, #tpu.memory_space<vmem>>[vector<16xi32>, vector<16xi32>], vector<16xf32>, vector<16xi1>
        %broadcast_in_dim3A_705 = arith.constant 14 : i32
        %broadcast_in_dim3A_706 = vector.broadcast %broadcast_in_dim3A_705 : i32 to vector<16xi32>
        %lt3A_707 = arith.constant 0 : i32
        %lt3A_708 = vector.broadcast %lt3A_707 : i32 to vector<16xi32>
        %lt3A_709 = arith.cmpi slt, %broadcast_in_dim3A_706, %lt3A_708 : vector<16xi32>
        %add3A_710 = arith.constant 16 : i32
        %add3A_711 = vector.broadcast %add3A_710 : i32 to vector<16xi32>
        %add3A_712 = arith.addi %broadcast_in_dim3A_706, %add3A_711 : vector<16xi32>
        %select_n3A_713 = arith.select %lt3A_709, %add3A_712, %broadcast_in_dim3A_706 : vector<16xi1>, vector<16xi32>
        %broadcast_in_dim3A_714 = vector.shape_cast %select_n3A_713 : vector<16xi32> to vector<16x1xi32>
        %gather3A_715 = vector.shape_cast %broadcast_in_dim3A_714 : vector<16x1xi32> to vector<16xi32>
        %gather3A_716 = tpu.dynamic_gather %shift_right_arithmetic3A_95[%gather3A_715] in [0] : vector<16xi32>, vector<16xi32> -> vector<16xi32>
        %lt3A_717 = arith.constant 0 : i32
        %lt3A_718 = vector.broadcast %lt3A_717 : i32 to vector<16xi32>
        %lt3A_719 = arith.cmpi slt, %broadcast_in_dim3A_706, %lt3A_718 : vector<16xi32>
        %add3A_720 = arith.constant 16 : i32
        %add3A_721 = vector.broadcast %add3A_720 : i32 to vector<16xi32>
        %add3A_722 = arith.addi %broadcast_in_dim3A_706, %add3A_721 : vector<16xi32>
        %select_n3A_723 = arith.select %lt3A_719, %add3A_722, %broadcast_in_dim3A_706 : vector<16xi1>, vector<16xi32>
        %broadcast_in_dim3A_724 = vector.shape_cast %select_n3A_723 : vector<16xi32> to vector<16x1xi32>
        %gather3A_725 = vector.shape_cast %broadcast_in_dim3A_724 : vector<16x1xi32> to vector<16xi32>
        %gather3A_726 = tpu.dynamic_gather %shift_left3A_99[%gather3A_725] in [0] : vector<16xi32>, vector<16xi32> -> vector<16xi32>
        %add3A_727 = arith.addi %gather3A_726, %iota3A : vector<16xi32>
        %lt3A_728 = arith.constant 0 : i32
        %lt3A_729 = vector.broadcast %lt3A_728 : i32 to vector<16xi32>
        %lt3A_730 = arith.cmpi slt, %broadcast_in_dim3A_706, %lt3A_729 : vector<16xi32>
        %add3A_731 = arith.constant 16 : i32
        %add3A_732 = vector.broadcast %add3A_731 : i32 to vector<16xi32>
        %add3A_733 = arith.addi %broadcast_in_dim3A_706, %add3A_732 : vector<16xi32>
        %select_n3A_734 = arith.select %lt3A_730, %add3A_733, %broadcast_in_dim3A_706 : vector<16xi1>, vector<16xi32>
        %broadcast_in_dim3A_735 = vector.shape_cast %select_n3A_734 : vector<16xi32> to vector<16x1xi32>
        %gather3A_736 = vector.shape_cast %broadcast_in_dim3A_735 : vector<16x1xi32> to vector<16xi32>
        %gather3A_737 = tpu.dynamic_gather %convert_element_type3A_106[%gather3A_736] in [0] : vector<16xi32>, vector<16xi32> -> vector<16xi32>
        %ne3A_738 = arith.constant 0 : i32
        %ne3A_739 = vector.broadcast %ne3A_738 : i32 to vector<16xi32>
        %ne3A_740 = arith.cmpi ne, %gather3A_737, %ne3A_739 : vector<16xi32>
        %mul3A_741 = arith.constant 16 : i32
        %mul3A_742 = arith.muli %add3A_88, %mul3A_741 : i32
        %add3A_743 = arith.constant 14 : i32
        %add3A_744 = arith.addi %mul3A_742, %add3A_743 : i32
        %get3A_745 = arith.index_cast %add3A_744 : i32 to index
        %get3A_746 = arith.constant 0 : index
        %get3A_747 = tpu.vector_load %arg10[%get3A_745, %get3A_746] {strides = array<i32>} : memref<128x16xf32, #tpu.memory_space<vmem>>, vector<16xf32>,
        tpu.vector_store_idx %arg6[%gather3A_716, %add3A_727], %get3A_747 masked %ne3A_740 {add = true} : memref<625x128xf32, #tpu.memory_space<vmem>>[vector<16xi32>, vector<16xi32>], vector<16xf32>, vector<16xi1>
        %broadcast_in_dim3A_748 = arith.constant 15 : i32
        %broadcast_in_dim3A_749 = vector.broadcast %broadcast_in_dim3A_748 : i32 to vector<16xi32>
        %lt3A_750 = arith.constant 0 : i32
        %lt3A_751 = vector.broadcast %lt3A_750 : i32 to vector<16xi32>
        %lt3A_752 = arith.cmpi slt, %broadcast_in_dim3A_749, %lt3A_751 : vector<16xi32>
        %add3A_753 = arith.constant 16 : i32
        %add3A_754 = vector.broadcast %add3A_753 : i32 to vector<16xi32>
        %add3A_755 = arith.addi %broadcast_in_dim3A_749, %add3A_754 : vector<16xi32>
        %select_n3A_756 = arith.select %lt3A_752, %add3A_755, %broadcast_in_dim3A_749 : vector<16xi1>, vector<16xi32>
        %broadcast_in_dim3A_757 = vector.shape_cast %select_n3A_756 : vector<16xi32> to vector<16x1xi32>
        %gather3A_758 = vector.shape_cast %broadcast_in_dim3A_757 : vector<16x1xi32> to vector<16xi32>
        %gather3A_759 = tpu.dynamic_gather %shift_right_arithmetic3A_95[%gather3A_758] in [0] : vector<16xi32>, vector<16xi32> -> vector<16xi32>
        %lt3A_760 = arith.constant 0 : i32
        %lt3A_761 = vector.broadcast %lt3A_760 : i32 to vector<16xi32>
        %lt3A_762 = arith.cmpi slt, %broadcast_in_dim3A_749, %lt3A_761 : vector<16xi32>
        %add3A_763 = arith.constant 16 : i32
        %add3A_764 = vector.broadcast %add3A_763 : i32 to vector<16xi32>
        %add3A_765 = arith.addi %broadcast_in_dim3A_749, %add3A_764 : vector<16xi32>
        %select_n3A_766 = arith.select %lt3A_762, %add3A_765, %broadcast_in_dim3A_749 : vector<16xi1>, vector<16xi32>
        %broadcast_in_dim3A_767 = vector.shape_cast %select_n3A_766 : vector<16xi32> to vector<16x1xi32>
        %gather3A_768 = vector.shape_cast %broadcast_in_dim3A_767 : vector<16x1xi32> to vector<16xi32>
        %gather3A_769 = tpu.dynamic_gather %shift_left3A_99[%gather3A_768] in [0] : vector<16xi32>, vector<16xi32> -> vector<16xi32>
        %add3A_770 = arith.addi %gather3A_769, %iota3A : vector<16xi32>
        %lt3A_771 = arith.constant 0 : i32
        %lt3A_772 = vector.broadcast %lt3A_771 : i32 to vector<16xi32>
        %lt3A_773 = arith.cmpi slt, %broadcast_in_dim3A_749, %lt3A_772 : vector<16xi32>
        %add3A_774 = arith.constant 16 : i32
        %add3A_775 = vector.broadcast %add3A_774 : i32 to vector<16xi32>
        %add3A_776 = arith.addi %broadcast_in_dim3A_749, %add3A_775 : vector<16xi32>
        %select_n3A_777 = arith.select %lt3A_773, %add3A_776, %broadcast_in_dim3A_749 : vector<16xi1>, vector<16xi32>
        %broadcast_in_dim3A_778 = vector.shape_cast %select_n3A_777 : vector<16xi32> to vector<16x1xi32>
        %gather3A_779 = vector.shape_cast %broadcast_in_dim3A_778 : vector<16x1xi32> to vector<16xi32>
        %gather3A_780 = tpu.dynamic_gather %convert_element_type3A_106[%gather3A_779] in [0] : vector<16xi32>, vector<16xi32> -> vector<16xi32>
        %ne3A_781 = arith.constant 0 : i32
        %ne3A_782 = vector.broadcast %ne3A_781 : i32 to vector<16xi32>
        %ne3A_783 = arith.cmpi ne, %gather3A_780, %ne3A_782 : vector<16xi32>
        %mul3A_784 = arith.constant 16 : i32
        %mul3A_785 = arith.muli %add3A_88, %mul3A_784 : i32
        %add3A_786 = arith.constant 15 : i32
        %add3A_787 = arith.addi %mul3A_785, %add3A_786 : i32
        %get3A_788 = arith.index_cast %add3A_787 : i32 to index
        %get3A_789 = arith.constant 0 : index
        %get3A_790 = tpu.vector_load %arg10[%get3A_788, %get3A_789] {strides = array<i32>} : memref<128x16xf32, #tpu.memory_space<vmem>>, vector<16xf32>,
        tpu.vector_store_idx %arg6[%gather3A_759, %add3A_770], %get3A_790 masked %ne3A_783 {add = true} : memref<625x128xf32, #tpu.memory_space<vmem>>[vector<16xi32>, vector<16xi32>], vector<16xf32>, vector<16xi1>
      }
      %scan3A_76 = arith.constant 8 : i32
      %add3A_77 = arith.constant 3 : i32
      %add3A_78 = arith.addi %add3A_46, %add3A_77 : i32
      %lt3A_79 = arith.constant 40 : i32
      %lt3A_80 = arith.cmpi slt, %add3A_78, %lt3A_79 : i32
      %convert_element_type3A_81 = arith.extui %lt3A_80 : i1 to i32
      %cond3A_82 = arith.constant 0 : i32
      %cond3A_83 = arith.cmpi ne, %convert_element_type3A_81, %cond3A_82 : i32
      scf.if %cond3A_83 {
        %add3A_84 = arith.constant 384 : i32
        %add3A_85 = arith.addi %add3A_49, %add3A_84 : i32
        %dma_start3A_86 = tpu.memref_slice %arg3[%add3A_85] : memref<163840xi32, #tpu.memory_space<hbm>> -> memref<128xi32, #tpu.memory_space<hbm>>
        %dma_start3A_87 = tpu.memref_slice %arg3[%add3A_85] : memref<163840xi32, #tpu.memory_space<hbm>> -> memref<128xi32, #tpu.memory_space<hbm>>
        tpu.enqueue_dma source(%dma_start3A_87 : memref<128xi32, #tpu.memory_space<hbm>>) target(%arg8 : memref<128xi32, #tpu.memory_space<vmem>>) target_semaphore(%arg12 : memref<!tpu.dma_semaphore, #tpu.memory_space<semaphore_mem>>)
        %dma_start3A_88 = arith.constant 0 : i32
        %dma_start3A_89 = tpu.memref_slice %arg2[%add3A_85, %dma_start3A_88] : memref<163840x16xf32, #tpu.memory_space<hbm>> -> memref<128x16xf32, #tpu.memory_space<hbm>>
        %dma_start3A_90 = arith.constant 0 : i32
        %dma_start3A_91 = tpu.memref_slice %arg2[%add3A_85, %dma_start3A_90] : memref<163840x16xf32, #tpu.memory_space<hbm>> -> memref<128x16xf32, #tpu.memory_space<hbm>>
        tpu.enqueue_dma source(%dma_start3A_91 : memref<128x16xf32, #tpu.memory_space<hbm>>) target(%arg10 : memref<128x16xf32, #tpu.memory_space<vmem>>) target_semaphore(%arg12 : memref<!tpu.dma_semaphore, #tpu.memory_space<semaphore_mem>>)
      } else {
      }
    }
    %scan3A_40 = arith.constant 20 : i32
    %run_scoped3A_41 = arith.constant 1 : i32
    "tpu.region"() ({
      %run_scoped3A_42 = tpu.sem_alloc : memref<!tpu.dma_semaphore, #tpu.memory_space<semaphore_mem>>
      %dma_start3A_43 = arith.constant 0 : i32
      %dma_start3A_44 = arith.constant 0 : i32
      %dma_start3A_45 = tpu.memref_slice %arg5[%add3A, %run_scoped3A_41, %dma_start3A_43, %dma_start3A_44] : memref<32x2x625x128xf32, #tpu.memory_space<hbm>> -> memref<1x1x625x128xf32, #tpu.memory_space<hbm>>
      %dma_start3A_46 = tpu.memref_squeeze %dma_start3A_45 : memref<1x1x625x128xf32, #tpu.memory_space<hbm>> -> memref<625x128xf32, #tpu.memory_space<hbm>>
      %dma_start3A_47 = arith.constant 0 : i32
      %dma_start3A_48 = arith.constant 0 : i32
      %dma_start3A_49 = tpu.memref_slice %arg5[%add3A, %run_scoped3A_41, %dma_start3A_47, %dma_start3A_48] : memref<32x2x625x128xf32, #tpu.memory_space<hbm>> -> memref<1x1x625x128xf32, #tpu.memory_space<hbm>>
      %dma_start3A_50 = tpu.memref_squeeze %dma_start3A_49 : memref<1x1x625x128xf32, #tpu.memory_space<hbm>> -> memref<625x128xf32, #tpu.memory_space<hbm>>
      tpu.enqueue_dma source(%arg6 : memref<625x128xf32, #tpu.memory_space<vmem>>) target(%dma_start3A_50 : memref<625x128xf32, #tpu.memory_space<hbm>>) target_semaphore(%run_scoped3A_42 : memref<!tpu.dma_semaphore, #tpu.memory_space<semaphore_mem>>)
      %dma_wait3A = arith.constant 0 : i32
      %dma_wait3A_51 = arith.constant 0 : i32
      %dma_wait3A_52 = tpu.memref_slice %arg5[%add3A, %run_scoped3A_41, %dma_wait3A, %dma_wait3A_51] : memref<32x2x625x128xf32, #tpu.memory_space<hbm>> -> memref<1x1x625x128xf32, #tpu.memory_space<hbm>>
      %dma_wait3A_53 = tpu.memref_squeeze %dma_wait3A_52 : memref<1x1x625x128xf32, #tpu.memory_space<hbm>> -> memref<625x128xf32, #tpu.memory_space<hbm>>
      %dma_wait3A_54 = arith.constant 0 : i32
      %dma_wait3A_55 = arith.constant 0 : i32
      %dma_wait3A_56 = tpu.memref_slice %arg5[%add3A, %run_scoped3A_41, %dma_wait3A_54, %dma_wait3A_55] : memref<32x2x625x128xf32, #tpu.memory_space<hbm>> -> memref<1x1x625x128xf32, #tpu.memory_space<hbm>>
      %dma_wait3A_57 = tpu.memref_squeeze %dma_wait3A_56 : memref<1x1x625x128xf32, #tpu.memory_space<hbm>> -> memref<625x128xf32, #tpu.memory_space<hbm>>
      tpu.wait_dma2 semaphore(%run_scoped3A_42 : memref<!tpu.dma_semaphore, #tpu.memory_space<semaphore_mem>>) src(%arg6 : memref<625x128xf32, #tpu.memory_space<vmem>>) dst(%dma_wait3A_57 : memref<625x128xf32, #tpu.memory_space<hbm>>)
      tpu.yield
    }) : () -> ()
    return
  }
}

module attributes {stable_mosaic.version = 14 : i64} {
  func.func @body(%arg0: i32, %arg1: memref<2048x128xf32, #tpu.memory_space<vmem>>, %arg2: memref<2048x16xf32, #tpu.memory_space<vmem>>, %arg3: memref<128x256xf32, #tpu.memory_space<vmem>>, %arg4: memref<16x256xf32, #tpu.memory_space<vmem>>, %arg5: memref<256x16xf32, #tpu.memory_space<vmem>>, %arg6: memref<2048x16xf32, #tpu.memory_space<vmem>>) attributes {dimension_semantics = [#tpu.dimension_semantics<arbitrary>], iteration_bounds = array<i64: 80>, scalar_prefetch = 0 : i64, scratch_operands = 0 : i64, tpu.core_type = #tpu.core_type<tc>, window_params = [{transform_indices = @transform_0, window_bounds = array<i64: 2048, 128>}, {transform_indices = @transform_1, window_bounds = array<i64: 2048, 16>}, {pipeline_mode = #tpu.pipeline_mode<synchronous>, transform_indices = @transform_2, window_bounds = array<i64: 128, 256>}, {pipeline_mode = #tpu.pipeline_mode<synchronous>, transform_indices = @transform_3, window_bounds = array<i64: 16, 256>}, {pipeline_mode = #tpu.pipeline_mode<synchronous>, transform_indices = @transform_4, window_bounds = array<i64: 256, 16>}, {transform_indices = @transform_5, window_bounds = array<i64: 2048, 16>}]} {
    %get3A = arith.constant 0 : index
    %get3A_0 = arith.constant 0 : index
    %get3A_1 = vector.load %arg1[%get3A, %get3A_0] : memref<2048x128xf32, #tpu.memory_space<vmem>>, vector<2048x128xf32>
    %get3A_2 = arith.constant 0 : index
    %get3A_3 = arith.constant 0 : index
    %get3A_4 = vector.load %arg3[%get3A_2, %get3A_3] : memref<128x256xf32, #tpu.memory_space<vmem>>, vector<128x256xf32>
    %dot_general3A = arith.constant dense<0.000000e+00> : vector<2048x256xf32>
    %dot_general3A_5 = tpu.matmul %get3A_1, %get3A_4, %dot_general3A {dimension_numbers = #tpu.dot_dimension_numbers<[1], [0], [0], [1], [0, 0, 1, 1], [], []>, transpose_lhs_hint = false} : vector<2048x128xf32>, vector<128x256xf32>, vector<2048x256xf32> -> vector<2048x256xf32>
    %get3A_6 = arith.constant 0 : index
    %get3A_7 = arith.constant 0 : index
    %get3A_8 = vector.load %arg2[%get3A_6, %get3A_7] : memref<2048x16xf32, #tpu.memory_space<vmem>>, vector<2048x16xf32>
    %get3A_9 = arith.constant 0 : index
    %get3A_10 = arith.constant 0 : index
    %get3A_11 = vector.load %arg4[%get3A_9, %get3A_10] : memref<16x256xf32, #tpu.memory_space<vmem>>, vector<16x256xf32>
    %dot_general3A_12 = arith.constant dense<0.000000e+00> : vector<2048x256xf32>
    %dot_general3A_13 = tpu.matmul %get3A_8, %get3A_11, %dot_general3A_12 {dimension_numbers = #tpu.dot_dimension_numbers<[1], [0], [0], [1], [0, 0, 1, 1], [], []>, transpose_lhs_hint = false} : vector<2048x16xf32>, vector<16x256xf32>, vector<2048x256xf32> -> vector<2048x256xf32>
    %mul3A = arith.mulf %dot_general3A_5, %dot_general3A_13 : vector<2048x256xf32>
    %get3A_14 = arith.constant 0 : index
    %get3A_15 = arith.constant 0 : index
    %get3A_16 = vector.load %arg5[%get3A_14, %get3A_15] : memref<256x16xf32, #tpu.memory_space<vmem>>, vector<256x16xf32>
    %dot_general3A_17 = arith.constant dense<0.000000e+00> : vector<2048x16xf32>
    %dot_general3A_18 = tpu.matmul %mul3A, %get3A_16, %dot_general3A_17 {dimension_numbers = #tpu.dot_dimension_numbers<[1], [0], [0], [1], [0, 0, 1, 1], [], []>, transpose_lhs_hint = false} : vector<2048x256xf32>, vector<256x16xf32>, vector<2048x16xf32> -> vector<2048x16xf32>
    %swap3A = arith.constant 0 : index
    %swap3A_19 = arith.constant 0 : index
    %swap3A_20 = vector.load %arg6[%swap3A, %swap3A_19] : memref<2048x16xf32, #tpu.memory_space<vmem>>, vector<2048x16xf32>
    tpu.vector_store %arg6[%swap3A, %swap3A_19], %dot_general3A_18 {strides = array<i32>} : memref<2048x16xf32, #tpu.memory_space<vmem>>, vector<2048x16xf32>,
    return
  }
  func.func @transform_0(%arg0: i32) -> (i32, i32) {
    %c0_i32 = arith.constant 0 : i32
    %c0_i32_0 = arith.constant 0 : i32
    return %arg0, %c0_i32 : i32, i32
  }
  func.func @transform_1(%arg0: i32) -> (i32, i32) {
    %c0_i32 = arith.constant 0 : i32
    %c0_i32_0 = arith.constant 0 : i32
    return %arg0, %c0_i32 : i32, i32
  }
  func.func @transform_2(%arg0: i32) -> (i32, i32) {
    %c0_i32 = arith.constant 0 : i32
    %c0_i32_0 = arith.constant 0 : i32
    %c0_i32_1 = arith.constant 0 : i32
    return %c0_i32, %c0_i32_0 : i32, i32
  }
  func.func @transform_3(%arg0: i32) -> (i32, i32) {
    %c0_i32 = arith.constant 0 : i32
    %c0_i32_0 = arith.constant 0 : i32
    %c0_i32_1 = arith.constant 0 : i32
    return %c0_i32, %c0_i32_0 : i32, i32
  }
  func.func @transform_4(%arg0: i32) -> (i32, i32) {
    %c0_i32 = arith.constant 0 : i32
    %c0_i32_0 = arith.constant 0 : i32
    %c0_i32_1 = arith.constant 0 : i32
    return %c0_i32, %c0_i32_0 : i32, i32
  }
  func.func @transform_5(%arg0: i32) -> (i32, i32) {
    %c0_i32 = arith.constant 0 : i32
    %c0_i32_0 = arith.constant 0 : i32
    return %arg0, %c0_i32 : i32, i32
  }
}

module attributes {stable_mosaic.version = 14 : i64} {
  func.func @body(%arg0: i32, %arg1: memref<1x1250x128xf32, #tpu.memory_space<vmem>>, %arg2: memref<1250x128xf32, #tpu.memory_space<vmem>>) attributes {dimension_semantics = [#tpu.dimension_semantics<arbitrary>], iteration_bounds = array<i64: 32>, scalar_prefetch = 0 : i64, scratch_operands = 0 : i64, tpu.core_type = #tpu.core_type<tc>, window_params = [{transform_indices = @transform_0, window_bounds = array<i64: 1, 1250, 128>}, {pipeline_mode = #tpu.pipeline_mode<synchronous>, transform_indices = @transform_1, window_bounds = array<i64: 1250, 128>}]} {
    %eq3A = arith.constant 0 : i32
    %eq3A_0 = arith.cmpi eq, %arg0, %eq3A : i32
    %convert_element_type3A = arith.extui %eq3A_0 : i1 to i32
    %cond3A = arith.constant 0 : i32
    %cond3A_1 = arith.cmpi ne, %convert_element_type3A, %cond3A : i32
    scf.if %cond3A_1 {
      %get3A = arith.constant 0 : index
      %get3A_6 = arith.constant 0 : index
      %get3A_7 = arith.constant 0 : index
      %get3A_8 = vector.load %arg1[%get3A, %get3A_6, %get3A_7] : memref<1x1250x128xf32, #tpu.memory_space<vmem>>, vector<1x1250x128xf32>
      %get3A_9 = vector.shape_cast %get3A_8 : vector<1x1250x128xf32> to vector<1250x128xf32>
      %swap3A = arith.constant 0 : index
      %swap3A_10 = arith.constant 0 : index
      %swap3A_11 = vector.load %arg2[%swap3A, %swap3A_10] : memref<1250x128xf32, #tpu.memory_space<vmem>>, vector<1250x128xf32>
      tpu.vector_store %arg2[%swap3A, %swap3A_10], %get3A_9 {strides = array<i32>} : memref<1250x128xf32, #tpu.memory_space<vmem>>, vector<1250x128xf32>,
    } else {
    }
    %gt3A = arith.constant 0 : i32
    %gt3A_2 = arith.cmpi sgt, %arg0, %gt3A : i32
    %convert_element_type3A_3 = arith.extui %gt3A_2 : i1 to i32
    %cond3A_4 = arith.constant 0 : i32
    %cond3A_5 = arith.cmpi ne, %convert_element_type3A_3, %cond3A_4 : i32
    scf.if %cond3A_5 {
      %get3A = arith.constant 0 : index
      %get3A_6 = arith.constant 0 : index
      %get3A_7 = vector.load %arg2[%get3A, %get3A_6] : memref<1250x128xf32, #tpu.memory_space<vmem>>, vector<1250x128xf32>
      %get3A_8 = arith.constant 0 : index
      %get3A_9 = arith.constant 0 : index
      %get3A_10 = arith.constant 0 : index
      %get3A_11 = vector.load %arg1[%get3A_8, %get3A_9, %get3A_10] : memref<1x1250x128xf32, #tpu.memory_space<vmem>>, vector<1x1250x128xf32>
      %get3A_12 = vector.shape_cast %get3A_11 : vector<1x1250x128xf32> to vector<1250x128xf32>
      %add3A = arith.addf %get3A_7, %get3A_12 : vector<1250x128xf32>
      %swap3A = arith.constant 0 : index
      %swap3A_13 = arith.constant 0 : index
      %swap3A_14 = vector.load %arg2[%swap3A, %swap3A_13] : memref<1250x128xf32, #tpu.memory_space<vmem>>, vector<1250x128xf32>
      tpu.vector_store %arg2[%swap3A, %swap3A_13], %add3A {strides = array<i32>} : memref<1250x128xf32, #tpu.memory_space<vmem>>, vector<1250x128xf32>,
    } else {
    }
    return
  }
  func.func @transform_0(%arg0: i32) -> (i32, i32, i32) {
    %c0_i32 = arith.constant 0 : i32
    %c0_i32_0 = arith.constant 0 : i32
    %c0_i32_1 = arith.constant 0 : i32
    return %arg0, %c0_i32, %c0_i32_0 : i32, i32, i32
  }
  func.func @transform_1(%arg0: i32) -> (i32, i32) {
    %c0_i32 = arith.constant 0 : i32
    %c0_i32_0 = arith.constant 0 : i32
    %c0_i32_1 = arith.constant 0 : i32
    return %c0_i32, %c0_i32_0 : i32, i32
  }
}

module attributes {stable_mosaic.version = 14 : i64} {
  func.func @body(%arg0: memref<10000x16xf32, #tpu.memory_space<vmem>>, %arg1: memref<10000x128xf32, #tpu.memory_space<vmem>>, %arg2: memref<128x16xf32, #tpu.memory_space<vmem>>, %arg3: memref<16x16xf32, #tpu.memory_space<vmem>>, %arg4: memref<1x16xf32, #tpu.memory_space<vmem>>, %arg5: memref<1x16xf32, #tpu.memory_space<vmem>>, %arg6: memref<1x16xf32, #tpu.memory_space<vmem>>, %arg7: memref<1x16xf32, #tpu.memory_space<vmem>>, %arg8: memref<10000x16xf32, #tpu.memory_space<vmem>>) attributes {dimension_semantics = [], scalar_prefetch = 0 : i64, scratch_operands = 0 : i64, tpu.core_type = #tpu.core_type<tc>} {
    %get3A = arith.constant 0 : index
    %get3A_0 = arith.constant 0 : index
    %get3A_1 = vector.load %arg1[%get3A, %get3A_0] : memref<10000x128xf32, #tpu.memory_space<vmem>>, vector<10000x128xf32>
    %get3A_2 = arith.constant 0 : index
    %get3A_3 = arith.constant 0 : index
    %get3A_4 = vector.load %arg2[%get3A_2, %get3A_3] : memref<128x16xf32, #tpu.memory_space<vmem>>, vector<128x16xf32>
    %dot_general3A = arith.constant dense<0.000000e+00> : vector<10000x16xf32>
    %dot_general3A_5 = tpu.matmul %get3A_1, %get3A_4, %dot_general3A {dimension_numbers = #tpu.dot_dimension_numbers<[1], [0], [0], [1], [0, 0, 1, 1], [], []>, transpose_lhs_hint = false} : vector<10000x128xf32>, vector<128x16xf32>, vector<10000x16xf32> -> vector<10000x16xf32>
    %get3A_6 = arith.constant 0 : index
    %get3A_7 = arith.constant 0 : index
    %get3A_8 = vector.load %arg4[%get3A_6, %get3A_7] : memref<1x16xf32, #tpu.memory_space<vmem>>, vector<1x16xf32>
    %get3A_9 = arith.constant 0 : index
    %get3A_10 = arith.constant 0 : index
    %get3A_11 = vector.load %arg5[%get3A_9, %get3A_10] : memref<1x16xf32, #tpu.memory_space<vmem>>, vector<1x16xf32>
    %reduce_sum3A = arith.constant dense<0.000000e+00> : vector<16xf32>
    %reduce_sum3A_12 = vector.multi_reduction <add>, %dot_general3A_5, %reduce_sum3A [0] : vector<10000x16xf32> to vector<16xf32>
    %broadcast_in_dim3A = vector.shape_cast %reduce_sum3A_12 : vector<16xf32> to vector<1x16xf32>
    %div3A = arith.constant 1.000000e+04 : f32
    %div3A_13 = vector.broadcast %div3A : f32 to vector<1x16xf32>
    %div3A_14 = arith.divf %broadcast_in_dim3A, %div3A_13 : vector<1x16xf32>
    %sub3A = vector.broadcast %div3A_14 : vector<1x16xf32> to vector<10000x16xf32>
    %sub3A_15 = arith.subf %dot_general3A_5, %sub3A : vector<10000x16xf32>
    %mul3A = arith.mulf %sub3A_15, %sub3A_15 : vector<10000x16xf32>
    %reduce_sum3A_16 = arith.constant dense<0.000000e+00> : vector<16xf32>
    %reduce_sum3A_17 = vector.multi_reduction <add>, %mul3A, %reduce_sum3A_16 [0] : vector<10000x16xf32> to vector<16xf32>
    %broadcast_in_dim3A_18 = vector.shape_cast %reduce_sum3A_17 : vector<16xf32> to vector<1x16xf32>
    %div3A_19 = arith.constant 1.000000e+04 : f32
    %div3A_20 = vector.broadcast %div3A_19 : f32 to vector<1x16xf32>
    %div3A_21 = arith.divf %broadcast_in_dim3A_18, %div3A_20 : vector<1x16xf32>
    %mul3A_22 = vector.broadcast %get3A_8 : vector<1x16xf32> to vector<10000x16xf32>
    %mul3A_23 = arith.mulf %mul3A_22, %sub3A_15 : vector<10000x16xf32>
    %add3A = arith.constant 9.99999974E-6 : f32
    %add3A_24 = vector.broadcast %add3A : f32 to vector<1x16xf32>
    %add3A_25 = arith.addf %div3A_21, %add3A_24 : vector<1x16xf32>
    %sqrt3A = math.sqrt %add3A_25 : vector<1x16xf32>
    %div3A_26 = vector.broadcast %sqrt3A : vector<1x16xf32> to vector<10000x16xf32>
    %div3A_27 = arith.divf %mul3A_23, %div3A_26 : vector<10000x16xf32>
    %add3A_28 = vector.broadcast %get3A_11 : vector<1x16xf32> to vector<10000x16xf32>
    %add3A_29 = arith.addf %div3A_27, %add3A_28 : vector<10000x16xf32>
    %max3A = arith.constant 0.000000e+00 : f32
    %max3A_30 = vector.broadcast %max3A : f32 to vector<10000x16xf32>
    %max3A_31 = arith.maximumf %add3A_29, %max3A_30 : vector<10000x16xf32>
    %get3A_32 = arith.constant 0 : index
    %get3A_33 = arith.constant 0 : index
    %get3A_34 = vector.load %arg0[%get3A_32, %get3A_33] : memref<10000x16xf32, #tpu.memory_space<vmem>>, vector<10000x16xf32>
    %get3A_35 = arith.constant 0 : index
    %get3A_36 = arith.constant 0 : index
    %get3A_37 = vector.load %arg3[%get3A_35, %get3A_36] : memref<16x16xf32, #tpu.memory_space<vmem>>, vector<16x16xf32>
    %dot_general3A_38 = arith.constant dense<0.000000e+00> : vector<10000x16xf32>
    %dot_general3A_39 = tpu.matmul %get3A_34, %get3A_37, %dot_general3A_38 {dimension_numbers = #tpu.dot_dimension_numbers<[1], [0], [0], [1], [0, 0, 1, 1], [], []>, transpose_lhs_hint = false} : vector<10000x16xf32>, vector<16x16xf32>, vector<10000x16xf32> -> vector<10000x16xf32>
    %get3A_40 = arith.constant 0 : index
    %get3A_41 = arith.constant 0 : index
    %get3A_42 = vector.load %arg6[%get3A_40, %get3A_41] : memref<1x16xf32, #tpu.memory_space<vmem>>, vector<1x16xf32>
    %get3A_43 = arith.constant 0 : index
    %get3A_44 = arith.constant 0 : index
    %get3A_45 = vector.load %arg7[%get3A_43, %get3A_44] : memref<1x16xf32, #tpu.memory_space<vmem>>, vector<1x16xf32>
    %reduce_sum3A_46 = arith.constant dense<0.000000e+00> : vector<16xf32>
    %reduce_sum3A_47 = vector.multi_reduction <add>, %dot_general3A_39, %reduce_sum3A_46 [0] : vector<10000x16xf32> to vector<16xf32>
    %broadcast_in_dim3A_48 = vector.shape_cast %reduce_sum3A_47 : vector<16xf32> to vector<1x16xf32>
    %div3A_49 = arith.constant 1.000000e+04 : f32
    %div3A_50 = vector.broadcast %div3A_49 : f32 to vector<1x16xf32>
    %div3A_51 = arith.divf %broadcast_in_dim3A_48, %div3A_50 : vector<1x16xf32>
    %sub3A_52 = vector.broadcast %div3A_51 : vector<1x16xf32> to vector<10000x16xf32>
    %sub3A_53 = arith.subf %dot_general3A_39, %sub3A_52 : vector<10000x16xf32>
    %mul3A_54 = arith.mulf %sub3A_53, %sub3A_53 : vector<10000x16xf32>
    %reduce_sum3A_55 = arith.constant dense<0.000000e+00> : vector<16xf32>
    %reduce_sum3A_56 = vector.multi_reduction <add>, %mul3A_54, %reduce_sum3A_55 [0] : vector<10000x16xf32> to vector<16xf32>
    %broadcast_in_dim3A_57 = vector.shape_cast %reduce_sum3A_56 : vector<16xf32> to vector<1x16xf32>
    %div3A_58 = arith.constant 1.000000e+04 : f32
    %div3A_59 = vector.broadcast %div3A_58 : f32 to vector<1x16xf32>
    %div3A_60 = arith.divf %broadcast_in_dim3A_57, %div3A_59 : vector<1x16xf32>
    %mul3A_61 = vector.broadcast %get3A_42 : vector<1x16xf32> to vector<10000x16xf32>
    %mul3A_62 = arith.mulf %mul3A_61, %sub3A_53 : vector<10000x16xf32>
    %add3A_63 = arith.constant 9.99999974E-6 : f32
    %add3A_64 = vector.broadcast %add3A_63 : f32 to vector<1x16xf32>
    %add3A_65 = arith.addf %div3A_60, %add3A_64 : vector<1x16xf32>
    %sqrt3A_66 = math.sqrt %add3A_65 : vector<1x16xf32>
    %div3A_67 = vector.broadcast %sqrt3A_66 : vector<1x16xf32> to vector<10000x16xf32>
    %div3A_68 = arith.divf %mul3A_62, %div3A_67 : vector<10000x16xf32>
    %add3A_69 = vector.broadcast %get3A_45 : vector<1x16xf32> to vector<10000x16xf32>
    %add3A_70 = arith.addf %div3A_68, %add3A_69 : vector<10000x16xf32>
    %max3A_71 = arith.constant 0.000000e+00 : f32
    %max3A_72 = vector.broadcast %max3A_71 : f32 to vector<10000x16xf32>
    %max3A_73 = arith.maximumf %add3A_70, %max3A_72 : vector<10000x16xf32>
    %add3A_74 = arith.addf %max3A_31, %max3A_73 : vector<10000x16xf32>
    %max3A_75 = arith.constant 0.000000e+00 : f32
    %max3A_76 = vector.broadcast %max3A_75 : f32 to vector<10000x16xf32>
    %max3A_77 = arith.maximumf %add3A_74, %max3A_76 : vector<10000x16xf32>
    %mul3A_78 = arith.mulf %max3A_77, %max3A_77 : vector<10000x16xf32>
    %reduce_sum3A_79 = arith.constant dense<0.000000e+00> : vector<10000xf32>
    %reduce_sum3A_80 = vector.multi_reduction <add>, %mul3A_78, %reduce_sum3A_79 [1] : vector<10000x16xf32> to vector<10000xf32>
    %broadcast_in_dim3A_81 = vector.shape_cast %reduce_sum3A_80 : vector<10000xf32> to vector<10000x1xf32>
    %sqrt3A_82 = math.sqrt %broadcast_in_dim3A_81 : vector<10000x1xf32>
    %eq3A = arith.constant 0.000000e+00 : f32
    %eq3A_83 = vector.broadcast %eq3A : f32 to vector<10000x1xf32>
    %eq3A_84 = arith.cmpf oeq, %sqrt3A_82, %eq3A_83 : vector<10000x1xf32>
    %jit3A = arith.constant 1.000000e+00 : f32
    %broadcast_in_dim3A_85 = vector.broadcast %jit3A : f32 to vector<10000x1xf32>
    %select_n3A = arith.select %eq3A_84, %broadcast_in_dim3A_85, %sqrt3A_82 : vector<10000x1xi1>, vector<10000x1xf32>
    %div3A_86 = vector.broadcast %select_n3A : vector<10000x1xf32> to vector<10000x16xf32>
    %div3A_87 = arith.divf %max3A_77, %div3A_86 : vector<10000x16xf32>
    %swap3A = arith.constant 0 : index
    %swap3A_88 = arith.constant 0 : index
    %swap3A_89 = vector.load %arg8[%swap3A, %swap3A_88] : memref<10000x16xf32, #tpu.memory_space<vmem>>, vector<10000x16xf32>
    tpu.vector_store %arg8[%swap3A, %swap3A_88], %div3A_87 {strides = array<i32>} : memref<10000x16xf32, #tpu.memory_space<vmem>>, vector<10000x16xf32>,
    return
  }
}

</mosaic_0001>

<sc_bundles>
// kernel: kernel.10.cloned.1.call-start
scs
__scs_entry_jumppad:
0x0: {  	(pc) =	sbr.rel $0x88, $3  }
0x1: {  	(tag) =	ssettag $0x0;
	lr =	simm.s32 $0x1  }
0x2: {  	[smem:$0x3F96] =	sst lr;
	_ =	strace $0xD0000000  }
0x3: {  	_ = 	snop  }
0x4: {  	_ = 	snop  }
0x5: {  	_ = 	snop  }
0x6: {  	_ = 	snop  }
0x7: {  	_ = 	snop  }
__scs_overlays_trampoline_lowered:
0x8: {  	[smem:$0x3FA5] =	sst s0  }
0x9: {  	[smem:$0x3FA6] =	sst s1  }
0xa: {  	[smem:$0x3FA7] =	sst s2  }
0xb: {  	[smem:$0x3FA8] =	sst s3  }
0xc: {  	[smem:$0x3FA9] =	sst s4  }
0xd: {  	[smem:$0x3FAA] =	sst s5  }
0xe: {  	[smem:$0x3FAB] =	sst s6  }
0xf: {  	[smem:$0x3FAC] =	sst s7  }
0x10: {  	[smem:$0x3FAD] =	sst s8  }
0x11: {  	[smem:$0x3FAE] =	sst s9;
	s0 =	simm.s32 @!p0 $0x0  }
0x12: {  	s1 =	sld [smem:$0x3F94];
	s0 =	simm.s32 @p0 $0x1  }
0x13: {  	[smem:$0x3FAF] =	sst s0;
	s0 =	simm.s32 @!p1 $0x0  }
0x14: {  	s2 =	sld [smem:$0x3F93];
	s0 =	simm.s32 @p1 $0x1  }
0x15: {  	[smem:$0x3FB0] =	sst s0;
	s0 =	simm.s32 @!p2 $0x0  }
0x16: {  	s3 =	sld [smem:$0x3FDB];
	s0 =	simm.s32 @p2 $0x1  }
0x17: {  	s4 =	simm.s32 $0x1BF5;
	[smem:$0x3FB2] =	sst s0  }
0x18: {  	s0 =	sld [smem:$0x3F95];
	_ =	swait.ge [sflag:s4], $0x0  }
0x19: {  	s7 =	sld [smem:$0x3F96]  }
0x1a: {  	s8 =	sadd.s32 $0xFFFFE003, lr  }
0x1b: {  	s9 =	sadd.s32 $0xFFFFFEF7, lr;
	s5 =	simm.s32 $0xFFFFFFFF;
	p2 =	slt.u32 s8, $0xFFFFF086  }
0x1c: {  	p1 =	slt.u32 s9, $0xF7A;
	s5 =	simm.s32 @!p2 $0x0  }
0x1d: {  	s5 =	simm.s32 @p1 $0x1;
	p0 =	seq.s32 s7, s2  }
0x1e: {  	s7 =	smul.u32 @!p0 $0xF7A, s2;
	p2 =	seq.s32 @!p0 s5, $0x0  }
0x1f: {  	s9 =	smul.u32 $0xF7A, s1;
	s8 =	simm.s32 @!p0 $0x1BF5;
	p2 =	por !p2, p0  }
0x20: {  	[sflag:s8] =	ssyncset.s32 @!p0 $0xFFFFF086;
	s6 =	sadd.s32 @!p0 s3, s7;
	s7 =	simm.s32 @!p0 $0x108  }
0x21: {  	s3 =	sadd.s32 s3, s9;
	s6 =	sadd.s32 @!p0 $0x88, s6;
	s7 =	simm.s32 @p2 $0x1082  }
0x22: {  	[simem:s7], [sflag:s8] =	dma.local @!p0 [hbm:s6], $0xF7A  }
0x23: {  	s9 =	sor.u32 $0xD0000000, s2;
	s6 =	simm.s32 $0x108;
	_ =	swait.ge @!p0 [sflag:s8], $0x0  }
0x24: {  	s3 =	sadd.s32 $0x88, s3;
	s6 =	simm.s32 @!p1 $0x1082;
	[sflag:s4] =	ssyncset.s32 $0xFFFFF086  }
0x25: {  	[simem:s6], [sflag:s4] =	dma.local [hbm:s3], $0xF7A  }
0x26: {  	[smem:$0x3F96] =	sst s1;
	(tag) =	ssettag s2;
	_ =	strace s9  }
0x27: {  	s1 =	sld [smem:$0x3FA6]  }
0x28: {  	s2 =	sld [smem:$0x3FA7]  }
0x29: {  	s4 =	sld [smem:$0x3FA9]  }
0x2a: {  	p0 =	seq.s32 s5, $0x0;
	s5 =	sld [smem:$0x3FAA]  }
0x2b: {  	s6 =	sld [smem:$0x3FAB]  }
0x2c: {  	s7 =	sld [smem:$0x3FAC]  }
0x2d: {  	s3 =	simm.s32 $0x108;
	s8 =	sld [smem:$0x3FAD]  }
0x2e: {  	s3 =	simm.s32 @!p0 $0x1082;
	s9 =	sld [smem:$0x3FAE]  }
0x2f: {  	lr =	sadd.s32 s0, s3;
	s0 =	sld [smem:$0x3FA5]  }
0x30: {  	s3 =	sld [smem:$0x3FA8]  }
0x31: {  	[smem:$0x3FB1] =	sst s10  }
0x32: {  	s10 =	sld [smem:$0x3FAF];
	_ =	sdelay $0x3  }
0x33: {  	p0 =	seq.s32 s10, $0x1;
	s10 =	sld [smem:$0x3FB1];
	_ =	sdelay $0x3  }
0x34: {  	[smem:$0x3FB1] =	sst s10  }
0x35: {  	s10 =	sld [smem:$0x3FB0];
	_ =	sdelay $0x3  }
0x36: {  	p1 =	seq.s32 s10, $0x1;
	s10 =	sld [smem:$0x3FB1];
	_ =	sdelay $0x3  }
0x37: {  	[smem:$0x3FB1] =	sst s10  }
0x38: {  	s10 =	sld [smem:$0x3FB2]  }
0x39: {  	_ = 	snop;
	(pc) =	sbr.ind lr, $3  }
0x3a: {  	_ = 	snop  }
0x3b: {  	_ = 	snop  }
0x3c: {  	p2 =	seq.s32 s10, $0x1;
	s10 =	sld [smem:$0x3FB1]  }
0x3d: {  	_ =	shalt  }
0x3e: {  	_ =	shalt  }
0x3f: {  	_ =	shalt  }
0x40: {  	_ =	shalt  }
0x41: {  	_ =	shalt  }
0x42: {  	_ =	shalt  }
0x43: {  	_ =	shalt  }
0x44: {  	_ =	shalt  }
0x45: {  	_ =	shalt  }
0x46: {  	_ =	shalt  }
0x47: {  	_ =	shalt  }
0x48: {  	_ =	shalt  }
0x49: {  	_ =	shalt  }
0x4a: {  	_ =	shalt  }
0x4b: {  	_ =	shalt  }
0x4c: {  	_ =	shalt  }
0x4d: {  	_ =	shalt  }
0x4e: {  	_ =	shalt  }
0x4f: {  	_ =	shalt  }
0x50: {  	_ =	shalt  }
0x51: {  	_ =	shalt  }
0x52: {  	_ =	shalt  }
0x53: {  	_ =	shalt  }
0x54: {  	_ =	shalt  }
0x55: {  	_ =	shalt  }
0x56: {  	_ =	shalt  }
0x57: {  	_ =	shalt  }
0x58: {  	_ =	shalt  }
0x59: {  	_ =	shalt  }
0x5a: {  	_ =	shalt  }
0x5b: {  	_ =	shalt  }
0x5c: {  	_ =	shalt  }
0x5d: {  	_ =	shalt  }
0x5e: {  	_ =	shalt  }
0x5f: {  	_ =	shalt  }
0x60: {  	_ =	shalt  }
0x61: {  	_ =	shalt  }
0x62: {  	_ =	shalt  }
0x63: {  	_ =	shalt  }
0x64: {  	_ =	shalt  }
0x65: {  	_ =	shalt  }
0x66: {  	_ =	shalt  }
0x67: {  	_ =	shalt  }
0x68: {  	_ =	shalt  }
0x69: {  	_ =	shalt  }
0x6a: {  	_ =	shalt  }
0x6b: {  	_ =	shalt  }
0x6c: {  	_ =	shalt  }
0x6d: {  	_ =	shalt  }
0x6e: {  	_ =	shalt  }
0x6f: {  	_ =	shalt  }
0x70: {  	_ =	shalt  }
0x71: {  	_ =	shalt  }
0x72: {  	_ =	shalt  }
0x73: {  	_ =	shalt  }
0x74: {  	_ =	shalt  }
0x75: {  	_ =	shalt  }
0x76: {  	_ =	shalt  }
0x77: {  	_ =	shalt  }
0x78: {  	_ =	shalt  }
0x79: {  	_ =	shalt  }
0x7a: {  	_ =	shalt  }
0x7b: {  	_ =	shalt  }
0x7c: {  	_ =	shalt  }
0x7d: {  	_ =	shalt  }
0x7e: {  	_ =	shalt  }
0x7f: {  	_ =	shalt  }
0x80: {  	_ =	shalt  }
0x81: {  	_ =	shalt  }
0x82: {  	_ =	shalt  }
0x83: {  	_ =	shalt  }
0x84: {  	_ =	shalt  }
0x85: {  	_ =	shalt  }
0x86: {  	_ =	shalt  }
0x87: {  	_ =	shalt  }
.Lfunc_end0:
.L_simem_size_0:
called_computation.1_lowered:
.L_overlay_start_0:
0x88: {  	s2 =	sld [smem:$0x3FD9]  }
0x89: {  	s3 =	sld [smem:$0x3FFE];
	_ =	sdelay $0x1  }
0x8a: {  	s1 =	srdreg.scid  }
0x8b: {  	s0 =	sand.u32 $0x1, s1  }
0x8c: {  	s17 =	sshll.u32 s0, $0xA;
	s2 =	sadd.s32 s3, s2  }
0x8d: {  	s2 =	sadd.s32 s2, s17  }
0x8e: {  	[smem:$0x3FBD] =	sst s2  }
0x8f: {  	_ = 	snop  }
0x90: {  	s2 =	sld [smem:$0x3FD0];
	(tm) =	ssettm $0x1  }
0x91: {  	s18 =	sld [smem:$0x3FFB];
	_ =	sdelay $0x3  }
0x92: {  	_ =	strace s18  }
0x93: {  	s3 =	sld [smem:$0x3FFC];
	_ =	sdelay $0x3  }
0x94: {  	_ =	strace s3  }
0x95: {  	s3 =	sld [smem:$0x3FFD];
	_ =	sdelay $0x3  }
0x96: {  	_ =	strace s3  }
0x97: {  	_ =	strace $0x8FFFFFFF  }
0x98: {  	s19 =	sld [smem:$0x3FDB];
	_ =	sdelay $0x1  }
0x99: {  	s4 =	simm.s32 $_scs_section_size  }
0x9a: {  	s5 =	simm.s32 $_size__tile_overlayer_lowered;
	s6 =	simm.s32 $_tile_overlayer_lowered  }
0x9b: {  	s22 =	simm.s32 $0x1BFF;
	s21 =	sshll.u32 s6, $0x1;
	s3 =	sadd.s32 s4, s19  }
0x9c: {  	s7 =	simm.s32 $0x0;
	s20 =	sshll.u32 s5, $0x1;
	s5 =	sadd.s32 s21, s3  }
0x9d: {  	[timem:s7], [sflag:s22] =	dma.local [hbm:s5], s20  }
0x9e: {  	_ =	swait.ge [sflag:s22], s20  }
0x9f: {  	s4 =	ssub.s32 $0x0, s20;
	[sflag:s22] =	ssyncset.done $0x0  }
0xa0: {  	[sflag:s22] =	ssyncadd.s32 s4;
	_ =	sdelay $0x1  }
0xa1: {  	s23 =	simm.s32 $0x1B8B  }
0xa2: {  	_ =	swait.ge [sflag:s23], $0x1  }
0xa3: {  	[sflag:s23] =	ssyncset.done $0x0  }
0xa4: {  	s25 =	simm.s32 $0x1B8E;
	s24 =	sld [smem:$0x3FFE];
	[sflag:s23] =	ssyncadd.s32 $0xFFFFFFFF  }
0xa5: {  	s26 =	simm.s32 $execute0_lowered;
	[smem:$0x3FD2] =	sst s25  }
0xa6: {  	s5 =	sshll.u32 s26, $0x1;
	_ =	strace $0x80000049;
	[dreg:$0x1] =	wrdreg $0xFFFFFFFF  }
0xa7: {  	s28 =	simm.s32 $_size_execute0_lowered;
	s3 =	sadd.s32 s3, s5;
	[dreg:$0x0] =	wrdreg $0x0  }
0xa8: {  	s5 =	sshll.u32 s28, $0x1;
	[dreg:$0x2] =	wrdreg s3  }
0xa9: {  	[dreg:$0x3] =	wrdreg s5  }
0xaa: {  	[dreg:$0x4] =	wrdreg $0xC0  }
0xab: {  	_ =	task [dreg:s7], $0x5FFFF  }
0xac: {  	[dreg:$0x1] =	wrdreg $0xFFFFFFFF  }
0xad: {  	[dreg:$0x0] =	wrdreg $0x60  }
0xae: {  	[dreg:$0x2] =	wrdreg s24  }
0xaf: {  	[dreg:$0x3] =	wrdreg s2  }
0xb0: {  	[dreg:$0x4] =	wrdreg $0x9  }
0xb1: {  	_ =	task.clear_ibuf [dreg:s7], $0x5FFFF;
	_ =	strace $0x90000049  }
0xb2: {  	s29 =	simm.s32 $0x9;
	_ =	strace $0x8000004B  }
0xb3: {  	_ =	swait.ge [sflag:s29], $0x1  }
0xb4: {  	[sflag:s29] =	ssyncadd.s32 $0xFFFFFFFF  }
0xb5: {  	_ =	strace $0x9000004B  }
0xb6: {  	_ =	sfence  }
0xb7: {  	s30 =	sld [smem:$0x0];
	_ =	sdelay $0x2  }
0xb8: {  	s31 =	sshll.u32 s1, $0xD;
	s1 =	sshrl.u32 s1, $0x2  }
0xb9: {  	s3 =	sand.u32 $0x4000, s31;
	s1 =	sadd.s32 s1, s30  }
0xba: {  	s0 =	sor.u32 s3, s0;
	s1 =	sshll.u32 s1, $0x11  }
0xbb: {  	s0 =	sor.u32 s1, s0  }
0xbc: {  	s0 =	sadd.s32 $0x8F2B, s0  }
0xbd: {  	[sflag:s0] =	ssyncadd.remote.s32 $0x1  }
0xbe: {  	_ =	sfence.sel $0xFFFF  }
0xbf: {  	[dreg:$0x0] =	wrdreg $0xFFFFFFFF;
	(pc) =	sbr.abs _section_cstart, $3  }
0xc0: {  	[dreg:$0x1] =	wrdreg $0xFFFFFFFF  }
0xc1: {  	_ =	task.clear_ibuf [dreg:s7], $0x2FFFF;
	_ =	strace $0x9FFFFFFF  }
0xc2: {  	(tm) =	ssettm $0x7FFFFFFF  }
0xc3: {  	_ =	shalt  }
tec
execute0_lowered:
.L_overlay_start_1:
0x0: {  	(tag) =	ssettag $0x1  }
0x1: {  	s7 =	rddreg [dreg:$0x0];
	s1 =	srdreg.scid  }
0x2: {  	s0 =	stileid.u32;
	s2 =	rddreg [dreg:$0x1];
	s3 =	simm.s32 $0x0  }
0x3: {  	s14 =	simm.s32 $0x3;
	s15 =	simm.s32 $0x13C00;
	s16 =	simm.s32 $0x13D00  }
0x4: {  	s17 =	simm.s32 $0x13C80;
	s18 =	simm.s32 $0x17D00;
	s19 =	simm.s32 $0x1  }
0x5: {  	s20 =	simm.s32 $0x2;
	s5 =	sand.u32 $0x1, s1;
	s4 =	sshll.u32 s0, $0x1  }
0x6: {  	s21 =	simm.s32 $0x0;
	s1 =	rddreg [dreg:$0x2];
	s8 =	sor.u32 s5, s4  }
0x7: {  	[smem:$0x7FF] =	sst s3;
	s10 =	ssub.s32 $0x2, s5;
	s6 =	smul.u32 $0x27800, s8  }
0x8: {  	_ =	strace $0x8000004A;
	s5 =	smul.u32 $0x1400, s8;
	s28 =	sshrl.u32 s10, $0x1  }
0x9: {  	v0 =	vimm.s32 $0x3;
	v1 =	vimm.s32 $0x4;
	s4 =	sadd.s32 $0x778400, s7;
	s8 =	smul.u32 $0x14000, s8;
	s13 =	ssub.s32 s10, s28  }
.Ltmp0:
0xa: {  	v2 =	vimm.s32 $0x0;
	v3 =	vlaneseq.u32;
	v4 =	vimm.s32 $0x7;
	s9 =	sshrl.u32 s6, $0x3;
	s6 =	sadd.s32 $0x287400, s7;
	(pc) =	sbr.rel .LBB2_1-.Ltmp0, $4  }
0xb: {  	v5 =	vimm.s32 $0x1;
	v6 =	vimm.s32 $0x2;
	v7 =	vimm.s32 $0x5;
	s29 =	sshrl.u32 s5, $0x3;
	s11 =	sor.u32 $0x80, s5;
	s8 =	sadd.s32 s4, s8  }
0xc: {  	v8 =	vimm.s32 $0x6;
	v9 =	vimm.s32 $0x8;
	v10 =	vimm.s32 $0x9;
	s13 =	smax.u32 s13, $0x1;
	s12 =	sadd.s32 s9, s7;
	s30 =	sshrl.u32 s11, $0x3  }
0xd: {  	v11 =	vimm.s32 $0xA;
	v12 =	vimm.s32 $0xB;
	v13 =	vimm.s32 $0xC;
	s7 =	sadd.s32 s6, s29;
	s31 =	sshll.u32 s11, $0x4;
	s9 =	sadd.s32 s6, s30  }
0xe: {  	v14 =	vimm.s32 $0xD;
	v15 =	vimm.s32 $0xE;
	v16 =	vimm.s32 $0xF;
	s10 =	sadd.s32 s4, s31;
	s11 =	sadd.s32 $0x2400, s12;
	s12 =	sadd.s32 $0x4B80, s12  }
.LBB2_15:
0xf: {  	s21 =	sadd.s32 $0x1, s21  }
0x10: {  	p0 =	sne.s32 s21, s13  }
.Ltmp1:
0x11: {  	_ = 	snop;
	(pc) =	sbr.rel @!p0 .LBB2_16-.Ltmp1, $4  }
0x12: {  	[hbm4b:s12+s3] =	stream.linear.scatter [tilespmem:s3], [sflag:$0x3], $0x13880, $0x38;
	[tilespmem:$0x1BD00] =	vst v63  }
0x13: {  	_ =	swait.ge [sflag:s14], $0x13880  }
0x14: {  	[sflag:s14] =	ssyncset.done $0x0  }
0x15: {  	[sflag:s14] =	ssyncadd.s32 $0xFFFEC780  }
.LBB2_1:
0x16: {  	[tilespmem:s3], [sflag:$0x3] =	stream.linear.gather [hbm4b:s2+s3], $0x13880, $0x38;
	[tilespmem:$0x1BD00] =	vst v63  }
0x17: {  	_ =	swait.ge [sflag:s14], $0x13880  }
0x18: {  	[sflag:s14] =	ssyncset.done $0x0  }
0x19: {  	[sflag:s14] =	ssyncadd.s32 $0xFFFEC780  }
0x1a: {  	[tilespmem:s15], [sflag:$0x1] =	stream.linear.gather [hbm4b:s7+s3], $0x80, $0x38;
	[tilespmem:$0x1BD00] =	vst v63  }
0x1b: {  	_ = 	snop  }
0x1c: {  	[tilespmem:s16], [sflag:$0x1] =	stream.linear.gather [hbm4b:s8+s3], $0x4000, $0x38;
	[tilespmem:$0x1BD00] =	vst v63  }
0x1d: {  	_ = 	snop  }
0x1e: {  	[tilespmem:s17], [sflag:$0x2] =	stream.linear.gather [hbm4b:s9+s3], $0x80, $0x38;
	[tilespmem:$0x1BD00] =	vst v63  }
0x1f: {  	s22 =	simm.s32 $0x0  }
0x20: {  	[tilespmem:s18], [sflag:$0x2] =	stream.linear.gather [hbm4b:s10+s3], $0x4000, $0x38;
	[tilespmem:$0x1BD00] =	vst v63  }
.LBB2_2:
0x21: {  	_ =	swait.ge [sflag:s19], $0x80  }
0x22: {  	[sflag:s19] =	ssyncset.done $0x0  }
0x23: {  	[sflag:s19] =	ssyncadd.s32 $0xFFFFFF80  }
0x24: {  	_ =	swait.ge [sflag:s19], $0x4000  }
0x25: {  	[sflag:s19] =	ssyncset.done $0x0  }
0x26: {  	s23 =	simm.s32 $0x0;
	[sflag:s19] =	ssyncadd.s32 $0xFFFFC000  }
0x27: {  	v19 =	vld [tilespmem:s23+$0x13C00];
	_ =	sdelay $0x4  }
0x28: {  	v17 =	vshll.u32 v19, $0x4  }
0x29: {  	v18 =	vand.u32 $0x70, v17  }
0x2a: {  	vm0 =	vlt.u32 v19, $0x1388;
	v17 =	vshra.s32 v19, $0x3;
	v20 =	vperm.xlane v18, v2  }
0x2b: {  	v19 =	vsel vm0, $0x1, v2;
	v21 =	vperm.xlane v17, v2  }
0x2c: {  	v22 =	vperm.xlane v19, v2;
	v20 =	vadd.s32 v3, v20  }
0x2d: {  	v21 =	vshll.u32 v21, $0x7;
	v23 =	vand.u32 $0xFFFFFF80, v20  }
0x2e: {  	s23 =	simm.s32 $0x14100;
	vm0 =	vne.s32 v22, $0x0;
	v20 =	vand.u32 $0x7F, v20;
	v21 =	vadd.s32 v21, v23  }
0x2f: {  	v44 =	vld [tilespmem:s23+$0xFFFFFC00];
	v20 =	vor.u32 v20, v21  }
0x30: {  	v45 =	vperm.xlane v18, v5  }
0x31: {  	v46 =	vperm.xlane v17, v5  }
0x32: {  	v24 =	vperm.xlane v19, v5;
	v21 =	vadd.s32 v3, v45  }
0x33: {  	v23 =	vshll.u32 v46, $0x7;
	v25 =	vand.u32 $0xFFFFFF80, v21  }
0x34: {  	v23 =	vadd.s32 v23, v25;
	[tilespmem:v20+s3+$0x0] =	vst.idx.add.f32.msk vm0, v44;
	vm0 =	vne.s32 v24, $0x0;
	v20 =	vand.u32 $0x7F, v21  }
0x35: {  	v47 =	vld [tilespmem:s23+$0xFFFFFC80];
	v20 =	vor.u32 v20, v23  }
0x36: {  	v48 =	vperm.xlane v18, v6  }
0x37: {  	v49 =	vperm.xlane v17, v6  }
0x38: {  	v50 =	vperm.xlane v19, v6;
	v22 =	vadd.s32 v3, v48  }
0x39: {  	v51 =	vand.u32 $0xFFFFFF80, v22;
	v23 =	vshll.u32 v49, $0x7  }
0x3a: {  	v23 =	vadd.s32 v23, v51;
	[tilespmem:v20+s3+$0x0] =	vst.idx.add.f32.msk vm0, v47;
	vm0 =	vne.s32 v50, $0x0;
	v20 =	vand.u32 $0x7F, v22  }
0x3b: {  	v21 =	vld [tilespmem:s23+$0xFFFFFD00];
	v20 =	vor.u32 v20, v23  }
0x3c: {  	v52 =	vperm.xlane v18, v0  }
0x3d: {  	v53 =	vperm.xlane v17, v0  }
0x3e: {  	v54 =	vperm.xlane v19, v0;
	v22 =	vadd.s32 v3, v52  }
0x3f: {  	v55 =	vand.u32 $0xFFFFFF80, v22;
	v23 =	vshll.u32 v53, $0x7  }
0x40: {  	v23 =	vadd.s32 v23, v55;
	[tilespmem:v20+s3+$0x0] =	vst.idx.add.f32.msk vm0, v21;
	vm0 =	vne.s32 v54, $0x0;
	v20 =	vand.u32 $0x7F, v22  }
0x41: {  	v21 =	vld [tilespmem:s23+$0xFFFFFD80];
	v20 =	vor.u32 v20, v23  }
0x42: {  	v56 =	vperm.xlane v18, v1  }
0x43: {  	v57 =	vperm.xlane v17, v1  }
0x44: {  	v58 =	vperm.xlane v19, v1;
	v22 =	vadd.s32 v3, v56  }
0x45: {  	v59 =	vand.u32 $0xFFFFFF80, v22;
	v23 =	vshll.u32 v57, $0x7  }
0x46: {  	v23 =	vadd.s32 v23, v59;
	[tilespmem:v20+s3+$0x0] =	vst.idx.add.f32.msk vm0, v21;
	vm0 =	vne.s32 v58, $0x0;
	v20 =	vand.u32 $0x7F, v22  }
0x47: {  	v21 =	vld [tilespmem:s23+$0xFFFFFE00];
	v20 =	vor.u32 v20, v23  }
0x48: {  	v60 =	vperm.xlane v18, v7  }
0x49: {  	v61 =	vperm.xlane v17, v7  }
0x4a: {  	v62 =	vperm.xlane v19, v7;
	v22 =	vadd.s32 v3, v60  }
0x4b: {  	v63 =	vand.u32 $0xFFFFFF80, v22;
	v23 =	vshll.u32 v61, $0x7  }
0x4c: {  	v23 =	vadd.s32 v23, v63;
	[tilespmem:v20+s3+$0x0] =	vst.idx.add.f32.msk vm0, v21;
	vm0 =	vne.s32 v62, $0x0;
	v20 =	vand.u32 $0x7F, v22  }
0x4d: {  	v21 =	vld [tilespmem:s23+$0xFFFFFE80];
	v20 =	vor.u32 v20, v23  }
0x4e: {  	v27 =	vperm.xlane v18, v8  }
0x4f: {  	v28 =	vperm.xlane v17, v8  }
0x50: {  	v29 =	vperm.xlane v19, v8;
	v22 =	vadd.s32 v3, v27  }
0x51: {  	v30 =	vand.u32 $0xFFFFFF80, v22;
	v23 =	vshll.u32 v28, $0x7  }
0x52: {  	v23 =	vadd.s32 v23, v30;
	[tilespmem:v20+s3+$0x0] =	vst.idx.add.f32.msk vm0, v21;
	vm0 =	vne.s32 v29, $0x0;
	v20 =	vand.u32 $0x7F, v22  }
0x53: {  	v21 =	vld [tilespmem:s23+$0xFFFFFF00];
	v20 =	vor.u32 v20, v23  }
0x54: {  	v31 =	vperm.xlane v18, v4  }
0x55: {  	v32 =	vperm.xlane v17, v4  }
0x56: {  	v33 =	vperm.xlane v19, v4;
	v22 =	vadd.s32 v3, v31  }
0x57: {  	v34 =	vand.u32 $0xFFFFFF80, v22;
	v23 =	vshll.u32 v32, $0x7  }
0x58: {  	v23 =	vadd.s32 v23, v34;
	[tilespmem:v20+s3+$0x0] =	vst.idx.add.f32.msk vm0, v21;
	vm0 =	vne.s32 v33, $0x0;
	v20 =	vand.u32 $0x7F, v22  }
0x59: {  	v21 =	vld [tilespmem:s23+$0xFFFFFF80];
	v20 =	vor.u32 v20, v23  }
0x5a: {  	v35 =	vperm.xlane v18, v9  }
0x5b: {  	v36 =	vperm.xlane v17, v9  }
0x5c: {  	v37 =	vperm.xlane v19, v9;
	v22 =	vadd.s32 v3, v35  }
0x5d: {  	v38 =	vand.u32 $0xFFFFFF80, v22;
	v23 =	vshll.u32 v36, $0x7  }
0x5e: {  	v23 =	vadd.s32 v23, v38;
	[tilespmem:v20+s3+$0x0] =	vst.idx.add.f32.msk vm0, v21;
	vm0 =	vne.s32 v37, $0x0;
	v20 =	vand.u32 $0x7F, v22  }
0x5f: {  	v21 =	vld [tilespmem:s23+$0x0];
	v20 =	vor.u32 v20, v23  }
0x60: {  	v39 =	vperm.xlane v18, v10  }
0x61: {  	v40 =	vperm.xlane v17, v10  }
0x62: {  	v41 =	vperm.xlane v19, v10;
	v22 =	vadd.s32 v3, v39  }
0x63: {  	v42 =	vand.u32 $0xFFFFFF80, v22;
	v23 =	vshll.u32 v40, $0x7  }
0x64: {  	v23 =	vadd.s32 v23, v42;
	[tilespmem:v20+s3+$0x0] =	vst.idx.add.f32.msk vm0, v21;
	vm0 =	vne.s32 v41, $0x0;
	v20 =	vand.u32 $0x7F, v22  }
0x65: {  	v21 =	vld [tilespmem:s23+$0x80];
	v20 =	vor.u32 v20, v23  }
0x66: {  	v43 =	vperm.xlane v18, v11  }
0x67: {  	v44 =	vperm.xlane v17, v11  }
0x68: {  	v45 =	vperm.xlane v19, v11;
	v22 =	vadd.s32 v3, v43  }
0x69: {  	v46 =	vand.u32 $0xFFFFFF80, v22;
	v23 =	vshll.u32 v44, $0x7  }
0x6a: {  	v23 =	vadd.s32 v23, v46;
	[tilespmem:v20+s3+$0x0] =	vst.idx.add.f32.msk vm0, v21;
	vm0 =	vne.s32 v45, $0x0;
	v20 =	vand.u32 $0x7F, v22  }
0x6b: {  	v21 =	vld [tilespmem:s23+$0x100];
	v20 =	vor.u32 v20, v23  }
0x6c: {  	v47 =	vperm.xlane v18, v12  }
0x6d: {  	v48 =	vperm.xlane v17, v12  }
0x6e: {  	v49 =	vperm.xlane v19, v12;
	v22 =	vadd.s32 v3, v47  }
0x6f: {  	v50 =	vand.u32 $0xFFFFFF80, v22;
	v23 =	vshll.u32 v48, $0x7  }
0x70: {  	v23 =	vadd.s32 v23, v50;
	[tilespmem:v20+s3+$0x0] =	vst.idx.add.f32.msk vm0, v21;
	vm0 =	vne.s32 v49, $0x0;
	v20 =	vand.u32 $0x7F, v22  }
0x71: {  	v21 =	vld [tilespmem:s23+$0x180];
	v20 =	vor.u32 v20, v23  }
0x72: {  	v51 =	vperm.xlane v18, v13  }
0x73: {  	v52 =	vperm.xlane v17, v13  }
0x74: {  	v53 =	vperm.xlane v19, v13;
	v22 =	vadd.s32 v3, v51  }
0x75: {  	v54 =	vand.u32 $0xFFFFFF80, v22;
	v23 =	vshll.u32 v52, $0x7  }
0x76: {  	v23 =	vadd.s32 v23, v54;
	[tilespmem:v20+s3+$0x0] =	vst.idx.add.f32.msk vm0, v21;
	vm0 =	vne.s32 v53, $0x0;
	v20 =	vand.u32 $0x7F, v22  }
0x77: {  	v21 =	vld [tilespmem:s23+$0x200];
	v20 =	vor.u32 v20, v23  }
0x78: {  	v55 =	vperm.xlane v18, v14  }
0x79: {  	v56 =	vperm.xlane v17, v14  }
0x7a: {  	v57 =	vperm.xlane v19, v14;
	v22 =	vadd.s32 v3, v55  }
0x7b: {  	v58 =	vand.u32 $0xFFFFFF80, v22;
	v23 =	vshll.u32 v56, $0x7  }
0x7c: {  	v23 =	vadd.s32 v23, v58;
	[tilespmem:v20+s3+$0x0] =	vst.idx.add.f32.msk vm0, v21;
	vm0 =	vne.s32 v57, $0x0;
	v20 =	vand.u32 $0x7F, v22  }
0x7d: {  	v21 =	vld [tilespmem:s23+$0x280];
	v20 =	vor.u32 v20, v23  }
0x7e: {  	v59 =	vperm.xlane v18, v15  }
0x7f: {  	v60 =	vperm.xlane v17, v15  }
0x80: {  	v61 =	vperm.xlane v19, v15;
	v22 =	vadd.s32 v3, v59  }
0x81: {  	v62 =	vand.u32 $0xFFFFFF80, v22;
	v23 =	vshll.u32 v60, $0x7  }
0x82: {  	v23 =	vadd.s32 v23, v62;
	[tilespmem:v20+s3+$0x0] =	vst.idx.add.f32.msk vm0, v21;
	vm0 =	vne.s32 v61, $0x0;
	v20 =	vand.u32 $0x7F, v22  }
0x83: {  	v21 =	vld [tilespmem:s23+$0x300];
	v20 =	vor.u32 v20, v23  }
0x84: {  	v18 =	vperm.xlane v18, v16  }
0x85: {  	v17 =	vperm.xlane v17, v16  }
0x86: {  	v18 =	vadd.s32 v3, v18;
	v19 =	vperm.xlane v19, v16  }
0x87: {  	v63 =	vand.u32 $0xFFFFFF80, v18;
	v17 =	vshll.u32 v17, $0x7  }
0x88: {  	v18 =	vand.u32 $0x7F, v18;
	v22 =	vadd.s32 v17, v63;
	[tilespmem:v20+s3+$0x0] =	vst.idx.add.f32.msk vm0, v21;
	vm0 =	vne.s32 v19, $0x0  }
0x89: {  	s24 =	simm.s32 $0x40;
	s26 =	simm.s32 $0x80;
	v18 =	vor.u32 v18, v22;
	v17 =	vld [tilespmem:s23+$0x380]  }
.LBB2_3:
0x8a: {  	_ =	sdelay $0x2  }
0x8b: {  	s28 =	sshra.s32 s24, $0x2  }
0x8c: {  	s23 =	sadd.s32 $0x800, s23;
	s24 =	smov.u32 s26;
	s25 =	sadd.s32 $0x40, s26;
	[tilespmem:v18+s3+$0x0] =	vst.idx.add.f32.msk vm0, v17  }
0x8d: {  	p0 =	sne.s32 s26, $0x1C0;
	v18 =	vld [tilespmem:s28+$0x13C00];
	_ =	sdelay $0x4  }
0x8e: {  	v17 =	vshra.s32 v18, $0x3;
	v19 =	vshll.u32 v18, $0x4;
	vm0 =	vlt.u32 v18, $0x1388  }
0x8f: {  	v19 =	vand.u32 $0x70, v19;
	v18 =	vsel vm0, $0x1, v2;
	v20 =	vperm.xlane v17, v5  }
0x90: {  	v21 =	vperm.xlane v19, v2;
	v22 =	vperm.xlane v19, v6  }
0x91: {  	v23 =	vperm.xlane v17, v2;
	v24 =	vperm.xlane v19, v5;
	v20 =	vshll.u32 v20, $0x7  }
0x92: {  	v25 =	vperm.xlane v18, v2;
	v26 =	vperm.xlane v18, v5;
	v21 =	vadd.s32 v3, v21  }
0x93: {  	v23 =	vshll.u32 v23, $0x7;
	v24 =	vadd.s32 v3, v24;
	v27 =	vand.u32 $0xFFFFFF80, v21  }
0x94: {  	vm0 =	vne.s32 v25, $0x0;
	v21 =	vand.u32 $0x7F, v21;
	v23 =	vadd.s32 v23, v27  }
0x95: {  	v27 =	vperm.xlane v17, v6;
	v25 =	vld [tilespmem:s23+$0xFFFFFC00];
	v21 =	vor.u32 v21, v23;
	v23 =	vand.u32 $0xFFFFFF80, v24  }
0x96: {  	v22 =	vadd.s32 v3, v22;
	v20 =	vadd.s32 v20, v23;
	v23 =	vperm.xlane v18, v6  }
0x97: {  	v29 =	vperm.xlane v19, v0;
	v28 =	vand.u32 $0xFFFFFF80, v22;
	v27 =	vshll.u32 v27, $0x7  }
0x98: {  	v30 =	vperm.xlane v18, v0;
	v27 =	vadd.s32 v27, v28;
	v28 =	vperm.xlane v17, v0  }
0x99: {  	v31 =	vperm.xlane v17, v1;
	v32 =	vperm.xlane v19, v1;
	v29 =	vadd.s32 v3, v29  }
0x9a: {  	[tilespmem:v21+s3+$0x0] =	vst.idx.add.f32.msk vm0, v25;
	vm0 =	vne.s32 v26, $0x0;
	v21 =	vand.u32 $0x7F, v24;
	v24 =	vand.u32 $0xFFFFFF80, v29  }
0x9b: {  	v26 =	vadd.s32 v3, v32;
	v25 =	vld [tilespmem:s23+$0xFFFFFC80];
	v20 =	vor.u32 v21, v20;
	v21 =	vshll.u32 v28, $0x7  }
0x9c: {  	v28 =	vshll.u32 v31, $0x7;
	v21 =	vadd.s32 v21, v24;
	v24 =	vand.u32 $0xFFFFFF80, v26  }
0x9d: {  	v31 =	vperm.xlane v18, v1;
	v24 =	vadd.s32 v28, v24;
	v28 =	vperm.xlane v19, v7  }
0x9e: {  	v33 =	vperm.xlane v18, v7;
	v32 =	vperm.xlane v17, v7  }
0x9f: {  	v34 =	vperm.xlane v17, v8;
	v35 =	vperm.xlane v19, v8;
	v28 =	vadd.s32 v3, v28  }
0xa0: {  	[tilespmem:v20+s3+$0x0] =	vst.idx.add.f32.msk vm0, v25;
	vm0 =	vne.s32 v23, $0x0;
	v20 =	vand.u32 $0x7F, v22;
	v22 =	vand.u32 $0xFFFFFF80, v28  }
0xa1: {  	v25 =	vshll.u32 v32, $0x7;
	v23 =	vld [tilespmem:s23+$0xFFFFFD00];
	v20 =	vor.u32 v20, v27;
	v27 =	vadd.s32 v3, v35  }
0xa2: {  	v32 =	vshll.u32 v34, $0x7;
	v22 =	vadd.s32 v25, v22;
	v25 =	vand.u32 $0xFFFFFF80, v27  }
0xa3: {  	v34 =	vperm.xlane v18, v8;
	v25 =	vadd.s32 v32, v25;
	v32 =	vperm.xlane v19, v4  }
0xa4: {  	v36 =	vperm.xlane v18, v4;
	v35 =	vperm.xlane v17, v4  }
0xa5: {  	v37 =	vperm.xlane v17, v9;
	v38 =	vperm.xlane v19, v9;
	v32 =	vadd.s32 v3, v32  }
0xa6: {  	[tilespmem:v20+s3+$0x0] =	vst.idx.add.f32.msk vm0, v23;
	vm0 =	vne.s32 v30, $0x0;
	v20 =	vand.u32 $0x7F, v29;
	v23 =	vand.u32 $0xFFFFFF80, v32  }
0xa7: {  	v30 =	vadd.s32 v3, v38;
	v29 =	vld [tilespmem:s23+$0xFFFFFD80];
	v20 =	vor.u32 v20, v21;
	v21 =	vshll.u32 v35, $0x7  }
0xa8: {  	v35 =	vshll.u32 v37, $0x7;
	v21 =	vadd.s32 v21, v23;
	v23 =	vand.u32 $0xFFFFFF80, v30  }
0xa9: {  	v37 =	vperm.xlane v18, v9;
	v23 =	vadd.s32 v35, v23;
	v35 =	vperm.xlane v19, v10  }
0xaa: {  	v39 =	vperm.xlane v18, v10;
	v38 =	vperm.xlane v17, v10  }
0xab: {  	v40 =	vperm.xlane v17, v11;
	v41 =	vperm.xlane v19, v11;
	v35 =	vadd.s32 v3, v35  }
0xac: {  	[tilespmem:v20+s3+$0x0] =	vst.idx.add.f32.msk vm0, v29;
	vm0 =	vne.s32 v31, $0x0;
	v20 =	vand.u32 $0x7F, v26;
	v26 =	vand.u32 $0xFFFFFF80, v35  }
0xad: {  	v31 =	vadd.s32 v3, v41;
	v29 =	vld [tilespmem:s23+$0xFFFFFE00];
	v20 =	vor.u32 v20, v24;
	v24 =	vshll.u32 v38, $0x7  }
0xae: {  	v38 =	vshll.u32 v40, $0x7;
	v24 =	vadd.s32 v24, v26;
	v26 =	vand.u32 $0xFFFFFF80, v31  }
0xaf: {  	v40 =	vperm.xlane v18, v11;
	v26 =	vadd.s32 v38, v26;
	v38 =	vperm.xlane v19, v12  }
0xb0: {  	v42 =	vperm.xlane v18, v12;
	v41 =	vperm.xlane v17, v12  }
0xb1: {  	v43 =	vperm.xlane v17, v13;
	v44 =	vperm.xlane v19, v13;
	v38 =	vadd.s32 v3, v38  }
0xb2: {  	[tilespmem:v20+s3+$0x0] =	vst.idx.add.f32.msk vm0, v29;
	vm0 =	vne.s32 v33, $0x0;
	v20 =	vand.u32 $0x7F, v28;
	v28 =	vand.u32 $0xFFFFFF80, v38  }
0xb3: {  	v33 =	vadd.s32 v3, v44;
	v29 =	vld [tilespmem:s23+$0xFFFFFE80];
	v20 =	vor.u32 v20, v22;
	v22 =	vshll.u32 v41, $0x7  }
0xb4: {  	v41 =	vshll.u32 v43, $0x7;
	v22 =	vadd.s32 v22, v28;
	v28 =	vand.u32 $0xFFFFFF80, v33  }
0xb5: {  	v43 =	vperm.xlane v18, v13;
	v28 =	vadd.s32 v41, v28;
	v41 =	vperm.xlane v19, v14  }
0xb6: {  	v45 =	vperm.xlane v18, v14;
	v44 =	vperm.xlane v17, v14  }
0xb7: {  	v46 =	vperm.xlane v17, v15;
	v47 =	vperm.xlane v19, v15;
	v41 =	vadd.s32 v3, v41  }
0xb8: {  	[tilespmem:v20+s3+$0x0] =	vst.idx.add.f32.msk vm0, v29;
	vm0 =	vne.s32 v34, $0x0;
	v20 =	vand.u32 $0x7F, v27;
	v27 =	vand.u32 $0xFFFFFF80, v41  }
0xb9: {  	v34 =	vadd.s32 v3, v47;
	v29 =	vld [tilespmem:s23+$0xFFFFFF00];
	v20 =	vor.u32 v20, v25;
	v25 =	vshll.u32 v44, $0x7  }
0xba: {  	v44 =	vshll.u32 v46, $0x7;
	v25 =	vadd.s32 v25, v27;
	v27 =	vand.u32 $0xFFFFFF80, v34  }
0xbb: {  	v19 =	vperm.xlane v19, v16;
	v46 =	vperm.xlane v18, v15;
	v27 =	vadd.s32 v44, v27  }
0xbc: {  	v17 =	vperm.xlane v17, v16;
	v18 =	vperm.xlane v18, v16  }
0xbd: {  	v19 =	vadd.s32 v3, v19  }
0xbe: {  	[tilespmem:v20+s3+$0x0] =	vst.idx.add.f32.msk vm0, v29;
	vm0 =	vne.s32 v36, $0x0;
	v20 =	vand.u32 $0x7F, v32;
	v29 =	vand.u32 $0xFFFFFF80, v19  }
0xbf: {  	v17 =	vshll.u32 v17, $0x7;
	v32 =	vld [tilespmem:s23+$0xFFFFFF80];
	v20 =	vor.u32 v20, v21  }
0xc0: {  	v21 =	vadd.s32 v17, v29;
	_ =	sdelay $0x3  }
0xc1: {  	v17 =	vand.u32 $0x7F, v30;
	[tilespmem:v20+s3+$0x0] =	vst.idx.add.f32.msk vm0, v32;
	vm0 =	vne.s32 v37, $0x0  }
0xc2: {  	v17 =	vor.u32 v17, v23;
	v20 =	vld [tilespmem:s23+$0x0];
	_ =	sdelay $0x4  }
0xc3: {  	[tilespmem:v17+s3+$0x0] =	vst.idx.add.f32.msk vm0, v20;
	vm0 =	vne.s32 v39, $0x0;
	v17 =	vand.u32 $0x7F, v35  }
0xc4: {  	v20 =	vld [tilespmem:s23+$0x80];
	v17 =	vor.u32 v17, v24;
	_ =	sdelay $0x4  }
0xc5: {  	[tilespmem:v17+s3+$0x0] =	vst.idx.add.f32.msk vm0, v20;
	vm0 =	vne.s32 v40, $0x0;
	v17 =	vand.u32 $0x7F, v31  }
0xc6: {  	v20 =	vld [tilespmem:s23+$0x100];
	v17 =	vor.u32 v17, v26;
	_ =	sdelay $0x4  }
0xc7: {  	[tilespmem:v17+s3+$0x0] =	vst.idx.add.f32.msk vm0, v20;
	vm0 =	vne.s32 v42, $0x0;
	v17 =	vand.u32 $0x7F, v38  }
0xc8: {  	v20 =	vld [tilespmem:s23+$0x180];
	v17 =	vor.u32 v17, v22;
	_ =	sdelay $0x4  }
0xc9: {  	[tilespmem:v17+s3+$0x0] =	vst.idx.add.f32.msk vm0, v20;
	vm0 =	vne.s32 v43, $0x0;
	v17 =	vand.u32 $0x7F, v33  }
0xca: {  	v20 =	vld [tilespmem:s23+$0x200];
	v17 =	vor.u32 v17, v28;
	_ =	sdelay $0x4  }
0xcb: {  	[tilespmem:v17+s3+$0x0] =	vst.idx.add.f32.msk vm0, v20;
	vm0 =	vne.s32 v45, $0x0;
	v17 =	vand.u32 $0x7F, v41  }
0xcc: {  	v20 =	vld [tilespmem:s23+$0x280];
	v17 =	vor.u32 v17, v25;
	_ =	sdelay $0x4  }
0xcd: {  	[tilespmem:v17+s3+$0x0] =	vst.idx.add.f32.msk vm0, v20;
	vm0 =	vne.s32 v46, $0x0;
	v17 =	vand.u32 $0x7F, v34  }
0xce: {  	v20 =	vld [tilespmem:s23+$0x300];
	v17 =	vor.u32 v17, v27;
	_ =	sdelay $0x1  }
.Ltmp2:
0xcf: {  	(pc) =	sbr.rel @p0 .LBB2_3-.Ltmp2, $3  }
0xd0: {  	_ =	sdelay $0x1  }
0xd1: {  	[tilespmem:v17+s3+$0x0] =	vst.idx.add.f32.msk vm0, v20;
	vm0 =	vne.s32 v18, $0x0;
	v18 =	vand.u32 $0x7F, v19  }
0xd2: {  	s26 =	smov.u32 s25;
	v17 =	vld [tilespmem:s23+$0x380];
	v18 =	vor.u32 v18, v21  }
0xd3: {  	_ =	sdelay $0x4  }
0xd4: {  	s24 =	sshra.s32 s24, $0x2;
	[tilespmem:v18+s3+$0x0] =	vst.idx.add.f32.msk vm0, v17  }
0xd5: {  	v19 =	vld [tilespmem:s24+$0x13C00];
	_ =	sdelay $0x4  }
0xd6: {  	v17 =	vshll.u32 v19, $0x4  }
0xd7: {  	v18 =	vand.u32 $0x70, v17  }
0xd8: {  	vm0 =	vlt.u32 v19, $0x1388;
	v17 =	vshra.s32 v19, $0x3;
	v20 =	vperm.xlane v18, v2  }
0xd9: {  	v19 =	vsel vm0, $0x1, v2;
	v21 =	vperm.xlane v17, v2  }
0xda: {  	v22 =	vperm.xlane v19, v2;
	v20 =	vadd.s32 v3, v20  }
0xdb: {  	v21 =	vshll.u32 v21, $0x7;
	v23 =	vand.u32 $0xFFFFFF80, v20  }
0xdc: {  	s23 =	sadd.s32 $0x800, s23;
	vm0 =	vne.s32 v22, $0x0;
	v20 =	vand.u32 $0x7F, v20;
	v21 =	vadd.s32 v21, v23  }
0xdd: {  	v54 =	vld [tilespmem:s23+$0xFFFFFC00];
	v20 =	vor.u32 v20, v21  }
0xde: {  	v55 =	vperm.xlane v18, v5  }
0xdf: {  	v56 =	vperm.xlane v17, v5  }
0xe0: {  	v24 =	vperm.xlane v19, v5;
	v21 =	vadd.s32 v3, v55  }
0xe1: {  	v23 =	vshll.u32 v56, $0x7;
	v25 =	vand.u32 $0xFFFFFF80, v21  }
0xe2: {  	v23 =	vadd.s32 v23, v25;
	[tilespmem:v20+s3+$0x0] =	vst.idx.add.f32.msk vm0, v54;
	vm0 =	vne.s32 v24, $0x0;
	v20 =	vand.u32 $0x7F, v21  }
0xe3: {  	v57 =	vld [tilespmem:s23+$0xFFFFFC80];
	v20 =	vor.u32 v20, v23  }
0xe4: {  	v58 =	vperm.xlane v18, v6  }
0xe5: {  	v59 =	vperm.xlane v17, v6  }
0xe6: {  	v60 =	vperm.xlane v19, v6;
	v22 =	vadd.s32 v3, v58  }
0xe7: {  	v61 =	vand.u32 $0xFFFFFF80, v22;
	v23 =	vshll.u32 v59, $0x7  }
0xe8: {  	v23 =	vadd.s32 v23, v61;
	[tilespmem:v20+s3+$0x0] =	vst.idx.add.f32.msk vm0, v57;
	vm0 =	vne.s32 v60, $0x0;
	v20 =	vand.u32 $0x7F, v22  }
0xe9: {  	v21 =	vld [tilespmem:s23+$0xFFFFFD00];
	v20 =	vor.u32 v20, v23  }
0xea: {  	v62 =	vperm.xlane v18, v0  }
0xeb: {  	v63 =	vperm.xlane v17, v0  }
0xec: {  	v28 =	vperm.xlane v19, v0;
	v22 =	vadd.s32 v3, v62  }
0xed: {  	v29 =	vand.u32 $0xFFFFFF80, v22;
	v23 =	vshll.u32 v63, $0x7  }
0xee: {  	v23 =	vadd.s32 v23, v29;
	[tilespmem:v20+s3+$0x0] =	vst.idx.add.f32.msk vm0, v21;
	vm0 =	vne.s32 v28, $0x0;
	v20 =	vand.u32 $0x7F, v22  }
0xef: {  	v21 =	vld [tilespmem:s23+$0xFFFFFD80];
	v20 =	vor.u32 v20, v23  }
0xf0: {  	v30 =	vperm.xlane v18, v1  }
0xf1: {  	v31 =	vperm.xlane v17, v1  }
0xf2: {  	v32 =	vperm.xlane v19, v1;
	v22 =	vadd.s32 v3, v30  }
0xf3: {  	v33 =	vand.u32 $0xFFFFFF80, v22;
	v23 =	vshll.u32 v31, $0x7  }
0xf4: {  	v23 =	vadd.s32 v23, v33;
	[tilespmem:v20+s3+$0x0] =	vst.idx.add.f32.msk vm0, v21;
	vm0 =	vne.s32 v32, $0x0;
	v20 =	vand.u32 $0x7F, v22  }
0xf5: {  	v21 =	vld [tilespmem:s23+$0xFFFFFE00];
	v20 =	vor.u32 v20, v23  }
0xf6: {  	v34 =	vperm.xlane v18, v7  }
0xf7: {  	v35 =	vperm.xlane v17, v7  }
0xf8: {  	v36 =	vperm.xlane v19, v7;
	v22 =	vadd.s32 v3, v34  }
0xf9: {  	v37 =	vand.u32 $0xFFFFFF80, v22;
	v23 =	vshll.u32 v35, $0x7  }
0xfa: {  	v23 =	vadd.s32 v23, v37;
	[tilespmem:v20+s3+$0x0] =	vst.idx.add.f32.msk vm0, v21;
	vm0 =	vne.s32 v36, $0x0;
	v20 =	vand.u32 $0x7F, v22  }
0xfb: {  	v21 =	vld [tilespmem:s23+$0xFFFFFE80];
	v20 =	vor.u32 v20, v23  }
0xfc: {  	v38 =	vperm.xlane v18, v8  }
0xfd: {  	v39 =	vperm.xlane v17, v8  }
0xfe: {  	v40 =	vperm.xlane v19, v8;
	v22 =	vadd.s32 v3, v38  }
0xff: {  	v41 =	vand.u32 $0xFFFFFF80, v22;
	v23 =	vshll.u32 v39, $0x7  }
0x100: {  	v23 =	vadd.s32 v23, v41;
	[tilespmem:v20+s3+$0x0] =	vst.idx.add.f32.msk vm0, v21;
	vm0 =	vne.s32 v40, $0x0;
	v20 =	vand.u32 $0x7F, v22  }
0x101: {  	v21 =	vld [tilespmem:s23+$0xFFFFFF00];
	v20 =	vor.u32 v20, v23  }
0x102: {  	v42 =	vperm.xlane v18, v4  }
0x103: {  	v43 =	vperm.xlane v17, v4  }
0x104: {  	v44 =	vperm.xlane v19, v4;
	v22 =	vadd.s32 v3, v42  }
0x105: {  	v45 =	vand.u32 $0xFFFFFF80, v22;
	v23 =	vshll.u32 v43, $0x7  }
0x106: {  	v23 =	vadd.s32 v23, v45;
	[tilespmem:v20+s3+$0x0] =	vst.idx.add.f32.msk vm0, v21;
	vm0 =	vne.s32 v44, $0x0;
	v20 =	vand.u32 $0x7F, v22  }
0x107: {  	v21 =	vld [tilespmem:s23+$0xFFFFFF80];
	v20 =	vor.u32 v20, v23  }
0x108: {  	v46 =	vperm.xlane v18, v9  }
0x109: {  	v47 =	vperm.xlane v17, v9  }
0x10a: {  	v48 =	vperm.xlane v19, v9;
	v22 =	vadd.s32 v3, v46  }
0x10b: {  	v49 =	vand.u32 $0xFFFFFF80, v22;
	v23 =	vshll.u32 v47, $0x7  }
0x10c: {  	v23 =	vadd.s32 v23, v49;
	[tilespmem:v20+s3+$0x0] =	vst.idx.add.f32.msk vm0, v21;
	vm0 =	vne.s32 v48, $0x0;
	v20 =	vand.u32 $0x7F, v22  }
0x10d: {  	v21 =	vld [tilespmem:s23+$0x0];
	v20 =	vor.u32 v20, v23  }
0x10e: {  	v50 =	vperm.xlane v18, v10  }
0x10f: {  	v51 =	vperm.xlane v17, v10  }
0x110: {  	v52 =	vperm.xlane v19, v10;
	v22 =	vadd.s32 v3, v50  }
0x111: {  	v53 =	vand.u32 $0xFFFFFF80, v22;
	v23 =	vshll.u32 v51, $0x7  }
0x112: {  	v23 =	vadd.s32 v23, v53;
	[tilespmem:v20+s3+$0x0] =	vst.idx.add.f32.msk vm0, v21;
	vm0 =	vne.s32 v52, $0x0;
	v20 =	vand.u32 $0x7F, v22  }
0x113: {  	v21 =	vld [tilespmem:s23+$0x80];
	v20 =	vor.u32 v20, v23  }
0x114: {  	v54 =	vperm.xlane v18, v11  }
0x115: {  	v55 =	vperm.xlane v17, v11  }
0x116: {  	v56 =	vperm.xlane v19, v11;
	v22 =	vadd.s32 v3, v54  }
0x117: {  	v57 =	vand.u32 $0xFFFFFF80, v22;
	v23 =	vshll.u32 v55, $0x7  }
0x118: {  	v23 =	vadd.s32 v23, v57;
	[tilespmem:v20+s3+$0x0] =	vst.idx.add.f32.msk vm0, v21;
	vm0 =	vne.s32 v56, $0x0;
	v20 =	vand.u32 $0x7F, v22  }
0x119: {  	v21 =	vld [tilespmem:s23+$0x100];
	v20 =	vor.u32 v20, v23  }
0x11a: {  	v58 =	vperm.xlane v18, v12  }
0x11b: {  	v59 =	vperm.xlane v17, v12  }
0x11c: {  	v60 =	vperm.xlane v19, v12;
	v22 =	vadd.s32 v3, v58  }
0x11d: {  	v61 =	vand.u32 $0xFFFFFF80, v22;
	v23 =	vshll.u32 v59, $0x7  }
0x11e: {  	v23 =	vadd.s32 v23, v61;
	[tilespmem:v20+s3+$0x0] =	vst.idx.add.f32.msk vm0, v21;
	vm0 =	vne.s32 v60, $0x0;
	v20 =	vand.u32 $0x7F, v22  }
0x11f: {  	v21 =	vld [tilespmem:s23+$0x180];
	v20 =	vor.u32 v20, v23  }
0x120: {  	v62 =	vperm.xlane v18, v13  }
0x121: {  	v63 =	vperm.xlane v17, v13  }
0x122: {  	v28 =	vperm.xlane v19, v13;
	v22 =	vadd.s32 v3, v62  }
0x123: {  	v29 =	vand.u32 $0xFFFFFF80, v22;
	v23 =	vshll.u32 v63, $0x7  }
0x124: {  	v23 =	vadd.s32 v23, v29;
	[tilespmem:v20+s3+$0x0] =	vst.idx.add.f32.msk vm0, v21;
	vm0 =	vne.s32 v28, $0x0;
	v20 =	vand.u32 $0x7F, v22  }
0x125: {  	v21 =	vld [tilespmem:s23+$0x200];
	v20 =	vor.u32 v20, v23  }
0x126: {  	v30 =	vperm.xlane v18, v14  }
0x127: {  	v31 =	vperm.xlane v17, v14  }
0x128: {  	v32 =	vperm.xlane v19, v14;
	v22 =	vadd.s32 v3, v30  }
0x129: {  	v33 =	vand.u32 $0xFFFFFF80, v22;
	v23 =	vshll.u32 v31, $0x7  }
0x12a: {  	v23 =	vadd.s32 v23, v33;
	[tilespmem:v20+s3+$0x0] =	vst.idx.add.f32.msk vm0, v21;
	vm0 =	vne.s32 v32, $0x0;
	v20 =	vand.u32 $0x7F, v22  }
0x12b: {  	v21 =	vld [tilespmem:s23+$0x280];
	v20 =	vor.u32 v20, v23  }
0x12c: {  	v34 =	vperm.xlane v18, v15  }
0x12d: {  	v35 =	vperm.xlane v17, v15  }
0x12e: {  	v36 =	vperm.xlane v19, v15;
	v22 =	vadd.s32 v3, v34  }
0x12f: {  	v37 =	vand.u32 $0xFFFFFF80, v22;
	v23 =	vshll.u32 v35, $0x7  }
0x130: {  	v23 =	vadd.s32 v23, v37;
	[tilespmem:v20+s3+$0x0] =	vst.idx.add.f32.msk vm0, v21;
	vm0 =	vne.s32 v36, $0x0;
	v20 =	vand.u32 $0x7F, v22  }
0x131: {  	v21 =	vld [tilespmem:s23+$0x300];
	v20 =	vor.u32 v20, v23  }
0x132: {  	v18 =	vperm.xlane v18, v16  }
0x133: {  	v17 =	vperm.xlane v17, v16  }
0x134: {  	v18 =	vadd.s32 v3, v18;
	v19 =	vperm.xlane v19, v16  }
0x135: {  	v17 =	vshll.u32 v17, $0x7;
	v38 =	vand.u32 $0xFFFFFF80, v18  }
0x136: {  	v18 =	vand.u32 $0x7F, v18;
	v17 =	vadd.s32 v17, v38;
	[tilespmem:v20+s3+$0x0] =	vst.idx.add.f32.msk vm0, v21;
	vm0 =	vne.s32 v19, $0x0  }
0x137: {  	v17 =	vor.u32 v18, v17;
	v19 =	vld [tilespmem:s23+$0x380]  }
0x138: {  	s30 =	sshll.u32 s22, $0x8  }
0x139: {  	p0 =	seq.s32 s22, $0x13;
	s23 =	sadd.s32 s5, s30  }
0x13a: {  	s24 =	sadd.s32 @!p0 $0x100, s23  }
0x13b: {  	s26 =	simm.s32 @!p0 $0x0;
	s25 =	sshrl.u32 @!p0 s24, $0x3  }
0x13c: {  	s28 =	simm.s32 @!p0 $0x13C00;
	s24 =	sshll.u32 @!p0 s24, $0x4;
	s25 =	sadd.s32 @!p0 s6, s25;
	[tilespmem:v17+s3+$0x0] =	vst.idx.add.f32.msk vm0, v19  }
0x13d: {  	[tilespmem:s28], [sflag:$0x1] =	stream.linear.gather @!p0 [hbm4b:s25+s26], $0x80, $0x38;
	[tilespmem:$0x1BD00] =	vst v63  }
0x13e: {  	s24 =	sadd.s32 @!p0 s4, s24;
	s25 =	simm.s32 @!p0 $0x13D00  }
0x13f: {  	[tilespmem:s25], [sflag:$0x1] =	stream.linear.gather @!p0 [hbm4b:s24+s26], $0x4000, $0x38;
	[tilespmem:$0x1BD00] =	vst v63  }
0x140: {  	_ =	swait.ge [sflag:s20], $0x80  }
0x141: {  	[sflag:s20] =	ssyncset.done $0x0  }
0x142: {  	[sflag:s20] =	ssyncadd.s32 $0xFFFFFF80  }
0x143: {  	_ =	swait.ge [sflag:s20], $0x4000  }
0x144: {  	[sflag:s20] =	ssyncset.done $0x0  }
0x145: {  	s31 =	simm.s32 $0x0;
	[sflag:s20] =	ssyncadd.s32 $0xFFFFC000  }
0x146: {  	v19 =	vld [tilespmem:s31+$0x13C80];
	_ =	sdelay $0x4  }
0x147: {  	v17 =	vshll.u32 v19, $0x4  }
0x148: {  	v18 =	vand.u32 $0x70, v17  }
0x149: {  	vm0 =	vlt.u32 v19, $0x1388;
	v17 =	vshra.s32 v19, $0x3;
	v20 =	vperm.xlane v18, v2  }
0x14a: {  	v19 =	vsel vm0, $0x1, v2;
	v39 =	vperm.xlane v17, v2  }
0x14b: {  	v40 =	vperm.xlane v19, v2;
	v20 =	vadd.s32 v3, v20  }
0x14c: {  	v21 =	vshll.u32 v39, $0x7;
	v41 =	vand.u32 $0xFFFFFF80, v20  }
0x14d: {  	s24 =	simm.s32 $0x18100;
	vm0 =	vne.s32 v40, $0x0;
	v20 =	vand.u32 $0x7F, v20;
	v21 =	vadd.s32 v21, v41  }
0x14e: {  	v42 =	vld [tilespmem:s24+$0xFFFFFC00];
	v20 =	vor.u32 v20, v21  }
0x14f: {  	v43 =	vperm.xlane v18, v5  }
0x150: {  	v44 =	vperm.xlane v17, v5  }
0x151: {  	v45 =	vperm.xlane v19, v5;
	v21 =	vadd.s32 v3, v43  }
0x152: {  	v23 =	vshll.u32 v44, $0x7;
	v46 =	vand.u32 $0xFFFFFF80, v21  }
0x153: {  	v23 =	vadd.s32 v23, v46;
	[tilespmem:v20+s3+$0x0] =	vst.idx.add.f32.msk vm0, v42;
	vm0 =	vne.s32 v45, $0x0;
	v20 =	vand.u32 $0x7F, v21  }
0x154: {  	v47 =	vld [tilespmem:s24+$0xFFFFFC80];
	v20 =	vor.u32 v20, v23  }
0x155: {  	v48 =	vperm.xlane v18, v6  }
0x156: {  	v49 =	vperm.xlane v17, v6  }
0x157: {  	v50 =	vperm.xlane v19, v6;
	v22 =	vadd.s32 v3, v48  }
0x158: {  	v51 =	vand.u32 $0xFFFFFF80, v22;
	v23 =	vshll.u32 v49, $0x7  }
0x159: {  	v23 =	vadd.s32 v23, v51;
	[tilespmem:v20+s3+$0x0] =	vst.idx.add.f32.msk vm0, v47;
	vm0 =	vne.s32 v50, $0x0;
	v20 =	vand.u32 $0x7F, v22  }
0x15a: {  	v21 =	vld [tilespmem:s24+$0xFFFFFD00];
	v20 =	vor.u32 v20, v23  }
0x15b: {  	v52 =	vperm.xlane v18, v0  }
0x15c: {  	v53 =	vperm.xlane v17, v0  }
0x15d: {  	v54 =	vperm.xlane v19, v0;
	v22 =	vadd.s32 v3, v52  }
0x15e: {  	v55 =	vand.u32 $0xFFFFFF80, v22;
	v23 =	vshll.u32 v53, $0x7  }
0x15f: {  	v23 =	vadd.s32 v23, v55;
	[tilespmem:v20+s3+$0x0] =	vst.idx.add.f32.msk vm0, v21;
	vm0 =	vne.s32 v54, $0x0;
	v20 =	vand.u32 $0x7F, v22  }
0x160: {  	v21 =	vld [tilespmem:s24+$0xFFFFFD80];
	v20 =	vor.u32 v20, v23  }
0x161: {  	v56 =	vperm.xlane v18, v1  }
0x162: {  	v57 =	vperm.xlane v17, v1  }
0x163: {  	v58 =	vperm.xlane v19, v1;
	v22 =	vadd.s32 v3, v56  }
0x164: {  	v59 =	vand.u32 $0xFFFFFF80, v22;
	v23 =	vshll.u32 v57, $0x7  }
0x165: {  	v23 =	vadd.s32 v23, v59;
	[tilespmem:v20+s3+$0x0] =	vst.idx.add.f32.msk vm0, v21;
	vm0 =	vne.s32 v58, $0x0;
	v20 =	vand.u32 $0x7F, v22  }
0x166: {  	v21 =	vld [tilespmem:s24+$0xFFFFFE00];
	v20 =	vor.u32 v20, v23  }
0x167: {  	v60 =	vperm.xlane v18, v7  }
0x168: {  	v61 =	vperm.xlane v17, v7  }
0x169: {  	v62 =	vperm.xlane v19, v7;
	v22 =	vadd.s32 v3, v60  }
0x16a: {  	v63 =	vand.u32 $0xFFFFFF80, v22;
	v23 =	vshll.u32 v61, $0x7  }
0x16b: {  	v23 =	vadd.s32 v23, v63;
	[tilespmem:v20+s3+$0x0] =	vst.idx.add.f32.msk vm0, v21;
	vm0 =	vne.s32 v62, $0x0;
	v20 =	vand.u32 $0x7F, v22  }
0x16c: {  	v21 =	vld [tilespmem:s24+$0xFFFFFE80];
	v20 =	vor.u32 v20, v23  }
0x16d: {  	v27 =	vperm.xlane v18, v8  }
0x16e: {  	v28 =	vperm.xlane v17, v8  }
0x16f: {  	v29 =	vperm.xlane v19, v8;
	v22 =	vadd.s32 v3, v27  }
0x170: {  	v30 =	vand.u32 $0xFFFFFF80, v22;
	v23 =	vshll.u32 v28, $0x7  }
0x171: {  	v23 =	vadd.s32 v23, v30;
	[tilespmem:v20+s3+$0x0] =	vst.idx.add.f32.msk vm0, v21;
	vm0 =	vne.s32 v29, $0x0;
	v20 =	vand.u32 $0x7F, v22  }
0x172: {  	v21 =	vld [tilespmem:s24+$0xFFFFFF00];
	v20 =	vor.u32 v20, v23  }
0x173: {  	v31 =	vperm.xlane v18, v4  }
0x174: {  	v32 =	vperm.xlane v17, v4  }
0x175: {  	v33 =	vperm.xlane v19, v4;
	v22 =	vadd.s32 v3, v31  }
0x176: {  	v34 =	vand.u32 $0xFFFFFF80, v22;
	v23 =	vshll.u32 v32, $0x7  }
0x177: {  	v23 =	vadd.s32 v23, v34;
	[tilespmem:v20+s3+$0x0] =	vst.idx.add.f32.msk vm0, v21;
	vm0 =	vne.s32 v33, $0x0;
	v20 =	vand.u32 $0x7F, v22  }
0x178: {  	v21 =	vld [tilespmem:s24+$0xFFFFFF80];
	v20 =	vor.u32 v20, v23  }
0x179: {  	v35 =	vperm.xlane v18, v9  }
0x17a: {  	v36 =	vperm.xlane v17, v9  }
0x17b: {  	v37 =	vperm.xlane v19, v9;
	v22 =	vadd.s32 v3, v35  }
0x17c: {  	v38 =	vand.u32 $0xFFFFFF80, v22;
	v23 =	vshll.u32 v36, $0x7  }
0x17d: {  	v23 =	vadd.s32 v23, v38;
	[tilespmem:v20+s3+$0x0] =	vst.idx.add.f32.msk vm0, v21;
	vm0 =	vne.s32 v37, $0x0;
	v20 =	vand.u32 $0x7F, v22  }
0x17e: {  	v21 =	vld [tilespmem:s24+$0x0];
	v20 =	vor.u32 v20, v23  }
0x17f: {  	v39 =	vperm.xlane v18, v10  }
0x180: {  	v40 =	vperm.xlane v17, v10  }
0x181: {  	v41 =	vperm.xlane v19, v10;
	v22 =	vadd.s32 v3, v39  }
0x182: {  	v42 =	vand.u32 $0xFFFFFF80, v22;
	v23 =	vshll.u32 v40, $0x7  }
0x183: {  	v23 =	vadd.s32 v23, v42;
	[tilespmem:v20+s3+$0x0] =	vst.idx.add.f32.msk vm0, v21;
	vm0 =	vne.s32 v41, $0x0;
	v20 =	vand.u32 $0x7F, v22  }
0x184: {  	v21 =	vld [tilespmem:s24+$0x80];
	v20 =	vor.u32 v20, v23  }
0x185: {  	v43 =	vperm.xlane v18, v11  }
0x186: {  	v44 =	vperm.xlane v17, v11  }
0x187: {  	v45 =	vperm.xlane v19, v11;
	v22 =	vadd.s32 v3, v43  }
0x188: {  	v46 =	vand.u32 $0xFFFFFF80, v22;
	v23 =	vshll.u32 v44, $0x7  }
0x189: {  	v23 =	vadd.s32 v23, v46;
	[tilespmem:v20+s3+$0x0] =	vst.idx.add.f32.msk vm0, v21;
	vm0 =	vne.s32 v45, $0x0;
	v20 =	vand.u32 $0x7F, v22  }
0x18a: {  	v21 =	vld [tilespmem:s24+$0x100];
	v20 =	vor.u32 v20, v23  }
0x18b: {  	v47 =	vperm.xlane v18, v12  }
0x18c: {  	v48 =	vperm.xlane v17, v12  }
0x18d: {  	v49 =	vperm.xlane v19, v12;
	v22 =	vadd.s32 v3, v47  }
0x18e: {  	v50 =	vand.u32 $0xFFFFFF80, v22;
	v23 =	vshll.u32 v48, $0x7  }
0x18f: {  	v23 =	vadd.s32 v23, v50;
	[tilespmem:v20+s3+$0x0] =	vst.idx.add.f32.msk vm0, v21;
	vm0 =	vne.s32 v49, $0x0;
	v20 =	vand.u32 $0x7F, v22  }
0x190: {  	v21 =	vld [tilespmem:s24+$0x180];
	v20 =	vor.u32 v20, v23  }
0x191: {  	v51 =	vperm.xlane v18, v13  }
0x192: {  	v52 =	vperm.xlane v17, v13  }
0x193: {  	v53 =	vperm.xlane v19, v13;
	v22 =	vadd.s32 v3, v51  }
0x194: {  	v54 =	vand.u32 $0xFFFFFF80, v22;
	v23 =	vshll.u32 v52, $0x7  }
0x195: {  	v23 =	vadd.s32 v23, v54;
	[tilespmem:v20+s3+$0x0] =	vst.idx.add.f32.msk vm0, v21;
	vm0 =	vne.s32 v53, $0x0;
	v20 =	vand.u32 $0x7F, v22  }
0x196: {  	v21 =	vld [tilespmem:s24+$0x200];
	v20 =	vor.u32 v20, v23  }
0x197: {  	v55 =	vperm.xlane v18, v14  }
0x198: {  	v56 =	vperm.xlane v17, v14  }
0x199: {  	v57 =	vperm.xlane v19, v14;
	v22 =	vadd.s32 v3, v55  }
0x19a: {  	v58 =	vand.u32 $0xFFFFFF80, v22;
	v23 =	vshll.u32 v56, $0x7  }
0x19b: {  	v23 =	vadd.s32 v23, v58;
	[tilespmem:v20+s3+$0x0] =	vst.idx.add.f32.msk vm0, v21;
	vm0 =	vne.s32 v57, $0x0;
	v20 =	vand.u32 $0x7F, v22  }
0x19c: {  	v21 =	vld [tilespmem:s24+$0x280];
	v20 =	vor.u32 v20, v23  }
0x19d: {  	v59 =	vperm.xlane v18, v15  }
0x19e: {  	v60 =	vperm.xlane v17, v15  }
0x19f: {  	v61 =	vperm.xlane v19, v15;
	v22 =	vadd.s32 v3, v59  }
0x1a0: {  	v62 =	vand.u32 $0xFFFFFF80, v22;
	v23 =	vshll.u32 v60, $0x7  }
0x1a1: {  	v23 =	vadd.s32 v23, v62;
	[tilespmem:v20+s3+$0x0] =	vst.idx.add.f32.msk vm0, v21;
	vm0 =	vne.s32 v61, $0x0;
	v20 =	vand.u32 $0x7F, v22  }
0x1a2: {  	v21 =	vld [tilespmem:s24+$0x300];
	v20 =	vor.u32 v20, v23  }
0x1a3: {  	v18 =	vperm.xlane v18, v16  }
0x1a4: {  	v17 =	vperm.xlane v17, v16  }
0x1a5: {  	v18 =	vadd.s32 v3, v18;
	v19 =	vperm.xlane v19, v16  }
0x1a6: {  	v63 =	vand.u32 $0xFFFFFF80, v18;
	v17 =	vshll.u32 v17, $0x7  }
0x1a7: {  	v18 =	vand.u32 $0x7F, v18;
	v22 =	vadd.s32 v17, v63;
	[tilespmem:v20+s3+$0x0] =	vst.idx.add.f32.msk vm0, v21;
	vm0 =	vne.s32 v19, $0x0  }
0x1a8: {  	s28 =	simm.s32 $0x80;
	s25 =	simm.s32 $0x40;
	v18 =	vor.u32 v18, v22;
	v17 =	vld [tilespmem:s24+$0x380]  }
.LBB2_5:
0x1a9: {  	_ =	sdelay $0x2  }
0x1aa: {  	s29 =	sshra.s32 s25, $0x2  }
0x1ab: {  	s24 =	sadd.s32 $0x800, s24;
	s25 =	smov.u32 s28;
	s26 =	sadd.s32 $0x40, s28;
	[tilespmem:v18+s3+$0x0] =	vst.idx.add.f32.msk vm0, v17  }
0x1ac: {  	p1 =	sne.s32 s28, $0x1C0;
	v18 =	vld [tilespmem:s29+$0x13C80];
	_ =	sdelay $0x4  }
0x1ad: {  	v17 =	vshra.s32 v18, $0x3;
	v19 =	vshll.u32 v18, $0x4;
	vm0 =	vlt.u32 v18, $0x1388  }
0x1ae: {  	v19 =	vand.u32 $0x70, v19;
	v18 =	vsel vm0, $0x1, v2;
	v20 =	vperm.xlane v17, v5  }
0x1af: {  	v21 =	vperm.xlane v19, v2;
	v22 =	vperm.xlane v19, v6  }
0x1b0: {  	v23 =	vperm.xlane v17, v2;
	v24 =	vperm.xlane v19, v5;
	v20 =	vshll.u32 v20, $0x7  }
0x1b1: {  	v25 =	vperm.xlane v18, v2;
	v26 =	vperm.xlane v18, v5;
	v21 =	vadd.s32 v3, v21  }
0x1b2: {  	v23 =	vshll.u32 v23, $0x7;
	v24 =	vadd.s32 v3, v24;
	v27 =	vand.u32 $0xFFFFFF80, v21  }
0x1b3: {  	vm0 =	vne.s32 v25, $0x0;
	v21 =	vand.u32 $0x7F, v21;
	v23 =	vadd.s32 v23, v27  }
0x1b4: {  	v27 =	vperm.xlane v17, v6;
	v25 =	vld [tilespmem:s24+$0xFFFFFC00];
	v21 =	vor.u32 v21, v23;
	v23 =	vand.u32 $0xFFFFFF80, v24  }
0x1b5: {  	v22 =	vadd.s32 v3, v22;
	v20 =	vadd.s32 v20, v23;
	v23 =	vperm.xlane v18, v6  }
0x1b6: {  	v29 =	vperm.xlane v19, v0;
	v28 =	vand.u32 $0xFFFFFF80, v22;
	v27 =	vshll.u32 v27, $0x7  }
0x1b7: {  	v30 =	vperm.xlane v18, v0;
	v27 =	vadd.s32 v27, v28;
	v28 =	vperm.xlane v17, v0  }
0x1b8: {  	v31 =	vperm.xlane v17, v1;
	v32 =	vperm.xlane v19, v1;
	v29 =	vadd.s32 v3, v29  }
0x1b9: {  	[tilespmem:v21+s3+$0x0] =	vst.idx.add.f32.msk vm0, v25;
	vm0 =	vne.s32 v26, $0x0;
	v21 =	vand.u32 $0x7F, v24;
	v24 =	vand.u32 $0xFFFFFF80, v29  }
0x1ba: {  	v26 =	vadd.s32 v3, v32;
	v25 =	vld [tilespmem:s24+$0xFFFFFC80];
	v20 =	vor.u32 v21, v20;
	v21 =	vshll.u32 v28, $0x7  }
0x1bb: {  	v28 =	vshll.u32 v31, $0x7;
	v21 =	vadd.s32 v21, v24;
	v24 =	vand.u32 $0xFFFFFF80, v26  }
0x1bc: {  	v31 =	vperm.xlane v18, v1;
	v24 =	vadd.s32 v28, v24;
	v28 =	vperm.xlane v19, v7  }
0x1bd: {  	v33 =	vperm.xlane v18, v7;
	v32 =	vperm.xlane v17, v7  }
0x1be: {  	v34 =	vperm.xlane v17, v8;
	v35 =	vperm.xlane v19, v8;
	v28 =	vadd.s32 v3, v28  }
0x1bf: {  	[tilespmem:v20+s3+$0x0] =	vst.idx.add.f32.msk vm0, v25;
	vm0 =	vne.s32 v23, $0x0;
	v20 =	vand.u32 $0x7F, v22;
	v22 =	vand.u32 $0xFFFFFF80, v28  }
0x1c0: {  	v25 =	vshll.u32 v32, $0x7;
	v23 =	vld [tilespmem:s24+$0xFFFFFD00];
	v20 =	vor.u32 v20, v27;
	v27 =	vadd.s32 v3, v35  }
0x1c1: {  	v32 =	vshll.u32 v34, $0x7;
	v22 =	vadd.s32 v25, v22;
	v25 =	vand.u32 $0xFFFFFF80, v27  }
0x1c2: {  	v34 =	vperm.xlane v18, v8;
	v25 =	vadd.s32 v32, v25;
	v32 =	vperm.xlane v19, v4  }
0x1c3: {  	v36 =	vperm.xlane v18, v4;
	v35 =	vperm.xlane v17, v4  }
0x1c4: {  	v37 =	vperm.xlane v17, v9;
	v38 =	vperm.xlane v19, v9;
	v32 =	vadd.s32 v3, v32  }
0x1c5: {  	[tilespmem:v20+s3+$0x0] =	vst.idx.add.f32.msk vm0, v23;
	vm0 =	vne.s32 v30, $0x0;
	v20 =	vand.u32 $0x7F, v29;
	v23 =	vand.u32 $0xFFFFFF80, v32  }
0x1c6: {  	v30 =	vadd.s32 v3, v38;
	v29 =	vld [tilespmem:s24+$0xFFFFFD80];
	v20 =	vor.u32 v20, v21;
	v21 =	vshll.u32 v35, $0x7  }
0x1c7: {  	v35 =	vshll.u32 v37, $0x7;
	v21 =	vadd.s32 v21, v23;
	v23 =	vand.u32 $0xFFFFFF80, v30  }
0x1c8: {  	v37 =	vperm.xlane v18, v9;
	v23 =	vadd.s32 v35, v23;
	v35 =	vperm.xlane v19, v10  }
0x1c9: {  	v39 =	vperm.xlane v18, v10;
	v38 =	vperm.xlane v17, v10  }
0x1ca: {  	v40 =	vperm.xlane v17, v11;
	v41 =	vperm.xlane v19, v11;
	v35 =	vadd.s32 v3, v35  }
0x1cb: {  	[tilespmem:v20+s3+$0x0] =	vst.idx.add.f32.msk vm0, v29;
	vm0 =	vne.s32 v31, $0x0;
	v20 =	vand.u32 $0x7F, v26;
	v26 =	vand.u32 $0xFFFFFF80, v35  }
0x1cc: {  	v31 =	vadd.s32 v3, v41;
	v29 =	vld [tilespmem:s24+$0xFFFFFE00];
	v20 =	vor.u32 v20, v24;
	v24 =	vshll.u32 v38, $0x7  }
0x1cd: {  	v38 =	vshll.u32 v40, $0x7;
	v24 =	vadd.s32 v24, v26;
	v26 =	vand.u32 $0xFFFFFF80, v31  }
0x1ce: {  	v40 =	vperm.xlane v18, v11;
	v26 =	vadd.s32 v38, v26;
	v38 =	vperm.xlane v19, v12  }
0x1cf: {  	v42 =	vperm.xlane v18, v12;
	v41 =	vperm.xlane v17, v12  }
0x1d0: {  	v43 =	vperm.xlane v17, v13;
	v44 =	vperm.xlane v19, v13;
	v38 =	vadd.s32 v3, v38  }
0x1d1: {  	[tilespmem:v20+s3+$0x0] =	vst.idx.add.f32.msk vm0, v29;
	vm0 =	vne.s32 v33, $0x0;
	v20 =	vand.u32 $0x7F, v28;
	v28 =	vand.u32 $0xFFFFFF80, v38  }
0x1d2: {  	v33 =	vadd.s32 v3, v44;
	v29 =	vld [tilespmem:s24+$0xFFFFFE80];
	v20 =	vor.u32 v20, v22;
	v22 =	vshll.u32 v41, $0x7  }
0x1d3: {  	v41 =	vshll.u32 v43, $0x7;
	v22 =	vadd.s32 v22, v28;
	v28 =	vand.u32 $0xFFFFFF80, v33  }
0x1d4: {  	v43 =	vperm.xlane v18, v13;
	v28 =	vadd.s32 v41, v28;
	v41 =	vperm.xlane v19, v14  }
0x1d5: {  	v45 =	vperm.xlane v18, v14;
	v44 =	vperm.xlane v17, v14  }
0x1d6: {  	v46 =	vperm.xlane v17, v15;
	v47 =	vperm.xlane v19, v15;
	v41 =	vadd.s32 v3, v41  }
0x1d7: {  	[tilespmem:v20+s3+$0x0] =	vst.idx.add.f32.msk vm0, v29;
	vm0 =	vne.s32 v34, $0x0;
	v20 =	vand.u32 $0x7F, v27;
	v27 =	vand.u32 $0xFFFFFF80, v41  }
0x1d8: {  	v34 =	vadd.s32 v3, v47;
	v29 =	vld [tilespmem:s24+$0xFFFFFF00];
	v20 =	vor.u32 v20, v25;
	v25 =	vshll.u32 v44, $0x7  }
0x1d9: {  	v44 =	vshll.u32 v46, $0x7;
	v25 =	vadd.s32 v25, v27;
	v27 =	vand.u32 $0xFFFFFF80, v34  }
0x1da: {  	v19 =	vperm.xlane v19, v16;
	v46 =	vperm.xlane v18, v15;
	v27 =	vadd.s32 v44, v27  }
0x1db: {  	v17 =	vperm.xlane v17, v16;
	v18 =	vperm.xlane v18, v16  }
0x1dc: {  	v19 =	vadd.s32 v3, v19  }
0x1dd: {  	[tilespmem:v20+s3+$0x0] =	vst.idx.add.f32.msk vm0, v29;
	vm0 =	vne.s32 v36, $0x0;
	v20 =	vand.u32 $0x7F, v32;
	v29 =	vand.u32 $0xFFFFFF80, v19  }
0x1de: {  	v17 =	vshll.u32 v17, $0x7;
	v32 =	vld [tilespmem:s24+$0xFFFFFF80];
	v20 =	vor.u32 v20, v21  }
0x1df: {  	v21 =	vadd.s32 v17, v29;
	_ =	sdelay $0x3  }
0x1e0: {  	v17 =	vand.u32 $0x7F, v30;
	[tilespmem:v20+s3+$0x0] =	vst.idx.add.f32.msk vm0, v32;
	vm0 =	vne.s32 v37, $0x0  }
0x1e1: {  	v17 =	vor.u32 v17, v23;
	v20 =	vld [tilespmem:s24+$0x0];
	_ =	sdelay $0x4  }
0x1e2: {  	[tilespmem:v17+s3+$0x0] =	vst.idx.add.f32.msk vm0, v20;
	vm0 =	vne.s32 v39, $0x0;
	v17 =	vand.u32 $0x7F, v35  }
0x1e3: {  	v20 =	vld [tilespmem:s24+$0x80];
	v17 =	vor.u32 v17, v24;
	_ =	sdelay $0x4  }
0x1e4: {  	[tilespmem:v17+s3+$0x0] =	vst.idx.add.f32.msk vm0, v20;
	vm0 =	vne.s32 v40, $0x0;
	v17 =	vand.u32 $0x7F, v31  }
0x1e5: {  	v20 =	vld [tilespmem:s24+$0x100];
	v17 =	vor.u32 v17, v26;
	_ =	sdelay $0x4  }
0x1e6: {  	[tilespmem:v17+s3+$0x0] =	vst.idx.add.f32.msk vm0, v20;
	vm0 =	vne.s32 v42, $0x0;
	v17 =	vand.u32 $0x7F, v38  }
0x1e7: {  	v20 =	vld [tilespmem:s24+$0x180];
	v17 =	vor.u32 v17, v22;
	_ =	sdelay $0x4  }
0x1e8: {  	[tilespmem:v17+s3+$0x0] =	vst.idx.add.f32.msk vm0, v20;
	vm0 =	vne.s32 v43, $0x0;
	v17 =	vand.u32 $0x7F, v33  }
0x1e9: {  	v20 =	vld [tilespmem:s24+$0x200];
	v17 =	vor.u32 v17, v28;
	_ =	sdelay $0x4  }
0x1ea: {  	[tilespmem:v17+s3+$0x0] =	vst.idx.add.f32.msk vm0, v20;
	vm0 =	vne.s32 v45, $0x0;
	v17 =	vand.u32 $0x7F, v41  }
0x1eb: {  	v20 =	vld [tilespmem:s24+$0x280];
	v17 =	vor.u32 v17, v25;
	_ =	sdelay $0x4  }
0x1ec: {  	[tilespmem:v17+s3+$0x0] =	vst.idx.add.f32.msk vm0, v20;
	vm0 =	vne.s32 v46, $0x0;
	v17 =	vand.u32 $0x7F, v34  }
0x1ed: {  	v20 =	vld [tilespmem:s24+$0x300];
	v17 =	vor.u32 v17, v27;
	_ =	sdelay $0x1  }
.Ltmp3:
0x1ee: {  	(pc) =	sbr.rel @p1 .LBB2_5-.Ltmp3, $3  }
0x1ef: {  	_ =	sdelay $0x1  }
0x1f0: {  	[tilespmem:v17+s3+$0x0] =	vst.idx.add.f32.msk vm0, v20;
	vm0 =	vne.s32 v18, $0x0;
	v18 =	vand.u32 $0x7F, v19  }
0x1f1: {  	s28 =	smov.u32 s26;
	v17 =	vld [tilespmem:s24+$0x380];
	v18 =	vor.u32 v18, v21  }
0x1f2: {  	_ =	sdelay $0x4  }
0x1f3: {  	s25 =	sshra.s32 s25, $0x2;
	[tilespmem:v18+s3+$0x0] =	vst.idx.add.f32.msk vm0, v17  }
0x1f4: {  	v19 =	vld [tilespmem:s25+$0x13C80];
	_ =	sdelay $0x4  }
0x1f5: {  	v17 =	vshll.u32 v19, $0x4  }
0x1f6: {  	v18 =	vand.u32 $0x70, v17  }
0x1f7: {  	vm11 =	vlt.u32 v19, $0x1388;
	v17 =	vshra.s32 v19, $0x3;
	v20 =	vperm.xlane v18, v2  }
0x1f8: {  	v19 =	vsel vm11, $0x1, v2;
	v21 =	vperm.xlane v17, v2  }
0x1f9: {  	v22 =	vperm.xlane v19, v2;
	v20 =	vadd.s32 v3, v20  }
0x1fa: {  	v21 =	vshll.u32 v21, $0x7;
	v23 =	vand.u32 $0xFFFFFF80, v20  }
0x1fb: {  	s24 =	sadd.s32 $0x800, s24;
	vm12 =	vne.s32 v22, $0x0;
	v20 =	vand.u32 $0x7F, v20;
	v21 =	vadd.s32 v21, v23  }
0x1fc: {  	v30 =	vld [tilespmem:s24+$0xFFFFFC00];
	v20 =	vor.u32 v20, v21  }
0x1fd: {  	v31 =	vperm.xlane v18, v5  }
0x1fe: {  	v32 =	vperm.xlane v17, v5  }
0x1ff: {  	v24 =	vperm.xlane v19, v5;
	v21 =	vadd.s32 v3, v31  }
0x200: {  	v23 =	vshll.u32 v32, $0x7;
	v25 =	vand.u32 $0xFFFFFF80, v21  }
0x201: {  	vm13 =	vne.s32 v24, $0x0;
	v33 =	vand.u32 $0x7F, v21;
	v23 =	vadd.s32 v23, v25;
	[tilespmem:v20+s3+$0x0] =	vst.idx.add.f32.msk vm12, v30  }
0x202: {  	v20 =	vor.u32 v33, v23;
	v34 =	vld [tilespmem:s24+$0xFFFFFC80]  }
0x203: {  	v35 =	vperm.xlane v18, v6  }
0x204: {  	v36 =	vperm.xlane v17, v6  }
0x205: {  	v37 =	vperm.xlane v19, v6;
	v22 =	vadd.s32 v3, v35  }
0x206: {  	v38 =	vand.u32 $0xFFFFFF80, v22;
	v23 =	vshll.u32 v36, $0x7  }
0x207: {  	vm14 =	vne.s32 v37, $0x0;
	v39 =	vand.u32 $0x7F, v22;
	v23 =	vadd.s32 v23, v38;
	[tilespmem:v20+s3+$0x0] =	vst.idx.add.f32.msk vm13, v34  }
0x208: {  	v20 =	vor.u32 v39, v23;
	v21 =	vld [tilespmem:s24+$0xFFFFFD00]  }
0x209: {  	v40 =	vperm.xlane v18, v0  }
0x20a: {  	v41 =	vperm.xlane v17, v0  }
0x20b: {  	v42 =	vperm.xlane v19, v0;
	v22 =	vadd.s32 v3, v40  }
0x20c: {  	v43 =	vand.u32 $0xFFFFFF80, v22;
	v23 =	vshll.u32 v41, $0x7  }
0x20d: {  	vm15 =	vne.s32 v42, $0x0;
	v44 =	vand.u32 $0x7F, v22;
	v23 =	vadd.s32 v23, v43;
	[tilespmem:v20+s3+$0x0] =	vst.idx.add.f32.msk vm14, v21  }
0x20e: {  	v20 =	vor.u32 v44, v23;
	v21 =	vld [tilespmem:s24+$0xFFFFFD80]  }
0x20f: {  	v45 =	vperm.xlane v18, v1  }
0x210: {  	v46 =	vperm.xlane v17, v1  }
0x211: {  	v47 =	vperm.xlane v19, v1;
	v22 =	vadd.s32 v3, v45  }
0x212: {  	v48 =	vand.u32 $0xFFFFFF80, v22;
	v23 =	vshll.u32 v46, $0x7  }
0x213: {  	vm4 =	vne.s32 v47, $0x0;
	v49 =	vand.u32 $0x7F, v22;
	v23 =	vadd.s32 v23, v48;
	[tilespmem:v20+s3+$0x0] =	vst.idx.add.f32.msk vm15, v21  }
0x214: {  	v20 =	vor.u32 v49, v23;
	v21 =	vld [tilespmem:s24+$0xFFFFFE00]  }
0x215: {  	v50 =	vperm.xlane v18, v7  }
0x216: {  	v51 =	vperm.xlane v17, v7  }
0x217: {  	v52 =	vperm.xlane v19, v7;
	v22 =	vadd.s32 v3, v50  }
0x218: {  	v53 =	vand.u32 $0xFFFFFF80, v22;
	v23 =	vshll.u32 v51, $0x7  }
0x219: {  	vm5 =	vne.s32 v52, $0x0;
	v54 =	vand.u32 $0x7F, v22;
	v23 =	vadd.s32 v23, v53;
	[tilespmem:v20+s3+$0x0] =	vst.idx.add.f32.msk vm4, v21  }
0x21a: {  	v20 =	vor.u32 v54, v23;
	v21 =	vld [tilespmem:s24+$0xFFFFFE80]  }
0x21b: {  	v55 =	vperm.xlane v18, v8  }
0x21c: {  	v56 =	vperm.xlane v17, v8  }
0x21d: {  	v57 =	vperm.xlane v19, v8;
	v22 =	vadd.s32 v3, v55  }
0x21e: {  	v58 =	vand.u32 $0xFFFFFF80, v22;
	v23 =	vshll.u32 v56, $0x7  }
0x21f: {  	vm6 =	vne.s32 v57, $0x0;
	v59 =	vand.u32 $0x7F, v22;
	v23 =	vadd.s32 v23, v58;
	[tilespmem:v20+s3+$0x0] =	vst.idx.add.f32.msk vm5, v21  }
0x220: {  	v20 =	vor.u32 v59, v23;
	v21 =	vld [tilespmem:s24+$0xFFFFFF00]  }
0x221: {  	v60 =	vperm.xlane v18, v4  }
0x222: {  	v61 =	vperm.xlane v17, v4  }
0x223: {  	v62 =	vperm.xlane v19, v4;
	v22 =	vadd.s32 v3, v60  }
0x224: {  	v63 =	vand.u32 $0xFFFFFF80, v22;
	v23 =	vshll.u32 v61, $0x7  }
0x225: {  	vm7 =	vne.s32 v62, $0x0;
	v27 =	vand.u32 $0x7F, v22;
	v23 =	vadd.s32 v23, v63;
	[tilespmem:v20+s3+$0x0] =	vst.idx.add.f32.msk vm6, v21  }
0x226: {  	v20 =	vor.u32 v27, v23;
	v21 =	vld [tilespmem:s24+$0xFFFFFF80]  }
0x227: {  	v28 =	vperm.xlane v18, v9  }
0x228: {  	v29 =	vperm.xlane v17, v9  }
0x229: {  	v22 =	vadd.s32 v3, v28;
	v30 =	vperm.xlane v19, v9  }
0x22a: {  	v31 =	vand.u32 $0xFFFFFF80, v22;
	v23 =	vshll.u32 v29, $0x7  }
0x22b: {  	v32 =	vand.u32 $0x7F, v22;
	vm8 =	vne.s32 v30, $0x0;
	v23 =	vadd.s32 v23, v31;
	[tilespmem:v20+s3+$0x0] =	vst.idx.add.f32.msk vm7, v21  }
0x22c: {  	v20 =	vor.u32 v32, v23;
	v21 =	vld [tilespmem:s24+$0x0]  }
0x22d: {  	v33 =	vperm.xlane v18, v10  }
0x22e: {  	v34 =	vperm.xlane v17, v10  }
0x22f: {  	v35 =	vperm.xlane v19, v10;
	v22 =	vadd.s32 v3, v33  }
0x230: {  	v36 =	vand.u32 $0xFFFFFF80, v22;
	v23 =	vshll.u32 v34, $0x7  }
0x231: {  	vm9 =	vne.s32 v35, $0x0;
	v37 =	vand.u32 $0x7F, v22;
	v23 =	vadd.s32 v23, v36;
	[tilespmem:v20+s3+$0x0] =	vst.idx.add.f32.msk vm8, v21  }
0x232: {  	v20 =	vor.u32 v37, v23;
	v21 =	vld [tilespmem:s24+$0x80]  }
0x233: {  	v38 =	vperm.xlane v18, v11  }
0x234: {  	v39 =	vperm.xlane v17, v11  }
0x235: {  	v40 =	vperm.xlane v19, v11;
	v22 =	vadd.s32 v3, v38  }
0x236: {  	v41 =	vand.u32 $0xFFFFFF80, v22;
	v23 =	vshll.u32 v39, $0x7  }
0x237: {  	vm10 =	vne.s32 v40, $0x0;
	v42 =	vand.u32 $0x7F, v22;
	v23 =	vadd.s32 v23, v41;
	[tilespmem:v20+s3+$0x0] =	vst.idx.add.f32.msk vm9, v21  }
0x238: {  	v20 =	vor.u32 v42, v23;
	v21 =	vld [tilespmem:s24+$0x100]  }
0x239: {  	v43 =	vperm.xlane v18, v12  }
0x23a: {  	v44 =	vperm.xlane v17, v12  }
0x23b: {  	v45 =	vperm.xlane v19, v12;
	v22 =	vadd.s32 v3, v43  }
0x23c: {  	v46 =	vand.u32 $0xFFFFFF80, v22;
	v23 =	vshll.u32 v44, $0x7  }
0x23d: {  	vm11 =	vne.s32 v45, $0x0;
	v47 =	vand.u32 $0x7F, v22;
	v23 =	vadd.s32 v23, v46;
	[tilespmem:v20+s3+$0x0] =	vst.idx.add.f32.msk vm10, v21  }
0x23e: {  	v20 =	vor.u32 v47, v23;
	v21 =	vld [tilespmem:s24+$0x180]  }
0x23f: {  	v48 =	vperm.xlane v18, v13  }
0x240: {  	v49 =	vperm.xlane v17, v13  }
0x241: {  	v50 =	vperm.xlane v19, v13;
	v22 =	vadd.s32 v3, v48  }
0x242: {  	v51 =	vand.u32 $0xFFFFFF80, v22;
	v23 =	vshll.u32 v49, $0x7  }
0x243: {  	vm12 =	vne.s32 v50, $0x0;
	v52 =	vand.u32 $0x7F, v22;
	v23 =	vadd.s32 v23, v51;
	[tilespmem:v20+s3+$0x0] =	vst.idx.add.f32.msk vm11, v21  }
0x244: {  	v20 =	vor.u32 v52, v23;
	v21 =	vld [tilespmem:s24+$0x200]  }
0x245: {  	v53 =	vperm.xlane v18, v14  }
0x246: {  	v54 =	vperm.xlane v17, v14  }
0x247: {  	v55 =	vperm.xlane v19, v14;
	v22 =	vadd.s32 v3, v53  }
0x248: {  	v56 =	vand.u32 $0xFFFFFF80, v22;
	v23 =	vshll.u32 v54, $0x7  }
0x249: {  	vm13 =	vne.s32 v55, $0x0;
	v57 =	vand.u32 $0x7F, v22;
	v23 =	vadd.s32 v23, v56;
	[tilespmem:v20+s3+$0x0] =	vst.idx.add.f32.msk vm12, v21  }
0x24a: {  	v20 =	vor.u32 v57, v23;
	v21 =	vld [tilespmem:s24+$0x280]  }
0x24b: {  	v58 =	vperm.xlane v18, v15  }
0x24c: {  	v59 =	vperm.xlane v17, v15  }
0x24d: {  	v60 =	vperm.xlane v19, v15;
	v22 =	vadd.s32 v3, v58  }
0x24e: {  	v61 =	vand.u32 $0xFFFFFF80, v22;
	v23 =	vshll.u32 v59, $0x7  }
0x24f: {  	vm14 =	vne.s32 v60, $0x0;
	v62 =	vand.u32 $0x7F, v22;
	v23 =	vadd.s32 v23, v61;
	[tilespmem:v20+s3+$0x0] =	vst.idx.add.f32.msk vm13, v21  }
0x250: {  	v20 =	vor.u32 v62, v23;
	v21 =	vld [tilespmem:s24+$0x300]  }
0x251: {  	v18 =	vperm.xlane v18, v16  }
0x252: {  	v17 =	vperm.xlane v17, v16  }
0x253: {  	v19 =	vperm.xlane v19, v16;
	v18 =	vadd.s32 v3, v18  }
0x254: {  	v63 =	vand.u32 $0xFFFFFF80, v18;
	v17 =	vshll.u32 v17, $0x7  }
0x255: {  	vm15 =	vne.s32 v19, $0x0;
	v18 =	vand.u32 $0x7F, v18;
	v17 =	vadd.s32 v17, v63;
	[tilespmem:v20+s3+$0x0] =	vst.idx.add.f32.msk vm14, v21  }
0x256: {  	v17 =	vor.u32 v18, v17;
	v19 =	vld [tilespmem:s24+$0x380]  }
.Ltmp4:
0x257: {  	_ = 	snop;
	(pc) =	sbr.rel @p0 .LBB2_8-.Ltmp4, $2  }
0x258: {  	_ =	sdelay $0x2  }
0x259: {  	[tilespmem:v17+s3+$0x0] =	vst.idx.add.f32.msk vm15, v19  }
0x25a: {  	s23 =	sadd.s32 $0x180, s23  }
.Ltmp5:
0x25b: {  	s24 =	sshrl.u32 s23, $0x3;
	(pc) =	sbr.rel .LBB2_2-.Ltmp5, $4  }
0x25c: {  	s23 =	sshll.u32 s23, $0x4;
	s24 =	sadd.s32 s6, s24  }
0x25d: {  	[tilespmem:s17], [sflag:$0x2] =	stream.linear.gather [hbm4b:s24+s3], $0x80, $0x38;
	[tilespmem:$0x1BD00] =	vst v63  }
0x25e: {  	s22 =	sadd.s32 $0x1, s22;
	s23 =	sadd.s32 s4, s23  }
0x25f: {  	[tilespmem:s18], [sflag:$0x2] =	stream.linear.gather [hbm4b:s23+s3], $0x4000, $0x38;
	[tilespmem:$0x1BD00] =	vst v63  }
.LBB2_8:
0x260: {  	s22 =	simm.s32 $0x0  }
0x261: {  	[hbm4b:s11+s22] =	stream.linear.scatter [tilespmem:s22], [sflag:$0x3], $0x13880, $0x38;
	[tilespmem:$0x1BD00] =	vst v63  }
0x262: {  	_ =	swait.ge [sflag:s14], $0x13880  }
0x263: {  	[sflag:s14] =	ssyncset.done $0x0  }
0x264: {  	[sflag:s14] =	ssyncadd.s32 $0xFFFEC780  }
0x265: {  	[tilespmem:s22], [sflag:$0x3] =	stream.linear.gather [hbm4b:s2+s22], $0x13880, $0x38;
	[tilespmem:$0x1BD00] =	vst v63  }
0x266: {  	_ =	swait.ge [sflag:s14], $0x13880  }
0x267: {  	[sflag:s14] =	ssyncset.done $0x0  }
0x268: {  	[sflag:s14] =	ssyncadd.s32 $0xFFFEC780  }
0x269: {  	[tilespmem:s15], [sflag:$0x1] =	stream.linear.gather [hbm4b:s7+s22], $0x80, $0x38;
	[tilespmem:$0x1BD00] =	vst v63  }
0x26a: {  	_ = 	snop  }
0x26b: {  	[tilespmem:s16], [sflag:$0x1] =	stream.linear.gather [hbm4b:s8+s22], $0x4000, $0x38;
	[tilespmem:$0x1BD00] =	vst v63  }
0x26c: {  	_ = 	snop  }
0x26d: {  	[tilespmem:s17], [sflag:$0x2] =	stream.linear.gather [hbm4b:s9+s22], $0x80, $0x38;
	[tilespmem:$0x1BD00] =	vst v63  }
0x26e: {  	_ = 	snop  }
0x26f: {  	[tilespmem:s18], [sflag:$0x2] =	stream.linear.gather [hbm4b:s10+s22], $0x4000, $0x38;
	[tilespmem:$0x1BD00] =	vst v63  }
.LBB2_9:
0x270: {  	_ =	swait.ge [sflag:s19], $0x80  }
0x271: {  	[sflag:s19] =	ssyncset.done $0x0  }
0x272: {  	[sflag:s19] =	ssyncadd.s32 $0xFFFFFF80  }
0x273: {  	_ =	swait.ge [sflag:s19], $0x4000  }
0x274: {  	[sflag:s19] =	ssyncset.done $0x0  }
0x275: {  	s23 =	simm.s32 $0x0;
	[sflag:s19] =	ssyncadd.s32 $0xFFFFC000  }
0x276: {  	v17 =	vld [tilespmem:s23+$0x13C00];
	_ =	sdelay $0x4  }
0x277: {  	v18 =	vshll.u32 v17, $0x4  }
0x278: {  	v19 =	vadd.s32 $0xFFFFEC78, v17;
	v18 =	vand.u32 $0x70, v18  }
0x279: {  	v17 =	vshra.s32 v19, $0x3;
	vm0 =	vlt.u32 v19, $0x1388;
	v20 =	vperm.xlane v18, v2  }
0x27a: {  	v19 =	vsel vm0, $0x1, v2;
	v21 =	vperm.xlane v17, v2  }
0x27b: {  	v22 =	vperm.xlane v19, v2;
	v20 =	vadd.s32 v3, v20  }
0x27c: {  	v21 =	vshll.u32 v21, $0x7;
	v23 =	vand.u32 $0xFFFFFF80, v20  }
0x27d: {  	s23 =	simm.s32 $0x14100;
	vm0 =	vne.s32 v22, $0x0;
	v20 =	vand.u32 $0x7F, v20;
	v21 =	vadd.s32 v21, v23  }
0x27e: {  	v43 =	vld [tilespmem:s23+$0xFFFFFC00];
	v20 =	vor.u32 v20, v21  }
0x27f: {  	v44 =	vperm.xlane v18, v5  }
0x280: {  	v45 =	vperm.xlane v17, v5  }
0x281: {  	v24 =	vperm.xlane v19, v5;
	v21 =	vadd.s32 v3, v44  }
0x282: {  	v23 =	vshll.u32 v45, $0x7;
	v25 =	vand.u32 $0xFFFFFF80, v21  }
0x283: {  	v23 =	vadd.s32 v23, v25;
	[tilespmem:v20+s3+$0x0] =	vst.idx.add.f32.msk vm0, v43;
	vm0 =	vne.s32 v24, $0x0;
	v20 =	vand.u32 $0x7F, v21  }
0x284: {  	v46 =	vld [tilespmem:s23+$0xFFFFFC80];
	v20 =	vor.u32 v20, v23  }
0x285: {  	v47 =	vperm.xlane v18, v6  }
0x286: {  	v48 =	vperm.xlane v17, v6  }
0x287: {  	v49 =	vperm.xlane v19, v6;
	v22 =	vadd.s32 v3, v47  }
0x288: {  	v50 =	vand.u32 $0xFFFFFF80, v22;
	v23 =	vshll.u32 v48, $0x7  }
0x289: {  	v23 =	vadd.s32 v23, v50;
	[tilespmem:v20+s3+$0x0] =	vst.idx.add.f32.msk vm0, v46;
	vm0 =	vne.s32 v49, $0x0;
	v20 =	vand.u32 $0x7F, v22  }
0x28a: {  	v21 =	vld [tilespmem:s23+$0xFFFFFD00];
	v20 =	vor.u32 v20, v23  }
0x28b: {  	v51 =	vperm.xlane v18, v0  }
0x28c: {  	v52 =	vperm.xlane v17, v0  }
0x28d: {  	v53 =	vperm.xlane v19, v0;
	v22 =	vadd.s32 v3, v51  }
0x28e: {  	v54 =	vand.u32 $0xFFFFFF80, v22;
	v23 =	vshll.u32 v52, $0x7  }
0x28f: {  	v23 =	vadd.s32 v23, v54;
	[tilespmem:v20+s3+$0x0] =	vst.idx.add.f32.msk vm0, v21;
	vm0 =	vne.s32 v53, $0x0;
	v20 =	vand.u32 $0x7F, v22  }
0x290: {  	v21 =	vld [tilespmem:s23+$0xFFFFFD80];
	v20 =	vor.u32 v20, v23  }
0x291: {  	v55 =	vperm.xlane v18, v1  }
0x292: {  	v56 =	vperm.xlane v17, v1  }
0x293: {  	v57 =	vperm.xlane v19, v1;
	v22 =	vadd.s32 v3, v55  }
0x294: {  	v58 =	vand.u32 $0xFFFFFF80, v22;
	v23 =	vshll.u32 v56, $0x7  }
0x295: {  	v23 =	vadd.s32 v23, v58;
	[tilespmem:v20+s3+$0x0] =	vst.idx.add.f32.msk vm0, v21;
	vm0 =	vne.s32 v57, $0x0;
	v20 =	vand.u32 $0x7F, v22  }
0x296: {  	v21 =	vld [tilespmem:s23+$0xFFFFFE00];
	v20 =	vor.u32 v20, v23  }
0x297: {  	v59 =	vperm.xlane v18, v7  }
0x298: {  	v60 =	vperm.xlane v17, v7  }
0x299: {  	v61 =	vperm.xlane v19, v7;
	v22 =	vadd.s32 v3, v59  }
0x29a: {  	v62 =	vand.u32 $0xFFFFFF80, v22;
	v23 =	vshll.u32 v60, $0x7  }
0x29b: {  	v23 =	vadd.s32 v23, v62;
	[tilespmem:v20+s3+$0x0] =	vst.idx.add.f32.msk vm0, v21;
	vm0 =	vne.s32 v61, $0x0;
	v20 =	vand.u32 $0x7F, v22  }
0x29c: {  	v21 =	vld [tilespmem:s23+$0xFFFFFE80];
	v20 =	vor.u32 v20, v23  }
0x29d: {  	v63 =	vperm.xlane v18, v8  }
0x29e: {  	v28 =	vperm.xlane v17, v8  }
0x29f: {  	v29 =	vperm.xlane v19, v8;
	v22 =	vadd.s32 v3, v63  }
0x2a0: {  	v30 =	vand.u32 $0xFFFFFF80, v22;
	v23 =	vshll.u32 v28, $0x7  }
0x2a1: {  	v23 =	vadd.s32 v23, v30;
	[tilespmem:v20+s3+$0x0] =	vst.idx.add.f32.msk vm0, v21;
	vm0 =	vne.s32 v29, $0x0;
	v20 =	vand.u32 $0x7F, v22  }
0x2a2: {  	v21 =	vld [tilespmem:s23+$0xFFFFFF00];
	v20 =	vor.u32 v20, v23  }
0x2a3: {  	v31 =	vperm.xlane v18, v4  }
0x2a4: {  	v32 =	vperm.xlane v17, v4  }
0x2a5: {  	v33 =	vperm.xlane v19, v4;
	v22 =	vadd.s32 v3, v31  }
0x2a6: {  	v34 =	vand.u32 $0xFFFFFF80, v22;
	v23 =	vshll.u32 v32, $0x7  }
0x2a7: {  	v23 =	vadd.s32 v23, v34;
	[tilespmem:v20+s3+$0x0] =	vst.idx.add.f32.msk vm0, v21;
	vm0 =	vne.s32 v33, $0x0;
	v20 =	vand.u32 $0x7F, v22  }
0x2a8: {  	v21 =	vld [tilespmem:s23+$0xFFFFFF80];
	v20 =	vor.u32 v20, v23  }
0x2a9: {  	v35 =	vperm.xlane v18, v9  }
0x2aa: {  	v36 =	vperm.xlane v17, v9  }
0x2ab: {  	v37 =	vperm.xlane v19, v9;
	v22 =	vadd.s32 v3, v35  }
0x2ac: {  	v38 =	vand.u32 $0xFFFFFF80, v22;
	v23 =	vshll.u32 v36, $0x7  }
0x2ad: {  	v23 =	vadd.s32 v23, v38;
	[tilespmem:v20+s3+$0x0] =	vst.idx.add.f32.msk vm0, v21;
	vm0 =	vne.s32 v37, $0x0;
	v20 =	vand.u32 $0x7F, v22  }
0x2ae: {  	v21 =	vld [tilespmem:s23+$0x0];
	v20 =	vor.u32 v20, v23  }
0x2af: {  	v39 =	vperm.xlane v18, v10  }
0x2b0: {  	v40 =	vperm.xlane v17, v10  }
0x2b1: {  	v41 =	vperm.xlane v19, v10;
	v22 =	vadd.s32 v3, v39  }
0x2b2: {  	v42 =	vand.u32 $0xFFFFFF80, v22;
	v23 =	vshll.u32 v40, $0x7  }
0x2b3: {  	v23 =	vadd.s32 v23, v42;
	[tilespmem:v20+s3+$0x0] =	vst.idx.add.f32.msk vm0, v21;
	vm0 =	vne.s32 v41, $0x0;
	v20 =	vand.u32 $0x7F, v22  }
0x2b4: {  	v21 =	vld [tilespmem:s23+$0x80];
	v20 =	vor.u32 v20, v23  }
0x2b5: {  	v43 =	vperm.xlane v18, v11  }
0x2b6: {  	v44 =	vperm.xlane v17, v11  }
0x2b7: {  	v45 =	vperm.xlane v19, v11;
	v22 =	vadd.s32 v3, v43  }
0x2b8: {  	v46 =	vand.u32 $0xFFFFFF80, v22;
	v23 =	vshll.u32 v44, $0x7  }
0x2b9: {  	v23 =	vadd.s32 v23, v46;
	[tilespmem:v20+s3+$0x0] =	vst.idx.add.f32.msk vm0, v21;
	vm0 =	vne.s32 v45, $0x0;
	v20 =	vand.u32 $0x7F, v22  }
0x2ba: {  	v21 =	vld [tilespmem:s23+$0x100];
	v20 =	vor.u32 v20, v23  }
0x2bb: {  	v47 =	vperm.xlane v18, v12  }
0x2bc: {  	v48 =	vperm.xlane v17, v12  }
0x2bd: {  	v49 =	vperm.xlane v19, v12;
	v22 =	vadd.s32 v3, v47  }
0x2be: {  	v50 =	vand.u32 $0xFFFFFF80, v22;
	v23 =	vshll.u32 v48, $0x7  }
0x2bf: {  	v23 =	vadd.s32 v23, v50;
	[tilespmem:v20+s3+$0x0] =	vst.idx.add.f32.msk vm0, v21;
	vm0 =	vne.s32 v49, $0x0;
	v20 =	vand.u32 $0x7F, v22  }
0x2c0: {  	v21 =	vld [tilespmem:s23+$0x180];
	v20 =	vor.u32 v20, v23  }
0x2c1: {  	v51 =	vperm.xlane v18, v13  }
0x2c2: {  	v52 =	vperm.xlane v17, v13  }
0x2c3: {  	v53 =	vperm.xlane v19, v13;
	v22 =	vadd.s32 v3, v51  }
0x2c4: {  	v54 =	vand.u32 $0xFFFFFF80, v22;
	v23 =	vshll.u32 v52, $0x7  }
0x2c5: {  	v23 =	vadd.s32 v23, v54;
	[tilespmem:v20+s3+$0x0] =	vst.idx.add.f32.msk vm0, v21;
	vm0 =	vne.s32 v53, $0x0;
	v20 =	vand.u32 $0x7F, v22  }
0x2c6: {  	v21 =	vld [tilespmem:s23+$0x200];
	v20 =	vor.u32 v20, v23  }
0x2c7: {  	v55 =	vperm.xlane v18, v14  }
0x2c8: {  	v56 =	vperm.xlane v17, v14  }
0x2c9: {  	v57 =	vperm.xlane v19, v14;
	v22 =	vadd.s32 v3, v55  }
0x2ca: {  	v58 =	vand.u32 $0xFFFFFF80, v22;
	v23 =	vshll.u32 v56, $0x7  }
0x2cb: {  	v23 =	vadd.s32 v23, v58;
	[tilespmem:v20+s3+$0x0] =	vst.idx.add.f32.msk vm0, v21;
	vm0 =	vne.s32 v57, $0x0;
	v20 =	vand.u32 $0x7F, v22  }
0x2cc: {  	v21 =	vld [tilespmem:s23+$0x280];
	v20 =	vor.u32 v20, v23  }
0x2cd: {  	v59 =	vperm.xlane v18, v15  }
0x2ce: {  	v60 =	vperm.xlane v17, v15  }
0x2cf: {  	v61 =	vperm.xlane v19, v15;
	v22 =	vadd.s32 v3, v59  }
0x2d0: {  	v62 =	vand.u32 $0xFFFFFF80, v22;
	v23 =	vshll.u32 v60, $0x7  }
0x2d1: {  	v23 =	vadd.s32 v23, v62;
	[tilespmem:v20+s3+$0x0] =	vst.idx.add.f32.msk vm0, v21;
	vm0 =	vne.s32 v61, $0x0;
	v20 =	vand.u32 $0x7F, v22  }
0x2d2: {  	v21 =	vld [tilespmem:s23+$0x300];
	v20 =	vor.u32 v20, v23  }
0x2d3: {  	v18 =	vperm.xlane v18, v16  }
0x2d4: {  	v17 =	vperm.xlane v17, v16  }
0x2d5: {  	v18 =	vadd.s32 v3, v18;
	v19 =	vperm.xlane v19, v16  }
0x2d6: {  	v17 =	vshll.u32 v17, $0x7;
	v63 =	vand.u32 $0xFFFFFF80, v18  }
0x2d7: {  	v18 =	vand.u32 $0x7F, v18;
	v22 =	vadd.s32 v17, v63;
	[tilespmem:v20+s3+$0x0] =	vst.idx.add.f32.msk vm0, v21;
	vm0 =	vne.s32 v19, $0x0  }
0x2d8: {  	s24 =	simm.s32 $0x40;
	s26 =	simm.s32 $0x80;
	v18 =	vor.u32 v18, v22;
	v17 =	vld [tilespmem:s23+$0x380]  }
.LBB2_10:
0x2d9: {  	_ =	sdelay $0x2  }
0x2da: {  	s28 =	sshra.s32 s24, $0x2  }
0x2db: {  	s23 =	sadd.s32 $0x800, s23;
	s24 =	smov.u32 s26;
	s25 =	sadd.s32 $0x40, s26;
	[tilespmem:v18+s3+$0x0] =	vst.idx.add.f32.msk vm0, v17  }
0x2dc: {  	p0 =	sne.s32 s26, $0x1C0;
	v17 =	vld [tilespmem:s28+$0x13C00];
	_ =	sdelay $0x4  }
0x2dd: {  	v18 =	vadd.s32 $0xFFFFEC78, v17;
	v19 =	vshll.u32 v17, $0x4  }
0x2de: {  	v17 =	vshra.s32 v18, $0x3;
	v19 =	vand.u32 $0x70, v19;
	vm0 =	vlt.u32 v18, $0x1388  }
0x2df: {  	v18 =	vsel vm0, $0x1, v2;
	v20 =	vperm.xlane v17, v2;
	v21 =	vperm.xlane v19, v2  }
0x2e0: {  	v23 =	vperm.xlane v19, v5;
	v22 =	vperm.xlane v18, v2  }
0x2e1: {  	v24 =	vperm.xlane v17, v5;
	v25 =	vperm.xlane v18, v5;
	v21 =	vadd.s32 v3, v21  }
0x2e2: {  	v20 =	vshll.u32 v20, $0x7;
	v23 =	vadd.s32 v3, v23;
	v26 =	vand.u32 $0xFFFFFF80, v21  }
0x2e3: {  	vm0 =	vne.s32 v22, $0x0;
	v21 =	vand.u32 $0x7F, v21;
	v20 =	vadd.s32 v20, v26  }
0x2e4: {  	v24 =	vshll.u32 v24, $0x7;
	v22 =	vld [tilespmem:s23+$0xFFFFFC00];
	v20 =	vor.u32 v21, v20;
	v21 =	vand.u32 $0xFFFFFF80, v23  }
0x2e5: {  	v26 =	vperm.xlane v19, v6;
	v21 =	vadd.s32 v24, v21;
	v24 =	vperm.xlane v17, v6  }
0x2e6: {  	v28 =	vperm.xlane v19, v0;
	v27 =	vperm.xlane v18, v6  }
0x2e7: {  	v29 =	vperm.xlane v17, v0;
	v30 =	vperm.xlane v18, v0;
	v26 =	vadd.s32 v3, v26  }
0x2e8: {  	v28 =	vadd.s32 v3, v28;
	v31 =	vand.u32 $0xFFFFFF80, v26;
	v24 =	vshll.u32 v24, $0x7  }
0x2e9: {  	[tilespmem:v20+s3+$0x0] =	vst.idx.add.f32.msk vm0, v22;
	vm0 =	vne.s32 v25, $0x0;
	v20 =	vand.u32 $0x7F, v23;
	v22 =	vadd.s32 v24, v31  }
0x2ea: {  	v24 =	vshll.u32 v29, $0x7;
	v23 =	vld [tilespmem:s23+$0xFFFFFC80];
	v20 =	vor.u32 v20, v21;
	v21 =	vand.u32 $0xFFFFFF80, v28  }
0x2eb: {  	v25 =	vperm.xlane v19, v1;
	v21 =	vadd.s32 v24, v21;
	v24 =	vperm.xlane v17, v1  }
0x2ec: {  	v29 =	vperm.xlane v18, v1;
	v31 =	vperm.xlane v19, v7  }
0x2ed: {  	v32 =	vperm.xlane v17, v7;
	v33 =	vperm.xlane v18, v7;
	v25 =	vadd.s32 v3, v25  }
0x2ee: {  	v31 =	vadd.s32 v3, v31;
	v34 =	vand.u32 $0xFFFFFF80, v25;
	v24 =	vshll.u32 v24, $0x7  }
0x2ef: {  	[tilespmem:v20+s3+$0x0] =	vst.idx.add.f32.msk vm0, v23;
	vm0 =	vne.s32 v27, $0x0;
	v20 =	vand.u32 $0x7F, v26;
	v23 =	vadd.s32 v24, v34  }
0x2f0: {  	v26 =	vshll.u32 v32, $0x7;
	v24 =	vld [tilespmem:s23+$0xFFFFFD00];
	v20 =	vor.u32 v20, v22;
	v22 =	vand.u32 $0xFFFFFF80, v31  }
0x2f1: {  	v27 =	vperm.xlane v19, v8;
	v22 =	vadd.s32 v26, v22;
	v26 =	vperm.xlane v17, v8  }
0x2f2: {  	v32 =	vperm.xlane v18, v8;
	v34 =	vperm.xlane v19, v4  }
0x2f3: {  	v35 =	vperm.xlane v17, v4;
	v36 =	vperm.xlane v18, v4;
	v27 =	vadd.s32 v3, v27  }
0x2f4: {  	v34 =	vadd.s32 v3, v34;
	v37 =	vand.u32 $0xFFFFFF80, v27;
	v26 =	vshll.u32 v26, $0x7  }
0x2f5: {  	[tilespmem:v20+s3+$0x0] =	vst.idx.add.f32.msk vm0, v24;
	vm0 =	vne.s32 v30, $0x0;
	v20 =	vand.u32 $0x7F, v28;
	v24 =	vadd.s32 v26, v37  }
0x2f6: {  	v28 =	vshll.u32 v35, $0x7;
	v26 =	vld [tilespmem:s23+$0xFFFFFD80];
	v20 =	vor.u32 v20, v21;
	v21 =	vand.u32 $0xFFFFFF80, v34  }
0x2f7: {  	v30 =	vperm.xlane v19, v9;
	v21 =	vadd.s32 v28, v21;
	v28 =	vperm.xlane v17, v9  }
0x2f8: {  	v35 =	vperm.xlane v18, v9;
	v37 =	vperm.xlane v19, v10  }
0x2f9: {  	v38 =	vperm.xlane v17, v10;
	v39 =	vperm.xlane v18, v10;
	v30 =	vadd.s32 v3, v30  }
0x2fa: {  	v37 =	vadd.s32 v3, v37;
	v40 =	vand.u32 $0xFFFFFF80, v30;
	v28 =	vshll.u32 v28, $0x7  }
0x2fb: {  	[tilespmem:v20+s3+$0x0] =	vst.idx.add.f32.msk vm0, v26;
	vm0 =	vne.s32 v29, $0x0;
	v20 =	vand.u32 $0x7F, v25;
	v25 =	vadd.s32 v28, v40  }
0x2fc: {  	v28 =	vshll.u32 v38, $0x7;
	v26 =	vld [tilespmem:s23+$0xFFFFFE00];
	v20 =	vor.u32 v20, v23;
	v23 =	vand.u32 $0xFFFFFF80, v37  }
0x2fd: {  	v29 =	vperm.xlane v19, v11;
	v23 =	vadd.s32 v28, v23;
	v28 =	vperm.xlane v17, v11  }
0x2fe: {  	v38 =	vperm.xlane v18, v11;
	v40 =	vperm.xlane v19, v12  }
0x2ff: {  	v41 =	vperm.xlane v17, v12;
	v42 =	vperm.xlane v18, v12;
	v29 =	vadd.s32 v3, v29  }
0x300: {  	v40 =	vadd.s32 v3, v40;
	v43 =	vand.u32 $0xFFFFFF80, v29;
	v28 =	vshll.u32 v28, $0x7  }
0x301: {  	[tilespmem:v20+s3+$0x0] =	vst.idx.add.f32.msk vm0, v26;
	vm0 =	vne.s32 v33, $0x0;
	v20 =	vand.u32 $0x7F, v31;
	v26 =	vadd.s32 v28, v43  }
0x302: {  	v31 =	vshll.u32 v41, $0x7;
	v28 =	vld [tilespmem:s23+$0xFFFFFE80];
	v20 =	vor.u32 v20, v22;
	v22 =	vand.u32 $0xFFFFFF80, v40  }
0x303: {  	v33 =	vperm.xlane v19, v13;
	v22 =	vadd.s32 v31, v22;
	v31 =	vperm.xlane v17, v13  }
0x304: {  	v41 =	vperm.xlane v18, v13;
	v43 =	vperm.xlane v19, v14  }
0x305: {  	v44 =	vperm.xlane v17, v14;
	v45 =	vperm.xlane v18, v14;
	v33 =	vadd.s32 v3, v33  }
0x306: {  	v43 =	vadd.s32 v3, v43;
	v46 =	vand.u32 $0xFFFFFF80, v33;
	v31 =	vshll.u32 v31, $0x7  }
0x307: {  	[tilespmem:v20+s3+$0x0] =	vst.idx.add.f32.msk vm0, v28;
	vm0 =	vne.s32 v32, $0x0;
	v20 =	vand.u32 $0x7F, v27;
	v27 =	vadd.s32 v31, v46  }
0x308: {  	v31 =	vshll.u32 v44, $0x7;
	v28 =	vld [tilespmem:s23+$0xFFFFFF00];
	v20 =	vor.u32 v20, v24;
	v24 =	vand.u32 $0xFFFFFF80, v43  }
0x309: {  	v32 =	vperm.xlane v19, v15;
	v24 =	vadd.s32 v31, v24;
	v31 =	vperm.xlane v17, v15  }
0x30a: {  	v44 =	vperm.xlane v18, v15;
	v19 =	vperm.xlane v19, v16  }
0x30b: {  	v18 =	vperm.xlane v18, v16;
	v32 =	vadd.s32 v3, v32;
	v17 =	vperm.xlane v17, v16  }
0x30c: {  	v19 =	vadd.s32 v3, v19;
	v46 =	vand.u32 $0xFFFFFF80, v32;
	v31 =	vshll.u32 v31, $0x7  }
0x30d: {  	[tilespmem:v20+s3+$0x0] =	vst.idx.add.f32.msk vm0, v28;
	vm0 =	vne.s32 v36, $0x0;
	v20 =	vand.u32 $0x7F, v34;
	v28 =	vadd.s32 v31, v46  }
0x30e: {  	v17 =	vshll.u32 v17, $0x7;
	v31 =	vld [tilespmem:s23+$0xFFFFFF80];
	v20 =	vor.u32 v20, v21;
	v21 =	vand.u32 $0xFFFFFF80, v19  }
0x30f: {  	v21 =	vadd.s32 v17, v21;
	_ =	sdelay $0x3  }
0x310: {  	v17 =	vand.u32 $0x7F, v30;
	[tilespmem:v20+s3+$0x0] =	vst.idx.add.f32.msk vm0, v31;
	vm0 =	vne.s32 v35, $0x0  }
0x311: {  	v17 =	vor.u32 v17, v25;
	v20 =	vld [tilespmem:s23+$0x0];
	_ =	sdelay $0x4  }
0x312: {  	[tilespmem:v17+s3+$0x0] =	vst.idx.add.f32.msk vm0, v20;
	vm0 =	vne.s32 v39, $0x0;
	v17 =	vand.u32 $0x7F, v37  }
0x313: {  	v20 =	vld [tilespmem:s23+$0x80];
	v17 =	vor.u32 v17, v23;
	_ =	sdelay $0x4  }
0x314: {  	[tilespmem:v17+s3+$0x0] =	vst.idx.add.f32.msk vm0, v20;
	vm0 =	vne.s32 v38, $0x0;
	v17 =	vand.u32 $0x7F, v29  }
0x315: {  	v20 =	vld [tilespmem:s23+$0x100];
	v17 =	vor.u32 v17, v26;
	_ =	sdelay $0x4  }
0x316: {  	[tilespmem:v17+s3+$0x0] =	vst.idx.add.f32.msk vm0, v20;
	vm0 =	vne.s32 v42, $0x0;
	v17 =	vand.u32 $0x7F, v40  }
0x317: {  	v20 =	vld [tilespmem:s23+$0x180];
	v17 =	vor.u32 v17, v22;
	_ =	sdelay $0x4  }
0x318: {  	[tilespmem:v17+s3+$0x0] =	vst.idx.add.f32.msk vm0, v20;
	vm0 =	vne.s32 v41, $0x0;
	v17 =	vand.u32 $0x7F, v33  }
0x319: {  	v20 =	vld [tilespmem:s23+$0x200];
	v17 =	vor.u32 v17, v27;
	_ =	sdelay $0x4  }
0x31a: {  	[tilespmem:v17+s3+$0x0] =	vst.idx.add.f32.msk vm0, v20;
	vm0 =	vne.s32 v45, $0x0;
	v17 =	vand.u32 $0x7F, v43  }
0x31b: {  	v20 =	vld [tilespmem:s23+$0x280];
	v17 =	vor.u32 v17, v24;
	_ =	sdelay $0x4  }
0x31c: {  	[tilespmem:v17+s3+$0x0] =	vst.idx.add.f32.msk vm0, v20;
	vm0 =	vne.s32 v44, $0x0;
	v17 =	vand.u32 $0x7F, v32  }
0x31d: {  	v20 =	vld [tilespmem:s23+$0x300];
	v17 =	vor.u32 v17, v28;
	_ =	sdelay $0x1  }
.Ltmp6:
0x31e: {  	(pc) =	sbr.rel @p0 .LBB2_10-.Ltmp6, $3  }
0x31f: {  	_ =	sdelay $0x1  }
0x320: {  	[tilespmem:v17+s3+$0x0] =	vst.idx.add.f32.msk vm0, v20;
	vm0 =	vne.s32 v18, $0x0;
	v18 =	vand.u32 $0x7F, v19  }
0x321: {  	s26 =	smov.u32 s25;
	v17 =	vld [tilespmem:s23+$0x380];
	v18 =	vor.u32 v18, v21  }
0x322: {  	_ =	sdelay $0x4  }
0x323: {  	s24 =	sshra.s32 s24, $0x2;
	[tilespmem:v18+s3+$0x0] =	vst.idx.add.f32.msk vm0, v17  }
0x324: {  	v17 =	vld [tilespmem:s24+$0x13C00];
	_ =	sdelay $0x4  }
0x325: {  	v18 =	vshll.u32 v17, $0x4  }
0x326: {  	v19 =	vadd.s32 $0xFFFFEC78, v17;
	v18 =	vand.u32 $0x70, v18  }
0x327: {  	v17 =	vshra.s32 v19, $0x3;
	vm0 =	vlt.u32 v19, $0x1388;
	v20 =	vperm.xlane v18, v2  }
0x328: {  	v19 =	vsel vm0, $0x1, v2;
	v21 =	vperm.xlane v17, v2  }
0x329: {  	v22 =	vperm.xlane v19, v2;
	v20 =	vadd.s32 v3, v20  }
0x32a: {  	v21 =	vshll.u32 v21, $0x7;
	v23 =	vand.u32 $0xFFFFFF80, v20  }
0x32b: {  	s23 =	sadd.s32 $0x800, s23;
	vm0 =	vne.s32 v22, $0x0;
	v20 =	vand.u32 $0x7F, v20;
	v21 =	vadd.s32 v21, v23  }
0x32c: {  	v53 =	vld [tilespmem:s23+$0xFFFFFC00];
	v20 =	vor.u32 v20, v21  }
0x32d: {  	v54 =	vperm.xlane v18, v5  }
0x32e: {  	v55 =	vperm.xlane v17, v5  }
0x32f: {  	v24 =	vperm.xlane v19, v5;
	v21 =	vadd.s32 v3, v54  }
0x330: {  	v23 =	vshll.u32 v55, $0x7;
	v25 =	vand.u32 $0xFFFFFF80, v21  }
0x331: {  	v23 =	vadd.s32 v23, v25;
	[tilespmem:v20+s3+$0x0] =	vst.idx.add.f32.msk vm0, v53;
	vm0 =	vne.s32 v24, $0x0;
	v20 =	vand.u32 $0x7F, v21  }
0x332: {  	v56 =	vld [tilespmem:s23+$0xFFFFFC80];
	v20 =	vor.u32 v20, v23  }
0x333: {  	v57 =	vperm.xlane v18, v6  }
0x334: {  	v58 =	vperm.xlane v17, v6  }
0x335: {  	v59 =	vperm.xlane v19, v6;
	v22 =	vadd.s32 v3, v57  }
0x336: {  	v60 =	vand.u32 $0xFFFFFF80, v22;
	v23 =	vshll.u32 v58, $0x7  }
0x337: {  	v23 =	vadd.s32 v23, v60;
	[tilespmem:v20+s3+$0x0] =	vst.idx.add.f32.msk vm0, v56;
	vm0 =	vne.s32 v59, $0x0;
	v20 =	vand.u32 $0x7F, v22  }
0x338: {  	v21 =	vld [tilespmem:s23+$0xFFFFFD00];
	v20 =	vor.u32 v20, v23  }
0x339: {  	v61 =	vperm.xlane v18, v0  }
0x33a: {  	v62 =	vperm.xlane v17, v0  }
0x33b: {  	v63 =	vperm.xlane v19, v0;
	v22 =	vadd.s32 v3, v61  }
0x33c: {  	v28 =	vand.u32 $0xFFFFFF80, v22;
	v23 =	vshll.u32 v62, $0x7  }
0x33d: {  	v23 =	vadd.s32 v23, v28;
	[tilespmem:v20+s3+$0x0] =	vst.idx.add.f32.msk vm0, v21;
	vm0 =	vne.s32 v63, $0x0;
	v20 =	vand.u32 $0x7F, v22  }
0x33e: {  	v21 =	vld [tilespmem:s23+$0xFFFFFD80];
	v20 =	vor.u32 v20, v23  }
0x33f: {  	v29 =	vperm.xlane v18, v1  }
0x340: {  	v30 =	vperm.xlane v17, v1  }
0x341: {  	v31 =	vperm.xlane v19, v1;
	v22 =	vadd.s32 v3, v29  }
0x342: {  	v32 =	vand.u32 $0xFFFFFF80, v22;
	v23 =	vshll.u32 v30, $0x7  }
0x343: {  	v23 =	vadd.s32 v23, v32;
	[tilespmem:v20+s3+$0x0] =	vst.idx.add.f32.msk vm0, v21;
	vm0 =	vne.s32 v31, $0x0;
	v20 =	vand.u32 $0x7F, v22  }
0x344: {  	v21 =	vld [tilespmem:s23+$0xFFFFFE00];
	v20 =	vor.u32 v20, v23  }
0x345: {  	v33 =	vperm.xlane v18, v7  }
0x346: {  	v34 =	vperm.xlane v17, v7  }
0x347: {  	v35 =	vperm.xlane v19, v7;
	v22 =	vadd.s32 v3, v33  }
0x348: {  	v36 =	vand.u32 $0xFFFFFF80, v22;
	v23 =	vshll.u32 v34, $0x7  }
0x349: {  	v23 =	vadd.s32 v23, v36;
	[tilespmem:v20+s3+$0x0] =	vst.idx.add.f32.msk vm0, v21;
	vm0 =	vne.s32 v35, $0x0;
	v20 =	vand.u32 $0x7F, v22  }
0x34a: {  	v21 =	vld [tilespmem:s23+$0xFFFFFE80];
	v20 =	vor.u32 v20, v23  }
0x34b: {  	v37 =	vperm.xlane v18, v8  }
0x34c: {  	v38 =	vperm.xlane v17, v8  }
0x34d: {  	v39 =	vperm.xlane v19, v8;
	v22 =	vadd.s32 v3, v37  }
0x34e: {  	v40 =	vand.u32 $0xFFFFFF80, v22;
	v23 =	vshll.u32 v38, $0x7  }
0x34f: {  	v23 =	vadd.s32 v23, v40;
	[tilespmem:v20+s3+$0x0] =	vst.idx.add.f32.msk vm0, v21;
	vm0 =	vne.s32 v39, $0x0;
	v20 =	vand.u32 $0x7F, v22  }
0x350: {  	v21 =	vld [tilespmem:s23+$0xFFFFFF00];
	v20 =	vor.u32 v20, v23  }
0x351: {  	v41 =	vperm.xlane v18, v4  }
0x352: {  	v42 =	vperm.xlane v17, v4  }
0x353: {  	v43 =	vperm.xlane v19, v4;
	v22 =	vadd.s32 v3, v41  }
0x354: {  	v44 =	vand.u32 $0xFFFFFF80, v22;
	v23 =	vshll.u32 v42, $0x7  }
0x355: {  	v23 =	vadd.s32 v23, v44;
	[tilespmem:v20+s3+$0x0] =	vst.idx.add.f32.msk vm0, v21;
	vm0 =	vne.s32 v43, $0x0;
	v20 =	vand.u32 $0x7F, v22  }
0x356: {  	v21 =	vld [tilespmem:s23+$0xFFFFFF80];
	v20 =	vor.u32 v20, v23  }
0x357: {  	v45 =	vperm.xlane v18, v9  }
0x358: {  	v46 =	vperm.xlane v17, v9  }
0x359: {  	v47 =	vperm.xlane v19, v9;
	v22 =	vadd.s32 v3, v45  }
0x35a: {  	v48 =	vand.u32 $0xFFFFFF80, v22;
	v23 =	vshll.u32 v46, $0x7  }
0x35b: {  	v23 =	vadd.s32 v23, v48;
	[tilespmem:v20+s3+$0x0] =	vst.idx.add.f32.msk vm0, v21;
	vm0 =	vne.s32 v47, $0x0;
	v20 =	vand.u32 $0x7F, v22  }
0x35c: {  	v21 =	vld [tilespmem:s23+$0x0];
	v20 =	vor.u32 v20, v23  }
0x35d: {  	v49 =	vperm.xlane v18, v10  }
0x35e: {  	v50 =	vperm.xlane v17, v10  }
0x35f: {  	v51 =	vperm.xlane v19, v10;
	v22 =	vadd.s32 v3, v49  }
0x360: {  	v52 =	vand.u32 $0xFFFFFF80, v22;
	v23 =	vshll.u32 v50, $0x7  }
0x361: {  	v23 =	vadd.s32 v23, v52;
	[tilespmem:v20+s3+$0x0] =	vst.idx.add.f32.msk vm0, v21;
	vm0 =	vne.s32 v51, $0x0;
	v20 =	vand.u32 $0x7F, v22  }
0x362: {  	v21 =	vld [tilespmem:s23+$0x80];
	v20 =	vor.u32 v20, v23  }
0x363: {  	v53 =	vperm.xlane v18, v11  }
0x364: {  	v54 =	vperm.xlane v17, v11  }
0x365: {  	v55 =	vperm.xlane v19, v11;
	v22 =	vadd.s32 v3, v53  }
0x366: {  	v56 =	vand.u32 $0xFFFFFF80, v22;
	v23 =	vshll.u32 v54, $0x7  }
0x367: {  	v23 =	vadd.s32 v23, v56;
	[tilespmem:v20+s3+$0x0] =	vst.idx.add.f32.msk vm0, v21;
	vm0 =	vne.s32 v55, $0x0;
	v20 =	vand.u32 $0x7F, v22  }
0x368: {  	v21 =	vld [tilespmem:s23+$0x100];
	v20 =	vor.u32 v20, v23  }
0x369: {  	v57 =	vperm.xlane v18, v12  }
0x36a: {  	v58 =	vperm.xlane v17, v12  }
0x36b: {  	v59 =	vperm.xlane v19, v12;
	v22 =	vadd.s32 v3, v57  }
0x36c: {  	v60 =	vand.u32 $0xFFFFFF80, v22;
	v23 =	vshll.u32 v58, $0x7  }
0x36d: {  	v23 =	vadd.s32 v23, v60;
	[tilespmem:v20+s3+$0x0] =	vst.idx.add.f32.msk vm0, v21;
	vm0 =	vne.s32 v59, $0x0;
	v20 =	vand.u32 $0x7F, v22  }
0x36e: {  	v21 =	vld [tilespmem:s23+$0x180];
	v20 =	vor.u32 v20, v23  }
0x36f: {  	v61 =	vperm.xlane v18, v13  }
0x370: {  	v62 =	vperm.xlane v17, v13  }
0x371: {  	v63 =	vperm.xlane v19, v13;
	v22 =	vadd.s32 v3, v61  }
0x372: {  	v28 =	vand.u32 $0xFFFFFF80, v22;
	v23 =	vshll.u32 v62, $0x7  }
0x373: {  	v23 =	vadd.s32 v23, v28;
	[tilespmem:v20+s3+$0x0] =	vst.idx.add.f32.msk vm0, v21;
	vm0 =	vne.s32 v63, $0x0;
	v20 =	vand.u32 $0x7F, v22  }
0x374: {  	v21 =	vld [tilespmem:s23+$0x200];
	v20 =	vor.u32 v20, v23  }
0x375: {  	v29 =	vperm.xlane v18, v14  }
0x376: {  	v30 =	vperm.xlane v17, v14  }
0x377: {  	v31 =	vperm.xlane v19, v14;
	v22 =	vadd.s32 v3, v29  }
0x378: {  	v32 =	vand.u32 $0xFFFFFF80, v22;
	v23 =	vshll.u32 v30, $0x7  }
0x379: {  	v23 =	vadd.s32 v23, v32;
	[tilespmem:v20+s3+$0x0] =	vst.idx.add.f32.msk vm0, v21;
	vm0 =	vne.s32 v31, $0x0;
	v20 =	vand.u32 $0x7F, v22  }
0x37a: {  	v21 =	vld [tilespmem:s23+$0x280];
	v20 =	vor.u32 v20, v23  }
0x37b: {  	v33 =	vperm.xlane v18, v15  }
0x37c: {  	v34 =	vperm.xlane v17, v15  }
0x37d: {  	v35 =	vperm.xlane v19, v15;
	v22 =	vadd.s32 v3, v33  }
0x37e: {  	v36 =	vand.u32 $0xFFFFFF80, v22;
	v23 =	vshll.u32 v34, $0x7  }
0x37f: {  	v23 =	vadd.s32 v23, v36;
	[tilespmem:v20+s3+$0x0] =	vst.idx.add.f32.msk vm0, v21;
	vm0 =	vne.s32 v35, $0x0;
	v20 =	vand.u32 $0x7F, v22  }
0x380: {  	v21 =	vld [tilespmem:s23+$0x300];
	v20 =	vor.u32 v20, v23  }
0x381: {  	v18 =	vperm.xlane v18, v16  }
0x382: {  	v17 =	vperm.xlane v17, v16  }
0x383: {  	v18 =	vadd.s32 v3, v18;
	v19 =	vperm.xlane v19, v16  }
0x384: {  	v17 =	vshll.u32 v17, $0x7;
	v37 =	vand.u32 $0xFFFFFF80, v18  }
0x385: {  	v18 =	vand.u32 $0x7F, v18;
	v17 =	vadd.s32 v17, v37;
	[tilespmem:v20+s3+$0x0] =	vst.idx.add.f32.msk vm0, v21;
	vm0 =	vne.s32 v19, $0x0  }
0x386: {  	v17 =	vor.u32 v18, v17;
	v19 =	vld [tilespmem:s23+$0x380]  }
0x387: {  	s30 =	sshll.u32 s22, $0x8  }
0x388: {  	p0 =	seq.s32 s22, $0x13;
	s23 =	sadd.s32 s5, s30  }
0x389: {  	s24 =	sadd.s32 @!p0 $0x100, s23  }
0x38a: {  	s26 =	simm.s32 @!p0 $0x0;
	s25 =	sshrl.u32 @!p0 s24, $0x3  }
0x38b: {  	s28 =	simm.s32 @!p0 $0x13C00;
	s24 =	sshll.u32 @!p0 s24, $0x4;
	s25 =	sadd.s32 @!p0 s6, s25;
	[tilespmem:v17+s3+$0x0] =	vst.idx.add.f32.msk vm0, v19  }
0x38c: {  	[tilespmem:s28], [sflag:$0x1] =	stream.linear.gather @!p0 [hbm4b:s25+s26], $0x80, $0x38;
	[tilespmem:$0x1BD00] =	vst v63  }
0x38d: {  	s24 =	sadd.s32 @!p0 s4, s24;
	s25 =	simm.s32 @!p0 $0x13D00  }
0x38e: {  	[tilespmem:s25], [sflag:$0x1] =	stream.linear.gather @!p0 [hbm4b:s24+s26], $0x4000, $0x38;
	[tilespmem:$0x1BD00] =	vst v63  }
0x38f: {  	_ =	swait.ge [sflag:s20], $0x80  }
0x390: {  	[sflag:s20] =	ssyncset.done $0x0  }
0x391: {  	[sflag:s20] =	ssyncadd.s32 $0xFFFFFF80  }
0x392: {  	_ =	swait.ge [sflag:s20], $0x4000  }
0x393: {  	[sflag:s20] =	ssyncset.done $0x0  }
0x394: {  	s31 =	simm.s32 $0x0;
	[sflag:s20] =	ssyncadd.s32 $0xFFFFC000  }
0x395: {  	v17 =	vld [tilespmem:s31+$0x13C80];
	_ =	sdelay $0x4  }
0x396: {  	v18 =	vshll.u32 v17, $0x4  }
0x397: {  	v19 =	vadd.s32 $0xFFFFEC78, v17;
	v18 =	vand.u32 $0x70, v18  }
0x398: {  	v17 =	vshra.s32 v19, $0x3;
	vm0 =	vlt.u32 v19, $0x1388;
	v20 =	vperm.xlane v18, v2  }
0x399: {  	v19 =	vsel vm0, $0x1, v2;
	v38 =	vperm.xlane v17, v2  }
0x39a: {  	v39 =	vperm.xlane v19, v2;
	v20 =	vadd.s32 v3, v20  }
0x39b: {  	v21 =	vshll.u32 v38, $0x7;
	v40 =	vand.u32 $0xFFFFFF80, v20  }
0x39c: {  	s24 =	simm.s32 $0x18100;
	vm0 =	vne.s32 v39, $0x0;
	v20 =	vand.u32 $0x7F, v20;
	v21 =	vadd.s32 v21, v40  }
0x39d: {  	v41 =	vld [tilespmem:s24+$0xFFFFFC00];
	v20 =	vor.u32 v20, v21  }
0x39e: {  	v42 =	vperm.xlane v18, v5  }
0x39f: {  	v43 =	vperm.xlane v17, v5  }
0x3a0: {  	v44 =	vperm.xlane v19, v5;
	v21 =	vadd.s32 v3, v42  }
0x3a1: {  	v23 =	vshll.u32 v43, $0x7;
	v45 =	vand.u32 $0xFFFFFF80, v21  }
0x3a2: {  	v23 =	vadd.s32 v23, v45;
	[tilespmem:v20+s3+$0x0] =	vst.idx.add.f32.msk vm0, v41;
	vm0 =	vne.s32 v44, $0x0;
	v20 =	vand.u32 $0x7F, v21  }
0x3a3: {  	v46 =	vld [tilespmem:s24+$0xFFFFFC80];
	v20 =	vor.u32 v20, v23  }
0x3a4: {  	v47 =	vperm.xlane v18, v6  }
0x3a5: {  	v48 =	vperm.xlane v17, v6  }
0x3a6: {  	v49 =	vperm.xlane v19, v6;
	v22 =	vadd.s32 v3, v47  }
0x3a7: {  	v50 =	vand.u32 $0xFFFFFF80, v22;
	v23 =	vshll.u32 v48, $0x7  }
0x3a8: {  	v23 =	vadd.s32 v23, v50;
	[tilespmem:v20+s3+$0x0] =	vst.idx.add.f32.msk vm0, v46;
	vm0 =	vne.s32 v49, $0x0;
	v20 =	vand.u32 $0x7F, v22  }
0x3a9: {  	v21 =	vld [tilespmem:s24+$0xFFFFFD00];
	v20 =	vor.u32 v20, v23  }
0x3aa: {  	v51 =	vperm.xlane v18, v0  }
0x3ab: {  	v52 =	vperm.xlane v17, v0  }
0x3ac: {  	v53 =	vperm.xlane v19, v0;
	v22 =	vadd.s32 v3, v51  }
0x3ad: {  	v54 =	vand.u32 $0xFFFFFF80, v22;
	v23 =	vshll.u32 v52, $0x7  }
0x3ae: {  	v23 =	vadd.s32 v23, v54;
	[tilespmem:v20+s3+$0x0] =	vst.idx.add.f32.msk vm0, v21;
	vm0 =	vne.s32 v53, $0x0;
	v20 =	vand.u32 $0x7F, v22  }
0x3af: {  	v21 =	vld [tilespmem:s24+$0xFFFFFD80];
	v20 =	vor.u32 v20, v23  }
0x3b0: {  	v55 =	vperm.xlane v18, v1  }
0x3b1: {  	v56 =	vperm.xlane v17, v1  }
0x3b2: {  	v57 =	vperm.xlane v19, v1;
	v22 =	vadd.s32 v3, v55  }
0x3b3: {  	v58 =	vand.u32 $0xFFFFFF80, v22;
	v23 =	vshll.u32 v56, $0x7  }
0x3b4: {  	v23 =	vadd.s32 v23, v58;
	[tilespmem:v20+s3+$0x0] =	vst.idx.add.f32.msk vm0, v21;
	vm0 =	vne.s32 v57, $0x0;
	v20 =	vand.u32 $0x7F, v22  }
0x3b5: {  	v21 =	vld [tilespmem:s24+$0xFFFFFE00];
	v20 =	vor.u32 v20, v23  }
0x3b6: {  	v59 =	vperm.xlane v18, v7  }
0x3b7: {  	v60 =	vperm.xlane v17, v7  }
0x3b8: {  	v61 =	vperm.xlane v19, v7;
	v22 =	vadd.s32 v3, v59  }
0x3b9: {  	v62 =	vand.u32 $0xFFFFFF80, v22;
	v23 =	vshll.u32 v60, $0x7  }
0x3ba: {  	v23 =	vadd.s32 v23, v62;
	[tilespmem:v20+s3+$0x0] =	vst.idx.add.f32.msk vm0, v21;
	vm0 =	vne.s32 v61, $0x0;
	v20 =	vand.u32 $0x7F, v22  }
0x3bb: {  	v21 =	vld [tilespmem:s24+$0xFFFFFE80];
	v20 =	vor.u32 v20, v23  }
0x3bc: {  	v63 =	vperm.xlane v18, v8  }
0x3bd: {  	v28 =	vperm.xlane v17, v8  }
0x3be: {  	v29 =	vperm.xlane v19, v8;
	v22 =	vadd.s32 v3, v63  }
0x3bf: {  	v30 =	vand.u32 $0xFFFFFF80, v22;
	v23 =	vshll.u32 v28, $0x7  }
0x3c0: {  	v23 =	vadd.s32 v23, v30;
	[tilespmem:v20+s3+$0x0] =	vst.idx.add.f32.msk vm0, v21;
	vm0 =	vne.s32 v29, $0x0;
	v20 =	vand.u32 $0x7F, v22  }
0x3c1: {  	v21 =	vld [tilespmem:s24+$0xFFFFFF00];
	v20 =	vor.u32 v20, v23  }
0x3c2: {  	v31 =	vperm.xlane v18, v4  }
0x3c3: {  	v32 =	vperm.xlane v17, v4  }
0x3c4: {  	v33 =	vperm.xlane v19, v4;
	v22 =	vadd.s32 v3, v31  }
0x3c5: {  	v34 =	vand.u32 $0xFFFFFF80, v22;
	v23 =	vshll.u32 v32, $0x7  }
0x3c6: {  	v23 =	vadd.s32 v23, v34;
	[tilespmem:v20+s3+$0x0] =	vst.idx.add.f32.msk vm0, v21;
	vm0 =	vne.s32 v33, $0x0;
	v20 =	vand.u32 $0x7F, v22  }
0x3c7: {  	v21 =	vld [tilespmem:s24+$0xFFFFFF80];
	v20 =	vor.u32 v20, v23  }
0x3c8: {  	v35 =	vperm.xlane v18, v9  }
0x3c9: {  	v36 =	vperm.xlane v17, v9  }
0x3ca: {  	v37 =	vperm.xlane v19, v9;
	v22 =	vadd.s32 v3, v35  }
0x3cb: {  	v38 =	vand.u32 $0xFFFFFF80, v22;
	v23 =	vshll.u32 v36, $0x7  }
0x3cc: {  	v23 =	vadd.s32 v23, v38;
	[tilespmem:v20+s3+$0x0] =	vst.idx.add.f32.msk vm0, v21;
	vm0 =	vne.s32 v37, $0x0;
	v20 =	vand.u32 $0x7F, v22  }
0x3cd: {  	v21 =	vld [tilespmem:s24+$0x0];
	v20 =	vor.u32 v20, v23  }
0x3ce: {  	v39 =	vperm.xlane v18, v10  }
0x3cf: {  	v40 =	vperm.xlane v17, v10  }
0x3d0: {  	v41 =	vperm.xlane v19, v10;
	v22 =	vadd.s32 v3, v39  }
0x3d1: {  	v42 =	vand.u32 $0xFFFFFF80, v22;
	v23 =	vshll.u32 v40, $0x7  }
0x3d2: {  	v23 =	vadd.s32 v23, v42;
	[tilespmem:v20+s3+$0x0] =	vst.idx.add.f32.msk vm0, v21;
	vm0 =	vne.s32 v41, $0x0;
	v20 =	vand.u32 $0x7F, v22  }
0x3d3: {  	v21 =	vld [tilespmem:s24+$0x80];
	v20 =	vor.u32 v20, v23  }
0x3d4: {  	v43 =	vperm.xlane v18, v11  }
0x3d5: {  	v44 =	vperm.xlane v17, v11  }
0x3d6: {  	v45 =	vperm.xlane v19, v11;
	v22 =	vadd.s32 v3, v43  }
0x3d7: {  	v46 =	vand.u32 $0xFFFFFF80, v22;
	v23 =	vshll.u32 v44, $0x7  }
0x3d8: {  	v23 =	vadd.s32 v23, v46;
	[tilespmem:v20+s3+$0x0] =	vst.idx.add.f32.msk vm0, v21;
	vm0 =	vne.s32 v45, $0x0;
	v20 =	vand.u32 $0x7F, v22  }
0x3d9: {  	v21 =	vld [tilespmem:s24+$0x100];
	v20 =	vor.u32 v20, v23  }
0x3da: {  	v47 =	vperm.xlane v18, v12  }
0x3db: {  	v48 =	vperm.xlane v17, v12  }
0x3dc: {  	v49 =	vperm.xlane v19, v12;
	v22 =	vadd.s32 v3, v47  }
0x3dd: {  	v50 =	vand.u32 $0xFFFFFF80, v22;
	v23 =	vshll.u32 v48, $0x7  }
0x3de: {  	v23 =	vadd.s32 v23, v50;
	[tilespmem:v20+s3+$0x0] =	vst.idx.add.f32.msk vm0, v21;
	vm0 =	vne.s32 v49, $0x0;
	v20 =	vand.u32 $0x7F, v22  }
0x3df: {  	v21 =	vld [tilespmem:s24+$0x180];
	v20 =	vor.u32 v20, v23  }
0x3e0: {  	v51 =	vperm.xlane v18, v13  }
0x3e1: {  	v52 =	vperm.xlane v17, v13  }
0x3e2: {  	v53 =	vperm.xlane v19, v13;
	v22 =	vadd.s32 v3, v51  }
0x3e3: {  	v54 =	vand.u32 $0xFFFFFF80, v22;
	v23 =	vshll.u32 v52, $0x7  }
0x3e4: {  	v23 =	vadd.s32 v23, v54;
	[tilespmem:v20+s3+$0x0] =	vst.idx.add.f32.msk vm0, v21;
	vm0 =	vne.s32 v53, $0x0;
	v20 =	vand.u32 $0x7F, v22  }
0x3e5: {  	v21 =	vld [tilespmem:s24+$0x200];
	v20 =	vor.u32 v20, v23  }
0x3e6: {  	v55 =	vperm.xlane v18, v14  }
0x3e7: {  	v56 =	vperm.xlane v17, v14  }
0x3e8: {  	v57 =	vperm.xlane v19, v14;
	v22 =	vadd.s32 v3, v55  }
0x3e9: {  	v58 =	vand.u32 $0xFFFFFF80, v22;
	v23 =	vshll.u32 v56, $0x7  }
0x3ea: {  	v23 =	vadd.s32 v23, v58;
	[tilespmem:v20+s3+$0x0] =	vst.idx.add.f32.msk vm0, v21;
	vm0 =	vne.s32 v57, $0x0;
	v20 =	vand.u32 $0x7F, v22  }
0x3eb: {  	v21 =	vld [tilespmem:s24+$0x280];
	v20 =	vor.u32 v20, v23  }
0x3ec: {  	v59 =	vperm.xlane v18, v15  }
0x3ed: {  	v60 =	vperm.xlane v17, v15  }
0x3ee: {  	v61 =	vperm.xlane v19, v15;
	v22 =	vadd.s32 v3, v59  }
0x3ef: {  	v62 =	vand.u32 $0xFFFFFF80, v22;
	v23 =	vshll.u32 v60, $0x7  }
0x3f0: {  	v23 =	vadd.s32 v23, v62;
	[tilespmem:v20+s3+$0x0] =	vst.idx.add.f32.msk vm0, v21;
	vm0 =	vne.s32 v61, $0x0;
	v20 =	vand.u32 $0x7F, v22  }
0x3f1: {  	v21 =	vld [tilespmem:s24+$0x300];
	v20 =	vor.u32 v20, v23  }
0x3f2: {  	v18 =	vperm.xlane v18, v16  }
0x3f3: {  	v17 =	vperm.xlane v17, v16  }
0x3f4: {  	v18 =	vadd.s32 v3, v18;
	v19 =	vperm.xlane v19, v16  }
0x3f5: {  	v17 =	vshll.u32 v17, $0x7;
	v63 =	vand.u32 $0xFFFFFF80, v18  }
0x3f6: {  	v18 =	vand.u32 $0x7F, v18;
	v22 =	vadd.s32 v17, v63;
	[tilespmem:v20+s3+$0x0] =	vst.idx.add.f32.msk vm0, v21;
	vm0 =	vne.s32 v19, $0x0  }
0x3f7: {  	s28 =	simm.s32 $0x80;
	s25 =	simm.s32 $0x40;
	v18 =	vor.u32 v18, v22;
	v17 =	vld [tilespmem:s24+$0x380]  }
.LBB2_12:
0x3f8: {  	_ =	sdelay $0x2  }
0x3f9: {  	s29 =	sshra.s32 s25, $0x2  }
0x3fa: {  	s24 =	sadd.s32 $0x800, s24;
	s25 =	smov.u32 s28;
	s26 =	sadd.s32 $0x40, s28;
	[tilespmem:v18+s3+$0x0] =	vst.idx.add.f32.msk vm0, v17  }
0x3fb: {  	p1 =	sne.s32 s28, $0x1C0;
	v17 =	vld [tilespmem:s29+$0x13C80];
	_ =	sdelay $0x4  }
0x3fc: {  	v18 =	vadd.s32 $0xFFFFEC78, v17;
	v19 =	vshll.u32 v17, $0x4  }
0x3fd: {  	v17 =	vshra.s32 v18, $0x3;
	v19 =	vand.u32 $0x70, v19;
	vm0 =	vlt.u32 v18, $0x1388  }
0x3fe: {  	v18 =	vsel vm0, $0x1, v2;
	v20 =	vperm.xlane v17, v2;
	v21 =	vperm.xlane v19, v2  }
0x3ff: {  	v23 =	vperm.xlane v19, v5;
	v22 =	vperm.xlane v18, v2  }
0x400: {  	v24 =	vperm.xlane v17, v5;
	v25 =	vperm.xlane v18, v5;
	v21 =	vadd.s32 v3, v21  }
0x401: {  	v20 =	vshll.u32 v20, $0x7;
	v23 =	vadd.s32 v3, v23;
	v26 =	vand.u32 $0xFFFFFF80, v21  }
0x402: {  	vm0 =	vne.s32 v22, $0x0;
	v21 =	vand.u32 $0x7F, v21;
	v20 =	vadd.s32 v20, v26  }
0x403: {  	v24 =	vshll.u32 v24, $0x7;
	v22 =	vld [tilespmem:s24+$0xFFFFFC00];
	v20 =	vor.u32 v21, v20;
	v21 =	vand.u32 $0xFFFFFF80, v23  }
0x404: {  	v26 =	vperm.xlane v19, v6;
	v21 =	vadd.s32 v24, v21;
	v24 =	vperm.xlane v17, v6  }
0x405: {  	v28 =	vperm.xlane v19, v0;
	v27 =	vperm.xlane v18, v6  }
0x406: {  	v29 =	vperm.xlane v17, v0;
	v30 =	vperm.xlane v18, v0;
	v26 =	vadd.s32 v3, v26  }
0x407: {  	v28 =	vadd.s32 v3, v28;
	v31 =	vand.u32 $0xFFFFFF80, v26;
	v24 =	vshll.u32 v24, $0x7  }
0x408: {  	[tilespmem:v20+s3+$0x0] =	vst.idx.add.f32.msk vm0, v22;
	vm0 =	vne.s32 v25, $0x0;
	v20 =	vand.u32 $0x7F, v23;
	v22 =	vadd.s32 v24, v31  }
0x409: {  	v24 =	vshll.u32 v29, $0x7;
	v23 =	vld [tilespmem:s24+$0xFFFFFC80];
	v20 =	vor.u32 v20, v21;
	v21 =	vand.u32 $0xFFFFFF80, v28  }
0x40a: {  	v25 =	vperm.xlane v19, v1;
	v21 =	vadd.s32 v24, v21;
	v24 =	vperm.xlane v17, v1  }
0x40b: {  	v29 =	vperm.xlane v18, v1;
	v31 =	vperm.xlane v19, v7  }
0x40c: {  	v32 =	vperm.xlane v17, v7;
	v33 =	vperm.xlane v18, v7;
	v25 =	vadd.s32 v3, v25  }
0x40d: {  	v31 =	vadd.s32 v3, v31;
	v34 =	vand.u32 $0xFFFFFF80, v25;
	v24 =	vshll.u32 v24, $0x7  }
0x40e: {  	[tilespmem:v20+s3+$0x0] =	vst.idx.add.f32.msk vm0, v23;
	vm0 =	vne.s32 v27, $0x0;
	v20 =	vand.u32 $0x7F, v26;
	v23 =	vadd.s32 v24, v34  }
0x40f: {  	v26 =	vshll.u32 v32, $0x7;
	v24 =	vld [tilespmem:s24+$0xFFFFFD00];
	v20 =	vor.u32 v20, v22;
	v22 =	vand.u32 $0xFFFFFF80, v31  }
0x410: {  	v27 =	vperm.xlane v19, v8;
	v22 =	vadd.s32 v26, v22;
	v26 =	vperm.xlane v17, v8  }
0x411: {  	v32 =	vperm.xlane v18, v8;
	v34 =	vperm.xlane v19, v4  }
0x412: {  	v35 =	vperm.xlane v17, v4;
	v36 =	vperm.xlane v18, v4;
	v27 =	vadd.s32 v3, v27  }
0x413: {  	v34 =	vadd.s32 v3, v34;
	v37 =	vand.u32 $0xFFFFFF80, v27;
	v26 =	vshll.u32 v26, $0x7  }
0x414: {  	[tilespmem:v20+s3+$0x0] =	vst.idx.add.f32.msk vm0, v24;
	vm0 =	vne.s32 v30, $0x0;
	v20 =	vand.u32 $0x7F, v28;
	v24 =	vadd.s32 v26, v37  }
0x415: {  	v28 =	vshll.u32 v35, $0x7;
	v26 =	vld [tilespmem:s24+$0xFFFFFD80];
	v20 =	vor.u32 v20, v21;
	v21 =	vand.u32 $0xFFFFFF80, v34  }
0x416: {  	v30 =	vperm.xlane v19, v9;
	v21 =	vadd.s32 v28, v21;
	v28 =	vperm.xlane v17, v9  }
0x417: {  	v35 =	vperm.xlane v18, v9;
	v37 =	vperm.xlane v19, v10  }
0x418: {  	v38 =	vperm.xlane v17, v10;
	v39 =	vperm.xlane v18, v10;
	v30 =	vadd.s32 v3, v30  }
0x419: {  	v37 =	vadd.s32 v3, v37;
	v40 =	vand.u32 $0xFFFFFF80, v30;
	v28 =	vshll.u32 v28, $0x7  }
0x41a: {  	[tilespmem:v20+s3+$0x0] =	vst.idx.add.f32.msk vm0, v26;
	vm0 =	vne.s32 v29, $0x0;
	v20 =	vand.u32 $0x7F, v25;
	v25 =	vadd.s32 v28, v40  }
0x41b: {  	v28 =	vshll.u32 v38, $0x7;
	v26 =	vld [tilespmem:s24+$0xFFFFFE00];
	v20 =	vor.u32 v20, v23;
	v23 =	vand.u32 $0xFFFFFF80, v37  }
0x41c: {  	v29 =	vperm.xlane v19, v11;
	v23 =	vadd.s32 v28, v23;
	v28 =	vperm.xlane v17, v11  }
0x41d: {  	v38 =	vperm.xlane v18, v11;
	v40 =	vperm.xlane v19, v12  }
0x41e: {  	v41 =	vperm.xlane v17, v12;
	v42 =	vperm.xlane v18, v12;
	v29 =	vadd.s32 v3, v29  }
0x41f: {  	v40 =	vadd.s32 v3, v40;
	v43 =	vand.u32 $0xFFFFFF80, v29;
	v28 =	vshll.u32 v28, $0x7  }
0x420: {  	[tilespmem:v20+s3+$0x0] =	vst.idx.add.f32.msk vm0, v26;
	vm0 =	vne.s32 v33, $0x0;
	v20 =	vand.u32 $0x7F, v31;
	v26 =	vadd.s32 v28, v43  }
0x421: {  	v31 =	vshll.u32 v41, $0x7;
	v28 =	vld [tilespmem:s24+$0xFFFFFE80];
	v20 =	vor.u32 v20, v22;
	v22 =	vand.u32 $0xFFFFFF80, v40  }
0x422: {  	v33 =	vperm.xlane v19, v13;
	v22 =	vadd.s32 v31, v22;
	v31 =	vperm.xlane v17, v13  }
0x423: {  	v41 =	vperm.xlane v18, v13;
	v43 =	vperm.xlane v19, v14  }
0x424: {  	v44 =	vperm.xlane v17, v14;
	v45 =	vperm.xlane v18, v14;
	v33 =	vadd.s32 v3, v33  }
0x425: {  	v43 =	vadd.s32 v3, v43;
	v46 =	vand.u32 $0xFFFFFF80, v33;
	v31 =	vshll.u32 v31, $0x7  }
0x426: {  	[tilespmem:v20+s3+$0x0] =	vst.idx.add.f32.msk vm0, v28;
	vm0 =	vne.s32 v32, $0x0;
	v20 =	vand.u32 $0x7F, v27;
	v27 =	vadd.s32 v31, v46  }
0x427: {  	v31 =	vshll.u32 v44, $0x7;
	v28 =	vld [tilespmem:s24+$0xFFFFFF00];
	v20 =	vor.u32 v20, v24;
	v24 =	vand.u32 $0xFFFFFF80, v43  }
0x428: {  	v32 =	vperm.xlane v19, v15;
	v24 =	vadd.s32 v31, v24;
	v31 =	vperm.xlane v17, v15  }
0x429: {  	v44 =	vperm.xlane v18, v15;
	v19 =	vperm.xlane v19, v16  }
0x42a: {  	v18 =	vperm.xlane v18, v16;
	v32 =	vadd.s32 v3, v32;
	v17 =	vperm.xlane v17, v16  }
0x42b: {  	v19 =	vadd.s32 v3, v19;
	v46 =	vand.u32 $0xFFFFFF80, v32;
	v31 =	vshll.u32 v31, $0x7  }
0x42c: {  	[tilespmem:v20+s3+$0x0] =	vst.idx.add.f32.msk vm0, v28;
	vm0 =	vne.s32 v36, $0x0;
	v20 =	vand.u32 $0x7F, v34;
	v28 =	vadd.s32 v31, v46  }
0x42d: {  	v17 =	vshll.u32 v17, $0x7;
	v31 =	vld [tilespmem:s24+$0xFFFFFF80];
	v20 =	vor.u32 v20, v21;
	v21 =	vand.u32 $0xFFFFFF80, v19  }
0x42e: {  	v21 =	vadd.s32 v17, v21;
	_ =	sdelay $0x3  }
0x42f: {  	v17 =	vand.u32 $0x7F, v30;
	[tilespmem:v20+s3+$0x0] =	vst.idx.add.f32.msk vm0, v31;
	vm0 =	vne.s32 v35, $0x0  }
0x430: {  	v17 =	vor.u32 v17, v25;
	v20 =	vld [tilespmem:s24+$0x0];
	_ =	sdelay $0x4  }
0x431: {  	[tilespmem:v17+s3+$0x0] =	vst.idx.add.f32.msk vm0, v20;
	vm0 =	vne.s32 v39, $0x0;
	v17 =	vand.u32 $0x7F, v37  }
0x432: {  	v20 =	vld [tilespmem:s24+$0x80];
	v17 =	vor.u32 v17, v23;
	_ =	sdelay $0x4  }
0x433: {  	[tilespmem:v17+s3+$0x0] =	vst.idx.add.f32.msk vm0, v20;
	vm0 =	vne.s32 v38, $0x0;
	v17 =	vand.u32 $0x7F, v29  }
0x434: {  	v20 =	vld [tilespmem:s24+$0x100];
	v17 =	vor.u32 v17, v26;
	_ =	sdelay $0x4  }
0x435: {  	[tilespmem:v17+s3+$0x0] =	vst.idx.add.f32.msk vm0, v20;
	vm0 =	vne.s32 v42, $0x0;
	v17 =	vand.u32 $0x7F, v40  }
0x436: {  	v20 =	vld [tilespmem:s24+$0x180];
	v17 =	vor.u32 v17, v22;
	_ =	sdelay $0x4  }
0x437: {  	[tilespmem:v17+s3+$0x0] =	vst.idx.add.f32.msk vm0, v20;
	vm0 =	vne.s32 v41, $0x0;
	v17 =	vand.u32 $0x7F, v33  }
0x438: {  	v20 =	vld [tilespmem:s24+$0x200];
	v17 =	vor.u32 v17, v27;
	_ =	sdelay $0x4  }
0x439: {  	[tilespmem:v17+s3+$0x0] =	vst.idx.add.f32.msk vm0, v20;
	vm0 =	vne.s32 v45, $0x0;
	v17 =	vand.u32 $0x7F, v43  }
0x43a: {  	v20 =	vld [tilespmem:s24+$0x280];
	v17 =	vor.u32 v17, v24;
	_ =	sdelay $0x4  }
0x43b: {  	[tilespmem:v17+s3+$0x0] =	vst.idx.add.f32.msk vm0, v20;
	vm0 =	vne.s32 v44, $0x0;
	v17 =	vand.u32 $0x7F, v32  }
0x43c: {  	v20 =	vld [tilespmem:s24+$0x300];
	v17 =	vor.u32 v17, v28;
	_ =	sdelay $0x1  }
.Ltmp7:
0x43d: {  	(pc) =	sbr.rel @p1 .LBB2_12-.Ltmp7, $3  }
0x43e: {  	_ =	sdelay $0x1  }
0x43f: {  	[tilespmem:v17+s3+$0x0] =	vst.idx.add.f32.msk vm0, v20;
	vm0 =	vne.s32 v18, $0x0;
	v18 =	vand.u32 $0x7F, v19  }
0x440: {  	s28 =	smov.u32 s26;
	v17 =	vld [tilespmem:s24+$0x380];
	v18 =	vor.u32 v18, v21  }
0x441: {  	_ =	sdelay $0x4  }
0x442: {  	s25 =	sshra.s32 s25, $0x2;
	[tilespmem:v18+s3+$0x0] =	vst.idx.add.f32.msk vm0, v17  }
0x443: {  	v17 =	vld [tilespmem:s25+$0x13C80];
	_ =	sdelay $0x4  }
0x444: {  	v18 =	vshll.u32 v17, $0x4  }
0x445: {  	v19 =	vadd.s32 $0xFFFFEC78, v17;
	v18 =	vand.u32 $0x70, v18  }
0x446: {  	v17 =	vshra.s32 v19, $0x3;
	vm11 =	vlt.u32 v19, $0x1388;
	v20 =	vperm.xlane v18, v2  }
0x447: {  	v19 =	vsel vm11, $0x1, v2;
	v21 =	vperm.xlane v17, v2  }
0x448: {  	v22 =	vperm.xlane v19, v2;
	v20 =	vadd.s32 v3, v20  }
0x449: {  	v21 =	vshll.u32 v21, $0x7;
	v23 =	vand.u32 $0xFFFFFF80, v20  }
0x44a: {  	s24 =	sadd.s32 $0x800, s24;
	vm12 =	vne.s32 v22, $0x0;
	v20 =	vand.u32 $0x7F, v20;
	v21 =	vadd.s32 v21, v23  }
0x44b: {  	v30 =	vld [tilespmem:s24+$0xFFFFFC00];
	v20 =	vor.u32 v20, v21  }
0x44c: {  	v31 =	vperm.xlane v18, v5  }
0x44d: {  	v32 =	vperm.xlane v17, v5  }
0x44e: {  	v24 =	vperm.xlane v19, v5;
	v21 =	vadd.s32 v3, v31  }
0x44f: {  	v23 =	vshll.u32 v32, $0x7;
	v25 =	vand.u32 $0xFFFFFF80, v21  }
0x450: {  	vm13 =	vne.s32 v24, $0x0;
	v33 =	vand.u32 $0x7F, v21;
	v23 =	vadd.s32 v23, v25;
	[tilespmem:v20+s3+$0x0] =	vst.idx.add.f32.msk vm12, v30  }
0x451: {  	v20 =	vor.u32 v33, v23;
	v34 =	vld [tilespmem:s24+$0xFFFFFC80]  }
0x452: {  	v35 =	vperm.xlane v18, v6  }
0x453: {  	v36 =	vperm.xlane v17, v6  }
0x454: {  	v37 =	vperm.xlane v19, v6;
	v22 =	vadd.s32 v3, v35  }
0x455: {  	v38 =	vand.u32 $0xFFFFFF80, v22;
	v23 =	vshll.u32 v36, $0x7  }
0x456: {  	vm14 =	vne.s32 v37, $0x0;
	v39 =	vand.u32 $0x7F, v22;
	v23 =	vadd.s32 v23, v38;
	[tilespmem:v20+s3+$0x0] =	vst.idx.add.f32.msk vm13, v34  }
0x457: {  	v20 =	vor.u32 v39, v23;
	v21 =	vld [tilespmem:s24+$0xFFFFFD00]  }
0x458: {  	v40 =	vperm.xlane v18, v0  }
0x459: {  	v41 =	vperm.xlane v17, v0  }
0x45a: {  	v42 =	vperm.xlane v19, v0;
	v22 =	vadd.s32 v3, v40  }
0x45b: {  	v43 =	vand.u32 $0xFFFFFF80, v22;
	v23 =	vshll.u32 v41, $0x7  }
0x45c: {  	vm15 =	vne.s32 v42, $0x0;
	v44 =	vand.u32 $0x7F, v22;
	v23 =	vadd.s32 v23, v43;
	[tilespmem:v20+s3+$0x0] =	vst.idx.add.f32.msk vm14, v21  }
0x45d: {  	v20 =	vor.u32 v44, v23;
	v21 =	vld [tilespmem:s24+$0xFFFFFD80]  }
0x45e: {  	v45 =	vperm.xlane v18, v1  }
0x45f: {  	v46 =	vperm.xlane v17, v1  }
0x460: {  	v47 =	vperm.xlane v19, v1;
	v22 =	vadd.s32 v3, v45  }
0x461: {  	v48 =	vand.u32 $0xFFFFFF80, v22;
	v23 =	vshll.u32 v46, $0x7  }
0x462: {  	vm4 =	vne.s32 v47, $0x0;
	v49 =	vand.u32 $0x7F, v22;
	v23 =	vadd.s32 v23, v48;
	[tilespmem:v20+s3+$0x0] =	vst.idx.add.f32.msk vm15, v21  }
0x463: {  	v20 =	vor.u32 v49, v23;
	v21 =	vld [tilespmem:s24+$0xFFFFFE00]  }
0x464: {  	v50 =	vperm.xlane v18, v7  }
0x465: {  	v51 =	vperm.xlane v17, v7  }
0x466: {  	v52 =	vperm.xlane v19, v7;
	v22 =	vadd.s32 v3, v50  }
0x467: {  	v53 =	vand.u32 $0xFFFFFF80, v22;
	v23 =	vshll.u32 v51, $0x7  }
0x468: {  	vm5 =	vne.s32 v52, $0x0;
	v54 =	vand.u32 $0x7F, v22;
	v23 =	vadd.s32 v23, v53;
	[tilespmem:v20+s3+$0x0] =	vst.idx.add.f32.msk vm4, v21  }
0x469: {  	v20 =	vor.u32 v54, v23;
	v21 =	vld [tilespmem:s24+$0xFFFFFE80]  }
0x46a: {  	v55 =	vperm.xlane v18, v8  }
0x46b: {  	v56 =	vperm.xlane v17, v8  }
0x46c: {  	v57 =	vperm.xlane v19, v8;
	v22 =	vadd.s32 v3, v55  }
0x46d: {  	v58 =	vand.u32 $0xFFFFFF80, v22;
	v23 =	vshll.u32 v56, $0x7  }
0x46e: {  	vm6 =	vne.s32 v57, $0x0;
	v59 =	vand.u32 $0x7F, v22;
	v23 =	vadd.s32 v23, v58;
	[tilespmem:v20+s3+$0x0] =	vst.idx.add.f32.msk vm5, v21  }
0x46f: {  	v20 =	vor.u32 v59, v23;
	v21 =	vld [tilespmem:s24+$0xFFFFFF00]  }
0x470: {  	v60 =	vperm.xlane v18, v4  }
0x471: {  	v61 =	vperm.xlane v17, v4  }
0x472: {  	v62 =	vperm.xlane v19, v4;
	v22 =	vadd.s32 v3, v60  }
0x473: {  	v63 =	vand.u32 $0xFFFFFF80, v22;
	v23 =	vshll.u32 v61, $0x7  }
0x474: {  	vm7 =	vne.s32 v62, $0x0;
	v27 =	vand.u32 $0x7F, v22;
	v23 =	vadd.s32 v23, v63;
	[tilespmem:v20+s3+$0x0] =	vst.idx.add.f32.msk vm6, v21  }
0x475: {  	v20 =	vor.u32 v27, v23;
	v21 =	vld [tilespmem:s24+$0xFFFFFF80]  }
0x476: {  	v28 =	vperm.xlane v18, v9  }
0x477: {  	v29 =	vperm.xlane v17, v9  }
0x478: {  	v22 =	vadd.s32 v3, v28;
	v30 =	vperm.xlane v19, v9  }
0x479: {  	v31 =	vand.u32 $0xFFFFFF80, v22;
	v23 =	vshll.u32 v29, $0x7  }
0x47a: {  	v32 =	vand.u32 $0x7F, v22;
	vm8 =	vne.s32 v30, $0x0;
	v23 =	vadd.s32 v23, v31;
	[tilespmem:v20+s3+$0x0] =	vst.idx.add.f32.msk vm7, v21  }
0x47b: {  	v20 =	vor.u32 v32, v23;
	v21 =	vld [tilespmem:s24+$0x0]  }
0x47c: {  	v33 =	vperm.xlane v18, v10  }
0x47d: {  	v34 =	vperm.xlane v17, v10  }
0x47e: {  	v35 =	vperm.xlane v19, v10;
	v22 =	vadd.s32 v3, v33  }
0x47f: {  	v36 =	vand.u32 $0xFFFFFF80, v22;
	v23 =	vshll.u32 v34, $0x7  }
0x480: {  	vm9 =	vne.s32 v35, $0x0;
	v37 =	vand.u32 $0x7F, v22;
	v23 =	vadd.s32 v23, v36;
	[tilespmem:v20+s3+$0x0] =	vst.idx.add.f32.msk vm8, v21  }
0x481: {  	v20 =	vor.u32 v37, v23;
	v21 =	vld [tilespmem:s24+$0x80]  }
0x482: {  	v38 =	vperm.xlane v18, v11  }
0x483: {  	v39 =	vperm.xlane v17, v11  }
0x484: {  	v40 =	vperm.xlane v19, v11;
	v22 =	vadd.s32 v3, v38  }
0x485: {  	v41 =	vand.u32 $0xFFFFFF80, v22;
	v23 =	vshll.u32 v39, $0x7  }
0x486: {  	vm10 =	vne.s32 v40, $0x0;
	v42 =	vand.u32 $0x7F, v22;
	v23 =	vadd.s32 v23, v41;
	[tilespmem:v20+s3+$0x0] =	vst.idx.add.f32.msk vm9, v21  }
0x487: {  	v20 =	vor.u32 v42, v23;
	v21 =	vld [tilespmem:s24+$0x100]  }
0x488: {  	v43 =	vperm.xlane v18, v12  }
0x489: {  	v44 =	vperm.xlane v17, v12  }
0x48a: {  	v45 =	vperm.xlane v19, v12;
	v22 =	vadd.s32 v3, v43  }
0x48b: {  	v46 =	vand.u32 $0xFFFFFF80, v22;
	v23 =	vshll.u32 v44, $0x7  }
0x48c: {  	vm11 =	vne.s32 v45, $0x0;
	v47 =	vand.u32 $0x7F, v22;
	v23 =	vadd.s32 v23, v46;
	[tilespmem:v20+s3+$0x0] =	vst.idx.add.f32.msk vm10, v21  }
0x48d: {  	v20 =	vor.u32 v47, v23;
	v21 =	vld [tilespmem:s24+$0x180]  }
0x48e: {  	v48 =	vperm.xlane v18, v13  }
0x48f: {  	v49 =	vperm.xlane v17, v13  }
0x490: {  	v50 =	vperm.xlane v19, v13;
	v22 =	vadd.s32 v3, v48  }
0x491: {  	v51 =	vand.u32 $0xFFFFFF80, v22;
	v23 =	vshll.u32 v49, $0x7  }
0x492: {  	vm12 =	vne.s32 v50, $0x0;
	v52 =	vand.u32 $0x7F, v22;
	v23 =	vadd.s32 v23, v51;
	[tilespmem:v20+s3+$0x0] =	vst.idx.add.f32.msk vm11, v21  }
0x493: {  	v20 =	vor.u32 v52, v23;
	v21 =	vld [tilespmem:s24+$0x200]  }
0x494: {  	v53 =	vperm.xlane v18, v14  }
0x495: {  	v54 =	vperm.xlane v17, v14  }
0x496: {  	v55 =	vperm.xlane v19, v14;
	v22 =	vadd.s32 v3, v53  }
0x497: {  	v56 =	vand.u32 $0xFFFFFF80, v22;
	v23 =	vshll.u32 v54, $0x7  }
0x498: {  	vm13 =	vne.s32 v55, $0x0;
	v57 =	vand.u32 $0x7F, v22;
	v23 =	vadd.s32 v23, v56;
	[tilespmem:v20+s3+$0x0] =	vst.idx.add.f32.msk vm12, v21  }
0x499: {  	v20 =	vor.u32 v57, v23;
	v21 =	vld [tilespmem:s24+$0x280]  }
0x49a: {  	v58 =	vperm.xlane v18, v15  }
0x49b: {  	v59 =	vperm.xlane v17, v15  }
0x49c: {  	v60 =	vperm.xlane v19, v15;
	v22 =	vadd.s32 v3, v58  }
0x49d: {  	v61 =	vand.u32 $0xFFFFFF80, v22;
	v23 =	vshll.u32 v59, $0x7  }
0x49e: {  	vm14 =	vne.s32 v60, $0x0;
	v62 =	vand.u32 $0x7F, v22;
	v23 =	vadd.s32 v23, v61;
	[tilespmem:v20+s3+$0x0] =	vst.idx.add.f32.msk vm13, v21  }
0x49f: {  	v20 =	vor.u32 v62, v23;
	v21 =	vld [tilespmem:s24+$0x300]  }
0x4a0: {  	v18 =	vperm.xlane v18, v16  }
0x4a1: {  	v17 =	vperm.xlane v17, v16  }
0x4a2: {  	v19 =	vperm.xlane v19, v16;
	v18 =	vadd.s32 v3, v18  }
0x4a3: {  	v63 =	vand.u32 $0xFFFFFF80, v18;
	v17 =	vshll.u32 v17, $0x7  }
0x4a4: {  	vm15 =	vne.s32 v19, $0x0;
	v18 =	vand.u32 $0x7F, v18;
	v17 =	vadd.s32 v17, v63;
	[tilespmem:v20+s3+$0x0] =	vst.idx.add.f32.msk vm14, v21  }
0x4a5: {  	v17 =	vor.u32 v18, v17;
	v19 =	vld [tilespmem:s24+$0x380]  }
.Ltmp8:
0x4a6: {  	_ = 	snop;
	(pc) =	sbr.rel @p0 .LBB2_15-.Ltmp8, $2  }
0x4a7: {  	_ =	sdelay $0x2  }
0x4a8: {  	[tilespmem:v17+s3+$0x0] =	vst.idx.add.f32.msk vm15, v19  }
0x4a9: {  	s23 =	sadd.s32 $0x180, s23  }
.Ltmp9:
0x4aa: {  	s24 =	sshrl.u32 s23, $0x3;
	(pc) =	sbr.rel .LBB2_9-.Ltmp9, $4  }
0x4ab: {  	s23 =	sshll.u32 s23, $0x4;
	s24 =	sadd.s32 s6, s24  }
0x4ac: {  	[tilespmem:s17], [sflag:$0x2] =	stream.linear.gather [hbm4b:s24+s3], $0x80, $0x38;
	[tilespmem:$0x1BD00] =	vst v63  }
0x4ad: {  	s22 =	sadd.s32 $0x1, s22;
	s23 =	sadd.s32 s4, s23  }
0x4ae: {  	[tilespmem:s18], [sflag:$0x2] =	stream.linear.gather [hbm4b:s23+s3], $0x4000, $0x38;
	[tilespmem:$0x1BD00] =	vst v63  }
.LBB2_16:
0x4af: {  	_ =	sfence.sel $0x180000  }
0x4b0: {  	[bflag:$0x0] =	sbarrier.arrive $0xFFFF  }
0x4b1: {  	p0 =	sne.s32 s0, $0x0;
	_ =	strace $0x9000004A  }
0x4b2: {  	s0 =	sadd.s32 @!p0 $0x100000, s1;
	[bflag:$0x2] =	sbarrier.arrive $0xFFFF  }
0x4b3: {  	[sflag:s0] =	ssyncadd.tile.s32 @!p0 $0x1;
	_ =	shalt  }
.Lfunc_end2:
_tile_overlayer_lowered:
.L_overlay_start_2:
0x4b4: {  	(tag) =	ssettag $0x2  }
0x4b5: {  	s0 =	rddreg [dreg:$0x0];
	s2 =	stileid.u32  }
0x4b6: {  	s1 =	rddreg [dreg:$0x1];
	p0 =	sne.s32 s2, $0x0  }
0x4b7: {  	s3 =	rddreg [dreg:$0x2];
	[bflag:$0x3] =	sbarrier.arrive $0xFFFF;
	s2 =	simm.s32 @!p0 $0x1C03  }
0x4b8: {  	[timem:s3], [sflag:s2] =	dma.local @!p0 [hbm:s0], s1  }
0x4b9: {  	s0 =	simm.s32 @!p0 $0x3  }
0x4ba: {  	_ =	swait.ge @!p0 [sflag:s0], s1  }
0x4bb: {  	s1 =	ssub.s32 @!p0 $0x0, s1;
	[sflag:s0] =	ssyncset.done @!p0 $0x0  }
0x4bc: {  	[sflag:s0] =	ssyncadd.s32 @!p0 s1  }
0x4bd: {  	[bflag:$0x3] =	sbarrier.arrive $0xFFFF  }
0x4be: {  	_ =	shalt  }

// kernel: kernel.7.cloned.1.call-start
scs
__scs_entry_jumppad:
0x0: {  	(pc) =	sbr.rel $0x88, $3  }
0x1: {  	(tag) =	ssettag $0x0;
	lr =	simm.s32 $0x1  }
0x2: {  	[smem:$0x3F96] =	sst lr;
	_ =	strace $0xD0000000  }
0x3: {  	_ = 	snop  }
0x4: {  	_ = 	snop  }
0x5: {  	_ = 	snop  }
0x6: {  	_ = 	snop  }
0x7: {  	_ = 	snop  }
__scs_overlays_trampoline_lowered:
0x8: {  	[smem:$0x3FA5] =	sst s0  }
0x9: {  	[smem:$0x3FA6] =	sst s1  }
0xa: {  	[smem:$0x3FA7] =	sst s2  }
0xb: {  	[smem:$0x3FA8] =	sst s3  }
0xc: {  	[smem:$0x3FA9] =	sst s4  }
0xd: {  	[smem:$0x3FAA] =	sst s5  }
0xe: {  	[smem:$0x3FAB] =	sst s6  }
0xf: {  	[smem:$0x3FAC] =	sst s7  }
0x10: {  	[smem:$0x3FAD] =	sst s8  }
0x11: {  	[smem:$0x3FAE] =	sst s9;
	s0 =	simm.s32 @!p0 $0x0  }
0x12: {  	s1 =	sld [smem:$0x3F94];
	s0 =	simm.s32 @p0 $0x1  }
0x13: {  	[smem:$0x3FAF] =	sst s0;
	s0 =	simm.s32 @!p1 $0x0  }
0x14: {  	s2 =	sld [smem:$0x3F93];
	s0 =	simm.s32 @p1 $0x1  }
0x15: {  	[smem:$0x3FB0] =	sst s0;
	s0 =	simm.s32 @!p2 $0x0  }
0x16: {  	s3 =	sld [smem:$0x3FDB];
	s0 =	simm.s32 @p2 $0x1  }
0x17: {  	s4 =	simm.s32 $0x1BF5;
	[smem:$0x3FB2] =	sst s0  }
0x18: {  	s0 =	sld [smem:$0x3F95];
	_ =	swait.ge [sflag:s4], $0x0  }
0x19: {  	s7 =	sld [smem:$0x3F96]  }
0x1a: {  	s8 =	sadd.s32 $0xFFFFE003, lr  }
0x1b: {  	s9 =	sadd.s32 $0xFFFFFEF7, lr;
	s5 =	simm.s32 $0xFFFFFFFF;
	p2 =	slt.u32 s8, $0xFFFFF086  }
0x1c: {  	p1 =	slt.u32 s9, $0xF7A;
	s5 =	simm.s32 @!p2 $0x0  }
0x1d: {  	s5 =	simm.s32 @p1 $0x1;
	p0 =	seq.s32 s7, s2  }
0x1e: {  	s7 =	smul.u32 @!p0 $0xF7A, s2;
	p2 =	seq.s32 @!p0 s5, $0x0  }
0x1f: {  	s9 =	smul.u32 $0xF7A, s1;
	s8 =	simm.s32 @!p0 $0x1BF5;
	p2 =	por !p2, p0  }
0x20: {  	[sflag:s8] =	ssyncset.s32 @!p0 $0xFFFFF086;
	s6 =	sadd.s32 @!p0 s3, s7;
	s7 =	simm.s32 @!p0 $0x108  }
0x21: {  	s3 =	sadd.s32 s3, s9;
	s6 =	sadd.s32 @!p0 $0x88, s6;
	s7 =	simm.s32 @p2 $0x1082  }
0x22: {  	[simem:s7], [sflag:s8] =	dma.local @!p0 [hbm:s6], $0xF7A  }
0x23: {  	s9 =	sor.u32 $0xD0000000, s2;
	s6 =	simm.s32 $0x108;
	_ =	swait.ge @!p0 [sflag:s8], $0x0  }
0x24: {  	s3 =	sadd.s32 $0x88, s3;
	s6 =	simm.s32 @!p1 $0x1082;
	[sflag:s4] =	ssyncset.s32 $0xFFFFF086  }
0x25: {  	[simem:s6], [sflag:s4] =	dma.local [hbm:s3], $0xF7A  }
0x26: {  	[smem:$0x3F96] =	sst s1;
	(tag) =	ssettag s2;
	_ =	strace s9  }
0x27: {  	s1 =	sld [smem:$0x3FA6]  }
0x28: {  	s2 =	sld [smem:$0x3FA7]  }
0x29: {  	s4 =	sld [smem:$0x3FA9]  }
0x2a: {  	p0 =	seq.s32 s5, $0x0;
	s5 =	sld [smem:$0x3FAA]  }
0x2b: {  	s6 =	sld [smem:$0x3FAB]  }
0x2c: {  	s7 =	sld [smem:$0x3FAC]  }
0x2d: {  	s3 =	simm.s32 $0x108;
	s8 =	sld [smem:$0x3FAD]  }
0x2e: {  	s3 =	simm.s32 @!p0 $0x1082;
	s9 =	sld [smem:$0x3FAE]  }
0x2f: {  	lr =	sadd.s32 s0, s3;
	s0 =	sld [smem:$0x3FA5]  }
0x30: {  	s3 =	sld [smem:$0x3FA8]  }
0x31: {  	[smem:$0x3FB1] =	sst s10  }
0x32: {  	s10 =	sld [smem:$0x3FAF];
	_ =	sdelay $0x3  }
0x33: {  	p0 =	seq.s32 s10, $0x1;
	s10 =	sld [smem:$0x3FB1];
	_ =	sdelay $0x3  }
0x34: {  	[smem:$0x3FB1] =	sst s10  }
0x35: {  	s10 =	sld [smem:$0x3FB0];
	_ =	sdelay $0x3  }
0x36: {  	p1 =	seq.s32 s10, $0x1;
	s10 =	sld [smem:$0x3FB1];
	_ =	sdelay $0x3  }
0x37: {  	[smem:$0x3FB1] =	sst s10  }
0x38: {  	s10 =	sld [smem:$0x3FB2]  }
0x39: {  	_ = 	snop;
	(pc) =	sbr.ind lr, $3  }
0x3a: {  	_ = 	snop  }
0x3b: {  	_ = 	snop  }
0x3c: {  	p2 =	seq.s32 s10, $0x1;
	s10 =	sld [smem:$0x3FB1]  }
0x3d: {  	_ =	shalt  }
0x3e: {  	_ =	shalt  }
0x3f: {  	_ =	shalt  }
0x40: {  	_ =	shalt  }
0x41: {  	_ =	shalt  }
0x42: {  	_ =	shalt  }
0x43: {  	_ =	shalt  }
0x44: {  	_ =	shalt  }
0x45: {  	_ =	shalt  }
0x46: {  	_ =	shalt  }
0x47: {  	_ =	shalt  }
0x48: {  	_ =	shalt  }
0x49: {  	_ =	shalt  }
0x4a: {  	_ =	shalt  }
0x4b: {  	_ =	shalt  }
0x4c: {  	_ =	shalt  }
0x4d: {  	_ =	shalt  }
0x4e: {  	_ =	shalt  }
0x4f: {  	_ =	shalt  }
0x50: {  	_ =	shalt  }
0x51: {  	_ =	shalt  }
0x52: {  	_ =	shalt  }
0x53: {  	_ =	shalt  }
0x54: {  	_ =	shalt  }
0x55: {  	_ =	shalt  }
0x56: {  	_ =	shalt  }
0x57: {  	_ =	shalt  }
0x58: {  	_ =	shalt  }
0x59: {  	_ =	shalt  }
0x5a: {  	_ =	shalt  }
0x5b: {  	_ =	shalt  }
0x5c: {  	_ =	shalt  }
0x5d: {  	_ =	shalt  }
0x5e: {  	_ =	shalt  }
0x5f: {  	_ =	shalt  }
0x60: {  	_ =	shalt  }
0x61: {  	_ =	shalt  }
0x62: {  	_ =	shalt  }
0x63: {  	_ =	shalt  }
0x64: {  	_ =	shalt  }
0x65: {  	_ =	shalt  }
0x66: {  	_ =	shalt  }
0x67: {  	_ =	shalt  }
0x68: {  	_ =	shalt  }
0x69: {  	_ =	shalt  }
0x6a: {  	_ =	shalt  }
0x6b: {  	_ =	shalt  }
0x6c: {  	_ =	shalt  }
0x6d: {  	_ =	shalt  }
0x6e: {  	_ =	shalt  }
0x6f: {  	_ =	shalt  }
0x70: {  	_ =	shalt  }
0x71: {  	_ =	shalt  }
0x72: {  	_ =	shalt  }
0x73: {  	_ =	shalt  }
0x74: {  	_ =	shalt  }
0x75: {  	_ =	shalt  }
0x76: {  	_ =	shalt  }
0x77: {  	_ =	shalt  }
0x78: {  	_ =	shalt  }
0x79: {  	_ =	shalt  }
0x7a: {  	_ =	shalt  }
0x7b: {  	_ =	shalt  }
0x7c: {  	_ =	shalt  }
0x7d: {  	_ =	shalt  }
0x7e: {  	_ =	shalt  }
0x7f: {  	_ =	shalt  }
0x80: {  	_ =	shalt  }
0x81: {  	_ =	shalt  }
0x82: {  	_ =	shalt  }
0x83: {  	_ =	shalt  }
0x84: {  	_ =	shalt  }
0x85: {  	_ =	shalt  }
0x86: {  	_ =	shalt  }
0x87: {  	_ =	shalt  }
.Lfunc_end0:
.L_simem_size_0:
called_computation_lowered:
.L_overlay_start_0:
0x88: {  	s2 =	sld [smem:$0x3FD9]  }
0x89: {  	s3 =	sld [smem:$0x3FFE];
	_ =	sdelay $0x1  }
0x8a: {  	s1 =	srdreg.scid  }
0x8b: {  	s0 =	sand.u32 $0x1, s1  }
0x8c: {  	s17 =	sshll.u32 s0, $0xA;
	s2 =	sadd.s32 s3, s2  }
0x8d: {  	s2 =	sadd.s32 s2, s17  }
0x8e: {  	[smem:$0x3FBD] =	sst s2  }
0x8f: {  	_ = 	snop  }
0x90: {  	s2 =	sld [smem:$0x3FC9];
	(tm) =	ssettm $0x1  }
0x91: {  	s18 =	sld [smem:$0x3FFB];
	_ =	sdelay $0x3  }
0x92: {  	_ =	strace s18  }
0x93: {  	s3 =	sld [smem:$0x3FFC];
	_ =	sdelay $0x3  }
0x94: {  	_ =	strace s3  }
0x95: {  	s3 =	sld [smem:$0x3FFD];
	_ =	sdelay $0x3  }
0x96: {  	_ =	strace s3  }
0x97: {  	_ =	strace $0x8FFFFFFF  }
0x98: {  	s19 =	sld [smem:$0x3FDB];
	_ =	sdelay $0x1  }
0x99: {  	s4 =	simm.s32 $_scs_section_size  }
0x9a: {  	s5 =	simm.s32 $_size__tile_overlayer_lowered;
	s6 =	simm.s32 $_tile_overlayer_lowered  }
0x9b: {  	s22 =	simm.s32 $0x1BFF;
	s21 =	sshll.u32 s6, $0x1;
	s3 =	sadd.s32 s4, s19  }
0x9c: {  	s7 =	simm.s32 $0x0;
	s20 =	sshll.u32 s5, $0x1;
	s5 =	sadd.s32 s21, s3  }
0x9d: {  	[timem:s7], [sflag:s22] =	dma.local [hbm:s5], s20  }
0x9e: {  	_ =	swait.ge [sflag:s22], s20  }
0x9f: {  	s4 =	ssub.s32 $0x0, s20;
	[sflag:s22] =	ssyncset.done $0x0  }
0xa0: {  	[sflag:s22] =	ssyncadd.s32 s4;
	_ =	sdelay $0x1  }
0xa1: {  	s23 =	simm.s32 $0x1B8B  }
0xa2: {  	_ =	swait.ge [sflag:s23], $0x1  }
0xa3: {  	[sflag:s23] =	ssyncset.done $0x0  }
0xa4: {  	s25 =	simm.s32 $0x1B8E;
	s24 =	sld [smem:$0x3FFE];
	[sflag:s23] =	ssyncadd.s32 $0xFFFFFFFF  }
0xa5: {  	s26 =	simm.s32 $execute0_lowered;
	[smem:$0x3FD2] =	sst s25  }
0xa6: {  	s5 =	sshll.u32 s26, $0x1;
	_ =	strace $0x80000046;
	[dreg:$0x1] =	wrdreg $0xFFFFFFFF  }
0xa7: {  	s28 =	simm.s32 $_size_execute0_lowered;
	s3 =	sadd.s32 s3, s5;
	[dreg:$0x0] =	wrdreg $0x0  }
0xa8: {  	s5 =	sshll.u32 s28, $0x1;
	[dreg:$0x2] =	wrdreg s3  }
0xa9: {  	[dreg:$0x3] =	wrdreg s5  }
0xaa: {  	[dreg:$0x4] =	wrdreg $0xC0  }
0xab: {  	_ =	task [dreg:s7], $0x5FFFF  }
0xac: {  	[dreg:$0x1] =	wrdreg $0xFFFFFFFF  }
0xad: {  	[dreg:$0x0] =	wrdreg $0x60  }
0xae: {  	[dreg:$0x2] =	wrdreg s2  }
0xaf: {  	[dreg:$0x3] =	wrdreg s24  }
0xb0: {  	[dreg:$0x4] =	wrdreg $0x9  }
0xb1: {  	_ =	task.clear_ibuf [dreg:s7], $0x5FFFF;
	_ =	strace $0x90000046  }
0xb2: {  	s29 =	simm.s32 $0x9;
	_ =	strace $0x80000048  }
0xb3: {  	_ =	swait.ge [sflag:s29], $0x1  }
0xb4: {  	[sflag:s29] =	ssyncadd.s32 $0xFFFFFFFF  }
0xb5: {  	_ =	strace $0x90000048  }
0xb6: {  	_ =	sfence  }
0xb7: {  	s30 =	sld [smem:$0x0];
	_ =	sdelay $0x2  }
0xb8: {  	s31 =	sshll.u32 s1, $0xD;
	s1 =	sshrl.u32 s1, $0x2  }
0xb9: {  	s3 =	sand.u32 $0x4000, s31;
	s1 =	sadd.s32 s1, s30  }
0xba: {  	s0 =	sor.u32 s3, s0;
	s1 =	sshll.u32 s1, $0x11  }
0xbb: {  	s0 =	sor.u32 s1, s0  }
0xbc: {  	s0 =	sadd.s32 $0x8F2B, s0  }
0xbd: {  	[sflag:s0] =	ssyncadd.remote.s32 $0x1  }
0xbe: {  	_ =	sfence.sel $0xFFFF  }
0xbf: {  	[dreg:$0x0] =	wrdreg $0xFFFFFFFF;
	(pc) =	sbr.abs _section_cstart, $3  }
0xc0: {  	[dreg:$0x1] =	wrdreg $0xFFFFFFFF  }
0xc1: {  	_ =	task.clear_ibuf [dreg:s7], $0x2FFFF;
	_ =	strace $0x9FFFFFFF  }
0xc2: {  	(tm) =	ssettm $0x7FFFFFFF  }
0xc3: {  	_ =	shalt  }
tec
execute0_lowered:
.L_overlay_start_1:
0x0: {  	(tag) =	ssettag $0x1  }
0x1: {  	s2 =	rddreg [dreg:$0x0];
	s1 =	srdreg.scid  }
0x2: {  	s0 =	stileid.u32;
	s4 =	rddreg [dreg:$0x1]  }
0x3: {  	s3 =	simm.s32 $0x0;
	s12 =	simm.s32 $0x80;
	s13 =	simm.s32 $0x1400  }
0x4: {  	s14 =	simm.s32 $0x5400;
	s15 =	simm.s32 $0x100;
	s16 =	simm.s32 $0x9400  }
0x5: {  	s17 =	simm.s32 $0x180;
	s18 =	simm.s32 $0xD400;
	s19 =	simm.s32 $0x1  }
0x6: {  	s20 =	simm.s32 $0x2;
	s21 =	simm.s32 $0x3;
	s22 =	simm.s32 $0x4  }
0x7: {  	s23 =	simm.s32 $0x5;
	s6 =	sand.u32 $0x1, s1;
	s5 =	sshll.u32 s0, $0x1  }
0x8: {  	s1 =	rddreg [dreg:$0x2];
	s31 =	smul.u32 $0x28000, s0;
	s5 =	sor.u32 s6, s5  }
0x9: {  	s24 =	simm.s32 $0x0;
	[smem:$0x7FF] =	sst s3;
	s7 =	smul.u32 $0x280, s5  }
0xa: {  	s10 =	sadd.s32 $0x7400, s4;
	s8 =	ssub.s32 $0x2, s6;
	s5 =	smul.u32 $0x14000, s5  }
0xb: {  	_ =	strace $0x80000047;
	s11 =	smul.u32 $0x14000, s6;
	s9 =	sshrl.u32 s8, $0x1  }
0xc: {  	s8 =	ssub.s32 s8, s9;
	s7 =	sadd.s32 s7, s4;
	s5 =	sadd.s32 s10, s5  }
0xd: {  	s6 =	smax.u32 s8, $0x1;
	s10 =	sadd.s32 s31, s10;
	s4 =	sadd.s32 $0x2400, s7  }
0xe: {  	s7 =	sadd.s32 $0x800, s5;
	s8 =	sadd.s32 $0x1000, s5;
	s10 =	sadd.s32 s11, s10  }
0xf: {  	s9 =	sadd.s32 $0x1800, s5;
	s11 =	simm.s32 $0x6;
	s10 =	sadd.s32 $0x3800, s10  }
.LBB2_1:
0x10: {  	[tilespmem:s3], [sflag:$0x6] =	stream.linear.gather [hbm4b:s4+s3], $0x1400, $0x38;
	[tilespmem:$0x11400] =	vst v63  }
0x11: {  	_ =	swait.ge [sflag:s11], $0x1400  }
0x12: {  	[sflag:s11] =	ssyncset.done $0x0  }
0x13: {  	[sflag:s11] =	ssyncadd.s32 $0xFFFFEC00  }
0x14: {  	[tilespmem:s13], [sflag:$0x1] =	stream.indirect.gather [hbm4b:s2+s12], $0x80, s3, s12, $0xb8;
	[tilespmem:$0x11400] =	vst v63  }
0x15: {  	_ = 	snop  }
0x16: {  	[tilespmem:s14], [sflag:$0x2] =	stream.indirect.gather [hbm4b:s2+s12], $0x80, s12, s12, $0xb8;
	[tilespmem:$0x11400] =	vst v63  }
0x17: {  	_ = 	snop  }
0x18: {  	[tilespmem:s16], [sflag:$0x3] =	stream.indirect.gather [hbm4b:s2+s12], $0x80, s15, s12, $0xb8;
	[tilespmem:$0x11400] =	vst v63  }
0x19: {  	_ = 	snop  }
0x1a: {  	[tilespmem:s18], [sflag:$0x4] =	stream.indirect.gather [hbm4b:s2+s12], $0x80, s17, s12, $0xb8;
	[tilespmem:$0x11400] =	vst v63  }
0x1b: {  	_ =	swait.ge [sflag:s19], $0x4000  }
0x1c: {  	[sflag:s19] =	ssyncset.done $0x0  }
0x1d: {  	[sflag:s19] =	ssyncadd.s32 $0xFFFFC000  }
0x1e: {  	[hbm4b:s5+s3] =	stream.linear.scatter [tilespmem:s13], [sflag:$0x5], $0x4000, $0x38;
	[tilespmem:$0x11400] =	vst v63  }
0x1f: {  	_ =	swait.ge [sflag:s20], $0x4000  }
0x20: {  	[sflag:s20] =	ssyncset.done $0x0  }
0x21: {  	[sflag:s20] =	ssyncadd.s32 $0xFFFFC000  }
0x22: {  	[hbm4b:s7+s3] =	stream.linear.scatter [tilespmem:s14], [sflag:$0x5], $0x4000, $0x38;
	[tilespmem:$0x11400] =	vst v63  }
0x23: {  	_ =	swait.ge [sflag:s21], $0x4000  }
0x24: {  	[sflag:s21] =	ssyncset.done $0x0  }
0x25: {  	[sflag:s21] =	ssyncadd.s32 $0xFFFFC000  }
0x26: {  	[hbm4b:s8+s3] =	stream.linear.scatter [tilespmem:s16], [sflag:$0x5], $0x4000, $0x38;
	[tilespmem:$0x11400] =	vst v63  }
0x27: {  	_ =	swait.ge [sflag:s22], $0x4000  }
0x28: {  	[sflag:s22] =	ssyncset.done $0x0  }
0x29: {  	[sflag:s22] =	ssyncadd.s32 $0xFFFFC000  }
0x2a: {  	[hbm4b:s9+s3] =	stream.linear.scatter [tilespmem:s18], [sflag:$0x5], $0x4000, $0x38;
	[tilespmem:$0x11400] =	vst v63  }
0x2b: {  	_ =	swait.ge [sflag:s23], $0x4000  }
0x2c: {  	[sflag:s23] =	ssyncset.done $0x0  }
0x2d: {  	[sflag:s23] =	ssyncadd.s32 $0xFFFFC000  }
0x2e: {  	_ =	swait.ge [sflag:s23], $0x4000  }
0x2f: {  	[sflag:s23] =	ssyncset.done $0x0  }
0x30: {  	[sflag:s23] =	ssyncadd.s32 $0xFFFFC000  }
0x31: {  	_ =	swait.ge [sflag:s23], $0x4000  }
0x32: {  	[sflag:s23] =	ssyncset.done $0x0  }
0x33: {  	[sflag:s23] =	ssyncadd.s32 $0xFFFFC000  }
0x34: {  	_ =	swait.ge [sflag:s23], $0x4000  }
0x35: {  	[sflag:s23] =	ssyncset.done $0x0  }
0x36: {  	s25 =	simm.s32 $0x200;
	[sflag:s23] =	ssyncadd.s32 $0xFFFFC000  }
0x37: {  	[tilespmem:s13], [sflag:$0x1] =	stream.indirect.gather [hbm4b:s2+s12], $0x80, s25, s12, $0xb8;
	[tilespmem:$0x11400] =	vst v63  }
0x38: {  	s30 =	simm.s32 $0x280  }
0x39: {  	[tilespmem:s14], [sflag:$0x2] =	stream.indirect.gather [hbm4b:s2+s12], $0x80, s30, s12, $0xb8;
	[tilespmem:$0x11400] =	vst v63  }
0x3a: {  	s31 =	simm.s32 $0x300  }
0x3b: {  	[tilespmem:s16], [sflag:$0x3] =	stream.indirect.gather [hbm4b:s2+s12], $0x80, s31, s12, $0xb8;
	[tilespmem:$0x11400] =	vst v63  }
0x3c: {  	s26 =	simm.s32 $0x380  }
0x3d: {  	[tilespmem:s18], [sflag:$0x4] =	stream.indirect.gather [hbm4b:s2+s12], $0x80, s26, s12, $0xb8;
	[tilespmem:$0x11400] =	vst v63  }
0x3e: {  	_ =	swait.ge [sflag:s19], $0x4000  }
0x3f: {  	[sflag:s19] =	ssyncset.done $0x0  }
0x40: {  	s29 =	sadd.s32 $0xFFFFE800, s10;
	[sflag:s19] =	ssyncadd.s32 $0xFFFFC000  }
0x41: {  	[hbm4b:s29+s3] =	stream.linear.scatter [tilespmem:s13], [sflag:$0x5], $0x4000, $0x38;
	[tilespmem:$0x11400] =	vst v63  }
0x42: {  	_ =	swait.ge [sflag:s20], $0x4000  }
0x43: {  	[sflag:s20] =	ssyncset.done $0x0  }
0x44: {  	s30 =	sadd.s32 $0xFFFFF000, s10;
	[sflag:s20] =	ssyncadd.s32 $0xFFFFC000  }
0x45: {  	[hbm4b:s30+s3] =	stream.linear.scatter [tilespmem:s14], [sflag:$0x5], $0x4000, $0x38;
	[tilespmem:$0x11400] =	vst v63  }
0x46: {  	_ =	swait.ge [sflag:s21], $0x4000  }
0x47: {  	[sflag:s21] =	ssyncset.done $0x0  }
0x48: {  	s31 =	sadd.s32 $0xFFFFF800, s10;
	[sflag:s21] =	ssyncadd.s32 $0xFFFFC000  }
0x49: {  	[hbm4b:s31+s3] =	stream.linear.scatter [tilespmem:s16], [sflag:$0x5], $0x4000, $0x38;
	[tilespmem:$0x11400] =	vst v63  }
0x4a: {  	_ =	swait.ge [sflag:s22], $0x4000  }
0x4b: {  	s28 =	smov.u32 s10;
	[sflag:s22] =	ssyncset.done $0x0  }
0x4c: {  	s25 =	simm.s32 $0x800;
	s26 =	sadd.s32 $0x2000, s10;
	[sflag:s22] =	ssyncadd.s32 $0xFFFFC000  }
.LBB2_2:
0x4d: {  	[hbm4b:s28+s3] =	stream.linear.scatter [tilespmem:s18], [sflag:$0x5], $0x4000, $0x38;
	[tilespmem:$0x11400] =	vst v63  }
0x4e: {  	s29 =	smov.u32 s25;
	s28 =	smov.u32 s26  }
0x4f: {  	p0 =	sne.s32 s25, $0x4000;
	s25 =	sadd.s32 $0x800, s25;
	_ =	swait.ge [sflag:s23], $0x4000  }
0x50: {  	[sflag:s23] =	ssyncset.done $0x0  }
0x51: {  	[sflag:s23] =	ssyncadd.s32 $0xFFFFC000  }
0x52: {  	_ =	swait.ge [sflag:s23], $0x4000  }
0x53: {  	[sflag:s23] =	ssyncset.done $0x0  }
0x54: {  	[sflag:s23] =	ssyncadd.s32 $0xFFFFC000  }
0x55: {  	_ =	swait.ge [sflag:s23], $0x4000  }
0x56: {  	[sflag:s23] =	ssyncset.done $0x0  }
0x57: {  	[sflag:s23] =	ssyncadd.s32 $0xFFFFC000  }
0x58: {  	_ =	swait.ge [sflag:s23], $0x4000  }
0x59: {  	s29 =	sshra.s32 s29, $0x2;
	[sflag:s23] =	ssyncset.done $0x0  }
0x5a: {  	s30 =	sadd.s32 $0x200, s29;
	[sflag:s23] =	ssyncadd.s32 $0xFFFFC000  }
0x5b: {  	[tilespmem:s13], [sflag:$0x1] =	stream.indirect.gather [hbm4b:s2+s12], $0x80, s30, s12, $0xb8;
	[tilespmem:$0x11400] =	vst v63  }
0x5c: {  	s30 =	sadd.s32 $0x280, s29  }
0x5d: {  	[tilespmem:s14], [sflag:$0x2] =	stream.indirect.gather [hbm4b:s2+s12], $0x80, s30, s12, $0xb8;
	[tilespmem:$0x11400] =	vst v63  }
0x5e: {  	s30 =	sadd.s32 $0x300, s29  }
0x5f: {  	[tilespmem:s16], [sflag:$0x3] =	stream.indirect.gather [hbm4b:s2+s12], $0x80, s30, s12, $0xb8;
	[tilespmem:$0x11400] =	vst v63  }
0x60: {  	s29 =	sadd.s32 $0x380, s29  }
0x61: {  	[tilespmem:s18], [sflag:$0x4] =	stream.indirect.gather [hbm4b:s2+s12], $0x80, s29, s12, $0xb8;
	[tilespmem:$0x11400] =	vst v63  }
0x62: {  	_ =	swait.ge [sflag:s19], $0x4000  }
0x63: {  	[sflag:s19] =	ssyncset.done $0x0  }
0x64: {  	s29 =	sadd.s32 $0xFFFFE800, s26;
	[sflag:s19] =	ssyncadd.s32 $0xFFFFC000  }
0x65: {  	[hbm4b:s29+s3] =	stream.linear.scatter [tilespmem:s13], [sflag:$0x5], $0x4000, $0x38;
	[tilespmem:$0x11400] =	vst v63  }
0x66: {  	_ =	swait.ge [sflag:s20], $0x4000  }
0x67: {  	[sflag:s20] =	ssyncset.done $0x0  }
0x68: {  	s29 =	sadd.s32 $0xFFFFF000, s26;
	[sflag:s20] =	ssyncadd.s32 $0xFFFFC000  }
0x69: {  	[hbm4b:s29+s3] =	stream.linear.scatter [tilespmem:s14], [sflag:$0x5], $0x4000, $0x38;
	[tilespmem:$0x11400] =	vst v63  }
0x6a: {  	_ =	swait.ge [sflag:s21], $0x4000  }
0x6b: {  	[sflag:s21] =	ssyncset.done $0x0  }
.Ltmp0:
0x6c: {  	s29 =	sadd.s32 $0xFFFFF800, s26;
	[sflag:s21] =	ssyncadd.s32 $0xFFFFC000;
	(pc) =	sbr.rel @p0 .LBB2_2-.Ltmp0, $4  }
0x6d: {  	[hbm4b:s29+s3] =	stream.linear.scatter [tilespmem:s16], [sflag:$0x5], $0x4000, $0x38;
	[tilespmem:$0x11400] =	vst v63  }
0x6e: {  	_ =	swait.ge [sflag:s22], $0x4000  }
0x6f: {  	[sflag:s22] =	ssyncset.done $0x0  }
0x70: {  	s26 =	sadd.s32 $0x2000, s26;
	[sflag:s22] =	ssyncadd.s32 $0xFFFFC000  }
0x71: {  	[hbm4b:s28+s3] =	stream.linear.scatter [tilespmem:s18], [sflag:$0x5], $0x4000, $0x38;
	[tilespmem:$0x11400] =	vst v63  }
0x72: {  	_ =	swait.ge [sflag:s23], $0x4000  }
0x73: {  	[sflag:s23] =	ssyncset.done $0x0  }
0x74: {  	[sflag:s23] =	ssyncadd.s32 $0xFFFFC000  }
0x75: {  	_ =	swait.ge [sflag:s23], $0x4000  }
0x76: {  	[sflag:s23] =	ssyncset.done $0x0  }
0x77: {  	s24 =	sadd.s32 $0x1, s24;
	[sflag:s23] =	ssyncadd.s32 $0xFFFFC000  }
0x78: {  	p0 =	sne.s32 s24, s6;
	_ =	swait.ge [sflag:s23], $0x4000  }
.Ltmp1:
0x79: {  	[sflag:s23] =	ssyncset.done $0x0;
	(pc) =	sbr.rel @p0 .LBB2_1-.Ltmp1, $4  }
0x7a: {  	[sflag:s23] =	ssyncadd.s32 $0xFFFFC000  }
0x7b: {  	_ =	swait.ge [sflag:s23], $0x4000  }
0x7c: {  	[sflag:s23] =	ssyncset.done $0x0  }
0x7d: {  	[sflag:s23] =	ssyncadd.s32 $0xFFFFC000  }
0x7e: {  	_ =	sfence.sel $0x180000  }
0x7f: {  	[bflag:$0x0] =	sbarrier.arrive $0xFFFF  }
0x80: {  	p0 =	sne.s32 s0, $0x0;
	_ =	strace $0x90000047  }
0x81: {  	s0 =	sadd.s32 @!p0 $0x100000, s1;
	[bflag:$0x2] =	sbarrier.arrive $0xFFFF  }
0x82: {  	[sflag:s0] =	ssyncadd.tile.s32 @!p0 $0x1;
	_ =	shalt  }
.Lfunc_end2:
_tile_overlayer_lowered:
.L_overlay_start_2:
0x83: {  	(tag) =	ssettag $0x2  }
0x84: {  	s0 =	rddreg [dreg:$0x0];
	s2 =	stileid.u32  }
0x85: {  	s1 =	rddreg [dreg:$0x1];
	p0 =	sne.s32 s2, $0x0  }
0x86: {  	s3 =	rddreg [dreg:$0x2];
	[bflag:$0x3] =	sbarrier.arrive $0xFFFF;
	s2 =	simm.s32 @!p0 $0x1C06  }
0x87: {  	[timem:s3], [sflag:s2] =	dma.local @!p0 [hbm:s0], s1  }
0x88: {  	s0 =	simm.s32 @!p0 $0x6  }
0x89: {  	_ =	swait.ge @!p0 [sflag:s0], s1  }
0x8a: {  	s1 =	ssub.s32 @!p0 $0x0, s1;
	[sflag:s0] =	ssyncset.done @!p0 $0x0  }
0x8b: {  	[sflag:s0] =	ssyncadd.s32 @!p0 s1  }
0x8c: {  	[bflag:$0x3] =	sbarrier.arrive $0xFFFF  }
0x8d: {  	_ =	shalt  }

</sc_bundles>
